<compile_context>
chip_gen: v7x
topology: tpu7x:2x2x1
jax: 0.10.2.dev20260603
libtpu: 0.0.44.dev20260713+nightly
codegen_flags: <defaults>
</compile_context>

<pallas_src>
import functools

import jax
import jax.numpy as jnp
from jax import lax
from jax.experimental import pallas as pl
from jax.experimental.pallas import tpu as pltpu
from jax.experimental.pallas import tpu_sc as plsc

N = 10000
E = 320000
F = 128
E2 = E + N

NCORE = 2
NSUB = 16
NW = NCORE * NSUB
K = 64
CH = -(-E2 // (NW * K))
EPW = CH * K
E2P = EPW * NW
NP = 10240
RPT = NP // NSUB

QS = 512.0
QC = 63.9


ER = E // F
XR = E2P // F - ER


def _pre_body(x_ref, w_ref, asrc_ref, adst_ref, srcm_ref, dstm_ref,
              h_ref, pq_ref, amax_ref, spd_ref):
    hb = jnp.dot(x_ref[...], w_ref[...], preferred_element_type=jnp.float32)
    a_s = jnp.sum(hb * asrc_ref[...], axis=1)
    a_d = jnp.sum(hb * adst_ref[...], axis=1)
    h_ref[...] = hb
    asi = (jnp.clip(a_s, -QC, QC) * QS).astype(jnp.int32)
    adi = (jnp.clip(a_d, -QC, QC) * QS).astype(jnp.int32)
    pq_ref[...] = ((asi << 16) | (adi & 0xFFFF))[None, :]
    amax_ref[...] = jnp.full((1, 128), jnp.max(a_s), jnp.float32)
    spd_ref[:ER] = (srcm_ref[...] << 14) | dstm_ref[...]
    g = (lax.broadcasted_iota(jnp.int32, (XR, F), 0) * F
         + lax.broadcasted_iota(jnp.int32, (XR, F), 1) + ER * F)
    v = jnp.where(g < E2, g - E, g - E2)
    spd_ref[ER:] = v * ((1 << 14) + 1)


_pre = pl.pallas_call(
    _pre_body,
    out_shape=[
        jax.ShapeDtypeStruct((N, F), jnp.float32),
        jax.ShapeDtypeStruct((1, N), jnp.int32),
        jax.ShapeDtypeStruct((1, 128), jnp.float32),
        jax.ShapeDtypeStruct((ER + XR, F), jnp.int32),
    ],
)


def _post_body(acc_ref, den_ref, bias_ref, linw_ref, linb_ref, y_ref):
    a = acc_ref[0] + acc_ref[1]
    den = jnp.sum(den_ref[...], axis=0)
    o = a[:N] / (den[:, None] + 1e-16) + bias_ref[...]
    o = jnp.where(o > 0, o, jnp.exp(jnp.minimum(o, 0.0)) - 1.0)
    y_ref[...] = jnp.dot(o, linw_ref[...],
                         preferred_element_type=jnp.float32) + linb_ref[...]


_post = pl.pallas_call(
    _post_body,
    out_shape=jax.ShapeDtypeStruct((N, F), jnp.float32),
)


@functools.partial(
    pl.kernel,
    out_type=[
        jax.ShapeDtypeStruct((NCORE, NP, F), jnp.float32),
        jax.ShapeDtypeStruct((NW, N), jnp.float32),
    ],
    mesh=plsc.VectorSubcoreMesh(core_axis_name="c", subcore_axis_name="s"),
    compiler_params=pltpu.CompilerParams(needs_layout_passes=False),
    scratch_types=(
        [pltpu.VMEM((K,), jnp.int32)] * 3 +
        [pltpu.VMEM((K,), jnp.int32)] * 3 +
        [pltpu.VMEM((K,), jnp.int32)] * 3 +
        [pltpu.VMEM((K,), jnp.float32)] * 3 +
        [pltpu.VMEM((K, F), jnp.float32)] * 3 +
        [
            pltpu.VMEM((N,), jnp.int32),
            pltpu.VMEM((N,), jnp.float32),
            pltpu.VMEM((16,), jnp.float32),
            pltpu.VMEM_SHARED((NP, F), jnp.float32),
        ] +
        [pltpu.SemaphoreType.DMA] * 3 +
        [pltpu.SemaphoreType.DMA] * 3 +
        [pltpu.SemaphoreType.DMA] * 3
    ),
)
def _sc_edge(spd, pq, amax, htab, out, dout,
             sp0, sp1, sp2, si0, si1, si2, di0, di1, di2,
             wb0, wb1, wb2, ro0, ro1, ro2,
             pqtab, dtab, avec, acc,
             sg0, sg1, sg2, ss0, ss1, ss2, sp_g0, sp_g1, sp_g2):
    spbufs = [sp0, sp1, sp2]
    semis = [sp_g0, sp_g1, sp_g2]
    sidxs = [si0, si1, si2]
    didxs = [di0, di1, di2]
    wbufs = [wb0, wb1, wb2]
    rowss = [ro0, ro1, ro2]
    semgs = [sg0, sg1, sg2]
    semss = [ss0, ss1, ss2]

    cid = lax.axis_index("c")
    sid = lax.axis_index("s")
    wid = cid * NSUB + sid

    zv = jnp.zeros((16,), jnp.float32)

    def zrow(r, c):
        for v in range(F // 16):
            ro0[r, pl.ds(v * 16, 16)] = zv
        return c

    lax.fori_loop(0, K, zrow, 0, unroll=2)
    for q in range(RPT // K):
        pltpu.sync_copy(ro0, acc.at[pl.ds(sid * RPT + q * K, K)])

    def zden(i, c):
        dtab[pl.ds(i * 16, 16)] = zv
        return c

    lax.fori_loop(0, N // 16, zden, 0, unroll=4)
    pltpu.sync_copy(pq.at[0], pqtab)
    pltpu.sync_copy(amax.at[0, pl.ds(0, 16)], avec)
    plsc.subcore_barrier()

    base0 = wid * EPW
    inv_qs = 1.0 / QS

    def idxstart(t, b):
        base = base0 + t * K
        pltpu.async_copy(spd.at[pl.ds(base, K)], spbufs[b], semis[b])

    def issue(t, b):
        base = base0 + t * K
        pltpu.make_async_copy(spd.at[pl.ds(base, K)], spbufs[b],
                              semis[b]).wait()
        for j in range(K // 16):
            sp16 = spbufs[b][pl.ds(j * 16, 16)]
            sidxs[b][pl.ds(j * 16, 16)] = sp16 >> 14
            didxs[b][pl.ds(j * 16, 16)] = sp16 & 16383
        pltpu.async_copy(htab.at[sidxs[b]], rowss[b], semgs[b])
        a16 = avec[...]
        for j in range(K // 16):
            s16 = sidxs[b][pl.ds(j * 16, 16)]
            d16 = didxs[b][pl.ds(j * 16, 16)]
            ps = plsc.load_gather(pqtab, [s16])
            pd = plsc.load_gather(pqtab, [d16])
            as16 = (ps >> 16).astype(jnp.float32) * inv_qs
            ad16 = ((pd << 16) >> 16).astype(jnp.float32) * inv_qs
            t1 = as16 + ad16
            u = jnp.maximum(t1, 0.2 * t1)
            c0 = a16 + ad16
            c = jnp.maximum(c0, 0.2 * c0)
            w = jnp.exp(u - c)
            gidx = base + j * 16 + lax.iota(jnp.int32, 16)
            w = jnp.where(gidx < E2, w, 0.0)
            plsc.addupdate_scatter(dtab, [d16], w)
            wbufs[b][pl.ds(j * 16, 16)] = w

    def finish(t, b):
        pltpu.make_async_copy(htab.at[sidxs[b]], rowss[b], semgs[b]).wait()

        def row_body(r, rc):
            wspl = plsc.load_gather(wbufs[b], [jnp.full((16,), r, jnp.int32)])
            for v in range(F // 16):
                rowss[b][r, pl.ds(v * 16, 16)] = (
                    rowss[b][r, pl.ds(v * 16, 16)] * wspl)
            return rc

        lax.fori_loop(0, K, row_body, 0, unroll=4)
        pltpu.async_copy(rowss[b], acc.at[didxs[b]], semss[b], add=True)

    def drain(b):
        pltpu.make_async_copy(rowss[b], acc.at[didxs[b]], semss[b]).wait()

    idxstart(0, 0)
    idxstart(1, 1)
    issue(0, 0)

    def pipe_body(i, carry):
        for b in range(3):
            t = 3 * i + b
            bn = (b + 1) % 3

            @pl.when(t < CH - 2)
            def _():
                idxstart(t + 2, (b + 2) % 3)

            @pl.when(t >= 2)
            def _():
                drain(bn)

            @pl.when(t < CH - 1)
            def _():
                issue(t + 1, bn)

            finish(t, b)
        return carry

    lax.fori_loop(0, CH // 3, pipe_body, 0)
    drain((CH - 2) % 3)
    drain((CH - 1) % 3)
    plsc.subcore_barrier()
    pltpu.sync_copy(acc.at[pl.ds(sid * RPT, RPT)],
                    out.at[cid, pl.ds(sid * RPT, RPT)])
    pltpu.sync_copy(dtab, dout.at[wid])


def kernel(x, edge_index, W, att_src, att_dst, bias, lin_W, lin_b):
    srcm = edge_index[0].reshape(ER, F)
    dstm = edge_index[1].reshape(ER, F)
    htab, pq, amax, spd2 = _pre(x, W, att_src.reshape(1, F),
                                att_dst.reshape(1, F), srcm, dstm)
    spd = spd2.reshape(E2P)
    acc, den = _sc_edge(spd, pq, amax, htab)
    y = _post(acc, den, bias.reshape(1, F), lin_W, lin_b.reshape(1, F))
    return y

# --- scband reference (transcript-rebuilt; emitter-appended) ---
"""Pipeline reference for scband-graph-contrastive-network-5111011083069 (READ-ONLY COPY).

The authoritative reference and input builder live on the scoring server;
editing this copy changes nothing except your own understanding.
"""

import jax, jax.numpy as jnp
import numpy as np

N = 10000
E = 320000
IN = 128
OUT = 128
H = 1


def setup_inputs(seed: int = 0) -> dict:
    key = jax.random.key(seed)
    ks = jax.random.split(key, 8)
    x = jax.random.normal(ks[0], (N, IN), dtype=jnp.float32)
    edge_index = jax.random.randint(ks[1], (2, E), 0, N, dtype=jnp.int32)
    W = jax.random.normal(ks[2], (IN, H * OUT), dtype=jnp.float32) * (1.0 / np.sqrt(IN))
    att_src = jax.random.normal(ks[3], (H, OUT), dtype=jnp.float32) * 0.1
    att_dst = jax.random.normal(ks[4], (H, OUT), dtype=jnp.float32) * 0.1
    bias = jax.random.normal(ks[5], (H * OUT,), dtype=jnp.float32) * 0.01
    lin_W = jax.random.normal(ks[6], (H * OUT, OUT), dtype=jnp.float32) * (1.0 / np.sqrt(H * OUT))
    lin_b = jax.random.normal(ks[7], (OUT,), dtype=jnp.float32) * 0.01
    return {"x": x, "edge_index": edge_index, "W": W, "att_src": att_src,
            "att_dst": att_dst, "bias": bias, "lin_W": lin_W, "lin_b": lin_b}


def reference(x, edge_index, W, att_src, att_dst, bias, lin_W, lin_b):
    n = x.shape[0]
    # GATConv adds self-loops by default (PyG semantics)
    ar = jnp.arange(n, dtype=edge_index.dtype)
    ei = jnp.concatenate([edge_index, jnp.stack([ar, ar], axis=0)], axis=1)
    src, dst = ei[0], ei[1]
    # Linear projection into heads
    h = (x @ W).reshape(n, H, OUT)
    a_s = jnp.sum(h * att_src[None, :, :], axis=-1)  # [N, H]
    a_d = jnp.sum(h * att_dst[None, :, :], axis=-1)  # [N, H]
    e = jax.nn.leaky_relu(a_s[src] + a_d[dst], negative_slope=0.2)  # [Etot, H]
    # Softmax over incoming edges per destination node (numerically stable)
    m = jax.ops.segment_max(e, dst, num_segments=n)
    m = jnp.where(jnp.isfinite(m), m, 0.0)
    ex = jnp.exp(e - m[dst])
    denom = jax.ops.segment_sum(ex, dst, num_segments=n)
    alpha = ex / (denom[dst] + 1e-16)
    # Weighted message aggregation (scatter-add)
    msg = alpha[:, :, None] * h[src]
    out = jax.ops.segment_sum(msg, dst, num_segments=n).reshape(n, H * OUT) + bias
    out = jax.nn.elu(out)
    y = out @ lin_W + lin_b
    return y

if __name__ == "__main__":
    import jax
    _d = setup_inputs()
    print(jax.jit(kernel)(*tuple(_d.values())))

</pallas_src>

<mosaic_0001>
#map = affine_map<(d0, d1) -> (0)>
#map1 = affine_map<(d0, d1) -> (0, 0)>
#map2 = affine_map<(d0, d1) -> (0, 0, 0)>
module attributes {stable_mosaic.version = 14 : i64} {
  func.func @_sc_edge(%arg0: i32, %arg1: i32, %arg2: memref<331776xi32, #tpu.memory_space<hbm>>, %arg3: memref<1x10000xi32, #tpu.memory_space<hbm>>, %arg4: memref<1x128xf32, #tpu.memory_space<hbm>>, %arg5: memref<10000x128xf32, #tpu.memory_space<hbm>>, %arg6: memref<2x10240x128xf32, #tpu.memory_space<hbm>>, %arg7: memref<32x10000xf32, #tpu.memory_space<hbm>>, %arg8: memref<64xi32, #tpu.memory_space<vmem>>, %arg9: memref<64xi32, #tpu.memory_space<vmem>>, %arg10: memref<64xi32, #tpu.memory_space<vmem>>, %arg11: memref<64xi32, #tpu.memory_space<vmem>>, %arg12: memref<64xi32, #tpu.memory_space<vmem>>, %arg13: memref<64xi32, #tpu.memory_space<vmem>>, %arg14: memref<64xi32, #tpu.memory_space<vmem>>, %arg15: memref<64xi32, #tpu.memory_space<vmem>>, %arg16: memref<64xi32, #tpu.memory_space<vmem>>, %arg17: memref<64xf32, #tpu.memory_space<vmem>>, %arg18: memref<64xf32, #tpu.memory_space<vmem>>, %arg19: memref<64xf32, #tpu.memory_space<vmem>>, %arg20: memref<64x128xf32, #tpu.memory_space<vmem>>, %arg21: memref<64x128xf32, #tpu.memory_space<vmem>>, %arg22: memref<64x128xf32, #tpu.memory_space<vmem>>, %arg23: memref<10000xi32, #tpu.memory_space<vmem>>, %arg24: memref<10000xf32, #tpu.memory_space<vmem>>, %arg25: memref<16xf32, #tpu.memory_space<vmem>>, %arg26: memref<10240x128xf32, #tpu.memory_space<vmem_shared>>, %arg27: memref<!tpu.dma_semaphore, #tpu.memory_space<semaphore_mem>>, %arg28: memref<!tpu.dma_semaphore, #tpu.memory_space<semaphore_mem>>, %arg29: memref<!tpu.dma_semaphore, #tpu.memory_space<semaphore_mem>>, %arg30: memref<!tpu.dma_semaphore, #tpu.memory_space<semaphore_mem>>, %arg31: memref<!tpu.dma_semaphore, #tpu.memory_space<semaphore_mem>>, %arg32: memref<!tpu.dma_semaphore, #tpu.memory_space<semaphore_mem>>, %arg33: memref<!tpu.dma_semaphore, #tpu.memory_space<semaphore_mem>>, %arg34: memref<!tpu.dma_semaphore, #tpu.memory_space<semaphore_mem>>, %arg35: memref<!tpu.dma_semaphore, #tpu.memory_space<semaphore_mem>>) attributes {dimension_semantics = [#tpu.dimension_semantics<core_parallel>, #tpu.dimension_semantics<subcore_parallel>], iteration_bounds = array<i64: 2, 16>, scalar_prefetch = 0 : i64, scratch_operands = 28 : i64, tpu.core_type = #tpu.core_type<sc_vector_subcore>, window_params = [{transform_indices = #map}, {transform_indices = #map1}, {transform_indices = #map1}, {transform_indices = #map1}, {transform_indices = #map2}, {transform_indices = #map1}]} {
    %mul3A = arith.constant 16 : i32
    %mul3A_0 = arith.muli %arg0, %mul3A : i32
    %add3A = arith.addi %mul3A_0, %arg1 : i32
    %broadcast_in_dim3A = arith.constant 0.000000e+00 : f32
    %broadcast_in_dim3A_1 = vector.broadcast %broadcast_in_dim3A : f32 to vector<16xf32>
    %scan3A = arith.constant 0 : i32
    %scan3A_2 = arith.constant 0 : i32
    %scan3A_3 = arith.constant 64 : i32
    %scan3A_4 = arith.addi %scan3A_2, %scan3A_3 : i32
    %scan3A_5 = arith.constant 2 : i32
    scf.for %scan3A_320 = %scan3A_2 to %scan3A_4 step %scan3A_5  : i32 {
      %swap3A_321 = arith.index_cast %scan3A_320 : i32 to index
      %swap3A_322 = arith.constant 0 : index
      %swap3A_323 = tpu.vector_load %arg20[%swap3A_321, %swap3A_322] {strides = array<i32>} : memref<64x128xf32, #tpu.memory_space<vmem>>, vector<16xf32>,
      tpu.vector_store %arg20[%swap3A_321, %swap3A_322], %broadcast_in_dim3A_1 {strides = array<i32>} : memref<64x128xf32, #tpu.memory_space<vmem>>, vector<16xf32>,
      %swap3A_324 = arith.index_cast %scan3A_320 : i32 to index
      %swap3A_325 = arith.constant 16 : index
      %swap3A_326 = tpu.vector_load %arg20[%swap3A_324, %swap3A_325] {strides = array<i32>} : memref<64x128xf32, #tpu.memory_space<vmem>>, vector<16xf32>,
      tpu.vector_store %arg20[%swap3A_324, %swap3A_325], %broadcast_in_dim3A_1 {strides = array<i32>} : memref<64x128xf32, #tpu.memory_space<vmem>>, vector<16xf32>,
      %swap3A_327 = arith.index_cast %scan3A_320 : i32 to index
      %swap3A_328 = arith.constant 32 : index
      %swap3A_329 = tpu.vector_load %arg20[%swap3A_327, %swap3A_328] {strides = array<i32>} : memref<64x128xf32, #tpu.memory_space<vmem>>, vector<16xf32>,
      tpu.vector_store %arg20[%swap3A_327, %swap3A_328], %broadcast_in_dim3A_1 {strides = array<i32>} : memref<64x128xf32, #tpu.memory_space<vmem>>, vector<16xf32>,
      %swap3A_330 = arith.index_cast %scan3A_320 : i32 to index
      %swap3A_331 = arith.constant 48 : index
      %swap3A_332 = tpu.vector_load %arg20[%swap3A_330, %swap3A_331] {strides = array<i32>} : memref<64x128xf32, #tpu.memory_space<vmem>>, vector<16xf32>,
      tpu.vector_store %arg20[%swap3A_330, %swap3A_331], %broadcast_in_dim3A_1 {strides = array<i32>} : memref<64x128xf32, #tpu.memory_space<vmem>>, vector<16xf32>,
      %swap3A_333 = arith.index_cast %scan3A_320 : i32 to index
      %swap3A_334 = arith.constant 64 : index
      %swap3A_335 = tpu.vector_load %arg20[%swap3A_333, %swap3A_334] {strides = array<i32>} : memref<64x128xf32, #tpu.memory_space<vmem>>, vector<16xf32>,
      tpu.vector_store %arg20[%swap3A_333, %swap3A_334], %broadcast_in_dim3A_1 {strides = array<i32>} : memref<64x128xf32, #tpu.memory_space<vmem>>, vector<16xf32>,
      %swap3A_336 = arith.index_cast %scan3A_320 : i32 to index
      %swap3A_337 = arith.constant 80 : index
      %swap3A_338 = tpu.vector_load %arg20[%swap3A_336, %swap3A_337] {strides = array<i32>} : memref<64x128xf32, #tpu.memory_space<vmem>>, vector<16xf32>,
      tpu.vector_store %arg20[%swap3A_336, %swap3A_337], %broadcast_in_dim3A_1 {strides = array<i32>} : memref<64x128xf32, #tpu.memory_space<vmem>>, vector<16xf32>,
      %swap3A_339 = arith.index_cast %scan3A_320 : i32 to index
      %swap3A_340 = arith.constant 96 : index
      %swap3A_341 = tpu.vector_load %arg20[%swap3A_339, %swap3A_340] {strides = array<i32>} : memref<64x128xf32, #tpu.memory_space<vmem>>, vector<16xf32>,
      tpu.vector_store %arg20[%swap3A_339, %swap3A_340], %broadcast_in_dim3A_1 {strides = array<i32>} : memref<64x128xf32, #tpu.memory_space<vmem>>, vector<16xf32>,
      %swap3A_342 = arith.index_cast %scan3A_320 : i32 to index
      %swap3A_343 = arith.constant 112 : index
      %swap3A_344 = tpu.vector_load %arg20[%swap3A_342, %swap3A_343] {strides = array<i32>} : memref<64x128xf32, #tpu.memory_space<vmem>>, vector<16xf32>,
      tpu.vector_store %arg20[%swap3A_342, %swap3A_343], %broadcast_in_dim3A_1 {strides = array<i32>} : memref<64x128xf32, #tpu.memory_space<vmem>>, vector<16xf32>,
      %scan3A_345 = arith.constant 1 : i32
      %scan3A_346 = arith.addi %scan3A_320, %scan3A_345 : i32
      %swap3A_347 = arith.index_cast %scan3A_346 : i32 to index
      %swap3A_348 = arith.constant 0 : index
      %swap3A_349 = tpu.vector_load %arg20[%swap3A_347, %swap3A_348] {strides = array<i32>} : memref<64x128xf32, #tpu.memory_space<vmem>>, vector<16xf32>,
      tpu.vector_store %arg20[%swap3A_347, %swap3A_348], %broadcast_in_dim3A_1 {strides = array<i32>} : memref<64x128xf32, #tpu.memory_space<vmem>>, vector<16xf32>,
      %swap3A_350 = arith.index_cast %scan3A_346 : i32 to index
      %swap3A_351 = arith.constant 16 : index
      %swap3A_352 = tpu.vector_load %arg20[%swap3A_350, %swap3A_351] {strides = array<i32>} : memref<64x128xf32, #tpu.memory_space<vmem>>, vector<16xf32>,
      tpu.vector_store %arg20[%swap3A_350, %swap3A_351], %broadcast_in_dim3A_1 {strides = array<i32>} : memref<64x128xf32, #tpu.memory_space<vmem>>, vector<16xf32>,
      %swap3A_353 = arith.index_cast %scan3A_346 : i32 to index
      %swap3A_354 = arith.constant 32 : index
      %swap3A_355 = tpu.vector_load %arg20[%swap3A_353, %swap3A_354] {strides = array<i32>} : memref<64x128xf32, #tpu.memory_space<vmem>>, vector<16xf32>,
      tpu.vector_store %arg20[%swap3A_353, %swap3A_354], %broadcast_in_dim3A_1 {strides = array<i32>} : memref<64x128xf32, #tpu.memory_space<vmem>>, vector<16xf32>,
      %swap3A_356 = arith.index_cast %scan3A_346 : i32 to index
      %swap3A_357 = arith.constant 48 : index
      %swap3A_358 = tpu.vector_load %arg20[%swap3A_356, %swap3A_357] {strides = array<i32>} : memref<64x128xf32, #tpu.memory_space<vmem>>, vector<16xf32>,
      tpu.vector_store %arg20[%swap3A_356, %swap3A_357], %broadcast_in_dim3A_1 {strides = array<i32>} : memref<64x128xf32, #tpu.memory_space<vmem>>, vector<16xf32>,
      %swap3A_359 = arith.index_cast %scan3A_346 : i32 to index
      %swap3A_360 = arith.constant 64 : index
      %swap3A_361 = tpu.vector_load %arg20[%swap3A_359, %swap3A_360] {strides = array<i32>} : memref<64x128xf32, #tpu.memory_space<vmem>>, vector<16xf32>,
      tpu.vector_store %arg20[%swap3A_359, %swap3A_360], %broadcast_in_dim3A_1 {strides = array<i32>} : memref<64x128xf32, #tpu.memory_space<vmem>>, vector<16xf32>,
      %swap3A_362 = arith.index_cast %scan3A_346 : i32 to index
      %swap3A_363 = arith.constant 80 : index
      %swap3A_364 = tpu.vector_load %arg20[%swap3A_362, %swap3A_363] {strides = array<i32>} : memref<64x128xf32, #tpu.memory_space<vmem>>, vector<16xf32>,
      tpu.vector_store %arg20[%swap3A_362, %swap3A_363], %broadcast_in_dim3A_1 {strides = array<i32>} : memref<64x128xf32, #tpu.memory_space<vmem>>, vector<16xf32>,
      %swap3A_365 = arith.index_cast %scan3A_346 : i32 to index
      %swap3A_366 = arith.constant 96 : index
      %swap3A_367 = tpu.vector_load %arg20[%swap3A_365, %swap3A_366] {strides = array<i32>} : memref<64x128xf32, #tpu.memory_space<vmem>>, vector<16xf32>,
      tpu.vector_store %arg20[%swap3A_365, %swap3A_366], %broadcast_in_dim3A_1 {strides = array<i32>} : memref<64x128xf32, #tpu.memory_space<vmem>>, vector<16xf32>,
      %swap3A_368 = arith.index_cast %scan3A_346 : i32 to index
      %swap3A_369 = arith.constant 112 : index
      %swap3A_370 = tpu.vector_load %arg20[%swap3A_368, %swap3A_369] {strides = array<i32>} : memref<64x128xf32, #tpu.memory_space<vmem>>, vector<16xf32>,
      tpu.vector_store %arg20[%swap3A_368, %swap3A_369], %broadcast_in_dim3A_1 {strides = array<i32>} : memref<64x128xf32, #tpu.memory_space<vmem>>, vector<16xf32>,
    }
    %scan3A_6 = arith.constant 64 : i32
    %mul3A_7 = arith.constant 640 : i32
    %mul3A_8 = arith.muli %arg1, %mul3A_7 : i32
    %add3A_9 = arith.constant 0 : i32
    %add3A_10 = arith.addi %mul3A_8, %add3A_9 : i32
    "tpu.region"() ({
      %run_scoped3A_320 = tpu.sem_alloc : memref<!tpu.dma_semaphore, #tpu.memory_space<semaphore_mem>>
      %dma_start3A_321 = arith.constant 0 : i32
      %dma_start3A_322 = tpu.memref_slice %arg26[%add3A_10, %dma_start3A_321] : memref<10240x128xf32, #tpu.memory_space<vmem_shared>> -> memref<64x128xf32, #tpu.memory_space<vmem_shared>>
      %dma_start3A_323 = arith.constant 0 : i32
      %dma_start3A_324 = tpu.memref_slice %arg26[%add3A_10, %dma_start3A_323] : memref<10240x128xf32, #tpu.memory_space<vmem_shared>> -> memref<64x128xf32, #tpu.memory_space<vmem_shared>>
      tpu.enqueue_dma source(%arg20 : memref<64x128xf32, #tpu.memory_space<vmem>>) target(%dma_start3A_324 : memref<64x128xf32, #tpu.memory_space<vmem_shared>>) target_semaphore(%run_scoped3A_320 : memref<!tpu.dma_semaphore, #tpu.memory_space<semaphore_mem>>)
      %dma_wait3A_325 = arith.constant 0 : i32
      %dma_wait3A_326 = tpu.memref_slice %arg26[%add3A_10, %dma_wait3A_325] : memref<10240x128xf32, #tpu.memory_space<vmem_shared>> -> memref<64x128xf32, #tpu.memory_space<vmem_shared>>
      %dma_wait3A_327 = arith.constant 0 : i32
      %dma_wait3A_328 = tpu.memref_slice %arg26[%add3A_10, %dma_wait3A_327] : memref<10240x128xf32, #tpu.memory_space<vmem_shared>> -> memref<64x128xf32, #tpu.memory_space<vmem_shared>>
      tpu.wait_dma2 semaphore(%run_scoped3A_320 : memref<!tpu.dma_semaphore, #tpu.memory_space<semaphore_mem>>) src(%arg20 : memref<64x128xf32, #tpu.memory_space<vmem>>) dst(%dma_wait3A_328 : memref<64x128xf32, #tpu.memory_space<vmem_shared>>)
      tpu.yield
    }) : () -> ()
    %mul3A_11 = arith.constant 640 : i32
    %mul3A_12 = arith.muli %arg1, %mul3A_11 : i32
    %add3A_13 = arith.constant 64 : i32
    %add3A_14 = arith.addi %mul3A_12, %add3A_13 : i32
    "tpu.region"() ({
      %run_scoped3A_320 = tpu.sem_alloc : memref<!tpu.dma_semaphore, #tpu.memory_space<semaphore_mem>>
      %dma_start3A_321 = arith.constant 0 : i32
      %dma_start3A_322 = tpu.memref_slice %arg26[%add3A_14, %dma_start3A_321] : memref<10240x128xf32, #tpu.memory_space<vmem_shared>> -> memref<64x128xf32, #tpu.memory_space<vmem_shared>>
      %dma_start3A_323 = arith.constant 0 : i32
      %dma_start3A_324 = tpu.memref_slice %arg26[%add3A_14, %dma_start3A_323] : memref<10240x128xf32, #tpu.memory_space<vmem_shared>> -> memref<64x128xf32, #tpu.memory_space<vmem_shared>>
      tpu.enqueue_dma source(%arg20 : memref<64x128xf32, #tpu.memory_space<vmem>>) target(%dma_start3A_324 : memref<64x128xf32, #tpu.memory_space<vmem_shared>>) target_semaphore(%run_scoped3A_320 : memref<!tpu.dma_semaphore, #tpu.memory_space<semaphore_mem>>)
      %dma_wait3A_325 = arith.constant 0 : i32
      %dma_wait3A_326 = tpu.memref_slice %arg26[%add3A_14, %dma_wait3A_325] : memref<10240x128xf32, #tpu.memory_space<vmem_shared>> -> memref<64x128xf32, #tpu.memory_space<vmem_shared>>
      %dma_wait3A_327 = arith.constant 0 : i32
      %dma_wait3A_328 = tpu.memref_slice %arg26[%add3A_14, %dma_wait3A_327] : memref<10240x128xf32, #tpu.memory_space<vmem_shared>> -> memref<64x128xf32, #tpu.memory_space<vmem_shared>>
      tpu.wait_dma2 semaphore(%run_scoped3A_320 : memref<!tpu.dma_semaphore, #tpu.memory_space<semaphore_mem>>) src(%arg20 : memref<64x128xf32, #tpu.memory_space<vmem>>) dst(%dma_wait3A_328 : memref<64x128xf32, #tpu.memory_space<vmem_shared>>)
      tpu.yield
    }) : () -> ()
    %mul3A_15 = arith.constant 640 : i32
    %mul3A_16 = arith.muli %arg1, %mul3A_15 : i32
    %add3A_17 = arith.constant 128 : i32
    %add3A_18 = arith.addi %mul3A_16, %add3A_17 : i32
    "tpu.region"() ({
      %run_scoped3A_320 = tpu.sem_alloc : memref<!tpu.dma_semaphore, #tpu.memory_space<semaphore_mem>>
      %dma_start3A_321 = arith.constant 0 : i32
      %dma_start3A_322 = tpu.memref_slice %arg26[%add3A_18, %dma_start3A_321] : memref<10240x128xf32, #tpu.memory_space<vmem_shared>> -> memref<64x128xf32, #tpu.memory_space<vmem_shared>>
      %dma_start3A_323 = arith.constant 0 : i32
      %dma_start3A_324 = tpu.memref_slice %arg26[%add3A_18, %dma_start3A_323] : memref<10240x128xf32, #tpu.memory_space<vmem_shared>> -> memref<64x128xf32, #tpu.memory_space<vmem_shared>>
      tpu.enqueue_dma source(%arg20 : memref<64x128xf32, #tpu.memory_space<vmem>>) target(%dma_start3A_324 : memref<64x128xf32, #tpu.memory_space<vmem_shared>>) target_semaphore(%run_scoped3A_320 : memref<!tpu.dma_semaphore, #tpu.memory_space<semaphore_mem>>)
      %dma_wait3A_325 = arith.constant 0 : i32
      %dma_wait3A_326 = tpu.memref_slice %arg26[%add3A_18, %dma_wait3A_325] : memref<10240x128xf32, #tpu.memory_space<vmem_shared>> -> memref<64x128xf32, #tpu.memory_space<vmem_shared>>
      %dma_wait3A_327 = arith.constant 0 : i32
      %dma_wait3A_328 = tpu.memref_slice %arg26[%add3A_18, %dma_wait3A_327] : memref<10240x128xf32, #tpu.memory_space<vmem_shared>> -> memref<64x128xf32, #tpu.memory_space<vmem_shared>>
      tpu.wait_dma2 semaphore(%run_scoped3A_320 : memref<!tpu.dma_semaphore, #tpu.memory_space<semaphore_mem>>) src(%arg20 : memref<64x128xf32, #tpu.memory_space<vmem>>) dst(%dma_wait3A_328 : memref<64x128xf32, #tpu.memory_space<vmem_shared>>)
      tpu.yield
    }) : () -> ()
    %mul3A_19 = arith.constant 640 : i32
    %mul3A_20 = arith.muli %arg1, %mul3A_19 : i32
    %add3A_21 = arith.constant 192 : i32
    %add3A_22 = arith.addi %mul3A_20, %add3A_21 : i32
    "tpu.region"() ({
      %run_scoped3A_320 = tpu.sem_alloc : memref<!tpu.dma_semaphore, #tpu.memory_space<semaphore_mem>>
      %dma_start3A_321 = arith.constant 0 : i32
      %dma_start3A_322 = tpu.memref_slice %arg26[%add3A_22, %dma_start3A_321] : memref<10240x128xf32, #tpu.memory_space<vmem_shared>> -> memref<64x128xf32, #tpu.memory_space<vmem_shared>>
      %dma_start3A_323 = arith.constant 0 : i32
      %dma_start3A_324 = tpu.memref_slice %arg26[%add3A_22, %dma_start3A_323] : memref<10240x128xf32, #tpu.memory_space<vmem_shared>> -> memref<64x128xf32, #tpu.memory_space<vmem_shared>>
      tpu.enqueue_dma source(%arg20 : memref<64x128xf32, #tpu.memory_space<vmem>>) target(%dma_start3A_324 : memref<64x128xf32, #tpu.memory_space<vmem_shared>>) target_semaphore(%run_scoped3A_320 : memref<!tpu.dma_semaphore, #tpu.memory_space<semaphore_mem>>)
      %dma_wait3A_325 = arith.constant 0 : i32
      %dma_wait3A_326 = tpu.memref_slice %arg26[%add3A_22, %dma_wait3A_325] : memref<10240x128xf32, #tpu.memory_space<vmem_shared>> -> memref<64x128xf32, #tpu.memory_space<vmem_shared>>
      %dma_wait3A_327 = arith.constant 0 : i32
      %dma_wait3A_328 = tpu.memref_slice %arg26[%add3A_22, %dma_wait3A_327] : memref<10240x128xf32, #tpu.memory_space<vmem_shared>> -> memref<64x128xf32, #tpu.memory_space<vmem_shared>>
      tpu.wait_dma2 semaphore(%run_scoped3A_320 : memref<!tpu.dma_semaphore, #tpu.memory_space<semaphore_mem>>) src(%arg20 : memref<64x128xf32, #tpu.memory_space<vmem>>) dst(%dma_wait3A_328 : memref<64x128xf32, #tpu.memory_space<vmem_shared>>)
      tpu.yield
    }) : () -> ()
    %mul3A_23 = arith.constant 640 : i32
    %mul3A_24 = arith.muli %arg1, %mul3A_23 : i32
    %add3A_25 = arith.constant 256 : i32
    %add3A_26 = arith.addi %mul3A_24, %add3A_25 : i32
    "tpu.region"() ({
      %run_scoped3A_320 = tpu.sem_alloc : memref<!tpu.dma_semaphore, #tpu.memory_space<semaphore_mem>>
      %dma_start3A_321 = arith.constant 0 : i32
      %dma_start3A_322 = tpu.memref_slice %arg26[%add3A_26, %dma_start3A_321] : memref<10240x128xf32, #tpu.memory_space<vmem_shared>> -> memref<64x128xf32, #tpu.memory_space<vmem_shared>>
      %dma_start3A_323 = arith.constant 0 : i32
      %dma_start3A_324 = tpu.memref_slice %arg26[%add3A_26, %dma_start3A_323] : memref<10240x128xf32, #tpu.memory_space<vmem_shared>> -> memref<64x128xf32, #tpu.memory_space<vmem_shared>>
      tpu.enqueue_dma source(%arg20 : memref<64x128xf32, #tpu.memory_space<vmem>>) target(%dma_start3A_324 : memref<64x128xf32, #tpu.memory_space<vmem_shared>>) target_semaphore(%run_scoped3A_320 : memref<!tpu.dma_semaphore, #tpu.memory_space<semaphore_mem>>)
      %dma_wait3A_325 = arith.constant 0 : i32
      %dma_wait3A_326 = tpu.memref_slice %arg26[%add3A_26, %dma_wait3A_325] : memref<10240x128xf32, #tpu.memory_space<vmem_shared>> -> memref<64x128xf32, #tpu.memory_space<vmem_shared>>
      %dma_wait3A_327 = arith.constant 0 : i32
      %dma_wait3A_328 = tpu.memref_slice %arg26[%add3A_26, %dma_wait3A_327] : memref<10240x128xf32, #tpu.memory_space<vmem_shared>> -> memref<64x128xf32, #tpu.memory_space<vmem_shared>>
      tpu.wait_dma2 semaphore(%run_scoped3A_320 : memref<!tpu.dma_semaphore, #tpu.memory_space<semaphore_mem>>) src(%arg20 : memref<64x128xf32, #tpu.memory_space<vmem>>) dst(%dma_wait3A_328 : memref<64x128xf32, #tpu.memory_space<vmem_shared>>)
      tpu.yield
    }) : () -> ()
    %mul3A_27 = arith.constant 640 : i32
    %mul3A_28 = arith.muli %arg1, %mul3A_27 : i32
    %add3A_29 = arith.constant 320 : i32
    %add3A_30 = arith.addi %mul3A_28, %add3A_29 : i32
    "tpu.region"() ({
      %run_scoped3A_320 = tpu.sem_alloc : memref<!tpu.dma_semaphore, #tpu.memory_space<semaphore_mem>>
      %dma_start3A_321 = arith.constant 0 : i32
      %dma_start3A_322 = tpu.memref_slice %arg26[%add3A_30, %dma_start3A_321] : memref<10240x128xf32, #tpu.memory_space<vmem_shared>> -> memref<64x128xf32, #tpu.memory_space<vmem_shared>>
      %dma_start3A_323 = arith.constant 0 : i32
      %dma_start3A_324 = tpu.memref_slice %arg26[%add3A_30, %dma_start3A_323] : memref<10240x128xf32, #tpu.memory_space<vmem_shared>> -> memref<64x128xf32, #tpu.memory_space<vmem_shared>>
      tpu.enqueue_dma source(%arg20 : memref<64x128xf32, #tpu.memory_space<vmem>>) target(%dma_start3A_324 : memref<64x128xf32, #tpu.memory_space<vmem_shared>>) target_semaphore(%run_scoped3A_320 : memref<!tpu.dma_semaphore, #tpu.memory_space<semaphore_mem>>)
      %dma_wait3A_325 = arith.constant 0 : i32
      %dma_wait3A_326 = tpu.memref_slice %arg26[%add3A_30, %dma_wait3A_325] : memref<10240x128xf32, #tpu.memory_space<vmem_shared>> -> memref<64x128xf32, #tpu.memory_space<vmem_shared>>
      %dma_wait3A_327 = arith.constant 0 : i32
      %dma_wait3A_328 = tpu.memref_slice %arg26[%add3A_30, %dma_wait3A_327] : memref<10240x128xf32, #tpu.memory_space<vmem_shared>> -> memref<64x128xf32, #tpu.memory_space<vmem_shared>>
      tpu.wait_dma2 semaphore(%run_scoped3A_320 : memref<!tpu.dma_semaphore, #tpu.memory_space<semaphore_mem>>) src(%arg20 : memref<64x128xf32, #tpu.memory_space<vmem>>) dst(%dma_wait3A_328 : memref<64x128xf32, #tpu.memory_space<vmem_shared>>)
      tpu.yield
    }) : () -> ()
    %mul3A_31 = arith.constant 640 : i32
    %mul3A_32 = arith.muli %arg1, %mul3A_31 : i32
    %add3A_33 = arith.constant 384 : i32
    %add3A_34 = arith.addi %mul3A_32, %add3A_33 : i32
    "tpu.region"() ({
      %run_scoped3A_320 = tpu.sem_alloc : memref<!tpu.dma_semaphore, #tpu.memory_space<semaphore_mem>>
      %dma_start3A_321 = arith.constant 0 : i32
      %dma_start3A_322 = tpu.memref_slice %arg26[%add3A_34, %dma_start3A_321] : memref<10240x128xf32, #tpu.memory_space<vmem_shared>> -> memref<64x128xf32, #tpu.memory_space<vmem_shared>>
      %dma_start3A_323 = arith.constant 0 : i32
      %dma_start3A_324 = tpu.memref_slice %arg26[%add3A_34, %dma_start3A_323] : memref<10240x128xf32, #tpu.memory_space<vmem_shared>> -> memref<64x128xf32, #tpu.memory_space<vmem_shared>>
      tpu.enqueue_dma source(%arg20 : memref<64x128xf32, #tpu.memory_space<vmem>>) target(%dma_start3A_324 : memref<64x128xf32, #tpu.memory_space<vmem_shared>>) target_semaphore(%run_scoped3A_320 : memref<!tpu.dma_semaphore, #tpu.memory_space<semaphore_mem>>)
      %dma_wait3A_325 = arith.constant 0 : i32
      %dma_wait3A_326 = tpu.memref_slice %arg26[%add3A_34, %dma_wait3A_325] : memref<10240x128xf32, #tpu.memory_space<vmem_shared>> -> memref<64x128xf32, #tpu.memory_space<vmem_shared>>
      %dma_wait3A_327 = arith.constant 0 : i32
      %dma_wait3A_328 = tpu.memref_slice %arg26[%add3A_34, %dma_wait3A_327] : memref<10240x128xf32, #tpu.memory_space<vmem_shared>> -> memref<64x128xf32, #tpu.memory_space<vmem_shared>>
      tpu.wait_dma2 semaphore(%run_scoped3A_320 : memref<!tpu.dma_semaphore, #tpu.memory_space<semaphore_mem>>) src(%arg20 : memref<64x128xf32, #tpu.memory_space<vmem>>) dst(%dma_wait3A_328 : memref<64x128xf32, #tpu.memory_space<vmem_shared>>)
      tpu.yield
    }) : () -> ()
    %mul3A_35 = arith.constant 640 : i32
    %mul3A_36 = arith.muli %arg1, %mul3A_35 : i32
    %add3A_37 = arith.constant 448 : i32
    %add3A_38 = arith.addi %mul3A_36, %add3A_37 : i32
    "tpu.region"() ({
      %run_scoped3A_320 = tpu.sem_alloc : memref<!tpu.dma_semaphore, #tpu.memory_space<semaphore_mem>>
      %dma_start3A_321 = arith.constant 0 : i32
      %dma_start3A_322 = tpu.memref_slice %arg26[%add3A_38, %dma_start3A_321] : memref<10240x128xf32, #tpu.memory_space<vmem_shared>> -> memref<64x128xf32, #tpu.memory_space<vmem_shared>>
      %dma_start3A_323 = arith.constant 0 : i32
      %dma_start3A_324 = tpu.memref_slice %arg26[%add3A_38, %dma_start3A_323] : memref<10240x128xf32, #tpu.memory_space<vmem_shared>> -> memref<64x128xf32, #tpu.memory_space<vmem_shared>>
      tpu.enqueue_dma source(%arg20 : memref<64x128xf32, #tpu.memory_space<vmem>>) target(%dma_start3A_324 : memref<64x128xf32, #tpu.memory_space<vmem_shared>>) target_semaphore(%run_scoped3A_320 : memref<!tpu.dma_semaphore, #tpu.memory_space<semaphore_mem>>)
      %dma_wait3A_325 = arith.constant 0 : i32
      %dma_wait3A_326 = tpu.memref_slice %arg26[%add3A_38, %dma_wait3A_325] : memref<10240x128xf32, #tpu.memory_space<vmem_shared>> -> memref<64x128xf32, #tpu.memory_space<vmem_shared>>
      %dma_wait3A_327 = arith.constant 0 : i32
      %dma_wait3A_328 = tpu.memref_slice %arg26[%add3A_38, %dma_wait3A_327] : memref<10240x128xf32, #tpu.memory_space<vmem_shared>> -> memref<64x128xf32, #tpu.memory_space<vmem_shared>>
      tpu.wait_dma2 semaphore(%run_scoped3A_320 : memref<!tpu.dma_semaphore, #tpu.memory_space<semaphore_mem>>) src(%arg20 : memref<64x128xf32, #tpu.memory_space<vmem>>) dst(%dma_wait3A_328 : memref<64x128xf32, #tpu.memory_space<vmem_shared>>)
      tpu.yield
    }) : () -> ()
    %mul3A_39 = arith.constant 640 : i32
    %mul3A_40 = arith.muli %arg1, %mul3A_39 : i32
    %add3A_41 = arith.constant 512 : i32
    %add3A_42 = arith.addi %mul3A_40, %add3A_41 : i32
    "tpu.region"() ({
      %run_scoped3A_320 = tpu.sem_alloc : memref<!tpu.dma_semaphore, #tpu.memory_space<semaphore_mem>>
      %dma_start3A_321 = arith.constant 0 : i32
      %dma_start3A_322 = tpu.memref_slice %arg26[%add3A_42, %dma_start3A_321] : memref<10240x128xf32, #tpu.memory_space<vmem_shared>> -> memref<64x128xf32, #tpu.memory_space<vmem_shared>>
      %dma_start3A_323 = arith.constant 0 : i32
      %dma_start3A_324 = tpu.memref_slice %arg26[%add3A_42, %dma_start3A_323] : memref<10240x128xf32, #tpu.memory_space<vmem_shared>> -> memref<64x128xf32, #tpu.memory_space<vmem_shared>>
      tpu.enqueue_dma source(%arg20 : memref<64x128xf32, #tpu.memory_space<vmem>>) target(%dma_start3A_324 : memref<64x128xf32, #tpu.memory_space<vmem_shared>>) target_semaphore(%run_scoped3A_320 : memref<!tpu.dma_semaphore, #tpu.memory_space<semaphore_mem>>)
      %dma_wait3A_325 = arith.constant 0 : i32
      %dma_wait3A_326 = tpu.memref_slice %arg26[%add3A_42, %dma_wait3A_325] : memref<10240x128xf32, #tpu.memory_space<vmem_shared>> -> memref<64x128xf32, #tpu.memory_space<vmem_shared>>
      %dma_wait3A_327 = arith.constant 0 : i32
      %dma_wait3A_328 = tpu.memref_slice %arg26[%add3A_42, %dma_wait3A_327] : memref<10240x128xf32, #tpu.memory_space<vmem_shared>> -> memref<64x128xf32, #tpu.memory_space<vmem_shared>>
      tpu.wait_dma2 semaphore(%run_scoped3A_320 : memref<!tpu.dma_semaphore, #tpu.memory_space<semaphore_mem>>) src(%arg20 : memref<64x128xf32, #tpu.memory_space<vmem>>) dst(%dma_wait3A_328 : memref<64x128xf32, #tpu.memory_space<vmem_shared>>)
      tpu.yield
    }) : () -> ()
    %mul3A_43 = arith.constant 640 : i32
    %mul3A_44 = arith.muli %arg1, %mul3A_43 : i32
    %add3A_45 = arith.constant 576 : i32
    %add3A_46 = arith.addi %mul3A_44, %add3A_45 : i32
    "tpu.region"() ({
      %run_scoped3A_320 = tpu.sem_alloc : memref<!tpu.dma_semaphore, #tpu.memory_space<semaphore_mem>>
      %dma_start3A_321 = arith.constant 0 : i32
      %dma_start3A_322 = tpu.memref_slice %arg26[%add3A_46, %dma_start3A_321] : memref<10240x128xf32, #tpu.memory_space<vmem_shared>> -> memref<64x128xf32, #tpu.memory_space<vmem_shared>>
      %dma_start3A_323 = arith.constant 0 : i32
      %dma_start3A_324 = tpu.memref_slice %arg26[%add3A_46, %dma_start3A_323] : memref<10240x128xf32, #tpu.memory_space<vmem_shared>> -> memref<64x128xf32, #tpu.memory_space<vmem_shared>>
      tpu.enqueue_dma source(%arg20 : memref<64x128xf32, #tpu.memory_space<vmem>>) target(%dma_start3A_324 : memref<64x128xf32, #tpu.memory_space<vmem_shared>>) target_semaphore(%run_scoped3A_320 : memref<!tpu.dma_semaphore, #tpu.memory_space<semaphore_mem>>)
      %dma_wait3A_325 = arith.constant 0 : i32
      %dma_wait3A_326 = tpu.memref_slice %arg26[%add3A_46, %dma_wait3A_325] : memref<10240x128xf32, #tpu.memory_space<vmem_shared>> -> memref<64x128xf32, #tpu.memory_space<vmem_shared>>
      %dma_wait3A_327 = arith.constant 0 : i32
      %dma_wait3A_328 = tpu.memref_slice %arg26[%add3A_46, %dma_wait3A_327] : memref<10240x128xf32, #tpu.memory_space<vmem_shared>> -> memref<64x128xf32, #tpu.memory_space<vmem_shared>>
      tpu.wait_dma2 semaphore(%run_scoped3A_320 : memref<!tpu.dma_semaphore, #tpu.memory_space<semaphore_mem>>) src(%arg20 : memref<64x128xf32, #tpu.memory_space<vmem>>) dst(%dma_wait3A_328 : memref<64x128xf32, #tpu.memory_space<vmem_shared>>)
      tpu.yield
    }) : () -> ()
    %scan3A_47 = arith.constant 0 : i32
    %scan3A_48 = arith.constant 0 : i32
    %scan3A_49 = arith.constant 624 : i32
    %scan3A_50 = arith.addi %scan3A_48, %scan3A_49 : i32
    %scan3A_51 = arith.constant 4 : i32
    scf.for %scan3A_320 = %scan3A_48 to %scan3A_50 step %scan3A_51  : i32 {
      %mul3A_321 = arith.constant 16 : i32
      %mul3A_322 = arith.muli %scan3A_320, %mul3A_321 : i32
      %swap3A_323 = arith.index_cast %mul3A_322 : i32 to index
      %swap3A_324 = tpu.vector_load %arg24[%swap3A_323] {strides = array<i32>} : memref<10000xf32, #tpu.memory_space<vmem>>, vector<16xf32>,
      tpu.vector_store %arg24[%swap3A_323], %broadcast_in_dim3A_1 {strides = array<i32>} : memref<10000xf32, #tpu.memory_space<vmem>>, vector<16xf32>,
      %scan3A_325 = arith.constant 1 : i32
      %scan3A_326 = arith.addi %scan3A_320, %scan3A_325 : i32
      %mul3A_327 = arith.constant 16 : i32
      %mul3A_328 = arith.muli %scan3A_326, %mul3A_327 : i32
      %swap3A_329 = arith.index_cast %mul3A_328 : i32 to index
      %swap3A_330 = tpu.vector_load %arg24[%swap3A_329] {strides = array<i32>} : memref<10000xf32, #tpu.memory_space<vmem>>, vector<16xf32>,
      tpu.vector_store %arg24[%swap3A_329], %broadcast_in_dim3A_1 {strides = array<i32>} : memref<10000xf32, #tpu.memory_space<vmem>>, vector<16xf32>,
      %scan3A_331 = arith.constant 2 : i32
      %scan3A_332 = arith.addi %scan3A_320, %scan3A_331 : i32
      %mul3A_333 = arith.constant 16 : i32
      %mul3A_334 = arith.muli %scan3A_332, %mul3A_333 : i32
      %swap3A_335 = arith.index_cast %mul3A_334 : i32 to index
      %swap3A_336 = tpu.vector_load %arg24[%swap3A_335] {strides = array<i32>} : memref<10000xf32, #tpu.memory_space<vmem>>, vector<16xf32>,
      tpu.vector_store %arg24[%swap3A_335], %broadcast_in_dim3A_1 {strides = array<i32>} : memref<10000xf32, #tpu.memory_space<vmem>>, vector<16xf32>,
      %scan3A_337 = arith.constant 3 : i32
      %scan3A_338 = arith.addi %scan3A_320, %scan3A_337 : i32
      %mul3A_339 = arith.constant 16 : i32
      %mul3A_340 = arith.muli %scan3A_338, %mul3A_339 : i32
      %swap3A_341 = arith.index_cast %mul3A_340 : i32 to index
      %swap3A_342 = tpu.vector_load %arg24[%swap3A_341] {strides = array<i32>} : memref<10000xf32, #tpu.memory_space<vmem>>, vector<16xf32>,
      tpu.vector_store %arg24[%swap3A_341], %broadcast_in_dim3A_1 {strides = array<i32>} : memref<10000xf32, #tpu.memory_space<vmem>>, vector<16xf32>,
    }
    %scan3A_52 = arith.constant 624 : i32
    %scan3A_53 = arith.addi %scan3A_48, %scan3A_52 : i32
    %mul3A_54 = arith.constant 16 : i32
    %mul3A_55 = arith.muli %scan3A_53, %mul3A_54 : i32
    %swap3A = arith.index_cast %mul3A_55 : i32 to index
    %swap3A_56 = tpu.vector_load %arg24[%swap3A] {strides = array<i32>} : memref<10000xf32, #tpu.memory_space<vmem>>, vector<16xf32>,
    tpu.vector_store %arg24[%swap3A], %broadcast_in_dim3A_1 {strides = array<i32>} : memref<10000xf32, #tpu.memory_space<vmem>>, vector<16xf32>,
    %scan3A_57 = arith.constant 625 : i32
    %run_scoped3A = arith.constant 0 : i32
    "tpu.region"() ({
      %run_scoped3A_320 = tpu.sem_alloc : memref<!tpu.dma_semaphore, #tpu.memory_space<semaphore_mem>>
      %dma_start3A_321 = arith.constant 0 : i32
      %dma_start3A_322 = tpu.memref_slice %arg3[%run_scoped3A, %dma_start3A_321] : memref<1x10000xi32, #tpu.memory_space<hbm>> -> memref<1x10000xi32, #tpu.memory_space<hbm>>
      %dma_start3A_323 = tpu.memref_squeeze %dma_start3A_322 : memref<1x10000xi32, #tpu.memory_space<hbm>> -> memref<10000xi32, #tpu.memory_space<hbm>>
      %dma_start3A_324 = arith.constant 0 : i32
      %dma_start3A_325 = tpu.memref_slice %arg3[%run_scoped3A, %dma_start3A_324] : memref<1x10000xi32, #tpu.memory_space<hbm>> -> memref<1x10000xi32, #tpu.memory_space<hbm>>
      %dma_start3A_326 = tpu.memref_squeeze %dma_start3A_325 : memref<1x10000xi32, #tpu.memory_space<hbm>> -> memref<10000xi32, #tpu.memory_space<hbm>>
      tpu.enqueue_dma source(%dma_start3A_326 : memref<10000xi32, #tpu.memory_space<hbm>>) target(%arg23 : memref<10000xi32, #tpu.memory_space<vmem>>) target_semaphore(%run_scoped3A_320 : memref<!tpu.dma_semaphore, #tpu.memory_space<semaphore_mem>>)
      %dma_wait3A_327 = arith.constant 0 : i32
      %dma_wait3A_328 = tpu.memref_slice %arg3[%run_scoped3A, %dma_wait3A_327] : memref<1x10000xi32, #tpu.memory_space<hbm>> -> memref<1x10000xi32, #tpu.memory_space<hbm>>
      %dma_wait3A_329 = tpu.memref_squeeze %dma_wait3A_328 : memref<1x10000xi32, #tpu.memory_space<hbm>> -> memref<10000xi32, #tpu.memory_space<hbm>>
      %dma_wait3A_330 = arith.constant 0 : i32
      %dma_wait3A_331 = tpu.memref_slice %arg3[%run_scoped3A, %dma_wait3A_330] : memref<1x10000xi32, #tpu.memory_space<hbm>> -> memref<1x10000xi32, #tpu.memory_space<hbm>>
      %dma_wait3A_332 = tpu.memref_squeeze %dma_wait3A_331 : memref<1x10000xi32, #tpu.memory_space<hbm>> -> memref<10000xi32, #tpu.memory_space<hbm>>
      tpu.wait_dma2 semaphore(%run_scoped3A_320 : memref<!tpu.dma_semaphore, #tpu.memory_space<semaphore_mem>>) src(%dma_wait3A_332 : memref<10000xi32, #tpu.memory_space<hbm>>) dst(%arg23 : memref<10000xi32, #tpu.memory_space<vmem>>)
      tpu.yield
    }) : () -> ()
    %run_scoped3A_58 = arith.constant 0 : i32
    "tpu.region"() ({
      %run_scoped3A_320 = tpu.sem_alloc : memref<!tpu.dma_semaphore, #tpu.memory_space<semaphore_mem>>
      %dma_start3A_321 = arith.constant 0 : i32
      %dma_start3A_322 = tpu.memref_slice %arg4[%run_scoped3A_58, %dma_start3A_321] : memref<1x128xf32, #tpu.memory_space<hbm>> -> memref<1x16xf32, #tpu.memory_space<hbm>>
      %dma_start3A_323 = tpu.memref_squeeze %dma_start3A_322 : memref<1x16xf32, #tpu.memory_space<hbm>> -> memref<16xf32, #tpu.memory_space<hbm>>
      %dma_start3A_324 = arith.constant 0 : i32
      %dma_start3A_325 = tpu.memref_slice %arg4[%run_scoped3A_58, %dma_start3A_324] : memref<1x128xf32, #tpu.memory_space<hbm>> -> memref<1x16xf32, #tpu.memory_space<hbm>>
      %dma_start3A_326 = tpu.memref_squeeze %dma_start3A_325 : memref<1x16xf32, #tpu.memory_space<hbm>> -> memref<16xf32, #tpu.memory_space<hbm>>
      tpu.enqueue_dma source(%dma_start3A_326 : memref<16xf32, #tpu.memory_space<hbm>>) target(%arg25 : memref<16xf32, #tpu.memory_space<vmem>>) target_semaphore(%run_scoped3A_320 : memref<!tpu.dma_semaphore, #tpu.memory_space<semaphore_mem>>)
      %dma_wait3A_327 = arith.constant 0 : i32
      %dma_wait3A_328 = tpu.memref_slice %arg4[%run_scoped3A_58, %dma_wait3A_327] : memref<1x128xf32, #tpu.memory_space<hbm>> -> memref<1x16xf32, #tpu.memory_space<hbm>>
      %dma_wait3A_329 = tpu.memref_squeeze %dma_wait3A_328 : memref<1x16xf32, #tpu.memory_space<hbm>> -> memref<16xf32, #tpu.memory_space<hbm>>
      %dma_wait3A_330 = arith.constant 0 : i32
      %dma_wait3A_331 = tpu.memref_slice %arg4[%run_scoped3A_58, %dma_wait3A_330] : memref<1x128xf32, #tpu.memory_space<hbm>> -> memref<1x16xf32, #tpu.memory_space<hbm>>
      %dma_wait3A_332 = tpu.memref_squeeze %dma_wait3A_331 : memref<1x16xf32, #tpu.memory_space<hbm>> -> memref<16xf32, #tpu.memory_space<hbm>>
      tpu.wait_dma2 semaphore(%run_scoped3A_320 : memref<!tpu.dma_semaphore, #tpu.memory_space<semaphore_mem>>) src(%dma_wait3A_332 : memref<16xf32, #tpu.memory_space<hbm>>) dst(%arg25 : memref<16xf32, #tpu.memory_space<vmem>>)
      tpu.yield
    }) : () -> ()
    %barrier3A = arith.constant 0 : index
    tpu.barrier barrier_id(%barrier3A)
    %mul3A_59 = arith.constant 10368 : i32
    %mul3A_60 = arith.muli %add3A, %mul3A_59 : i32
    %add3A_61 = arith.constant 0 : i32
    %add3A_62 = arith.addi %mul3A_60, %add3A_61 : i32
    %dma_start3A = tpu.memref_slice %arg2[%add3A_62] : memref<331776xi32, #tpu.memory_space<hbm>> -> memref<64xi32, #tpu.memory_space<hbm>>
    %dma_start3A_63 = tpu.memref_slice %arg2[%add3A_62] : memref<331776xi32, #tpu.memory_space<hbm>> -> memref<64xi32, #tpu.memory_space<hbm>>
    tpu.enqueue_dma source(%dma_start3A_63 : memref<64xi32, #tpu.memory_space<hbm>>) target(%arg8 : memref<64xi32, #tpu.memory_space<vmem>>) target_semaphore(%arg33 : memref<!tpu.dma_semaphore, #tpu.memory_space<semaphore_mem>>)
    %add3A_64 = arith.constant 64 : i32
    %add3A_65 = arith.addi %mul3A_60, %add3A_64 : i32
    %dma_start3A_66 = tpu.memref_slice %arg2[%add3A_65] : memref<331776xi32, #tpu.memory_space<hbm>> -> memref<64xi32, #tpu.memory_space<hbm>>
    %dma_start3A_67 = tpu.memref_slice %arg2[%add3A_65] : memref<331776xi32, #tpu.memory_space<hbm>> -> memref<64xi32, #tpu.memory_space<hbm>>
    tpu.enqueue_dma source(%dma_start3A_67 : memref<64xi32, #tpu.memory_space<hbm>>) target(%arg9 : memref<64xi32, #tpu.memory_space<vmem>>) target_semaphore(%arg34 : memref<!tpu.dma_semaphore, #tpu.memory_space<semaphore_mem>>)
    %add3A_68 = arith.constant 0 : i32
    %add3A_69 = arith.addi %mul3A_60, %add3A_68 : i32
    %dma_wait3A = tpu.memref_slice %arg2[%add3A_69] : memref<331776xi32, #tpu.memory_space<hbm>> -> memref<64xi32, #tpu.memory_space<hbm>>
    %dma_wait3A_70 = tpu.memref_slice %arg2[%add3A_69] : memref<331776xi32, #tpu.memory_space<hbm>> -> memref<64xi32, #tpu.memory_space<hbm>>
    tpu.wait_dma2 semaphore(%arg33 : memref<!tpu.dma_semaphore, #tpu.memory_space<semaphore_mem>>) src(%dma_wait3A_70 : memref<64xi32, #tpu.memory_space<hbm>>) dst(%arg8 : memref<64xi32, #tpu.memory_space<vmem>>)
    %get3A = arith.constant 0 : index
    %get3A_71 = tpu.vector_load %arg8[%get3A] {strides = array<i32>} : memref<64xi32, #tpu.memory_space<vmem>>, vector<16xi32>,
    %shift_right_arithmetic3A = arith.constant 14 : i32
    %shift_right_arithmetic3A_72 = vector.broadcast %shift_right_arithmetic3A : i32 to vector<16xi32>
    %shift_right_arithmetic3A_73 = arith.shrsi %get3A_71, %shift_right_arithmetic3A_72 : vector<16xi32>
    %swap3A_74 = arith.constant 0 : index
    %swap3A_75 = tpu.vector_load %arg11[%swap3A_74] {strides = array<i32>} : memref<64xi32, #tpu.memory_space<vmem>>, vector<16xi32>,
    tpu.vector_store %arg11[%swap3A_74], %shift_right_arithmetic3A_73 {strides = array<i32>} : memref<64xi32, #tpu.memory_space<vmem>>, vector<16xi32>,
    %and3A = arith.constant 16383 : i32
    %and3A_76 = vector.broadcast %and3A : i32 to vector<16xi32>
    %and3A_77 = arith.andi %get3A_71, %and3A_76 : vector<16xi32>
    %swap3A_78 = arith.constant 0 : index
    %swap3A_79 = tpu.vector_load %arg14[%swap3A_78] {strides = array<i32>} : memref<64xi32, #tpu.memory_space<vmem>>, vector<16xi32>,
    tpu.vector_store %arg14[%swap3A_78], %and3A_77 {strides = array<i32>} : memref<64xi32, #tpu.memory_space<vmem>>, vector<16xi32>,
    %get3A_80 = arith.constant 16 : index
    %get3A_81 = tpu.vector_load %arg8[%get3A_80] {strides = array<i32>} : memref<64xi32, #tpu.memory_space<vmem>>, vector<16xi32>,
    %shift_right_arithmetic3A_82 = arith.constant 14 : i32
    %shift_right_arithmetic3A_83 = vector.broadcast %shift_right_arithmetic3A_82 : i32 to vector<16xi32>
    %shift_right_arithmetic3A_84 = arith.shrsi %get3A_81, %shift_right_arithmetic3A_83 : vector<16xi32>
    %swap3A_85 = arith.constant 16 : index
    %swap3A_86 = tpu.vector_load %arg11[%swap3A_85] {strides = array<i32>} : memref<64xi32, #tpu.memory_space<vmem>>, vector<16xi32>,
    tpu.vector_store %arg11[%swap3A_85], %shift_right_arithmetic3A_84 {strides = array<i32>} : memref<64xi32, #tpu.memory_space<vmem>>, vector<16xi32>,
    %and3A_87 = arith.constant 16383 : i32
    %and3A_88 = vector.broadcast %and3A_87 : i32 to vector<16xi32>
    %and3A_89 = arith.andi %get3A_81, %and3A_88 : vector<16xi32>
    %swap3A_90 = arith.constant 16 : index
    %swap3A_91 = tpu.vector_load %arg14[%swap3A_90] {strides = array<i32>} : memref<64xi32, #tpu.memory_space<vmem>>, vector<16xi32>,
    tpu.vector_store %arg14[%swap3A_90], %and3A_89 {strides = array<i32>} : memref<64xi32, #tpu.memory_space<vmem>>, vector<16xi32>,
    %get3A_92 = arith.constant 32 : index
    %get3A_93 = tpu.vector_load %arg8[%get3A_92] {strides = array<i32>} : memref<64xi32, #tpu.memory_space<vmem>>, vector<16xi32>,
    %shift_right_arithmetic3A_94 = arith.constant 14 : i32
    %shift_right_arithmetic3A_95 = vector.broadcast %shift_right_arithmetic3A_94 : i32 to vector<16xi32>
    %shift_right_arithmetic3A_96 = arith.shrsi %get3A_93, %shift_right_arithmetic3A_95 : vector<16xi32>
    %swap3A_97 = arith.constant 32 : index
    %swap3A_98 = tpu.vector_load %arg11[%swap3A_97] {strides = array<i32>} : memref<64xi32, #tpu.memory_space<vmem>>, vector<16xi32>,
    tpu.vector_store %arg11[%swap3A_97], %shift_right_arithmetic3A_96 {strides = array<i32>} : memref<64xi32, #tpu.memory_space<vmem>>, vector<16xi32>,
    %and3A_99 = arith.constant 16383 : i32
    %and3A_100 = vector.broadcast %and3A_99 : i32 to vector<16xi32>
    %and3A_101 = arith.andi %get3A_93, %and3A_100 : vector<16xi32>
    %swap3A_102 = arith.constant 32 : index
    %swap3A_103 = tpu.vector_load %arg14[%swap3A_102] {strides = array<i32>} : memref<64xi32, #tpu.memory_space<vmem>>, vector<16xi32>,
    tpu.vector_store %arg14[%swap3A_102], %and3A_101 {strides = array<i32>} : memref<64xi32, #tpu.memory_space<vmem>>, vector<16xi32>,
    %get3A_104 = arith.constant 48 : index
    %get3A_105 = tpu.vector_load %arg8[%get3A_104] {strides = array<i32>} : memref<64xi32, #tpu.memory_space<vmem>>, vector<16xi32>,
    %shift_right_arithmetic3A_106 = arith.constant 14 : i32
    %shift_right_arithmetic3A_107 = vector.broadcast %shift_right_arithmetic3A_106 : i32 to vector<16xi32>
    %shift_right_arithmetic3A_108 = arith.shrsi %get3A_105, %shift_right_arithmetic3A_107 : vector<16xi32>
    %swap3A_109 = arith.constant 48 : index
    %swap3A_110 = tpu.vector_load %arg11[%swap3A_109] {strides = array<i32>} : memref<64xi32, #tpu.memory_space<vmem>>, vector<16xi32>,
    tpu.vector_store %arg11[%swap3A_109], %shift_right_arithmetic3A_108 {strides = array<i32>} : memref<64xi32, #tpu.memory_space<vmem>>, vector<16xi32>,
    %and3A_111 = arith.constant 16383 : i32
    %and3A_112 = vector.broadcast %and3A_111 : i32 to vector<16xi32>
    %and3A_113 = arith.andi %get3A_105, %and3A_112 : vector<16xi32>
    %swap3A_114 = arith.constant 48 : index
    %swap3A_115 = tpu.vector_load %arg14[%swap3A_114] {strides = array<i32>} : memref<64xi32, #tpu.memory_space<vmem>>, vector<16xi32>,
    tpu.vector_store %arg14[%swap3A_114], %and3A_113 {strides = array<i32>} : memref<64xi32, #tpu.memory_space<vmem>>, vector<16xi32>,
    %dma_start3A_116 = arith.constant 0 : i32
    %dma_start3A_117 = arith.constant 0 : i32
    %dma_start3A_118 = tpu.memref_slice %arg5[%dma_start3A_116, %dma_start3A_117] : memref<10000x128xf32, #tpu.memory_space<hbm>> -> memref<10000x128xf32, #tpu.memory_space<hbm>>
    tpu.enqueue_indirect_dma source(%dma_start3A_118 : memref<10000x128xf32, #tpu.memory_space<hbm>>) target(%arg20 : memref<64x128xf32, #tpu.memory_space<vmem>>) offsets(%arg11 : memref<64xi32, #tpu.memory_space<vmem>>) semaphore(%arg27 : memref<!tpu.dma_semaphore, #tpu.memory_space<semaphore_mem>>)
    %get3A_119 = arith.constant 0 : index
    %get3A_120 = tpu.vector_load %arg25[%get3A_119] {strides = array<i32>} : memref<16xf32, #tpu.memory_space<vmem>>, vector<16xf32>,
    %get3A_121 = arith.constant 0 : index
    %get3A_122 = tpu.vector_load %arg11[%get3A_121] {strides = array<i32>} : memref<64xi32, #tpu.memory_space<vmem>>, vector<16xi32>,
    %get3A_123 = arith.constant 0 : index
    %get3A_124 = tpu.vector_load %arg14[%get3A_123] {strides = array<i32>} : memref<64xi32, #tpu.memory_space<vmem>>, vector<16xi32>,
    %gather3A = tpu.vector_load_idx %arg23[%get3A_122] : memref<10000xi32, #tpu.memory_space<vmem>>[vector<16xi32>], vector<16xi32>,
    %gather3A_125 = tpu.vector_load_idx %arg23[%get3A_124] : memref<10000xi32, #tpu.memory_space<vmem>>[vector<16xi32>], vector<16xi32>,
    %shift_right_arithmetic3A_126 = arith.constant 16 : i32
    %shift_right_arithmetic3A_127 = vector.broadcast %shift_right_arithmetic3A_126 : i32 to vector<16xi32>
    %shift_right_arithmetic3A_128 = arith.shrsi %gather3A, %shift_right_arithmetic3A_127 : vector<16xi32>
    %convert_element_type3A = arith.sitofp %shift_right_arithmetic3A_128 : vector<16xi32> to vector<16xf32>
    %mul3A_129 = arith.constant 0.001953125 : f32
    %mul3A_130 = vector.broadcast %mul3A_129 : f32 to vector<16xf32>
    %mul3A_131 = arith.mulf %convert_element_type3A, %mul3A_130 : vector<16xf32>
    %shift_left3A = arith.constant 16 : i32
    %shift_left3A_132 = vector.broadcast %shift_left3A : i32 to vector<16xi32>
    %shift_left3A_133 = arith.shli %gather3A_125, %shift_left3A_132 : vector<16xi32>
    %shift_right_arithmetic3A_134 = arith.constant 16 : i32
    %shift_right_arithmetic3A_135 = vector.broadcast %shift_right_arithmetic3A_134 : i32 to vector<16xi32>
    %shift_right_arithmetic3A_136 = arith.shrsi %shift_left3A_133, %shift_right_arithmetic3A_135 : vector<16xi32>
    %convert_element_type3A_137 = arith.sitofp %shift_right_arithmetic3A_136 : vector<16xi32> to vector<16xf32>
    %mul3A_138 = arith.constant 0.001953125 : f32
    %mul3A_139 = vector.broadcast %mul3A_138 : f32 to vector<16xf32>
    %mul3A_140 = arith.mulf %convert_element_type3A_137, %mul3A_139 : vector<16xf32>
    %add3A_141 = arith.addf %mul3A_131, %mul3A_140 : vector<16xf32>
    %mul3A_142 = arith.constant 2.000000e-01 : f32
    %mul3A_143 = vector.broadcast %mul3A_142 : f32 to vector<16xf32>
    %mul3A_144 = arith.mulf %mul3A_143, %add3A_141 : vector<16xf32>
    %max3A = arith.maximumf %add3A_141, %mul3A_144 : vector<16xf32>
    %add3A_145 = arith.addf %get3A_120, %mul3A_140 : vector<16xf32>
    %mul3A_146 = arith.constant 2.000000e-01 : f32
    %mul3A_147 = vector.broadcast %mul3A_146 : f32 to vector<16xf32>
    %mul3A_148 = arith.mulf %mul3A_147, %add3A_145 : vector<16xf32>
    %max3A_149 = arith.maximumf %add3A_145, %mul3A_148 : vector<16xf32>
    %sub3A = arith.subf %max3A, %max3A_149 : vector<16xf32>
    %exp3A = math.exp %sub3A : vector<16xf32>
    %add3A_150 = arith.constant 0 : i32
    %add3A_151 = arith.addi %add3A_69, %add3A_150 : i32
    %iota3A = tpu.iota {dimensions = array<i32: 0>} : vector<16xi32>
    %add3A_152 = vector.broadcast %add3A_151 : i32 to vector<16xi32>
    %add3A_153 = arith.addi %add3A_152, %iota3A : vector<16xi32>
    %lt3A = arith.constant 330000 : i32
    %lt3A_154 = vector.broadcast %lt3A : i32 to vector<16xi32>
    %lt3A_155 = arith.cmpi slt, %add3A_153, %lt3A_154 : vector<16xi32>
    %jit3A = arith.constant 0.000000e+00 : f32
    %broadcast_in_dim3A_156 = vector.broadcast %jit3A : f32 to vector<16xf32>
    %select_n3A = arith.select %lt3A_155, %exp3A, %broadcast_in_dim3A_156 : vector<16xi1>, vector<16xf32>
    tpu.vector_store_idx %arg24[%get3A_124], %select_n3A {add = true} : memref<10000xf32, #tpu.memory_space<vmem>>[vector<16xi32>], vector<16xf32>,
    %swap3A_157 = arith.constant 0 : index
    %swap3A_158 = tpu.vector_load %arg17[%swap3A_157] {strides = array<i32>} : memref<64xf32, #tpu.memory_space<vmem>>, vector<16xf32>,
    tpu.vector_store %arg17[%swap3A_157], %select_n3A {strides = array<i32>} : memref<64xf32, #tpu.memory_space<vmem>>, vector<16xf32>,
    %get3A_159 = arith.constant 16 : index
    %get3A_160 = tpu.vector_load %arg11[%get3A_159] {strides = array<i32>} : memref<64xi32, #tpu.memory_space<vmem>>, vector<16xi32>,
    %get3A_161 = arith.constant 16 : index
    %get3A_162 = tpu.vector_load %arg14[%get3A_161] {strides = array<i32>} : memref<64xi32, #tpu.memory_space<vmem>>, vector<16xi32>,
    %gather3A_163 = tpu.vector_load_idx %arg23[%get3A_160] : memref<10000xi32, #tpu.memory_space<vmem>>[vector<16xi32>], vector<16xi32>,
    %gather3A_164 = tpu.vector_load_idx %arg23[%get3A_162] : memref<10000xi32, #tpu.memory_space<vmem>>[vector<16xi32>], vector<16xi32>,
    %shift_right_arithmetic3A_165 = arith.constant 16 : i32
    %shift_right_arithmetic3A_166 = vector.broadcast %shift_right_arithmetic3A_165 : i32 to vector<16xi32>
    %shift_right_arithmetic3A_167 = arith.shrsi %gather3A_163, %shift_right_arithmetic3A_166 : vector<16xi32>
    %convert_element_type3A_168 = arith.sitofp %shift_right_arithmetic3A_167 : vector<16xi32> to vector<16xf32>
    %mul3A_169 = arith.constant 0.001953125 : f32
    %mul3A_170 = vector.broadcast %mul3A_169 : f32 to vector<16xf32>
    %mul3A_171 = arith.mulf %convert_element_type3A_168, %mul3A_170 : vector<16xf32>
    %shift_left3A_172 = arith.constant 16 : i32
    %shift_left3A_173 = vector.broadcast %shift_left3A_172 : i32 to vector<16xi32>
    %shift_left3A_174 = arith.shli %gather3A_164, %shift_left3A_173 : vector<16xi32>
    %shift_right_arithmetic3A_175 = arith.constant 16 : i32
    %shift_right_arithmetic3A_176 = vector.broadcast %shift_right_arithmetic3A_175 : i32 to vector<16xi32>
    %shift_right_arithmetic3A_177 = arith.shrsi %shift_left3A_174, %shift_right_arithmetic3A_176 : vector<16xi32>
    %convert_element_type3A_178 = arith.sitofp %shift_right_arithmetic3A_177 : vector<16xi32> to vector<16xf32>
    %mul3A_179 = arith.constant 0.001953125 : f32
    %mul3A_180 = vector.broadcast %mul3A_179 : f32 to vector<16xf32>
    %mul3A_181 = arith.mulf %convert_element_type3A_178, %mul3A_180 : vector<16xf32>
    %add3A_182 = arith.addf %mul3A_171, %mul3A_181 : vector<16xf32>
    %mul3A_183 = arith.constant 2.000000e-01 : f32
    %mul3A_184 = vector.broadcast %mul3A_183 : f32 to vector<16xf32>
    %mul3A_185 = arith.mulf %mul3A_184, %add3A_182 : vector<16xf32>
    %max3A_186 = arith.maximumf %add3A_182, %mul3A_185 : vector<16xf32>
    %add3A_187 = arith.addf %get3A_120, %mul3A_181 : vector<16xf32>
    %mul3A_188 = arith.constant 2.000000e-01 : f32
    %mul3A_189 = vector.broadcast %mul3A_188 : f32 to vector<16xf32>
    %mul3A_190 = arith.mulf %mul3A_189, %add3A_187 : vector<16xf32>
    %max3A_191 = arith.maximumf %add3A_187, %mul3A_190 : vector<16xf32>
    %sub3A_192 = arith.subf %max3A_186, %max3A_191 : vector<16xf32>
    %exp3A_193 = math.exp %sub3A_192 : vector<16xf32>
    %add3A_194 = arith.constant 16 : i32
    %add3A_195 = arith.addi %add3A_69, %add3A_194 : i32
    %iota3A_196 = tpu.iota {dimensions = array<i32: 0>} : vector<16xi32>
    %add3A_197 = vector.broadcast %add3A_195 : i32 to vector<16xi32>
    %add3A_198 = arith.addi %add3A_197, %iota3A_196 : vector<16xi32>
    %lt3A_199 = arith.constant 330000 : i32
    %lt3A_200 = vector.broadcast %lt3A_199 : i32 to vector<16xi32>
    %lt3A_201 = arith.cmpi slt, %add3A_198, %lt3A_200 : vector<16xi32>
    %jit3A_202 = arith.constant 0.000000e+00 : f32
    %broadcast_in_dim3A_203 = vector.broadcast %jit3A_202 : f32 to vector<16xf32>
    %select_n3A_204 = arith.select %lt3A_201, %exp3A_193, %broadcast_in_dim3A_203 : vector<16xi1>, vector<16xf32>
    tpu.vector_store_idx %arg24[%get3A_162], %select_n3A_204 {add = true} : memref<10000xf32, #tpu.memory_space<vmem>>[vector<16xi32>], vector<16xf32>,
    %swap3A_205 = arith.constant 16 : index
    %swap3A_206 = tpu.vector_load %arg17[%swap3A_205] {strides = array<i32>} : memref<64xf32, #tpu.memory_space<vmem>>, vector<16xf32>,
    tpu.vector_store %arg17[%swap3A_205], %select_n3A_204 {strides = array<i32>} : memref<64xf32, #tpu.memory_space<vmem>>, vector<16xf32>,
    %get3A_207 = arith.constant 32 : index
    %get3A_208 = tpu.vector_load %arg11[%get3A_207] {strides = array<i32>} : memref<64xi32, #tpu.memory_space<vmem>>, vector<16xi32>,
    %get3A_209 = arith.constant 32 : index
    %get3A_210 = tpu.vector_load %arg14[%get3A_209] {strides = array<i32>} : memref<64xi32, #tpu.memory_space<vmem>>, vector<16xi32>,
    %gather3A_211 = tpu.vector_load_idx %arg23[%get3A_208] : memref<10000xi32, #tpu.memory_space<vmem>>[vector<16xi32>], vector<16xi32>,
    %gather3A_212 = tpu.vector_load_idx %arg23[%get3A_210] : memref<10000xi32, #tpu.memory_space<vmem>>[vector<16xi32>], vector<16xi32>,
    %shift_right_arithmetic3A_213 = arith.constant 16 : i32
    %shift_right_arithmetic3A_214 = vector.broadcast %shift_right_arithmetic3A_213 : i32 to vector<16xi32>
    %shift_right_arithmetic3A_215 = arith.shrsi %gather3A_211, %shift_right_arithmetic3A_214 : vector<16xi32>
    %convert_element_type3A_216 = arith.sitofp %shift_right_arithmetic3A_215 : vector<16xi32> to vector<16xf32>
    %mul3A_217 = arith.constant 0.001953125 : f32
    %mul3A_218 = vector.broadcast %mul3A_217 : f32 to vector<16xf32>
    %mul3A_219 = arith.mulf %convert_element_type3A_216, %mul3A_218 : vector<16xf32>
    %shift_left3A_220 = arith.constant 16 : i32
    %shift_left3A_221 = vector.broadcast %shift_left3A_220 : i32 to vector<16xi32>
    %shift_left3A_222 = arith.shli %gather3A_212, %shift_left3A_221 : vector<16xi32>
    %shift_right_arithmetic3A_223 = arith.constant 16 : i32
    %shift_right_arithmetic3A_224 = vector.broadcast %shift_right_arithmetic3A_223 : i32 to vector<16xi32>
    %shift_right_arithmetic3A_225 = arith.shrsi %shift_left3A_222, %shift_right_arithmetic3A_224 : vector<16xi32>
    %convert_element_type3A_226 = arith.sitofp %shift_right_arithmetic3A_225 : vector<16xi32> to vector<16xf32>
    %mul3A_227 = arith.constant 0.001953125 : f32
    %mul3A_228 = vector.broadcast %mul3A_227 : f32 to vector<16xf32>
    %mul3A_229 = arith.mulf %convert_element_type3A_226, %mul3A_228 : vector<16xf32>
    %add3A_230 = arith.addf %mul3A_219, %mul3A_229 : vector<16xf32>
    %mul3A_231 = arith.constant 2.000000e-01 : f32
    %mul3A_232 = vector.broadcast %mul3A_231 : f32 to vector<16xf32>
    %mul3A_233 = arith.mulf %mul3A_232, %add3A_230 : vector<16xf32>
    %max3A_234 = arith.maximumf %add3A_230, %mul3A_233 : vector<16xf32>
    %add3A_235 = arith.addf %get3A_120, %mul3A_229 : vector<16xf32>
    %mul3A_236 = arith.constant 2.000000e-01 : f32
    %mul3A_237 = vector.broadcast %mul3A_236 : f32 to vector<16xf32>
    %mul3A_238 = arith.mulf %mul3A_237, %add3A_235 : vector<16xf32>
    %max3A_239 = arith.maximumf %add3A_235, %mul3A_238 : vector<16xf32>
    %sub3A_240 = arith.subf %max3A_234, %max3A_239 : vector<16xf32>
    %exp3A_241 = math.exp %sub3A_240 : vector<16xf32>
    %add3A_242 = arith.constant 32 : i32
    %add3A_243 = arith.addi %add3A_69, %add3A_242 : i32
    %iota3A_244 = tpu.iota {dimensions = array<i32: 0>} : vector<16xi32>
    %add3A_245 = vector.broadcast %add3A_243 : i32 to vector<16xi32>
    %add3A_246 = arith.addi %add3A_245, %iota3A_244 : vector<16xi32>
    %lt3A_247 = arith.constant 330000 : i32
    %lt3A_248 = vector.broadcast %lt3A_247 : i32 to vector<16xi32>
    %lt3A_249 = arith.cmpi slt, %add3A_246, %lt3A_248 : vector<16xi32>
    %jit3A_250 = arith.constant 0.000000e+00 : f32
    %broadcast_in_dim3A_251 = vector.broadcast %jit3A_250 : f32 to vector<16xf32>
    %select_n3A_252 = arith.select %lt3A_249, %exp3A_241, %broadcast_in_dim3A_251 : vector<16xi1>, vector<16xf32>
    tpu.vector_store_idx %arg24[%get3A_210], %select_n3A_252 {add = true} : memref<10000xf32, #tpu.memory_space<vmem>>[vector<16xi32>], vector<16xf32>,
    %swap3A_253 = arith.constant 32 : index
    %swap3A_254 = tpu.vector_load %arg17[%swap3A_253] {strides = array<i32>} : memref<64xf32, #tpu.memory_space<vmem>>, vector<16xf32>,
    tpu.vector_store %arg17[%swap3A_253], %select_n3A_252 {strides = array<i32>} : memref<64xf32, #tpu.memory_space<vmem>>, vector<16xf32>,
    %get3A_255 = arith.constant 48 : index
    %get3A_256 = tpu.vector_load %arg11[%get3A_255] {strides = array<i32>} : memref<64xi32, #tpu.memory_space<vmem>>, vector<16xi32>,
    %get3A_257 = arith.constant 48 : index
    %get3A_258 = tpu.vector_load %arg14[%get3A_257] {strides = array<i32>} : memref<64xi32, #tpu.memory_space<vmem>>, vector<16xi32>,
    %gather3A_259 = tpu.vector_load_idx %arg23[%get3A_256] : memref<10000xi32, #tpu.memory_space<vmem>>[vector<16xi32>], vector<16xi32>,
    %gather3A_260 = tpu.vector_load_idx %arg23[%get3A_258] : memref<10000xi32, #tpu.memory_space<vmem>>[vector<16xi32>], vector<16xi32>,
    %shift_right_arithmetic3A_261 = arith.constant 16 : i32
    %shift_right_arithmetic3A_262 = vector.broadcast %shift_right_arithmetic3A_261 : i32 to vector<16xi32>
    %shift_right_arithmetic3A_263 = arith.shrsi %gather3A_259, %shift_right_arithmetic3A_262 : vector<16xi32>
    %convert_element_type3A_264 = arith.sitofp %shift_right_arithmetic3A_263 : vector<16xi32> to vector<16xf32>
    %mul3A_265 = arith.constant 0.001953125 : f32
    %mul3A_266 = vector.broadcast %mul3A_265 : f32 to vector<16xf32>
    %mul3A_267 = arith.mulf %convert_element_type3A_264, %mul3A_266 : vector<16xf32>
    %shift_left3A_268 = arith.constant 16 : i32
    %shift_left3A_269 = vector.broadcast %shift_left3A_268 : i32 to vector<16xi32>
    %shift_left3A_270 = arith.shli %gather3A_260, %shift_left3A_269 : vector<16xi32>
    %shift_right_arithmetic3A_271 = arith.constant 16 : i32
    %shift_right_arithmetic3A_272 = vector.broadcast %shift_right_arithmetic3A_271 : i32 to vector<16xi32>
    %shift_right_arithmetic3A_273 = arith.shrsi %shift_left3A_270, %shift_right_arithmetic3A_272 : vector<16xi32>
    %convert_element_type3A_274 = arith.sitofp %shift_right_arithmetic3A_273 : vector<16xi32> to vector<16xf32>
    %mul3A_275 = arith.constant 0.001953125 : f32
    %mul3A_276 = vector.broadcast %mul3A_275 : f32 to vector<16xf32>
    %mul3A_277 = arith.mulf %convert_element_type3A_274, %mul3A_276 : vector<16xf32>
    %add3A_278 = arith.addf %mul3A_267, %mul3A_277 : vector<16xf32>
    %mul3A_279 = arith.constant 2.000000e-01 : f32
    %mul3A_280 = vector.broadcast %mul3A_279 : f32 to vector<16xf32>
    %mul3A_281 = arith.mulf %mul3A_280, %add3A_278 : vector<16xf32>
    %max3A_282 = arith.maximumf %add3A_278, %mul3A_281 : vector<16xf32>
    %add3A_283 = arith.addf %get3A_120, %mul3A_277 : vector<16xf32>
    %mul3A_284 = arith.constant 2.000000e-01 : f32
    %mul3A_285 = vector.broadcast %mul3A_284 : f32 to vector<16xf32>
    %mul3A_286 = arith.mulf %mul3A_285, %add3A_283 : vector<16xf32>
    %max3A_287 = arith.maximumf %add3A_283, %mul3A_286 : vector<16xf32>
    %sub3A_288 = arith.subf %max3A_282, %max3A_287 : vector<16xf32>
    %exp3A_289 = math.exp %sub3A_288 : vector<16xf32>
    %add3A_290 = arith.constant 48 : i32
    %add3A_291 = arith.addi %add3A_69, %add3A_290 : i32
    %iota3A_292 = tpu.iota {dimensions = array<i32: 0>} : vector<16xi32>
    %add3A_293 = vector.broadcast %add3A_291 : i32 to vector<16xi32>
    %add3A_294 = arith.addi %add3A_293, %iota3A_292 : vector<16xi32>
    %lt3A_295 = arith.constant 330000 : i32
    %lt3A_296 = vector.broadcast %lt3A_295 : i32 to vector<16xi32>
    %lt3A_297 = arith.cmpi slt, %add3A_294, %lt3A_296 : vector<16xi32>
    %jit3A_298 = arith.constant 0.000000e+00 : f32
    %broadcast_in_dim3A_299 = vector.broadcast %jit3A_298 : f32 to vector<16xf32>
    %select_n3A_300 = arith.select %lt3A_297, %exp3A_289, %broadcast_in_dim3A_299 : vector<16xi1>, vector<16xf32>
    tpu.vector_store_idx %arg24[%get3A_258], %select_n3A_300 {add = true} : memref<10000xf32, #tpu.memory_space<vmem>>[vector<16xi32>], vector<16xf32>,
    %swap3A_301 = arith.constant 48 : index
    %swap3A_302 = tpu.vector_load %arg17[%swap3A_301] {strides = array<i32>} : memref<64xf32, #tpu.memory_space<vmem>>, vector<16xf32>,
    tpu.vector_store %arg17[%swap3A_301], %select_n3A_300 {strides = array<i32>} : memref<64xf32, #tpu.memory_space<vmem>>, vector<16xf32>,
    %scan3A_303 = arith.constant 0 : i32
    %scan3A_304 = arith.constant 0 : i32
    %scan3A_305 = arith.constant 54 : i32
    %scan3A_306 = arith.addi %scan3A_304, %scan3A_305 : i32
    %scan3A_307 = arith.constant 1 : i32
    scf.for %scan3A_320 = %scan3A_304 to %scan3A_306 step %scan3A_307  : i32 {
      %mul3A_321 = arith.constant 3 : i32
      %mul3A_322 = arith.muli %mul3A_321, %scan3A_320 : i32
      %add3A_323 = arith.constant 0 : i32
      %add3A_324 = arith.addi %mul3A_322, %add3A_323 : i32
      %lt3A_325 = arith.constant 160 : i32
      %lt3A_326 = arith.cmpi slt, %add3A_324, %lt3A_325 : i32
      %convert_element_type3A_327 = arith.extui %lt3A_326 : i1 to i32
      %cond3A = arith.constant 0 : i32
      %cond3A_328 = arith.cmpi ne, %convert_element_type3A_327, %cond3A : i32
      scf.if %cond3A_328 {
        %add3A_412 = arith.constant 2 : i32
        %add3A_413 = arith.addi %add3A_324, %add3A_412 : i32
        %mul3A_414 = arith.constant 64 : i32
        %mul3A_415 = arith.muli %add3A_413, %mul3A_414 : i32
        %add3A_416 = arith.addi %mul3A_60, %mul3A_415 : i32
        %dma_start3A_417 = tpu.memref_slice %arg2[%add3A_416] : memref<331776xi32, #tpu.memory_space<hbm>> -> memref<64xi32, #tpu.memory_space<hbm>>
        %dma_start3A_418 = tpu.memref_slice %arg2[%add3A_416] : memref<331776xi32, #tpu.memory_space<hbm>> -> memref<64xi32, #tpu.memory_space<hbm>>
        tpu.enqueue_dma source(%dma_start3A_418 : memref<64xi32, #tpu.memory_space<hbm>>) target(%arg10 : memref<64xi32, #tpu.memory_space<vmem>>) target_semaphore(%arg35 : memref<!tpu.dma_semaphore, #tpu.memory_space<semaphore_mem>>)
      } else {
      }
      %ge3A = arith.constant 2 : i32
      %ge3A_329 = arith.cmpi sge, %add3A_324, %ge3A : i32
      %convert_element_type3A_330 = arith.extui %ge3A_329 : i1 to i32
      %cond3A_331 = arith.constant 0 : i32
      %cond3A_332 = arith.cmpi ne, %convert_element_type3A_330, %cond3A_331 : i32
      scf.if %cond3A_332 {
        %dma_wait3A_412 = arith.constant 0 : i32
        %dma_wait3A_413 = arith.constant 0 : i32
        %dma_wait3A_414 = tpu.memref_slice %arg26[%dma_wait3A_412, %dma_wait3A_413] : memref<10240x128xf32, #tpu.memory_space<vmem_shared>> -> memref<10240x128xf32, #tpu.memory_space<vmem_shared>>
        tpu.wait_indirect_dma semaphore(%arg31 : memref<!tpu.dma_semaphore, #tpu.memory_space<semaphore_mem>>) src(%arg21 : memref<64x128xf32, #tpu.memory_space<vmem>>) dst(%dma_wait3A_414 : memref<10240x128xf32, #tpu.memory_space<vmem_shared>>)
      } else {
      }
      %lt3A_333 = arith.constant 161 : i32
      %lt3A_334 = arith.cmpi slt, %add3A_324, %lt3A_333 : i32
      %convert_element_type3A_335 = arith.extui %lt3A_334 : i1 to i32
      %cond3A_336 = arith.constant 0 : i32
      %cond3A_337 = arith.cmpi ne, %convert_element_type3A_335, %cond3A_336 : i32
      scf.if %cond3A_337 {
        %add3A_412 = arith.constant 1 : i32
        %add3A_413 = arith.addi %add3A_324, %add3A_412 : i32
        %mul3A_414 = arith.constant 64 : i32
        %mul3A_415 = arith.muli %add3A_413, %mul3A_414 : i32
        %add3A_416 = arith.addi %mul3A_60, %mul3A_415 : i32
        %dma_wait3A_417 = tpu.memref_slice %arg2[%add3A_416] : memref<331776xi32, #tpu.memory_space<hbm>> -> memref<64xi32, #tpu.memory_space<hbm>>
        %dma_wait3A_418 = tpu.memref_slice %arg2[%add3A_416] : memref<331776xi32, #tpu.memory_space<hbm>> -> memref<64xi32, #tpu.memory_space<hbm>>
        tpu.wait_dma2 semaphore(%arg34 : memref<!tpu.dma_semaphore, #tpu.memory_space<semaphore_mem>>) src(%dma_wait3A_418 : memref<64xi32, #tpu.memory_space<hbm>>) dst(%arg9 : memref<64xi32, #tpu.memory_space<vmem>>)
        %get3A_419 = arith.constant 0 : index
        %get3A_420 = tpu.vector_load %arg9[%get3A_419] {strides = array<i32>} : memref<64xi32, #tpu.memory_space<vmem>>, vector<16xi32>,
        %shift_right_arithmetic3A_421 = arith.constant 14 : i32
        %shift_right_arithmetic3A_422 = vector.broadcast %shift_right_arithmetic3A_421 : i32 to vector<16xi32>
        %shift_right_arithmetic3A_423 = arith.shrsi %get3A_420, %shift_right_arithmetic3A_422 : vector<16xi32>
        %swap3A_424 = arith.constant 0 : index
        %swap3A_425 = tpu.vector_load %arg12[%swap3A_424] {strides = array<i32>} : memref<64xi32, #tpu.memory_space<vmem>>, vector<16xi32>,
        tpu.vector_store %arg12[%swap3A_424], %shift_right_arithmetic3A_423 {strides = array<i32>} : memref<64xi32, #tpu.memory_space<vmem>>, vector<16xi32>,
        %and3A_426 = arith.constant 16383 : i32
        %and3A_427 = vector.broadcast %and3A_426 : i32 to vector<16xi32>
        %and3A_428 = arith.andi %get3A_420, %and3A_427 : vector<16xi32>
        %swap3A_429 = arith.constant 0 : index
        %swap3A_430 = tpu.vector_load %arg15[%swap3A_429] {strides = array<i32>} : memref<64xi32, #tpu.memory_space<vmem>>, vector<16xi32>,
        tpu.vector_store %arg15[%swap3A_429], %and3A_428 {strides = array<i32>} : memref<64xi32, #tpu.memory_space<vmem>>, vector<16xi32>,
        %get3A_431 = arith.constant 16 : index
        %get3A_432 = tpu.vector_load %arg9[%get3A_431] {strides = array<i32>} : memref<64xi32, #tpu.memory_space<vmem>>, vector<16xi32>,
        %shift_right_arithmetic3A_433 = arith.constant 14 : i32
        %shift_right_arithmetic3A_434 = vector.broadcast %shift_right_arithmetic3A_433 : i32 to vector<16xi32>
        %shift_right_arithmetic3A_435 = arith.shrsi %get3A_432, %shift_right_arithmetic3A_434 : vector<16xi32>
        %swap3A_436 = arith.constant 16 : index
        %swap3A_437 = tpu.vector_load %arg12[%swap3A_436] {strides = array<i32>} : memref<64xi32, #tpu.memory_space<vmem>>, vector<16xi32>,
        tpu.vector_store %arg12[%swap3A_436], %shift_right_arithmetic3A_435 {strides = array<i32>} : memref<64xi32, #tpu.memory_space<vmem>>, vector<16xi32>,
        %and3A_438 = arith.constant 16383 : i32
        %and3A_439 = vector.broadcast %and3A_438 : i32 to vector<16xi32>
        %and3A_440 = arith.andi %get3A_432, %and3A_439 : vector<16xi32>
        %swap3A_441 = arith.constant 16 : index
        %swap3A_442 = tpu.vector_load %arg15[%swap3A_441] {strides = array<i32>} : memref<64xi32, #tpu.memory_space<vmem>>, vector<16xi32>,
        tpu.vector_store %arg15[%swap3A_441], %and3A_440 {strides = array<i32>} : memref<64xi32, #tpu.memory_space<vmem>>, vector<16xi32>,
        %get3A_443 = arith.constant 32 : index
        %get3A_444 = tpu.vector_load %arg9[%get3A_443] {strides = array<i32>} : memref<64xi32, #tpu.memory_space<vmem>>, vector<16xi32>,
        %shift_right_arithmetic3A_445 = arith.constant 14 : i32
        %shift_right_arithmetic3A_446 = vector.broadcast %shift_right_arithmetic3A_445 : i32 to vector<16xi32>
        %shift_right_arithmetic3A_447 = arith.shrsi %get3A_444, %shift_right_arithmetic3A_446 : vector<16xi32>
        %swap3A_448 = arith.constant 32 : index
        %swap3A_449 = tpu.vector_load %arg12[%swap3A_448] {strides = array<i32>} : memref<64xi32, #tpu.memory_space<vmem>>, vector<16xi32>,
        tpu.vector_store %arg12[%swap3A_448], %shift_right_arithmetic3A_447 {strides = array<i32>} : memref<64xi32, #tpu.memory_space<vmem>>, vector<16xi32>,
        %and3A_450 = arith.constant 16383 : i32
        %and3A_451 = vector.broadcast %and3A_450 : i32 to vector<16xi32>
        %and3A_452 = arith.andi %get3A_444, %and3A_451 : vector<16xi32>
        %swap3A_453 = arith.constant 32 : index
        %swap3A_454 = tpu.vector_load %arg15[%swap3A_453] {strides = array<i32>} : memref<64xi32, #tpu.memory_space<vmem>>, vector<16xi32>,
        tpu.vector_store %arg15[%swap3A_453], %and3A_452 {strides = array<i32>} : memref<64xi32, #tpu.memory_space<vmem>>, vector<16xi32>,
        %get3A_455 = arith.constant 48 : index
        %get3A_456 = tpu.vector_load %arg9[%get3A_455] {strides = array<i32>} : memref<64xi32, #tpu.memory_space<vmem>>, vector<16xi32>,
        %shift_right_arithmetic3A_457 = arith.constant 14 : i32
        %shift_right_arithmetic3A_458 = vector.broadcast %shift_right_arithmetic3A_457 : i32 to vector<16xi32>
        %shift_right_arithmetic3A_459 = arith.shrsi %get3A_456, %shift_right_arithmetic3A_458 : vector<16xi32>
        %swap3A_460 = arith.constant 48 : index
        %swap3A_461 = tpu.vector_load %arg12[%swap3A_460] {strides = array<i32>} : memref<64xi32, #tpu.memory_space<vmem>>, vector<16xi32>,
        tpu.vector_store %arg12[%swap3A_460], %shift_right_arithmetic3A_459 {strides = array<i32>} : memref<64xi32, #tpu.memory_space<vmem>>, vector<16xi32>,
        %and3A_462 = arith.constant 16383 : i32
        %and3A_463 = vector.broadcast %and3A_462 : i32 to vector<16xi32>
        %and3A_464 = arith.andi %get3A_456, %and3A_463 : vector<16xi32>
        %swap3A_465 = arith.constant 48 : index
        %swap3A_466 = tpu.vector_load %arg15[%swap3A_465] {strides = array<i32>} : memref<64xi32, #tpu.memory_space<vmem>>, vector<16xi32>,
        tpu.vector_store %arg15[%swap3A_465], %and3A_464 {strides = array<i32>} : memref<64xi32, #tpu.memory_space<vmem>>, vector<16xi32>,
        %dma_start3A_467 = arith.constant 0 : i32
        %dma_start3A_468 = arith.constant 0 : i32
        %dma_start3A_469 = tpu.memref_slice %arg5[%dma_start3A_467, %dma_start3A_468] : memref<10000x128xf32, #tpu.memory_space<hbm>> -> memref<10000x128xf32, #tpu.memory_space<hbm>>
        tpu.enqueue_indirect_dma source(%dma_start3A_469 : memref<10000x128xf32, #tpu.memory_space<hbm>>) target(%arg21 : memref<64x128xf32, #tpu.memory_space<vmem>>) offsets(%arg12 : memref<64xi32, #tpu.memory_space<vmem>>) semaphore(%arg28 : memref<!tpu.dma_semaphore, #tpu.memory_space<semaphore_mem>>)
        %get3A_470 = arith.constant 0 : index
        %get3A_471 = tpu.vector_load %arg25[%get3A_470] {strides = array<i32>} : memref<16xf32, #tpu.memory_space<vmem>>, vector<16xf32>,
        %get3A_472 = arith.constant 0 : index
        %get3A_473 = tpu.vector_load %arg12[%get3A_472] {strides = array<i32>} : memref<64xi32, #tpu.memory_space<vmem>>, vector<16xi32>,
        %get3A_474 = arith.constant 0 : index
        %get3A_475 = tpu.vector_load %arg15[%get3A_474] {strides = array<i32>} : memref<64xi32, #tpu.memory_space<vmem>>, vector<16xi32>,
        %gather3A_476 = tpu.vector_load_idx %arg23[%get3A_473] : memref<10000xi32, #tpu.memory_space<vmem>>[vector<16xi32>], vector<16xi32>,
        %gather3A_477 = tpu.vector_load_idx %arg23[%get3A_475] : memref<10000xi32, #tpu.memory_space<vmem>>[vector<16xi32>], vector<16xi32>,
        %shift_right_arithmetic3A_478 = arith.constant 16 : i32
        %shift_right_arithmetic3A_479 = vector.broadcast %shift_right_arithmetic3A_478 : i32 to vector<16xi32>
        %shift_right_arithmetic3A_480 = arith.shrsi %gather3A_476, %shift_right_arithmetic3A_479 : vector<16xi32>
        %convert_element_type3A_481 = arith.sitofp %shift_right_arithmetic3A_480 : vector<16xi32> to vector<16xf32>
        %mul3A_482 = arith.constant 0.001953125 : f32
        %mul3A_483 = vector.broadcast %mul3A_482 : f32 to vector<16xf32>
        %mul3A_484 = arith.mulf %convert_element_type3A_481, %mul3A_483 : vector<16xf32>
        %shift_left3A_485 = arith.constant 16 : i32
        %shift_left3A_486 = vector.broadcast %shift_left3A_485 : i32 to vector<16xi32>
        %shift_left3A_487 = arith.shli %gather3A_477, %shift_left3A_486 : vector<16xi32>
        %shift_right_arithmetic3A_488 = arith.constant 16 : i32
        %shift_right_arithmetic3A_489 = vector.broadcast %shift_right_arithmetic3A_488 : i32 to vector<16xi32>
        %shift_right_arithmetic3A_490 = arith.shrsi %shift_left3A_487, %shift_right_arithmetic3A_489 : vector<16xi32>
        %convert_element_type3A_491 = arith.sitofp %shift_right_arithmetic3A_490 : vector<16xi32> to vector<16xf32>
        %mul3A_492 = arith.constant 0.001953125 : f32
        %mul3A_493 = vector.broadcast %mul3A_492 : f32 to vector<16xf32>
        %mul3A_494 = arith.mulf %convert_element_type3A_491, %mul3A_493 : vector<16xf32>
        %add3A_495 = arith.addf %mul3A_484, %mul3A_494 : vector<16xf32>
        %mul3A_496 = arith.constant 2.000000e-01 : f32
        %mul3A_497 = vector.broadcast %mul3A_496 : f32 to vector<16xf32>
        %mul3A_498 = arith.mulf %mul3A_497, %add3A_495 : vector<16xf32>
        %max3A_499 = arith.maximumf %add3A_495, %mul3A_498 : vector<16xf32>
        %add3A_500 = arith.addf %get3A_471, %mul3A_494 : vector<16xf32>
        %mul3A_501 = arith.constant 2.000000e-01 : f32
        %mul3A_502 = vector.broadcast %mul3A_501 : f32 to vector<16xf32>
        %mul3A_503 = arith.mulf %mul3A_502, %add3A_500 : vector<16xf32>
        %max3A_504 = arith.maximumf %add3A_500, %mul3A_503 : vector<16xf32>
        %sub3A_505 = arith.subf %max3A_499, %max3A_504 : vector<16xf32>
        %exp3A_506 = math.exp %sub3A_505 : vector<16xf32>
        %add3A_507 = arith.constant 0 : i32
        %add3A_508 = arith.addi %add3A_416, %add3A_507 : i32
        %iota3A_509 = tpu.iota {dimensions = array<i32: 0>} : vector<16xi32>
        %add3A_510 = vector.broadcast %add3A_508 : i32 to vector<16xi32>
        %add3A_511 = arith.addi %add3A_510, %iota3A_509 : vector<16xi32>
        %lt3A_512 = arith.constant 330000 : i32
        %lt3A_513 = vector.broadcast %lt3A_512 : i32 to vector<16xi32>
        %lt3A_514 = arith.cmpi slt, %add3A_511, %lt3A_513 : vector<16xi32>
        %jit3A_515 = arith.constant 0.000000e+00 : f32
        %broadcast_in_dim3A_516 = vector.broadcast %jit3A_515 : f32 to vector<16xf32>
        %select_n3A_517 = arith.select %lt3A_514, %exp3A_506, %broadcast_in_dim3A_516 : vector<16xi1>, vector<16xf32>
        tpu.vector_store_idx %arg24[%get3A_475], %select_n3A_517 {add = true} : memref<10000xf32, #tpu.memory_space<vmem>>[vector<16xi32>], vector<16xf32>,
        %swap3A_518 = arith.constant 0 : index
        %swap3A_519 = tpu.vector_load %arg18[%swap3A_518] {strides = array<i32>} : memref<64xf32, #tpu.memory_space<vmem>>, vector<16xf32>,
        tpu.vector_store %arg18[%swap3A_518], %select_n3A_517 {strides = array<i32>} : memref<64xf32, #tpu.memory_space<vmem>>, vector<16xf32>,
        %get3A_520 = arith.constant 16 : index
        %get3A_521 = tpu.vector_load %arg12[%get3A_520] {strides = array<i32>} : memref<64xi32, #tpu.memory_space<vmem>>, vector<16xi32>,
        %get3A_522 = arith.constant 16 : index
        %get3A_523 = tpu.vector_load %arg15[%get3A_522] {strides = array<i32>} : memref<64xi32, #tpu.memory_space<vmem>>, vector<16xi32>,
        %gather3A_524 = tpu.vector_load_idx %arg23[%get3A_521] : memref<10000xi32, #tpu.memory_space<vmem>>[vector<16xi32>], vector<16xi32>,
        %gather3A_525 = tpu.vector_load_idx %arg23[%get3A_523] : memref<10000xi32, #tpu.memory_space<vmem>>[vector<16xi32>], vector<16xi32>,
        %shift_right_arithmetic3A_526 = arith.constant 16 : i32
        %shift_right_arithmetic3A_527 = vector.broadcast %shift_right_arithmetic3A_526 : i32 to vector<16xi32>
        %shift_right_arithmetic3A_528 = arith.shrsi %gather3A_524, %shift_right_arithmetic3A_527 : vector<16xi32>
        %convert_element_type3A_529 = arith.sitofp %shift_right_arithmetic3A_528 : vector<16xi32> to vector<16xf32>
        %mul3A_530 = arith.constant 0.001953125 : f32
        %mul3A_531 = vector.broadcast %mul3A_530 : f32 to vector<16xf32>
        %mul3A_532 = arith.mulf %convert_element_type3A_529, %mul3A_531 : vector<16xf32>
        %shift_left3A_533 = arith.constant 16 : i32
        %shift_left3A_534 = vector.broadcast %shift_left3A_533 : i32 to vector<16xi32>
        %shift_left3A_535 = arith.shli %gather3A_525, %shift_left3A_534 : vector<16xi32>
        %shift_right_arithmetic3A_536 = arith.constant 16 : i32
        %shift_right_arithmetic3A_537 = vector.broadcast %shift_right_arithmetic3A_536 : i32 to vector<16xi32>
        %shift_right_arithmetic3A_538 = arith.shrsi %shift_left3A_535, %shift_right_arithmetic3A_537 : vector<16xi32>
        %convert_element_type3A_539 = arith.sitofp %shift_right_arithmetic3A_538 : vector<16xi32> to vector<16xf32>
        %mul3A_540 = arith.constant 0.001953125 : f32
        %mul3A_541 = vector.broadcast %mul3A_540 : f32 to vector<16xf32>
        %mul3A_542 = arith.mulf %convert_element_type3A_539, %mul3A_541 : vector<16xf32>
        %add3A_543 = arith.addf %mul3A_532, %mul3A_542 : vector<16xf32>
        %mul3A_544 = arith.constant 2.000000e-01 : f32
        %mul3A_545 = vector.broadcast %mul3A_544 : f32 to vector<16xf32>
        %mul3A_546 = arith.mulf %mul3A_545, %add3A_543 : vector<16xf32>
        %max3A_547 = arith.maximumf %add3A_543, %mul3A_546 : vector<16xf32>
        %add3A_548 = arith.addf %get3A_471, %mul3A_542 : vector<16xf32>
        %mul3A_549 = arith.constant 2.000000e-01 : f32
        %mul3A_550 = vector.broadcast %mul3A_549 : f32 to vector<16xf32>
        %mul3A_551 = arith.mulf %mul3A_550, %add3A_548 : vector<16xf32>
        %max3A_552 = arith.maximumf %add3A_548, %mul3A_551 : vector<16xf32>
        %sub3A_553 = arith.subf %max3A_547, %max3A_552 : vector<16xf32>
        %exp3A_554 = math.exp %sub3A_553 : vector<16xf32>
        %add3A_555 = arith.constant 16 : i32
        %add3A_556 = arith.addi %add3A_416, %add3A_555 : i32
        %iota3A_557 = tpu.iota {dimensions = array<i32: 0>} : vector<16xi32>
        %add3A_558 = vector.broadcast %add3A_556 : i32 to vector<16xi32>
        %add3A_559 = arith.addi %add3A_558, %iota3A_557 : vector<16xi32>
        %lt3A_560 = arith.constant 330000 : i32
        %lt3A_561 = vector.broadcast %lt3A_560 : i32 to vector<16xi32>
        %lt3A_562 = arith.cmpi slt, %add3A_559, %lt3A_561 : vector<16xi32>
        %jit3A_563 = arith.constant 0.000000e+00 : f32
        %broadcast_in_dim3A_564 = vector.broadcast %jit3A_563 : f32 to vector<16xf32>
        %select_n3A_565 = arith.select %lt3A_562, %exp3A_554, %broadcast_in_dim3A_564 : vector<16xi1>, vector<16xf32>
        tpu.vector_store_idx %arg24[%get3A_523], %select_n3A_565 {add = true} : memref<10000xf32, #tpu.memory_space<vmem>>[vector<16xi32>], vector<16xf32>,
        %swap3A_566 = arith.constant 16 : index
        %swap3A_567 = tpu.vector_load %arg18[%swap3A_566] {strides = array<i32>} : memref<64xf32, #tpu.memory_space<vmem>>, vector<16xf32>,
        tpu.vector_store %arg18[%swap3A_566], %select_n3A_565 {strides = array<i32>} : memref<64xf32, #tpu.memory_space<vmem>>, vector<16xf32>,
        %get3A_568 = arith.constant 32 : index
        %get3A_569 = tpu.vector_load %arg12[%get3A_568] {strides = array<i32>} : memref<64xi32, #tpu.memory_space<vmem>>, vector<16xi32>,
        %get3A_570 = arith.constant 32 : index
        %get3A_571 = tpu.vector_load %arg15[%get3A_570] {strides = array<i32>} : memref<64xi32, #tpu.memory_space<vmem>>, vector<16xi32>,
        %gather3A_572 = tpu.vector_load_idx %arg23[%get3A_569] : memref<10000xi32, #tpu.memory_space<vmem>>[vector<16xi32>], vector<16xi32>,
        %gather3A_573 = tpu.vector_load_idx %arg23[%get3A_571] : memref<10000xi32, #tpu.memory_space<vmem>>[vector<16xi32>], vector<16xi32>,
        %shift_right_arithmetic3A_574 = arith.constant 16 : i32
        %shift_right_arithmetic3A_575 = vector.broadcast %shift_right_arithmetic3A_574 : i32 to vector<16xi32>
        %shift_right_arithmetic3A_576 = arith.shrsi %gather3A_572, %shift_right_arithmetic3A_575 : vector<16xi32>
        %convert_element_type3A_577 = arith.sitofp %shift_right_arithmetic3A_576 : vector<16xi32> to vector<16xf32>
        %mul3A_578 = arith.constant 0.001953125 : f32
        %mul3A_579 = vector.broadcast %mul3A_578 : f32 to vector<16xf32>
        %mul3A_580 = arith.mulf %convert_element_type3A_577, %mul3A_579 : vector<16xf32>
        %shift_left3A_581 = arith.constant 16 : i32
        %shift_left3A_582 = vector.broadcast %shift_left3A_581 : i32 to vector<16xi32>
        %shift_left3A_583 = arith.shli %gather3A_573, %shift_left3A_582 : vector<16xi32>
        %shift_right_arithmetic3A_584 = arith.constant 16 : i32
        %shift_right_arithmetic3A_585 = vector.broadcast %shift_right_arithmetic3A_584 : i32 to vector<16xi32>
        %shift_right_arithmetic3A_586 = arith.shrsi %shift_left3A_583, %shift_right_arithmetic3A_585 : vector<16xi32>
        %convert_element_type3A_587 = arith.sitofp %shift_right_arithmetic3A_586 : vector<16xi32> to vector<16xf32>
        %mul3A_588 = arith.constant 0.001953125 : f32
        %mul3A_589 = vector.broadcast %mul3A_588 : f32 to vector<16xf32>
        %mul3A_590 = arith.mulf %convert_element_type3A_587, %mul3A_589 : vector<16xf32>
        %add3A_591 = arith.addf %mul3A_580, %mul3A_590 : vector<16xf32>
        %mul3A_592 = arith.constant 2.000000e-01 : f32
        %mul3A_593 = vector.broadcast %mul3A_592 : f32 to vector<16xf32>
        %mul3A_594 = arith.mulf %mul3A_593, %add3A_591 : vector<16xf32>
        %max3A_595 = arith.maximumf %add3A_591, %mul3A_594 : vector<16xf32>
        %add3A_596 = arith.addf %get3A_471, %mul3A_590 : vector<16xf32>
        %mul3A_597 = arith.constant 2.000000e-01 : f32
        %mul3A_598 = vector.broadcast %mul3A_597 : f32 to vector<16xf32>
        %mul3A_599 = arith.mulf %mul3A_598, %add3A_596 : vector<16xf32>
        %max3A_600 = arith.maximumf %add3A_596, %mul3A_599 : vector<16xf32>
        %sub3A_601 = arith.subf %max3A_595, %max3A_600 : vector<16xf32>
        %exp3A_602 = math.exp %sub3A_601 : vector<16xf32>
        %add3A_603 = arith.constant 32 : i32
        %add3A_604 = arith.addi %add3A_416, %add3A_603 : i32
        %iota3A_605 = tpu.iota {dimensions = array<i32: 0>} : vector<16xi32>
        %add3A_606 = vector.broadcast %add3A_604 : i32 to vector<16xi32>
        %add3A_607 = arith.addi %add3A_606, %iota3A_605 : vector<16xi32>
        %lt3A_608 = arith.constant 330000 : i32
        %lt3A_609 = vector.broadcast %lt3A_608 : i32 to vector<16xi32>
        %lt3A_610 = arith.cmpi slt, %add3A_607, %lt3A_609 : vector<16xi32>
        %jit3A_611 = arith.constant 0.000000e+00 : f32
        %broadcast_in_dim3A_612 = vector.broadcast %jit3A_611 : f32 to vector<16xf32>
        %select_n3A_613 = arith.select %lt3A_610, %exp3A_602, %broadcast_in_dim3A_612 : vector<16xi1>, vector<16xf32>
        tpu.vector_store_idx %arg24[%get3A_571], %select_n3A_613 {add = true} : memref<10000xf32, #tpu.memory_space<vmem>>[vector<16xi32>], vector<16xf32>,
        %swap3A_614 = arith.constant 32 : index
        %swap3A_615 = tpu.vector_load %arg18[%swap3A_614] {strides = array<i32>} : memref<64xf32, #tpu.memory_space<vmem>>, vector<16xf32>,
        tpu.vector_store %arg18[%swap3A_614], %select_n3A_613 {strides = array<i32>} : memref<64xf32, #tpu.memory_space<vmem>>, vector<16xf32>,
        %get3A_616 = arith.constant 48 : index
        %get3A_617 = tpu.vector_load %arg12[%get3A_616] {strides = array<i32>} : memref<64xi32, #tpu.memory_space<vmem>>, vector<16xi32>,
        %get3A_618 = arith.constant 48 : index
        %get3A_619 = tpu.vector_load %arg15[%get3A_618] {strides = array<i32>} : memref<64xi32, #tpu.memory_space<vmem>>, vector<16xi32>,
        %gather3A_620 = tpu.vector_load_idx %arg23[%get3A_617] : memref<10000xi32, #tpu.memory_space<vmem>>[vector<16xi32>], vector<16xi32>,
        %gather3A_621 = tpu.vector_load_idx %arg23[%get3A_619] : memref<10000xi32, #tpu.memory_space<vmem>>[vector<16xi32>], vector<16xi32>,
        %shift_right_arithmetic3A_622 = arith.constant 16 : i32
        %shift_right_arithmetic3A_623 = vector.broadcast %shift_right_arithmetic3A_622 : i32 to vector<16xi32>
        %shift_right_arithmetic3A_624 = arith.shrsi %gather3A_620, %shift_right_arithmetic3A_623 : vector<16xi32>
        %convert_element_type3A_625 = arith.sitofp %shift_right_arithmetic3A_624 : vector<16xi32> to vector<16xf32>
        %mul3A_626 = arith.constant 0.001953125 : f32
        %mul3A_627 = vector.broadcast %mul3A_626 : f32 to vector<16xf32>
        %mul3A_628 = arith.mulf %convert_element_type3A_625, %mul3A_627 : vector<16xf32>
        %shift_left3A_629 = arith.constant 16 : i32
        %shift_left3A_630 = vector.broadcast %shift_left3A_629 : i32 to vector<16xi32>
        %shift_left3A_631 = arith.shli %gather3A_621, %shift_left3A_630 : vector<16xi32>
        %shift_right_arithmetic3A_632 = arith.constant 16 : i32
        %shift_right_arithmetic3A_633 = vector.broadcast %shift_right_arithmetic3A_632 : i32 to vector<16xi32>
        %shift_right_arithmetic3A_634 = arith.shrsi %shift_left3A_631, %shift_right_arithmetic3A_633 : vector<16xi32>
        %convert_element_type3A_635 = arith.sitofp %shift_right_arithmetic3A_634 : vector<16xi32> to vector<16xf32>
        %mul3A_636 = arith.constant 0.001953125 : f32
        %mul3A_637 = vector.broadcast %mul3A_636 : f32 to vector<16xf32>
        %mul3A_638 = arith.mulf %convert_element_type3A_635, %mul3A_637 : vector<16xf32>
        %add3A_639 = arith.addf %mul3A_628, %mul3A_638 : vector<16xf32>
        %mul3A_640 = arith.constant 2.000000e-01 : f32
        %mul3A_641 = vector.broadcast %mul3A_640 : f32 to vector<16xf32>
        %mul3A_642 = arith.mulf %mul3A_641, %add3A_639 : vector<16xf32>
        %max3A_643 = arith.maximumf %add3A_639, %mul3A_642 : vector<16xf32>
        %add3A_644 = arith.addf %get3A_471, %mul3A_638 : vector<16xf32>
        %mul3A_645 = arith.constant 2.000000e-01 : f32
        %mul3A_646 = vector.broadcast %mul3A_645 : f32 to vector<16xf32>
        %mul3A_647 = arith.mulf %mul3A_646, %add3A_644 : vector<16xf32>
        %max3A_648 = arith.maximumf %add3A_644, %mul3A_647 : vector<16xf32>
        %sub3A_649 = arith.subf %max3A_643, %max3A_648 : vector<16xf32>
        %exp3A_650 = math.exp %sub3A_649 : vector<16xf32>
        %add3A_651 = arith.constant 48 : i32
        %add3A_652 = arith.addi %add3A_416, %add3A_651 : i32
        %iota3A_653 = tpu.iota {dimensions = array<i32: 0>} : vector<16xi32>
        %add3A_654 = vector.broadcast %add3A_652 : i32 to vector<16xi32>
        %add3A_655 = arith.addi %add3A_654, %iota3A_653 : vector<16xi32>
        %lt3A_656 = arith.constant 330000 : i32
        %lt3A_657 = vector.broadcast %lt3A_656 : i32 to vector<16xi32>
        %lt3A_658 = arith.cmpi slt, %add3A_655, %lt3A_657 : vector<16xi32>
        %jit3A_659 = arith.constant 0.000000e+00 : f32
        %broadcast_in_dim3A_660 = vector.broadcast %jit3A_659 : f32 to vector<16xf32>
        %select_n3A_661 = arith.select %lt3A_658, %exp3A_650, %broadcast_in_dim3A_660 : vector<16xi1>, vector<16xf32>
        tpu.vector_store_idx %arg24[%get3A_619], %select_n3A_661 {add = true} : memref<10000xf32, #tpu.memory_space<vmem>>[vector<16xi32>], vector<16xf32>,
        %swap3A_662 = arith.constant 48 : index
        %swap3A_663 = tpu.vector_load %arg18[%swap3A_662] {strides = array<i32>} : memref<64xf32, #tpu.memory_space<vmem>>, vector<16xf32>,
        tpu.vector_store %arg18[%swap3A_662], %select_n3A_661 {strides = array<i32>} : memref<64xf32, #tpu.memory_space<vmem>>, vector<16xf32>,
      } else {
      }
      %dma_wait3A_338 = arith.constant 0 : i32
      %dma_wait3A_339 = arith.constant 0 : i32
      %dma_wait3A_340 = tpu.memref_slice %arg5[%dma_wait3A_338, %dma_wait3A_339] : memref<10000x128xf32, #tpu.memory_space<hbm>> -> memref<10000x128xf32, #tpu.memory_space<hbm>>
      tpu.wait_indirect_dma semaphore(%arg27 : memref<!tpu.dma_semaphore, #tpu.memory_space<semaphore_mem>>) src(%dma_wait3A_340 : memref<10000x128xf32, #tpu.memory_space<hbm>>) dst(%arg20 : memref<64x128xf32, #tpu.memory_space<vmem>>)
      %scan3A_341 = arith.constant 0 : i32
      %scan3A_342 = arith.constant 0 : i32
      %scan3A_343 = arith.constant 64 : i32
      %scan3A_344 = arith.addi %scan3A_342, %scan3A_343 : i32
      %scan3A_345 = arith.constant 4 : i32
      scf.for %scan3A_412 = %scan3A_342 to %scan3A_344 step %scan3A_345  : i32 {
        %broadcast_in_dim3A_413 = vector.broadcast %scan3A_412 : i32 to vector<16xi32>
        %gather3A_414 = tpu.vector_load_idx %arg17[%broadcast_in_dim3A_413] : memref<64xf32, #tpu.memory_space<vmem>>[vector<16xi32>], vector<16xf32>,
        %get3A_415 = arith.index_cast %scan3A_412 : i32 to index
        %get3A_416 = arith.constant 0 : index
        %get3A_417 = tpu.vector_load %arg20[%get3A_415, %get3A_416] {strides = array<i32>} : memref<64x128xf32, #tpu.memory_space<vmem>>, vector<16xf32>,
        %mul3A_418 = arith.mulf %get3A_417, %gather3A_414 : vector<16xf32>
        %swap3A_419 = arith.index_cast %scan3A_412 : i32 to index
        %swap3A_420 = arith.constant 0 : index
        %swap3A_421 = tpu.vector_load %arg20[%swap3A_419, %swap3A_420] {strides = array<i32>} : memref<64x128xf32, #tpu.memory_space<vmem>>, vector<16xf32>,
        tpu.vector_store %arg20[%swap3A_419, %swap3A_420], %mul3A_418 {strides = array<i32>} : memref<64x128xf32, #tpu.memory_space<vmem>>, vector<16xf32>,
        %get3A_422 = arith.index_cast %scan3A_412 : i32 to index
        %get3A_423 = arith.constant 16 : index
        %get3A_424 = tpu.vector_load %arg20[%get3A_422, %get3A_423] {strides = array<i32>} : memref<64x128xf32, #tpu.memory_space<vmem>>, vector<16xf32>,
        %mul3A_425 = arith.mulf %get3A_424, %gather3A_414 : vector<16xf32>
        %swap3A_426 = arith.index_cast %scan3A_412 : i32 to index
        %swap3A_427 = arith.constant 16 : index
        %swap3A_428 = tpu.vector_load %arg20[%swap3A_426, %swap3A_427] {strides = array<i32>} : memref<64x128xf32, #tpu.memory_space<vmem>>, vector<16xf32>,
        tpu.vector_store %arg20[%swap3A_426, %swap3A_427], %mul3A_425 {strides = array<i32>} : memref<64x128xf32, #tpu.memory_space<vmem>>, vector<16xf32>,
        %get3A_429 = arith.index_cast %scan3A_412 : i32 to index
        %get3A_430 = arith.constant 32 : index
        %get3A_431 = tpu.vector_load %arg20[%get3A_429, %get3A_430] {strides = array<i32>} : memref<64x128xf32, #tpu.memory_space<vmem>>, vector<16xf32>,
        %mul3A_432 = arith.mulf %get3A_431, %gather3A_414 : vector<16xf32>
        %swap3A_433 = arith.index_cast %scan3A_412 : i32 to index
        %swap3A_434 = arith.constant 32 : index
        %swap3A_435 = tpu.vector_load %arg20[%swap3A_433, %swap3A_434] {strides = array<i32>} : memref<64x128xf32, #tpu.memory_space<vmem>>, vector<16xf32>,
        tpu.vector_store %arg20[%swap3A_433, %swap3A_434], %mul3A_432 {strides = array<i32>} : memref<64x128xf32, #tpu.memory_space<vmem>>, vector<16xf32>,
        %get3A_436 = arith.index_cast %scan3A_412 : i32 to index
        %get3A_437 = arith.constant 48 : index
        %get3A_438 = tpu.vector_load %arg20[%get3A_436, %get3A_437] {strides = array<i32>} : memref<64x128xf32, #tpu.memory_space<vmem>>, vector<16xf32>,
        %mul3A_439 = arith.mulf %get3A_438, %gather3A_414 : vector<16xf32>
        %swap3A_440 = arith.index_cast %scan3A_412 : i32 to index
        %swap3A_441 = arith.constant 48 : index
        %swap3A_442 = tpu.vector_load %arg20[%swap3A_440, %swap3A_441] {strides = array<i32>} : memref<64x128xf32, #tpu.memory_space<vmem>>, vector<16xf32>,
        tpu.vector_store %arg20[%swap3A_440, %swap3A_441], %mul3A_439 {strides = array<i32>} : memref<64x128xf32, #tpu.memory_space<vmem>>, vector<16xf32>,
        %get3A_443 = arith.index_cast %scan3A_412 : i32 to index
        %get3A_444 = arith.constant 64 : index
        %get3A_445 = tpu.vector_load %arg20[%get3A_443, %get3A_444] {strides = array<i32>} : memref<64x128xf32, #tpu.memory_space<vmem>>, vector<16xf32>,
        %mul3A_446 = arith.mulf %get3A_445, %gather3A_414 : vector<16xf32>
        %swap3A_447 = arith.index_cast %scan3A_412 : i32 to index
        %swap3A_448 = arith.constant 64 : index
        %swap3A_449 = tpu.vector_load %arg20[%swap3A_447, %swap3A_448] {strides = array<i32>} : memref<64x128xf32, #tpu.memory_space<vmem>>, vector<16xf32>,
        tpu.vector_store %arg20[%swap3A_447, %swap3A_448], %mul3A_446 {strides = array<i32>} : memref<64x128xf32, #tpu.memory_space<vmem>>, vector<16xf32>,
        %get3A_450 = arith.index_cast %scan3A_412 : i32 to index
        %get3A_451 = arith.constant 80 : index
        %get3A_452 = tpu.vector_load %arg20[%get3A_450, %get3A_451] {strides = array<i32>} : memref<64x128xf32, #tpu.memory_space<vmem>>, vector<16xf32>,
        %mul3A_453 = arith.mulf %get3A_452, %gather3A_414 : vector<16xf32>
        %swap3A_454 = arith.index_cast %scan3A_412 : i32 to index
        %swap3A_455 = arith.constant 80 : index
        %swap3A_456 = tpu.vector_load %arg20[%swap3A_454, %swap3A_455] {strides = array<i32>} : memref<64x128xf32, #tpu.memory_space<vmem>>, vector<16xf32>,
        tpu.vector_store %arg20[%swap3A_454, %swap3A_455], %mul3A_453 {strides = array<i32>} : memref<64x128xf32, #tpu.memory_space<vmem>>, vector<16xf32>,
        %get3A_457 = arith.index_cast %scan3A_412 : i32 to index
        %get3A_458 = arith.constant 96 : index
        %get3A_459 = tpu.vector_load %arg20[%get3A_457, %get3A_458] {strides = array<i32>} : memref<64x128xf32, #tpu.memory_space<vmem>>, vector<16xf32>,
        %mul3A_460 = arith.mulf %get3A_459, %gather3A_414 : vector<16xf32>
        %swap3A_461 = arith.index_cast %scan3A_412 : i32 to index
        %swap3A_462 = arith.constant 96 : index
        %swap3A_463 = tpu.vector_load %arg20[%swap3A_461, %swap3A_462] {strides = array<i32>} : memref<64x128xf32, #tpu.memory_space<vmem>>, vector<16xf32>,
        tpu.vector_store %arg20[%swap3A_461, %swap3A_462], %mul3A_460 {strides = array<i32>} : memref<64x128xf32, #tpu.memory_space<vmem>>, vector<16xf32>,
        %get3A_464 = arith.index_cast %scan3A_412 : i32 to index
        %get3A_465 = arith.constant 112 : index
        %get3A_466 = tpu.vector_load %arg20[%get3A_464, %get3A_465] {strides = array<i32>} : memref<64x128xf32, #tpu.memory_space<vmem>>, vector<16xf32>,
        %mul3A_467 = arith.mulf %get3A_466, %gather3A_414 : vector<16xf32>
        %swap3A_468 = arith.index_cast %scan3A_412 : i32 to index
        %swap3A_469 = arith.constant 112 : index
        %swap3A_470 = tpu.vector_load %arg20[%swap3A_468, %swap3A_469] {strides = array<i32>} : memref<64x128xf32, #tpu.memory_space<vmem>>, vector<16xf32>,
        tpu.vector_store %arg20[%swap3A_468, %swap3A_469], %mul3A_467 {strides = array<i32>} : memref<64x128xf32, #tpu.memory_space<vmem>>, vector<16xf32>,
        %scan3A_471 = arith.constant 1 : i32
        %scan3A_472 = arith.addi %scan3A_412, %scan3A_471 : i32
        %broadcast_in_dim3A_473 = vector.broadcast %scan3A_472 : i32 to vector<16xi32>
        %gather3A_474 = tpu.vector_load_idx %arg17[%broadcast_in_dim3A_473] : memref<64xf32, #tpu.memory_space<vmem>>[vector<16xi32>], vector<16xf32>,
        %get3A_475 = arith.index_cast %scan3A_472 : i32 to index
        %get3A_476 = arith.constant 0 : index
        %get3A_477 = tpu.vector_load %arg20[%get3A_475, %get3A_476] {strides = array<i32>} : memref<64x128xf32, #tpu.memory_space<vmem>>, vector<16xf32>,
        %mul3A_478 = arith.mulf %get3A_477, %gather3A_474 : vector<16xf32>
        %swap3A_479 = arith.index_cast %scan3A_472 : i32 to index
        %swap3A_480 = arith.constant 0 : index
        %swap3A_481 = tpu.vector_load %arg20[%swap3A_479, %swap3A_480] {strides = array<i32>} : memref<64x128xf32, #tpu.memory_space<vmem>>, vector<16xf32>,
        tpu.vector_store %arg20[%swap3A_479, %swap3A_480], %mul3A_478 {strides = array<i32>} : memref<64x128xf32, #tpu.memory_space<vmem>>, vector<16xf32>,
        %get3A_482 = arith.index_cast %scan3A_472 : i32 to index
        %get3A_483 = arith.constant 16 : index
        %get3A_484 = tpu.vector_load %arg20[%get3A_482, %get3A_483] {strides = array<i32>} : memref<64x128xf32, #tpu.memory_space<vmem>>, vector<16xf32>,
        %mul3A_485 = arith.mulf %get3A_484, %gather3A_474 : vector<16xf32>
        %swap3A_486 = arith.index_cast %scan3A_472 : i32 to index
        %swap3A_487 = arith.constant 16 : index
        %swap3A_488 = tpu.vector_load %arg20[%swap3A_486, %swap3A_487] {strides = array<i32>} : memref<64x128xf32, #tpu.memory_space<vmem>>, vector<16xf32>,
        tpu.vector_store %arg20[%swap3A_486, %swap3A_487], %mul3A_485 {strides = array<i32>} : memref<64x128xf32, #tpu.memory_space<vmem>>, vector<16xf32>,
        %get3A_489 = arith.index_cast %scan3A_472 : i32 to index
        %get3A_490 = arith.constant 32 : index
        %get3A_491 = tpu.vector_load %arg20[%get3A_489, %get3A_490] {strides = array<i32>} : memref<64x128xf32, #tpu.memory_space<vmem>>, vector<16xf32>,
        %mul3A_492 = arith.mulf %get3A_491, %gather3A_474 : vector<16xf32>
        %swap3A_493 = arith.index_cast %scan3A_472 : i32 to index
        %swap3A_494 = arith.constant 32 : index
        %swap3A_495 = tpu.vector_load %arg20[%swap3A_493, %swap3A_494] {strides = array<i32>} : memref<64x128xf32, #tpu.memory_space<vmem>>, vector<16xf32>,
        tpu.vector_store %arg20[%swap3A_493, %swap3A_494], %mul3A_492 {strides = array<i32>} : memref<64x128xf32, #tpu.memory_space<vmem>>, vector<16xf32>,
        %get3A_496 = arith.index_cast %scan3A_472 : i32 to index
        %get3A_497 = arith.constant 48 : index
        %get3A_498 = tpu.vector_load %arg20[%get3A_496, %get3A_497] {strides = array<i32>} : memref<64x128xf32, #tpu.memory_space<vmem>>, vector<16xf32>,
        %mul3A_499 = arith.mulf %get3A_498, %gather3A_474 : vector<16xf32>
        %swap3A_500 = arith.index_cast %scan3A_472 : i32 to index
        %swap3A_501 = arith.constant 48 : index
        %swap3A_502 = tpu.vector_load %arg20[%swap3A_500, %swap3A_501] {strides = array<i32>} : memref<64x128xf32, #tpu.memory_space<vmem>>, vector<16xf32>,
        tpu.vector_store %arg20[%swap3A_500, %swap3A_501], %mul3A_499 {strides = array<i32>} : memref<64x128xf32, #tpu.memory_space<vmem>>, vector<16xf32>,
        %get3A_503 = arith.index_cast %scan3A_472 : i32 to index
        %get3A_504 = arith.constant 64 : index
        %get3A_505 = tpu.vector_load %arg20[%get3A_503, %get3A_504] {strides = array<i32>} : memref<64x128xf32, #tpu.memory_space<vmem>>, vector<16xf32>,
        %mul3A_506 = arith.mulf %get3A_505, %gather3A_474 : vector<16xf32>
        %swap3A_507 = arith.index_cast %scan3A_472 : i32 to index
        %swap3A_508 = arith.constant 64 : index
        %swap3A_509 = tpu.vector_load %arg20[%swap3A_507, %swap3A_508] {strides = array<i32>} : memref<64x128xf32, #tpu.memory_space<vmem>>, vector<16xf32>,
        tpu.vector_store %arg20[%swap3A_507, %swap3A_508], %mul3A_506 {strides = array<i32>} : memref<64x128xf32, #tpu.memory_space<vmem>>, vector<16xf32>,
        %get3A_510 = arith.index_cast %scan3A_472 : i32 to index
        %get3A_511 = arith.constant 80 : index
        %get3A_512 = tpu.vector_load %arg20[%get3A_510, %get3A_511] {strides = array<i32>} : memref<64x128xf32, #tpu.memory_space<vmem>>, vector<16xf32>,
        %mul3A_513 = arith.mulf %get3A_512, %gather3A_474 : vector<16xf32>
        %swap3A_514 = arith.index_cast %scan3A_472 : i32 to index
        %swap3A_515 = arith.constant 80 : index
        %swap3A_516 = tpu.vector_load %arg20[%swap3A_514, %swap3A_515] {strides = array<i32>} : memref<64x128xf32, #tpu.memory_space<vmem>>, vector<16xf32>,
        tpu.vector_store %arg20[%swap3A_514, %swap3A_515], %mul3A_513 {strides = array<i32>} : memref<64x128xf32, #tpu.memory_space<vmem>>, vector<16xf32>,
        %get3A_517 = arith.index_cast %scan3A_472 : i32 to index
        %get3A_518 = arith.constant 96 : index
        %get3A_519 = tpu.vector_load %arg20[%get3A_517, %get3A_518] {strides = array<i32>} : memref<64x128xf32, #tpu.memory_space<vmem>>, vector<16xf32>,
        %mul3A_520 = arith.mulf %get3A_519, %gather3A_474 : vector<16xf32>
        %swap3A_521 = arith.index_cast %scan3A_472 : i32 to index
        %swap3A_522 = arith.constant 96 : index
        %swap3A_523 = tpu.vector_load %arg20[%swap3A_521, %swap3A_522] {strides = array<i32>} : memref<64x128xf32, #tpu.memory_space<vmem>>, vector<16xf32>,
        tpu.vector_store %arg20[%swap3A_521, %swap3A_522], %mul3A_520 {strides = array<i32>} : memref<64x128xf32, #tpu.memory_space<vmem>>, vector<16xf32>,
        %get3A_524 = arith.index_cast %scan3A_472 : i32 to index
        %get3A_525 = arith.constant 112 : index
        %get3A_526 = tpu.vector_load %arg20[%get3A_524, %get3A_525] {strides = array<i32>} : memref<64x128xf32, #tpu.memory_space<vmem>>, vector<16xf32>,
        %mul3A_527 = arith.mulf %get3A_526, %gather3A_474 : vector<16xf32>
        %swap3A_528 = arith.index_cast %scan3A_472 : i32 to index
        %swap3A_529 = arith.constant 112 : index
        %swap3A_530 = tpu.vector_load %arg20[%swap3A_528, %swap3A_529] {strides = array<i32>} : memref<64x128xf32, #tpu.memory_space<vmem>>, vector<16xf32>,
        tpu.vector_store %arg20[%swap3A_528, %swap3A_529], %mul3A_527 {strides = array<i32>} : memref<64x128xf32, #tpu.memory_space<vmem>>, vector<16xf32>,
        %scan3A_531 = arith.constant 2 : i32
        %scan3A_532 = arith.addi %scan3A_412, %scan3A_531 : i32
        %broadcast_in_dim3A_533 = vector.broadcast %scan3A_532 : i32 to vector<16xi32>
        %gather3A_534 = tpu.vector_load_idx %arg17[%broadcast_in_dim3A_533] : memref<64xf32, #tpu.memory_space<vmem>>[vector<16xi32>], vector<16xf32>,
        %get3A_535 = arith.index_cast %scan3A_532 : i32 to index
        %get3A_536 = arith.constant 0 : index
        %get3A_537 = tpu.vector_load %arg20[%get3A_535, %get3A_536] {strides = array<i32>} : memref<64x128xf32, #tpu.memory_space<vmem>>, vector<16xf32>,
        %mul3A_538 = arith.mulf %get3A_537, %gather3A_534 : vector<16xf32>
        %swap3A_539 = arith.index_cast %scan3A_532 : i32 to index
        %swap3A_540 = arith.constant 0 : index
        %swap3A_541 = tpu.vector_load %arg20[%swap3A_539, %swap3A_540] {strides = array<i32>} : memref<64x128xf32, #tpu.memory_space<vmem>>, vector<16xf32>,
        tpu.vector_store %arg20[%swap3A_539, %swap3A_540], %mul3A_538 {strides = array<i32>} : memref<64x128xf32, #tpu.memory_space<vmem>>, vector<16xf32>,
        %get3A_542 = arith.index_cast %scan3A_532 : i32 to index
        %get3A_543 = arith.constant 16 : index
        %get3A_544 = tpu.vector_load %arg20[%get3A_542, %get3A_543] {strides = array<i32>} : memref<64x128xf32, #tpu.memory_space<vmem>>, vector<16xf32>,
        %mul3A_545 = arith.mulf %get3A_544, %gather3A_534 : vector<16xf32>
        %swap3A_546 = arith.index_cast %scan3A_532 : i32 to index
        %swap3A_547 = arith.constant 16 : index
        %swap3A_548 = tpu.vector_load %arg20[%swap3A_546, %swap3A_547] {strides = array<i32>} : memref<64x128xf32, #tpu.memory_space<vmem>>, vector<16xf32>,
        tpu.vector_store %arg20[%swap3A_546, %swap3A_547], %mul3A_545 {strides = array<i32>} : memref<64x128xf32, #tpu.memory_space<vmem>>, vector<16xf32>,
        %get3A_549 = arith.index_cast %scan3A_532 : i32 to index
        %get3A_550 = arith.constant 32 : index
        %get3A_551 = tpu.vector_load %arg20[%get3A_549, %get3A_550] {strides = array<i32>} : memref<64x128xf32, #tpu.memory_space<vmem>>, vector<16xf32>,
        %mul3A_552 = arith.mulf %get3A_551, %gather3A_534 : vector<16xf32>
        %swap3A_553 = arith.index_cast %scan3A_532 : i32 to index
        %swap3A_554 = arith.constant 32 : index
        %swap3A_555 = tpu.vector_load %arg20[%swap3A_553, %swap3A_554] {strides = array<i32>} : memref<64x128xf32, #tpu.memory_space<vmem>>, vector<16xf32>,
        tpu.vector_store %arg20[%swap3A_553, %swap3A_554], %mul3A_552 {strides = array<i32>} : memref<64x128xf32, #tpu.memory_space<vmem>>, vector<16xf32>,
        %get3A_556 = arith.index_cast %scan3A_532 : i32 to index
        %get3A_557 = arith.constant 48 : index
        %get3A_558 = tpu.vector_load %arg20[%get3A_556, %get3A_557] {strides = array<i32>} : memref<64x128xf32, #tpu.memory_space<vmem>>, vector<16xf32>,
        %mul3A_559 = arith.mulf %get3A_558, %gather3A_534 : vector<16xf32>
        %swap3A_560 = arith.index_cast %scan3A_532 : i32 to index
        %swap3A_561 = arith.constant 48 : index
        %swap3A_562 = tpu.vector_load %arg20[%swap3A_560, %swap3A_561] {strides = array<i32>} : memref<64x128xf32, #tpu.memory_space<vmem>>, vector<16xf32>,
        tpu.vector_store %arg20[%swap3A_560, %swap3A_561], %mul3A_559 {strides = array<i32>} : memref<64x128xf32, #tpu.memory_space<vmem>>, vector<16xf32>,
        %get3A_563 = arith.index_cast %scan3A_532 : i32 to index
        %get3A_564 = arith.constant 64 : index
        %get3A_565 = tpu.vector_load %arg20[%get3A_563, %get3A_564] {strides = array<i32>} : memref<64x128xf32, #tpu.memory_space<vmem>>, vector<16xf32>,
        %mul3A_566 = arith.mulf %get3A_565, %gather3A_534 : vector<16xf32>
        %swap3A_567 = arith.index_cast %scan3A_532 : i32 to index
        %swap3A_568 = arith.constant 64 : index
        %swap3A_569 = tpu.vector_load %arg20[%swap3A_567, %swap3A_568] {strides = array<i32>} : memref<64x128xf32, #tpu.memory_space<vmem>>, vector<16xf32>,
        tpu.vector_store %arg20[%swap3A_567, %swap3A_568], %mul3A_566 {strides = array<i32>} : memref<64x128xf32, #tpu.memory_space<vmem>>, vector<16xf32>,
        %get3A_570 = arith.index_cast %scan3A_532 : i32 to index
        %get3A_571 = arith.constant 80 : index
        %get3A_572 = tpu.vector_load %arg20[%get3A_570, %get3A_571] {strides = array<i32>} : memref<64x128xf32, #tpu.memory_space<vmem>>, vector<16xf32>,
        %mul3A_573 = arith.mulf %get3A_572, %gather3A_534 : vector<16xf32>
        %swap3A_574 = arith.index_cast %scan3A_532 : i32 to index
        %swap3A_575 = arith.constant 80 : index
        %swap3A_576 = tpu.vector_load %arg20[%swap3A_574, %swap3A_575] {strides = array<i32>} : memref<64x128xf32, #tpu.memory_space<vmem>>, vector<16xf32>,
        tpu.vector_store %arg20[%swap3A_574, %swap3A_575], %mul3A_573 {strides = array<i32>} : memref<64x128xf32, #tpu.memory_space<vmem>>, vector<16xf32>,
        %get3A_577 = arith.index_cast %scan3A_532 : i32 to index
        %get3A_578 = arith.constant 96 : index
        %get3A_579 = tpu.vector_load %arg20[%get3A_577, %get3A_578] {strides = array<i32>} : memref<64x128xf32, #tpu.memory_space<vmem>>, vector<16xf32>,
        %mul3A_580 = arith.mulf %get3A_579, %gather3A_534 : vector<16xf32>
        %swap3A_581 = arith.index_cast %scan3A_532 : i32 to index
        %swap3A_582 = arith.constant 96 : index
        %swap3A_583 = tpu.vector_load %arg20[%swap3A_581, %swap3A_582] {strides = array<i32>} : memref<64x128xf32, #tpu.memory_space<vmem>>, vector<16xf32>,
        tpu.vector_store %arg20[%swap3A_581, %swap3A_582], %mul3A_580 {strides = array<i32>} : memref<64x128xf32, #tpu.memory_space<vmem>>, vector<16xf32>,
        %get3A_584 = arith.index_cast %scan3A_532 : i32 to index
        %get3A_585 = arith.constant 112 : index
        %get3A_586 = tpu.vector_load %arg20[%get3A_584, %get3A_585] {strides = array<i32>} : memref<64x128xf32, #tpu.memory_space<vmem>>, vector<16xf32>,
        %mul3A_587 = arith.mulf %get3A_586, %gather3A_534 : vector<16xf32>
        %swap3A_588 = arith.index_cast %scan3A_532 : i32 to index
        %swap3A_589 = arith.constant 112 : index
        %swap3A_590 = tpu.vector_load %arg20[%swap3A_588, %swap3A_589] {strides = array<i32>} : memref<64x128xf32, #tpu.memory_space<vmem>>, vector<16xf32>,
        tpu.vector_store %arg20[%swap3A_588, %swap3A_589], %mul3A_587 {strides = array<i32>} : memref<64x128xf32, #tpu.memory_space<vmem>>, vector<16xf32>,
        %scan3A_591 = arith.constant 3 : i32
        %scan3A_592 = arith.addi %scan3A_412, %scan3A_591 : i32
        %broadcast_in_dim3A_593 = vector.broadcast %scan3A_592 : i32 to vector<16xi32>
        %gather3A_594 = tpu.vector_load_idx %arg17[%broadcast_in_dim3A_593] : memref<64xf32, #tpu.memory_space<vmem>>[vector<16xi32>], vector<16xf32>,
        %get3A_595 = arith.index_cast %scan3A_592 : i32 to index
        %get3A_596 = arith.constant 0 : index
        %get3A_597 = tpu.vector_load %arg20[%get3A_595, %get3A_596] {strides = array<i32>} : memref<64x128xf32, #tpu.memory_space<vmem>>, vector<16xf32>,
        %mul3A_598 = arith.mulf %get3A_597, %gather3A_594 : vector<16xf32>
        %swap3A_599 = arith.index_cast %scan3A_592 : i32 to index
        %swap3A_600 = arith.constant 0 : index
        %swap3A_601 = tpu.vector_load %arg20[%swap3A_599, %swap3A_600] {strides = array<i32>} : memref<64x128xf32, #tpu.memory_space<vmem>>, vector<16xf32>,
        tpu.vector_store %arg20[%swap3A_599, %swap3A_600], %mul3A_598 {strides = array<i32>} : memref<64x128xf32, #tpu.memory_space<vmem>>, vector<16xf32>,
        %get3A_602 = arith.index_cast %scan3A_592 : i32 to index
        %get3A_603 = arith.constant 16 : index
        %get3A_604 = tpu.vector_load %arg20[%get3A_602, %get3A_603] {strides = array<i32>} : memref<64x128xf32, #tpu.memory_space<vmem>>, vector<16xf32>,
        %mul3A_605 = arith.mulf %get3A_604, %gather3A_594 : vector<16xf32>
        %swap3A_606 = arith.index_cast %scan3A_592 : i32 to index
        %swap3A_607 = arith.constant 16 : index
        %swap3A_608 = tpu.vector_load %arg20[%swap3A_606, %swap3A_607] {strides = array<i32>} : memref<64x128xf32, #tpu.memory_space<vmem>>, vector<16xf32>,
        tpu.vector_store %arg20[%swap3A_606, %swap3A_607], %mul3A_605 {strides = array<i32>} : memref<64x128xf32, #tpu.memory_space<vmem>>, vector<16xf32>,
        %get3A_609 = arith.index_cast %scan3A_592 : i32 to index
        %get3A_610 = arith.constant 32 : index
        %get3A_611 = tpu.vector_load %arg20[%get3A_609, %get3A_610] {strides = array<i32>} : memref<64x128xf32, #tpu.memory_space<vmem>>, vector<16xf32>,
        %mul3A_612 = arith.mulf %get3A_611, %gather3A_594 : vector<16xf32>
        %swap3A_613 = arith.index_cast %scan3A_592 : i32 to index
        %swap3A_614 = arith.constant 32 : index
        %swap3A_615 = tpu.vector_load %arg20[%swap3A_613, %swap3A_614] {strides = array<i32>} : memref<64x128xf32, #tpu.memory_space<vmem>>, vector<16xf32>,
        tpu.vector_store %arg20[%swap3A_613, %swap3A_614], %mul3A_612 {strides = array<i32>} : memref<64x128xf32, #tpu.memory_space<vmem>>, vector<16xf32>,
        %get3A_616 = arith.index_cast %scan3A_592 : i32 to index
        %get3A_617 = arith.constant 48 : index
        %get3A_618 = tpu.vector_load %arg20[%get3A_616, %get3A_617] {strides = array<i32>} : memref<64x128xf32, #tpu.memory_space<vmem>>, vector<16xf32>,
        %mul3A_619 = arith.mulf %get3A_618, %gather3A_594 : vector<16xf32>
        %swap3A_620 = arith.index_cast %scan3A_592 : i32 to index
        %swap3A_621 = arith.constant 48 : index
        %swap3A_622 = tpu.vector_load %arg20[%swap3A_620, %swap3A_621] {strides = array<i32>} : memref<64x128xf32, #tpu.memory_space<vmem>>, vector<16xf32>,
        tpu.vector_store %arg20[%swap3A_620, %swap3A_621], %mul3A_619 {strides = array<i32>} : memref<64x128xf32, #tpu.memory_space<vmem>>, vector<16xf32>,
        %get3A_623 = arith.index_cast %scan3A_592 : i32 to index
        %get3A_624 = arith.constant 64 : index
        %get3A_625 = tpu.vector_load %arg20[%get3A_623, %get3A_624] {strides = array<i32>} : memref<64x128xf32, #tpu.memory_space<vmem>>, vector<16xf32>,
        %mul3A_626 = arith.mulf %get3A_625, %gather3A_594 : vector<16xf32>
        %swap3A_627 = arith.index_cast %scan3A_592 : i32 to index
        %swap3A_628 = arith.constant 64 : index
        %swap3A_629 = tpu.vector_load %arg20[%swap3A_627, %swap3A_628] {strides = array<i32>} : memref<64x128xf32, #tpu.memory_space<vmem>>, vector<16xf32>,
        tpu.vector_store %arg20[%swap3A_627, %swap3A_628], %mul3A_626 {strides = array<i32>} : memref<64x128xf32, #tpu.memory_space<vmem>>, vector<16xf32>,
        %get3A_630 = arith.index_cast %scan3A_592 : i32 to index
        %get3A_631 = arith.constant 80 : index
        %get3A_632 = tpu.vector_load %arg20[%get3A_630, %get3A_631] {strides = array<i32>} : memref<64x128xf32, #tpu.memory_space<vmem>>, vector<16xf32>,
        %mul3A_633 = arith.mulf %get3A_632, %gather3A_594 : vector<16xf32>
        %swap3A_634 = arith.index_cast %scan3A_592 : i32 to index
        %swap3A_635 = arith.constant 80 : index
        %swap3A_636 = tpu.vector_load %arg20[%swap3A_634, %swap3A_635] {strides = array<i32>} : memref<64x128xf32, #tpu.memory_space<vmem>>, vector<16xf32>,
        tpu.vector_store %arg20[%swap3A_634, %swap3A_635], %mul3A_633 {strides = array<i32>} : memref<64x128xf32, #tpu.memory_space<vmem>>, vector<16xf32>,
        %get3A_637 = arith.index_cast %scan3A_592 : i32 to index
        %get3A_638 = arith.constant 96 : index
        %get3A_639 = tpu.vector_load %arg20[%get3A_637, %get3A_638] {strides = array<i32>} : memref<64x128xf32, #tpu.memory_space<vmem>>, vector<16xf32>,
        %mul3A_640 = arith.mulf %get3A_639, %gather3A_594 : vector<16xf32>
        %swap3A_641 = arith.index_cast %scan3A_592 : i32 to index
        %swap3A_642 = arith.constant 96 : index
        %swap3A_643 = tpu.vector_load %arg20[%swap3A_641, %swap3A_642] {strides = array<i32>} : memref<64x128xf32, #tpu.memory_space<vmem>>, vector<16xf32>,
        tpu.vector_store %arg20[%swap3A_641, %swap3A_642], %mul3A_640 {strides = array<i32>} : memref<64x128xf32, #tpu.memory_space<vmem>>, vector<16xf32>,
        %get3A_644 = arith.index_cast %scan3A_592 : i32 to index
        %get3A_645 = arith.constant 112 : index
        %get3A_646 = tpu.vector_load %arg20[%get3A_644, %get3A_645] {strides = array<i32>} : memref<64x128xf32, #tpu.memory_space<vmem>>, vector<16xf32>,
        %mul3A_647 = arith.mulf %get3A_646, %gather3A_594 : vector<16xf32>
        %swap3A_648 = arith.index_cast %scan3A_592 : i32 to index
        %swap3A_649 = arith.constant 112 : index
        %swap3A_650 = tpu.vector_load %arg20[%swap3A_648, %swap3A_649] {strides = array<i32>} : memref<64x128xf32, #tpu.memory_space<vmem>>, vector<16xf32>,
        tpu.vector_store %arg20[%swap3A_648, %swap3A_649], %mul3A_647 {strides = array<i32>} : memref<64x128xf32, #tpu.memory_space<vmem>>, vector<16xf32>,
      }
      %scan3A_346 = arith.constant 64 : i32
      %dma_start3A_347 = arith.constant 0 : i32
      %dma_start3A_348 = arith.constant 0 : i32
      %dma_start3A_349 = tpu.memref_slice %arg26[%dma_start3A_347, %dma_start3A_348] : memref<10240x128xf32, #tpu.memory_space<vmem_shared>> -> memref<10240x128xf32, #tpu.memory_space<vmem_shared>>
      tpu.enqueue_indirect_dma source(%arg20 : memref<64x128xf32, #tpu.memory_space<vmem>>) target(%dma_start3A_349 : memref<10240x128xf32, #tpu.memory_space<vmem_shared>>) offsets(%arg14 : memref<64xi32, #tpu.memory_space<vmem>>) semaphore(%arg30 : memref<!tpu.dma_semaphore, #tpu.memory_space<semaphore_mem>>) {add = true}
      %mul3A_350 = arith.constant 3 : i32
      %mul3A_351 = arith.muli %mul3A_350, %scan3A_320 : i32
      %add3A_352 = arith.constant 1 : i32
      %add3A_353 = arith.addi %mul3A_351, %add3A_352 : i32
      %lt3A_354 = arith.constant 160 : i32
      %lt3A_355 = arith.cmpi slt, %add3A_353, %lt3A_354 : i32
      %convert_element_type3A_356 = arith.extui %lt3A_355 : i1 to i32
      %cond3A_357 = arith.constant 0 : i32
      %cond3A_358 = arith.cmpi ne, %convert_element_type3A_356, %cond3A_357 : i32
      scf.if %cond3A_358 {
        %add3A_412 = arith.constant 2 : i32
        %add3A_413 = arith.addi %add3A_353, %add3A_412 : i32
        %mul3A_414 = arith.constant 64 : i32
        %mul3A_415 = arith.muli %add3A_413, %mul3A_414 : i32
        %add3A_416 = arith.addi %mul3A_60, %mul3A_415 : i32
        %dma_start3A_417 = tpu.memref_slice %arg2[%add3A_416] : memref<331776xi32, #tpu.memory_space<hbm>> -> memref<64xi32, #tpu.memory_space<hbm>>
        %dma_start3A_418 = tpu.memref_slice %arg2[%add3A_416] : memref<331776xi32, #tpu.memory_space<hbm>> -> memref<64xi32, #tpu.memory_space<hbm>>
        tpu.enqueue_dma source(%dma_start3A_418 : memref<64xi32, #tpu.memory_space<hbm>>) target(%arg8 : memref<64xi32, #tpu.memory_space<vmem>>) target_semaphore(%arg33 : memref<!tpu.dma_semaphore, #tpu.memory_space<semaphore_mem>>)
      } else {
      }
      %ge3A_359 = arith.constant 2 : i32
      %ge3A_360 = arith.cmpi sge, %add3A_353, %ge3A_359 : i32
      %convert_element_type3A_361 = arith.extui %ge3A_360 : i1 to i32
      %cond3A_362 = arith.constant 0 : i32
      %cond3A_363 = arith.cmpi ne, %convert_element_type3A_361, %cond3A_362 : i32
      scf.if %cond3A_363 {
        %dma_wait3A_412 = arith.constant 0 : i32
        %dma_wait3A_413 = arith.constant 0 : i32
        %dma_wait3A_414 = tpu.memref_slice %arg26[%dma_wait3A_412, %dma_wait3A_413] : memref<10240x128xf32, #tpu.memory_space<vmem_shared>> -> memref<10240x128xf32, #tpu.memory_space<vmem_shared>>
        tpu.wait_indirect_dma semaphore(%arg32 : memref<!tpu.dma_semaphore, #tpu.memory_space<semaphore_mem>>) src(%arg22 : memref<64x128xf32, #tpu.memory_space<vmem>>) dst(%dma_wait3A_414 : memref<10240x128xf32, #tpu.memory_space<vmem_shared>>)
      } else {
      }
      %lt3A_364 = arith.constant 161 : i32
      %lt3A_365 = arith.cmpi slt, %add3A_353, %lt3A_364 : i32
      %convert_element_type3A_366 = arith.extui %lt3A_365 : i1 to i32
      %cond3A_367 = arith.constant 0 : i32
      %cond3A_368 = arith.cmpi ne, %convert_element_type3A_366, %cond3A_367 : i32
      scf.if %cond3A_368 {
        %add3A_412 = arith.constant 1 : i32
        %add3A_413 = arith.addi %add3A_353, %add3A_412 : i32
        %mul3A_414 = arith.constant 64 : i32
        %mul3A_415 = arith.muli %add3A_413, %mul3A_414 : i32
        %add3A_416 = arith.addi %mul3A_60, %mul3A_415 : i32
        %dma_wait3A_417 = tpu.memref_slice %arg2[%add3A_416] : memref<331776xi32, #tpu.memory_space<hbm>> -> memref<64xi32, #tpu.memory_space<hbm>>
        %dma_wait3A_418 = tpu.memref_slice %arg2[%add3A_416] : memref<331776xi32, #tpu.memory_space<hbm>> -> memref<64xi32, #tpu.memory_space<hbm>>
        tpu.wait_dma2 semaphore(%arg35 : memref<!tpu.dma_semaphore, #tpu.memory_space<semaphore_mem>>) src(%dma_wait3A_418 : memref<64xi32, #tpu.memory_space<hbm>>) dst(%arg10 : memref<64xi32, #tpu.memory_space<vmem>>)
        %get3A_419 = arith.constant 0 : index
        %get3A_420 = tpu.vector_load %arg10[%get3A_419] {strides = array<i32>} : memref<64xi32, #tpu.memory_space<vmem>>, vector<16xi32>,
        %shift_right_arithmetic3A_421 = arith.constant 14 : i32
        %shift_right_arithmetic3A_422 = vector.broadcast %shift_right_arithmetic3A_421 : i32 to vector<16xi32>
        %shift_right_arithmetic3A_423 = arith.shrsi %get3A_420, %shift_right_arithmetic3A_422 : vector<16xi32>
        %swap3A_424 = arith.constant 0 : index
        %swap3A_425 = tpu.vector_load %arg13[%swap3A_424] {strides = array<i32>} : memref<64xi32, #tpu.memory_space<vmem>>, vector<16xi32>,
        tpu.vector_store %arg13[%swap3A_424], %shift_right_arithmetic3A_423 {strides = array<i32>} : memref<64xi32, #tpu.memory_space<vmem>>, vector<16xi32>,
        %and3A_426 = arith.constant 16383 : i32
        %and3A_427 = vector.broadcast %and3A_426 : i32 to vector<16xi32>
        %and3A_428 = arith.andi %get3A_420, %and3A_427 : vector<16xi32>
        %swap3A_429 = arith.constant 0 : index
        %swap3A_430 = tpu.vector_load %arg16[%swap3A_429] {strides = array<i32>} : memref<64xi32, #tpu.memory_space<vmem>>, vector<16xi32>,
        tpu.vector_store %arg16[%swap3A_429], %and3A_428 {strides = array<i32>} : memref<64xi32, #tpu.memory_space<vmem>>, vector<16xi32>,
        %get3A_431 = arith.constant 16 : index
        %get3A_432 = tpu.vector_load %arg10[%get3A_431] {strides = array<i32>} : memref<64xi32, #tpu.memory_space<vmem>>, vector<16xi32>,
        %shift_right_arithmetic3A_433 = arith.constant 14 : i32
        %shift_right_arithmetic3A_434 = vector.broadcast %shift_right_arithmetic3A_433 : i32 to vector<16xi32>
        %shift_right_arithmetic3A_435 = arith.shrsi %get3A_432, %shift_right_arithmetic3A_434 : vector<16xi32>
        %swap3A_436 = arith.constant 16 : index
        %swap3A_437 = tpu.vector_load %arg13[%swap3A_436] {strides = array<i32>} : memref<64xi32, #tpu.memory_space<vmem>>, vector<16xi32>,
        tpu.vector_store %arg13[%swap3A_436], %shift_right_arithmetic3A_435 {strides = array<i32>} : memref<64xi32, #tpu.memory_space<vmem>>, vector<16xi32>,
        %and3A_438 = arith.constant 16383 : i32
        %and3A_439 = vector.broadcast %and3A_438 : i32 to vector<16xi32>
        %and3A_440 = arith.andi %get3A_432, %and3A_439 : vector<16xi32>
        %swap3A_441 = arith.constant 16 : index
        %swap3A_442 = tpu.vector_load %arg16[%swap3A_441] {strides = array<i32>} : memref<64xi32, #tpu.memory_space<vmem>>, vector<16xi32>,
        tpu.vector_store %arg16[%swap3A_441], %and3A_440 {strides = array<i32>} : memref<64xi32, #tpu.memory_space<vmem>>, vector<16xi32>,
        %get3A_443 = arith.constant 32 : index
        %get3A_444 = tpu.vector_load %arg10[%get3A_443] {strides = array<i32>} : memref<64xi32, #tpu.memory_space<vmem>>, vector<16xi32>,
        %shift_right_arithmetic3A_445 = arith.constant 14 : i32
        %shift_right_arithmetic3A_446 = vector.broadcast %shift_right_arithmetic3A_445 : i32 to vector<16xi32>
        %shift_right_arithmetic3A_447 = arith.shrsi %get3A_444, %shift_right_arithmetic3A_446 : vector<16xi32>
        %swap3A_448 = arith.constant 32 : index
        %swap3A_449 = tpu.vector_load %arg13[%swap3A_448] {strides = array<i32>} : memref<64xi32, #tpu.memory_space<vmem>>, vector<16xi32>,
        tpu.vector_store %arg13[%swap3A_448], %shift_right_arithmetic3A_447 {strides = array<i32>} : memref<64xi32, #tpu.memory_space<vmem>>, vector<16xi32>,
        %and3A_450 = arith.constant 16383 : i32
        %and3A_451 = vector.broadcast %and3A_450 : i32 to vector<16xi32>
        %and3A_452 = arith.andi %get3A_444, %and3A_451 : vector<16xi32>
        %swap3A_453 = arith.constant 32 : index
        %swap3A_454 = tpu.vector_load %arg16[%swap3A_453] {strides = array<i32>} : memref<64xi32, #tpu.memory_space<vmem>>, vector<16xi32>,
        tpu.vector_store %arg16[%swap3A_453], %and3A_452 {strides = array<i32>} : memref<64xi32, #tpu.memory_space<vmem>>, vector<16xi32>,
        %get3A_455 = arith.constant 48 : index
        %get3A_456 = tpu.vector_load %arg10[%get3A_455] {strides = array<i32>} : memref<64xi32, #tpu.memory_space<vmem>>, vector<16xi32>,
        %shift_right_arithmetic3A_457 = arith.constant 14 : i32
        %shift_right_arithmetic3A_458 = vector.broadcast %shift_right_arithmetic3A_457 : i32 to vector<16xi32>
        %shift_right_arithmetic3A_459 = arith.shrsi %get3A_456, %shift_right_arithmetic3A_458 : vector<16xi32>
        %swap3A_460 = arith.constant 48 : index
        %swap3A_461 = tpu.vector_load %arg13[%swap3A_460] {strides = array<i32>} : memref<64xi32, #tpu.memory_space<vmem>>, vector<16xi32>,
        tpu.vector_store %arg13[%swap3A_460], %shift_right_arithmetic3A_459 {strides = array<i32>} : memref<64xi32, #tpu.memory_space<vmem>>, vector<16xi32>,
        %and3A_462 = arith.constant 16383 : i32
        %and3A_463 = vector.broadcast %and3A_462 : i32 to vector<16xi32>
        %and3A_464 = arith.andi %get3A_456, %and3A_463 : vector<16xi32>
        %swap3A_465 = arith.constant 48 : index
        %swap3A_466 = tpu.vector_load %arg16[%swap3A_465] {strides = array<i32>} : memref<64xi32, #tpu.memory_space<vmem>>, vector<16xi32>,
        tpu.vector_store %arg16[%swap3A_465], %and3A_464 {strides = array<i32>} : memref<64xi32, #tpu.memory_space<vmem>>, vector<16xi32>,
        %dma_start3A_467 = arith.constant 0 : i32
        %dma_start3A_468 = arith.constant 0 : i32
        %dma_start3A_469 = tpu.memref_slice %arg5[%dma_start3A_467, %dma_start3A_468] : memref<10000x128xf32, #tpu.memory_space<hbm>> -> memref<10000x128xf32, #tpu.memory_space<hbm>>
        tpu.enqueue_indirect_dma source(%dma_start3A_469 : memref<10000x128xf32, #tpu.memory_space<hbm>>) target(%arg22 : memref<64x128xf32, #tpu.memory_space<vmem>>) offsets(%arg13 : memref<64xi32, #tpu.memory_space<vmem>>) semaphore(%arg29 : memref<!tpu.dma_semaphore, #tpu.memory_space<semaphore_mem>>)
        %get3A_470 = arith.constant 0 : index
        %get3A_471 = tpu.vector_load %arg25[%get3A_470] {strides = array<i32>} : memref<16xf32, #tpu.memory_space<vmem>>, vector<16xf32>,
        %get3A_472 = arith.constant 0 : index
        %get3A_473 = tpu.vector_load %arg13[%get3A_472] {strides = array<i32>} : memref<64xi32, #tpu.memory_space<vmem>>, vector<16xi32>,
        %get3A_474 = arith.constant 0 : index
        %get3A_475 = tpu.vector_load %arg16[%get3A_474] {strides = array<i32>} : memref<64xi32, #tpu.memory_space<vmem>>, vector<16xi32>,
        %gather3A_476 = tpu.vector_load_idx %arg23[%get3A_473] : memref<10000xi32, #tpu.memory_space<vmem>>[vector<16xi32>], vector<16xi32>,
        %gather3A_477 = tpu.vector_load_idx %arg23[%get3A_475] : memref<10000xi32, #tpu.memory_space<vmem>>[vector<16xi32>], vector<16xi32>,
        %shift_right_arithmetic3A_478 = arith.constant 16 : i32
        %shift_right_arithmetic3A_479 = vector.broadcast %shift_right_arithmetic3A_478 : i32 to vector<16xi32>
        %shift_right_arithmetic3A_480 = arith.shrsi %gather3A_476, %shift_right_arithmetic3A_479 : vector<16xi32>
        %convert_element_type3A_481 = arith.sitofp %shift_right_arithmetic3A_480 : vector<16xi32> to vector<16xf32>
        %mul3A_482 = arith.constant 0.001953125 : f32
        %mul3A_483 = vector.broadcast %mul3A_482 : f32 to vector<16xf32>
        %mul3A_484 = arith.mulf %convert_element_type3A_481, %mul3A_483 : vector<16xf32>
        %shift_left3A_485 = arith.constant 16 : i32
        %shift_left3A_486 = vector.broadcast %shift_left3A_485 : i32 to vector<16xi32>
        %shift_left3A_487 = arith.shli %gather3A_477, %shift_left3A_486 : vector<16xi32>
        %shift_right_arithmetic3A_488 = arith.constant 16 : i32
        %shift_right_arithmetic3A_489 = vector.broadcast %shift_right_arithmetic3A_488 : i32 to vector<16xi32>
        %shift_right_arithmetic3A_490 = arith.shrsi %shift_left3A_487, %shift_right_arithmetic3A_489 : vector<16xi32>
        %convert_element_type3A_491 = arith.sitofp %shift_right_arithmetic3A_490 : vector<16xi32> to vector<16xf32>
        %mul3A_492 = arith.constant 0.001953125 : f32
        %mul3A_493 = vector.broadcast %mul3A_492 : f32 to vector<16xf32>
        %mul3A_494 = arith.mulf %convert_element_type3A_491, %mul3A_493 : vector<16xf32>
        %add3A_495 = arith.addf %mul3A_484, %mul3A_494 : vector<16xf32>
        %mul3A_496 = arith.constant 2.000000e-01 : f32
        %mul3A_497 = vector.broadcast %mul3A_496 : f32 to vector<16xf32>
        %mul3A_498 = arith.mulf %mul3A_497, %add3A_495 : vector<16xf32>
        %max3A_499 = arith.maximumf %add3A_495, %mul3A_498 : vector<16xf32>
        %add3A_500 = arith.addf %get3A_471, %mul3A_494 : vector<16xf32>
        %mul3A_501 = arith.constant 2.000000e-01 : f32
        %mul3A_502 = vector.broadcast %mul3A_501 : f32 to vector<16xf32>
        %mul3A_503 = arith.mulf %mul3A_502, %add3A_500 : vector<16xf32>
        %max3A_504 = arith.maximumf %add3A_500, %mul3A_503 : vector<16xf32>
        %sub3A_505 = arith.subf %max3A_499, %max3A_504 : vector<16xf32>
        %exp3A_506 = math.exp %sub3A_505 : vector<16xf32>
        %add3A_507 = arith.constant 0 : i32
        %add3A_508 = arith.addi %add3A_416, %add3A_507 : i32
        %iota3A_509 = tpu.iota {dimensions = array<i32: 0>} : vector<16xi32>
        %add3A_510 = vector.broadcast %add3A_508 : i32 to vector<16xi32>
        %add3A_511 = arith.addi %add3A_510, %iota3A_509 : vector<16xi32>
        %lt3A_512 = arith.constant 330000 : i32
        %lt3A_513 = vector.broadcast %lt3A_512 : i32 to vector<16xi32>
        %lt3A_514 = arith.cmpi slt, %add3A_511, %lt3A_513 : vector<16xi32>
        %jit3A_515 = arith.constant 0.000000e+00 : f32
        %broadcast_in_dim3A_516 = vector.broadcast %jit3A_515 : f32 to vector<16xf32>
        %select_n3A_517 = arith.select %lt3A_514, %exp3A_506, %broadcast_in_dim3A_516 : vector<16xi1>, vector<16xf32>
        tpu.vector_store_idx %arg24[%get3A_475], %select_n3A_517 {add = true} : memref<10000xf32, #tpu.memory_space<vmem>>[vector<16xi32>], vector<16xf32>,
        %swap3A_518 = arith.constant 0 : index
        %swap3A_519 = tpu.vector_load %arg19[%swap3A_518] {strides = array<i32>} : memref<64xf32, #tpu.memory_space<vmem>>, vector<16xf32>,
        tpu.vector_store %arg19[%swap3A_518], %select_n3A_517 {strides = array<i32>} : memref<64xf32, #tpu.memory_space<vmem>>, vector<16xf32>,
        %get3A_520 = arith.constant 16 : index
        %get3A_521 = tpu.vector_load %arg13[%get3A_520] {strides = array<i32>} : memref<64xi32, #tpu.memory_space<vmem>>, vector<16xi32>,
        %get3A_522 = arith.constant 16 : index
        %get3A_523 = tpu.vector_load %arg16[%get3A_522] {strides = array<i32>} : memref<64xi32, #tpu.memory_space<vmem>>, vector<16xi32>,
        %gather3A_524 = tpu.vector_load_idx %arg23[%get3A_521] : memref<10000xi32, #tpu.memory_space<vmem>>[vector<16xi32>], vector<16xi32>,
        %gather3A_525 = tpu.vector_load_idx %arg23[%get3A_523] : memref<10000xi32, #tpu.memory_space<vmem>>[vector<16xi32>], vector<16xi32>,
        %shift_right_arithmetic3A_526 = arith.constant 16 : i32
        %shift_right_arithmetic3A_527 = vector.broadcast %shift_right_arithmetic3A_526 : i32 to vector<16xi32>
        %shift_right_arithmetic3A_528 = arith.shrsi %gather3A_524, %shift_right_arithmetic3A_527 : vector<16xi32>
        %convert_element_type3A_529 = arith.sitofp %shift_right_arithmetic3A_528 : vector<16xi32> to vector<16xf32>
        %mul3A_530 = arith.constant 0.001953125 : f32
        %mul3A_531 = vector.broadcast %mul3A_530 : f32 to vector<16xf32>
        %mul3A_532 = arith.mulf %convert_element_type3A_529, %mul3A_531 : vector<16xf32>
        %shift_left3A_533 = arith.constant 16 : i32
        %shift_left3A_534 = vector.broadcast %shift_left3A_533 : i32 to vector<16xi32>
        %shift_left3A_535 = arith.shli %gather3A_525, %shift_left3A_534 : vector<16xi32>
        %shift_right_arithmetic3A_536 = arith.constant 16 : i32
        %shift_right_arithmetic3A_537 = vector.broadcast %shift_right_arithmetic3A_536 : i32 to vector<16xi32>
        %shift_right_arithmetic3A_538 = arith.shrsi %shift_left3A_535, %shift_right_arithmetic3A_537 : vector<16xi32>
        %convert_element_type3A_539 = arith.sitofp %shift_right_arithmetic3A_538 : vector<16xi32> to vector<16xf32>
        %mul3A_540 = arith.constant 0.001953125 : f32
        %mul3A_541 = vector.broadcast %mul3A_540 : f32 to vector<16xf32>
        %mul3A_542 = arith.mulf %convert_element_type3A_539, %mul3A_541 : vector<16xf32>
        %add3A_543 = arith.addf %mul3A_532, %mul3A_542 : vector<16xf32>
        %mul3A_544 = arith.constant 2.000000e-01 : f32
        %mul3A_545 = vector.broadcast %mul3A_544 : f32 to vector<16xf32>
        %mul3A_546 = arith.mulf %mul3A_545, %add3A_543 : vector<16xf32>
        %max3A_547 = arith.maximumf %add3A_543, %mul3A_546 : vector<16xf32>
        %add3A_548 = arith.addf %get3A_471, %mul3A_542 : vector<16xf32>
        %mul3A_549 = arith.constant 2.000000e-01 : f32
        %mul3A_550 = vector.broadcast %mul3A_549 : f32 to vector<16xf32>
        %mul3A_551 = arith.mulf %mul3A_550, %add3A_548 : vector<16xf32>
        %max3A_552 = arith.maximumf %add3A_548, %mul3A_551 : vector<16xf32>
        %sub3A_553 = arith.subf %max3A_547, %max3A_552 : vector<16xf32>
        %exp3A_554 = math.exp %sub3A_553 : vector<16xf32>
        %add3A_555 = arith.constant 16 : i32
        %add3A_556 = arith.addi %add3A_416, %add3A_555 : i32
        %iota3A_557 = tpu.iota {dimensions = array<i32: 0>} : vector<16xi32>
        %add3A_558 = vector.broadcast %add3A_556 : i32 to vector<16xi32>
        %add3A_559 = arith.addi %add3A_558, %iota3A_557 : vector<16xi32>
        %lt3A_560 = arith.constant 330000 : i32
        %lt3A_561 = vector.broadcast %lt3A_560 : i32 to vector<16xi32>
        %lt3A_562 = arith.cmpi slt, %add3A_559, %lt3A_561 : vector<16xi32>
        %jit3A_563 = arith.constant 0.000000e+00 : f32
        %broadcast_in_dim3A_564 = vector.broadcast %jit3A_563 : f32 to vector<16xf32>
        %select_n3A_565 = arith.select %lt3A_562, %exp3A_554, %broadcast_in_dim3A_564 : vector<16xi1>, vector<16xf32>
        tpu.vector_store_idx %arg24[%get3A_523], %select_n3A_565 {add = true} : memref<10000xf32, #tpu.memory_space<vmem>>[vector<16xi32>], vector<16xf32>,
        %swap3A_566 = arith.constant 16 : index
        %swap3A_567 = tpu.vector_load %arg19[%swap3A_566] {strides = array<i32>} : memref<64xf32, #tpu.memory_space<vmem>>, vector<16xf32>,
        tpu.vector_store %arg19[%swap3A_566], %select_n3A_565 {strides = array<i32>} : memref<64xf32, #tpu.memory_space<vmem>>, vector<16xf32>,
        %get3A_568 = arith.constant 32 : index
        %get3A_569 = tpu.vector_load %arg13[%get3A_568] {strides = array<i32>} : memref<64xi32, #tpu.memory_space<vmem>>, vector<16xi32>,
        %get3A_570 = arith.constant 32 : index
        %get3A_571 = tpu.vector_load %arg16[%get3A_570] {strides = array<i32>} : memref<64xi32, #tpu.memory_space<vmem>>, vector<16xi32>,
        %gather3A_572 = tpu.vector_load_idx %arg23[%get3A_569] : memref<10000xi32, #tpu.memory_space<vmem>>[vector<16xi32>], vector<16xi32>,
        %gather3A_573 = tpu.vector_load_idx %arg23[%get3A_571] : memref<10000xi32, #tpu.memory_space<vmem>>[vector<16xi32>], vector<16xi32>,
        %shift_right_arithmetic3A_574 = arith.constant 16 : i32
        %shift_right_arithmetic3A_575 = vector.broadcast %shift_right_arithmetic3A_574 : i32 to vector<16xi32>
        %shift_right_arithmetic3A_576 = arith.shrsi %gather3A_572, %shift_right_arithmetic3A_575 : vector<16xi32>
        %convert_element_type3A_577 = arith.sitofp %shift_right_arithmetic3A_576 : vector<16xi32> to vector<16xf32>
        %mul3A_578 = arith.constant 0.001953125 : f32
        %mul3A_579 = vector.broadcast %mul3A_578 : f32 to vector<16xf32>
        %mul3A_580 = arith.mulf %convert_element_type3A_577, %mul3A_579 : vector<16xf32>
        %shift_left3A_581 = arith.constant 16 : i32
        %shift_left3A_582 = vector.broadcast %shift_left3A_581 : i32 to vector<16xi32>
        %shift_left3A_583 = arith.shli %gather3A_573, %shift_left3A_582 : vector<16xi32>
        %shift_right_arithmetic3A_584 = arith.constant 16 : i32
        %shift_right_arithmetic3A_585 = vector.broadcast %shift_right_arithmetic3A_584 : i32 to vector<16xi32>
        %shift_right_arithmetic3A_586 = arith.shrsi %shift_left3A_583, %shift_right_arithmetic3A_585 : vector<16xi32>
        %convert_element_type3A_587 = arith.sitofp %shift_right_arithmetic3A_586 : vector<16xi32> to vector<16xf32>
        %mul3A_588 = arith.constant 0.001953125 : f32
        %mul3A_589 = vector.broadcast %mul3A_588 : f32 to vector<16xf32>
        %mul3A_590 = arith.mulf %convert_element_type3A_587, %mul3A_589 : vector<16xf32>
        %add3A_591 = arith.addf %mul3A_580, %mul3A_590 : vector<16xf32>
        %mul3A_592 = arith.constant 2.000000e-01 : f32
        %mul3A_593 = vector.broadcast %mul3A_592 : f32 to vector<16xf32>
        %mul3A_594 = arith.mulf %mul3A_593, %add3A_591 : vector<16xf32>
        %max3A_595 = arith.maximumf %add3A_591, %mul3A_594 : vector<16xf32>
        %add3A_596 = arith.addf %get3A_471, %mul3A_590 : vector<16xf32>
        %mul3A_597 = arith.constant 2.000000e-01 : f32
        %mul3A_598 = vector.broadcast %mul3A_597 : f32 to vector<16xf32>
        %mul3A_599 = arith.mulf %mul3A_598, %add3A_596 : vector<16xf32>
        %max3A_600 = arith.maximumf %add3A_596, %mul3A_599 : vector<16xf32>
        %sub3A_601 = arith.subf %max3A_595, %max3A_600 : vector<16xf32>
        %exp3A_602 = math.exp %sub3A_601 : vector<16xf32>
        %add3A_603 = arith.constant 32 : i32
        %add3A_604 = arith.addi %add3A_416, %add3A_603 : i32
        %iota3A_605 = tpu.iota {dimensions = array<i32: 0>} : vector<16xi32>
        %add3A_606 = vector.broadcast %add3A_604 : i32 to vector<16xi32>
        %add3A_607 = arith.addi %add3A_606, %iota3A_605 : vector<16xi32>
        %lt3A_608 = arith.constant 330000 : i32
        %lt3A_609 = vector.broadcast %lt3A_608 : i32 to vector<16xi32>
        %lt3A_610 = arith.cmpi slt, %add3A_607, %lt3A_609 : vector<16xi32>
        %jit3A_611 = arith.constant 0.000000e+00 : f32
        %broadcast_in_dim3A_612 = vector.broadcast %jit3A_611 : f32 to vector<16xf32>
        %select_n3A_613 = arith.select %lt3A_610, %exp3A_602, %broadcast_in_dim3A_612 : vector<16xi1>, vector<16xf32>
        tpu.vector_store_idx %arg24[%get3A_571], %select_n3A_613 {add = true} : memref<10000xf32, #tpu.memory_space<vmem>>[vector<16xi32>], vector<16xf32>,
        %swap3A_614 = arith.constant 32 : index
        %swap3A_615 = tpu.vector_load %arg19[%swap3A_614] {strides = array<i32>} : memref<64xf32, #tpu.memory_space<vmem>>, vector<16xf32>,
        tpu.vector_store %arg19[%swap3A_614], %select_n3A_613 {strides = array<i32>} : memref<64xf32, #tpu.memory_space<vmem>>, vector<16xf32>,
        %get3A_616 = arith.constant 48 : index
        %get3A_617 = tpu.vector_load %arg13[%get3A_616] {strides = array<i32>} : memref<64xi32, #tpu.memory_space<vmem>>, vector<16xi32>,
        %get3A_618 = arith.constant 48 : index
        %get3A_619 = tpu.vector_load %arg16[%get3A_618] {strides = array<i32>} : memref<64xi32, #tpu.memory_space<vmem>>, vector<16xi32>,
        %gather3A_620 = tpu.vector_load_idx %arg23[%get3A_617] : memref<10000xi32, #tpu.memory_space<vmem>>[vector<16xi32>], vector<16xi32>,
        %gather3A_621 = tpu.vector_load_idx %arg23[%get3A_619] : memref<10000xi32, #tpu.memory_space<vmem>>[vector<16xi32>], vector<16xi32>,
        %shift_right_arithmetic3A_622 = arith.constant 16 : i32
        %shift_right_arithmetic3A_623 = vector.broadcast %shift_right_arithmetic3A_622 : i32 to vector<16xi32>
        %shift_right_arithmetic3A_624 = arith.shrsi %gather3A_620, %shift_right_arithmetic3A_623 : vector<16xi32>
        %convert_element_type3A_625 = arith.sitofp %shift_right_arithmetic3A_624 : vector<16xi32> to vector<16xf32>
        %mul3A_626 = arith.constant 0.001953125 : f32
        %mul3A_627 = vector.broadcast %mul3A_626 : f32 to vector<16xf32>
        %mul3A_628 = arith.mulf %convert_element_type3A_625, %mul3A_627 : vector<16xf32>
        %shift_left3A_629 = arith.constant 16 : i32
        %shift_left3A_630 = vector.broadcast %shift_left3A_629 : i32 to vector<16xi32>
        %shift_left3A_631 = arith.shli %gather3A_621, %shift_left3A_630 : vector<16xi32>
        %shift_right_arithmetic3A_632 = arith.constant 16 : i32
        %shift_right_arithmetic3A_633 = vector.broadcast %shift_right_arithmetic3A_632 : i32 to vector<16xi32>
        %shift_right_arithmetic3A_634 = arith.shrsi %shift_left3A_631, %shift_right_arithmetic3A_633 : vector<16xi32>
        %convert_element_type3A_635 = arith.sitofp %shift_right_arithmetic3A_634 : vector<16xi32> to vector<16xf32>
        %mul3A_636 = arith.constant 0.001953125 : f32
        %mul3A_637 = vector.broadcast %mul3A_636 : f32 to vector<16xf32>
        %mul3A_638 = arith.mulf %convert_element_type3A_635, %mul3A_637 : vector<16xf32>
        %add3A_639 = arith.addf %mul3A_628, %mul3A_638 : vector<16xf32>
        %mul3A_640 = arith.constant 2.000000e-01 : f32
        %mul3A_641 = vector.broadcast %mul3A_640 : f32 to vector<16xf32>
        %mul3A_642 = arith.mulf %mul3A_641, %add3A_639 : vector<16xf32>
        %max3A_643 = arith.maximumf %add3A_639, %mul3A_642 : vector<16xf32>
        %add3A_644 = arith.addf %get3A_471, %mul3A_638 : vector<16xf32>
        %mul3A_645 = arith.constant 2.000000e-01 : f32
        %mul3A_646 = vector.broadcast %mul3A_645 : f32 to vector<16xf32>
        %mul3A_647 = arith.mulf %mul3A_646, %add3A_644 : vector<16xf32>
        %max3A_648 = arith.maximumf %add3A_644, %mul3A_647 : vector<16xf32>
        %sub3A_649 = arith.subf %max3A_643, %max3A_648 : vector<16xf32>
        %exp3A_650 = math.exp %sub3A_649 : vector<16xf32>
        %add3A_651 = arith.constant 48 : i32
        %add3A_652 = arith.addi %add3A_416, %add3A_651 : i32
        %iota3A_653 = tpu.iota {dimensions = array<i32: 0>} : vector<16xi32>
        %add3A_654 = vector.broadcast %add3A_652 : i32 to vector<16xi32>
        %add3A_655 = arith.addi %add3A_654, %iota3A_653 : vector<16xi32>
        %lt3A_656 = arith.constant 330000 : i32
        %lt3A_657 = vector.broadcast %lt3A_656 : i32 to vector<16xi32>
        %lt3A_658 = arith.cmpi slt, %add3A_655, %lt3A_657 : vector<16xi32>
        %jit3A_659 = arith.constant 0.000000e+00 : f32
        %broadcast_in_dim3A_660 = vector.broadcast %jit3A_659 : f32 to vector<16xf32>
        %select_n3A_661 = arith.select %lt3A_658, %exp3A_650, %broadcast_in_dim3A_660 : vector<16xi1>, vector<16xf32>
        tpu.vector_store_idx %arg24[%get3A_619], %select_n3A_661 {add = true} : memref<10000xf32, #tpu.memory_space<vmem>>[vector<16xi32>], vector<16xf32>,
        %swap3A_662 = arith.constant 48 : index
        %swap3A_663 = tpu.vector_load %arg19[%swap3A_662] {strides = array<i32>} : memref<64xf32, #tpu.memory_space<vmem>>, vector<16xf32>,
        tpu.vector_store %arg19[%swap3A_662], %select_n3A_661 {strides = array<i32>} : memref<64xf32, #tpu.memory_space<vmem>>, vector<16xf32>,
      } else {
      }
      %dma_wait3A_369 = arith.constant 0 : i32
      %dma_wait3A_370 = arith.constant 0 : i32
      %dma_wait3A_371 = tpu.memref_slice %arg5[%dma_wait3A_369, %dma_wait3A_370] : memref<10000x128xf32, #tpu.memory_space<hbm>> -> memref<10000x128xf32, #tpu.memory_space<hbm>>
      tpu.wait_indirect_dma semaphore(%arg28 : memref<!tpu.dma_semaphore, #tpu.memory_space<semaphore_mem>>) src(%dma_wait3A_371 : memref<10000x128xf32, #tpu.memory_space<hbm>>) dst(%arg21 : memref<64x128xf32, #tpu.memory_space<vmem>>)
      %scan3A_372 = arith.constant 0 : i32
      %scan3A_373 = arith.constant 0 : i32
      %scan3A_374 = arith.constant 64 : i32
      %scan3A_375 = arith.addi %scan3A_373, %scan3A_374 : i32
      %scan3A_376 = arith.constant 4 : i32
      scf.for %scan3A_412 = %scan3A_373 to %scan3A_375 step %scan3A_376  : i32 {
        %broadcast_in_dim3A_413 = vector.broadcast %scan3A_412 : i32 to vector<16xi32>
        %gather3A_414 = tpu.vector_load_idx %arg18[%broadcast_in_dim3A_413] : memref<64xf32, #tpu.memory_space<vmem>>[vector<16xi32>], vector<16xf32>,
        %get3A_415 = arith.index_cast %scan3A_412 : i32 to index
        %get3A_416 = arith.constant 0 : index
        %get3A_417 = tpu.vector_load %arg21[%get3A_415, %get3A_416] {strides = array<i32>} : memref<64x128xf32, #tpu.memory_space<vmem>>, vector<16xf32>,
        %mul3A_418 = arith.mulf %get3A_417, %gather3A_414 : vector<16xf32>
        %swap3A_419 = arith.index_cast %scan3A_412 : i32 to index
        %swap3A_420 = arith.constant 0 : index
        %swap3A_421 = tpu.vector_load %arg21[%swap3A_419, %swap3A_420] {strides = array<i32>} : memref<64x128xf32, #tpu.memory_space<vmem>>, vector<16xf32>,
        tpu.vector_store %arg21[%swap3A_419, %swap3A_420], %mul3A_418 {strides = array<i32>} : memref<64x128xf32, #tpu.memory_space<vmem>>, vector<16xf32>,
        %get3A_422 = arith.index_cast %scan3A_412 : i32 to index
        %get3A_423 = arith.constant 16 : index
        %get3A_424 = tpu.vector_load %arg21[%get3A_422, %get3A_423] {strides = array<i32>} : memref<64x128xf32, #tpu.memory_space<vmem>>, vector<16xf32>,
        %mul3A_425 = arith.mulf %get3A_424, %gather3A_414 : vector<16xf32>
        %swap3A_426 = arith.index_cast %scan3A_412 : i32 to index
        %swap3A_427 = arith.constant 16 : index
        %swap3A_428 = tpu.vector_load %arg21[%swap3A_426, %swap3A_427] {strides = array<i32>} : memref<64x128xf32, #tpu.memory_space<vmem>>, vector<16xf32>,
        tpu.vector_store %arg21[%swap3A_426, %swap3A_427], %mul3A_425 {strides = array<i32>} : memref<64x128xf32, #tpu.memory_space<vmem>>, vector<16xf32>,
        %get3A_429 = arith.index_cast %scan3A_412 : i32 to index
        %get3A_430 = arith.constant 32 : index
        %get3A_431 = tpu.vector_load %arg21[%get3A_429, %get3A_430] {strides = array<i32>} : memref<64x128xf32, #tpu.memory_space<vmem>>, vector<16xf32>,
        %mul3A_432 = arith.mulf %get3A_431, %gather3A_414 : vector<16xf32>
        %swap3A_433 = arith.index_cast %scan3A_412 : i32 to index
        %swap3A_434 = arith.constant 32 : index
        %swap3A_435 = tpu.vector_load %arg21[%swap3A_433, %swap3A_434] {strides = array<i32>} : memref<64x128xf32, #tpu.memory_space<vmem>>, vector<16xf32>,
        tpu.vector_store %arg21[%swap3A_433, %swap3A_434], %mul3A_432 {strides = array<i32>} : memref<64x128xf32, #tpu.memory_space<vmem>>, vector<16xf32>,
        %get3A_436 = arith.index_cast %scan3A_412 : i32 to index
        %get3A_437 = arith.constant 48 : index
        %get3A_438 = tpu.vector_load %arg21[%get3A_436, %get3A_437] {strides = array<i32>} : memref<64x128xf32, #tpu.memory_space<vmem>>, vector<16xf32>,
        %mul3A_439 = arith.mulf %get3A_438, %gather3A_414 : vector<16xf32>
        %swap3A_440 = arith.index_cast %scan3A_412 : i32 to index
        %swap3A_441 = arith.constant 48 : index
        %swap3A_442 = tpu.vector_load %arg21[%swap3A_440, %swap3A_441] {strides = array<i32>} : memref<64x128xf32, #tpu.memory_space<vmem>>, vector<16xf32>,
        tpu.vector_store %arg21[%swap3A_440, %swap3A_441], %mul3A_439 {strides = array<i32>} : memref<64x128xf32, #tpu.memory_space<vmem>>, vector<16xf32>,
        %get3A_443 = arith.index_cast %scan3A_412 : i32 to index
        %get3A_444 = arith.constant 64 : index
        %get3A_445 = tpu.vector_load %arg21[%get3A_443, %get3A_444] {strides = array<i32>} : memref<64x128xf32, #tpu.memory_space<vmem>>, vector<16xf32>,
        %mul3A_446 = arith.mulf %get3A_445, %gather3A_414 : vector<16xf32>
        %swap3A_447 = arith.index_cast %scan3A_412 : i32 to index
        %swap3A_448 = arith.constant 64 : index
        %swap3A_449 = tpu.vector_load %arg21[%swap3A_447, %swap3A_448] {strides = array<i32>} : memref<64x128xf32, #tpu.memory_space<vmem>>, vector<16xf32>,
        tpu.vector_store %arg21[%swap3A_447, %swap3A_448], %mul3A_446 {strides = array<i32>} : memref<64x128xf32, #tpu.memory_space<vmem>>, vector<16xf32>,
        %get3A_450 = arith.index_cast %scan3A_412 : i32 to index
        %get3A_451 = arith.constant 80 : index
        %get3A_452 = tpu.vector_load %arg21[%get3A_450, %get3A_451] {strides = array<i32>} : memref<64x128xf32, #tpu.memory_space<vmem>>, vector<16xf32>,
        %mul3A_453 = arith.mulf %get3A_452, %gather3A_414 : vector<16xf32>
        %swap3A_454 = arith.index_cast %scan3A_412 : i32 to index
        %swap3A_455 = arith.constant 80 : index
        %swap3A_456 = tpu.vector_load %arg21[%swap3A_454, %swap3A_455] {strides = array<i32>} : memref<64x128xf32, #tpu.memory_space<vmem>>, vector<16xf32>,
        tpu.vector_store %arg21[%swap3A_454, %swap3A_455], %mul3A_453 {strides = array<i32>} : memref<64x128xf32, #tpu.memory_space<vmem>>, vector<16xf32>,
        %get3A_457 = arith.index_cast %scan3A_412 : i32 to index
        %get3A_458 = arith.constant 96 : index
        %get3A_459 = tpu.vector_load %arg21[%get3A_457, %get3A_458] {strides = array<i32>} : memref<64x128xf32, #tpu.memory_space<vmem>>, vector<16xf32>,
        %mul3A_460 = arith.mulf %get3A_459, %gather3A_414 : vector<16xf32>
        %swap3A_461 = arith.index_cast %scan3A_412 : i32 to index
        %swap3A_462 = arith.constant 96 : index
        %swap3A_463 = tpu.vector_load %arg21[%swap3A_461, %swap3A_462] {strides = array<i32>} : memref<64x128xf32, #tpu.memory_space<vmem>>, vector<16xf32>,
        tpu.vector_store %arg21[%swap3A_461, %swap3A_462], %mul3A_460 {strides = array<i32>} : memref<64x128xf32, #tpu.memory_space<vmem>>, vector<16xf32>,
        %get3A_464 = arith.index_cast %scan3A_412 : i32 to index
        %get3A_465 = arith.constant 112 : index
        %get3A_466 = tpu.vector_load %arg21[%get3A_464, %get3A_465] {strides = array<i32>} : memref<64x128xf32, #tpu.memory_space<vmem>>, vector<16xf32>,
        %mul3A_467 = arith.mulf %get3A_466, %gather3A_414 : vector<16xf32>
        %swap3A_468 = arith.index_cast %scan3A_412 : i32 to index
        %swap3A_469 = arith.constant 112 : index
        %swap3A_470 = tpu.vector_load %arg21[%swap3A_468, %swap3A_469] {strides = array<i32>} : memref<64x128xf32, #tpu.memory_space<vmem>>, vector<16xf32>,
        tpu.vector_store %arg21[%swap3A_468, %swap3A_469], %mul3A_467 {strides = array<i32>} : memref<64x128xf32, #tpu.memory_space<vmem>>, vector<16xf32>,
        %scan3A_471 = arith.constant 1 : i32
        %scan3A_472 = arith.addi %scan3A_412, %scan3A_471 : i32
        %broadcast_in_dim3A_473 = vector.broadcast %scan3A_472 : i32 to vector<16xi32>
        %gather3A_474 = tpu.vector_load_idx %arg18[%broadcast_in_dim3A_473] : memref<64xf32, #tpu.memory_space<vmem>>[vector<16xi32>], vector<16xf32>,
        %get3A_475 = arith.index_cast %scan3A_472 : i32 to index
        %get3A_476 = arith.constant 0 : index
        %get3A_477 = tpu.vector_load %arg21[%get3A_475, %get3A_476] {strides = array<i32>} : memref<64x128xf32, #tpu.memory_space<vmem>>, vector<16xf32>,
        %mul3A_478 = arith.mulf %get3A_477, %gather3A_474 : vector<16xf32>
        %swap3A_479 = arith.index_cast %scan3A_472 : i32 to index
        %swap3A_480 = arith.constant 0 : index
        %swap3A_481 = tpu.vector_load %arg21[%swap3A_479, %swap3A_480] {strides = array<i32>} : memref<64x128xf32, #tpu.memory_space<vmem>>, vector<16xf32>,
        tpu.vector_store %arg21[%swap3A_479, %swap3A_480], %mul3A_478 {strides = array<i32>} : memref<64x128xf32, #tpu.memory_space<vmem>>, vector<16xf32>,
        %get3A_482 = arith.index_cast %scan3A_472 : i32 to index
        %get3A_483 = arith.constant 16 : index
        %get3A_484 = tpu.vector_load %arg21[%get3A_482, %get3A_483] {strides = array<i32>} : memref<64x128xf32, #tpu.memory_space<vmem>>, vector<16xf32>,
        %mul3A_485 = arith.mulf %get3A_484, %gather3A_474 : vector<16xf32>
        %swap3A_486 = arith.index_cast %scan3A_472 : i32 to index
        %swap3A_487 = arith.constant 16 : index
        %swap3A_488 = tpu.vector_load %arg21[%swap3A_486, %swap3A_487] {strides = array<i32>} : memref<64x128xf32, #tpu.memory_space<vmem>>, vector<16xf32>,
        tpu.vector_store %arg21[%swap3A_486, %swap3A_487], %mul3A_485 {strides = array<i32>} : memref<64x128xf32, #tpu.memory_space<vmem>>, vector<16xf32>,
        %get3A_489 = arith.index_cast %scan3A_472 : i32 to index
        %get3A_490 = arith.constant 32 : index
        %get3A_491 = tpu.vector_load %arg21[%get3A_489, %get3A_490] {strides = array<i32>} : memref<64x128xf32, #tpu.memory_space<vmem>>, vector<16xf32>,
        %mul3A_492 = arith.mulf %get3A_491, %gather3A_474 : vector<16xf32>
        %swap3A_493 = arith.index_cast %scan3A_472 : i32 to index
        %swap3A_494 = arith.constant 32 : index
        %swap3A_495 = tpu.vector_load %arg21[%swap3A_493, %swap3A_494] {strides = array<i32>} : memref<64x128xf32, #tpu.memory_space<vmem>>, vector<16xf32>,
        tpu.vector_store %arg21[%swap3A_493, %swap3A_494], %mul3A_492 {strides = array<i32>} : memref<64x128xf32, #tpu.memory_space<vmem>>, vector<16xf32>,
        %get3A_496 = arith.index_cast %scan3A_472 : i32 to index
        %get3A_497 = arith.constant 48 : index
        %get3A_498 = tpu.vector_load %arg21[%get3A_496, %get3A_497] {strides = array<i32>} : memref<64x128xf32, #tpu.memory_space<vmem>>, vector<16xf32>,
        %mul3A_499 = arith.mulf %get3A_498, %gather3A_474 : vector<16xf32>
        %swap3A_500 = arith.index_cast %scan3A_472 : i32 to index
        %swap3A_501 = arith.constant 48 : index
        %swap3A_502 = tpu.vector_load %arg21[%swap3A_500, %swap3A_501] {strides = array<i32>} : memref<64x128xf32, #tpu.memory_space<vmem>>, vector<16xf32>,
        tpu.vector_store %arg21[%swap3A_500, %swap3A_501], %mul3A_499 {strides = array<i32>} : memref<64x128xf32, #tpu.memory_space<vmem>>, vector<16xf32>,
        %get3A_503 = arith.index_cast %scan3A_472 : i32 to index
        %get3A_504 = arith.constant 64 : index
        %get3A_505 = tpu.vector_load %arg21[%get3A_503, %get3A_504] {strides = array<i32>} : memref<64x128xf32, #tpu.memory_space<vmem>>, vector<16xf32>,
        %mul3A_506 = arith.mulf %get3A_505, %gather3A_474 : vector<16xf32>
        %swap3A_507 = arith.index_cast %scan3A_472 : i32 to index
        %swap3A_508 = arith.constant 64 : index
        %swap3A_509 = tpu.vector_load %arg21[%swap3A_507, %swap3A_508] {strides = array<i32>} : memref<64x128xf32, #tpu.memory_space<vmem>>, vector<16xf32>,
        tpu.vector_store %arg21[%swap3A_507, %swap3A_508], %mul3A_506 {strides = array<i32>} : memref<64x128xf32, #tpu.memory_space<vmem>>, vector<16xf32>,
        %get3A_510 = arith.index_cast %scan3A_472 : i32 to index
        %get3A_511 = arith.constant 80 : index
        %get3A_512 = tpu.vector_load %arg21[%get3A_510, %get3A_511] {strides = array<i32>} : memref<64x128xf32, #tpu.memory_space<vmem>>, vector<16xf32>,
        %mul3A_513 = arith.mulf %get3A_512, %gather3A_474 : vector<16xf32>
        %swap3A_514 = arith.index_cast %scan3A_472 : i32 to index
        %swap3A_515 = arith.constant 80 : index
        %swap3A_516 = tpu.vector_load %arg21[%swap3A_514, %swap3A_515] {strides = array<i32>} : memref<64x128xf32, #tpu.memory_space<vmem>>, vector<16xf32>,
        tpu.vector_store %arg21[%swap3A_514, %swap3A_515], %mul3A_513 {strides = array<i32>} : memref<64x128xf32, #tpu.memory_space<vmem>>, vector<16xf32>,
        %get3A_517 = arith.index_cast %scan3A_472 : i32 to index
        %get3A_518 = arith.constant 96 : index
        %get3A_519 = tpu.vector_load %arg21[%get3A_517, %get3A_518] {strides = array<i32>} : memref<64x128xf32, #tpu.memory_space<vmem>>, vector<16xf32>,
        %mul3A_520 = arith.mulf %get3A_519, %gather3A_474 : vector<16xf32>
        %swap3A_521 = arith.index_cast %scan3A_472 : i32 to index
        %swap3A_522 = arith.constant 96 : index
        %swap3A_523 = tpu.vector_load %arg21[%swap3A_521, %swap3A_522] {strides = array<i32>} : memref<64x128xf32, #tpu.memory_space<vmem>>, vector<16xf32>,
        tpu.vector_store %arg21[%swap3A_521, %swap3A_522], %mul3A_520 {strides = array<i32>} : memref<64x128xf32, #tpu.memory_space<vmem>>, vector<16xf32>,
        %get3A_524 = arith.index_cast %scan3A_472 : i32 to index
        %get3A_525 = arith.constant 112 : index
        %get3A_526 = tpu.vector_load %arg21[%get3A_524, %get3A_525] {strides = array<i32>} : memref<64x128xf32, #tpu.memory_space<vmem>>, vector<16xf32>,
        %mul3A_527 = arith.mulf %get3A_526, %gather3A_474 : vector<16xf32>
        %swap3A_528 = arith.index_cast %scan3A_472 : i32 to index
        %swap3A_529 = arith.constant 112 : index
        %swap3A_530 = tpu.vector_load %arg21[%swap3A_528, %swap3A_529] {strides = array<i32>} : memref<64x128xf32, #tpu.memory_space<vmem>>, vector<16xf32>,
        tpu.vector_store %arg21[%swap3A_528, %swap3A_529], %mul3A_527 {strides = array<i32>} : memref<64x128xf32, #tpu.memory_space<vmem>>, vector<16xf32>,
        %scan3A_531 = arith.constant 2 : i32
        %scan3A_532 = arith.addi %scan3A_412, %scan3A_531 : i32
        %broadcast_in_dim3A_533 = vector.broadcast %scan3A_532 : i32 to vector<16xi32>
        %gather3A_534 = tpu.vector_load_idx %arg18[%broadcast_in_dim3A_533] : memref<64xf32, #tpu.memory_space<vmem>>[vector<16xi32>], vector<16xf32>,
        %get3A_535 = arith.index_cast %scan3A_532 : i32 to index
        %get3A_536 = arith.constant 0 : index
        %get3A_537 = tpu.vector_load %arg21[%get3A_535, %get3A_536] {strides = array<i32>} : memref<64x128xf32, #tpu.memory_space<vmem>>, vector<16xf32>,
        %mul3A_538 = arith.mulf %get3A_537, %gather3A_534 : vector<16xf32>
        %swap3A_539 = arith.index_cast %scan3A_532 : i32 to index
        %swap3A_540 = arith.constant 0 : index
        %swap3A_541 = tpu.vector_load %arg21[%swap3A_539, %swap3A_540] {strides = array<i32>} : memref<64x128xf32, #tpu.memory_space<vmem>>, vector<16xf32>,
        tpu.vector_store %arg21[%swap3A_539, %swap3A_540], %mul3A_538 {strides = array<i32>} : memref<64x128xf32, #tpu.memory_space<vmem>>, vector<16xf32>,
        %get3A_542 = arith.index_cast %scan3A_532 : i32 to index
        %get3A_543 = arith.constant 16 : index
        %get3A_544 = tpu.vector_load %arg21[%get3A_542, %get3A_543] {strides = array<i32>} : memref<64x128xf32, #tpu.memory_space<vmem>>, vector<16xf32>,
        %mul3A_545 = arith.mulf %get3A_544, %gather3A_534 : vector<16xf32>
        %swap3A_546 = arith.index_cast %scan3A_532 : i32 to index
        %swap3A_547 = arith.constant 16 : index
        %swap3A_548 = tpu.vector_load %arg21[%swap3A_546, %swap3A_547] {strides = array<i32>} : memref<64x128xf32, #tpu.memory_space<vmem>>, vector<16xf32>,
        tpu.vector_store %arg21[%swap3A_546, %swap3A_547], %mul3A_545 {strides = array<i32>} : memref<64x128xf32, #tpu.memory_space<vmem>>, vector<16xf32>,
        %get3A_549 = arith.index_cast %scan3A_532 : i32 to index
        %get3A_550 = arith.constant 32 : index
        %get3A_551 = tpu.vector_load %arg21[%get3A_549, %get3A_550] {strides = array<i32>} : memref<64x128xf32, #tpu.memory_space<vmem>>, vector<16xf32>,
        %mul3A_552 = arith.mulf %get3A_551, %gather3A_534 : vector<16xf32>
        %swap3A_553 = arith.index_cast %scan3A_532 : i32 to index
        %swap3A_554 = arith.constant 32 : index
        %swap3A_555 = tpu.vector_load %arg21[%swap3A_553, %swap3A_554] {strides = array<i32>} : memref<64x128xf32, #tpu.memory_space<vmem>>, vector<16xf32>,
        tpu.vector_store %arg21[%swap3A_553, %swap3A_554], %mul3A_552 {strides = array<i32>} : memref<64x128xf32, #tpu.memory_space<vmem>>, vector<16xf32>,
        %get3A_556 = arith.index_cast %scan3A_532 : i32 to index
        %get3A_557 = arith.constant 48 : index
        %get3A_558 = tpu.vector_load %arg21[%get3A_556, %get3A_557] {strides = array<i32>} : memref<64x128xf32, #tpu.memory_space<vmem>>, vector<16xf32>,
        %mul3A_559 = arith.mulf %get3A_558, %gather3A_534 : vector<16xf32>
        %swap3A_560 = arith.index_cast %scan3A_532 : i32 to index
        %swap3A_561 = arith.constant 48 : index
        %swap3A_562 = tpu.vector_load %arg21[%swap3A_560, %swap3A_561] {strides = array<i32>} : memref<64x128xf32, #tpu.memory_space<vmem>>, vector<16xf32>,
        tpu.vector_store %arg21[%swap3A_560, %swap3A_561], %mul3A_559 {strides = array<i32>} : memref<64x128xf32, #tpu.memory_space<vmem>>, vector<16xf32>,
        %get3A_563 = arith.index_cast %scan3A_532 : i32 to index
        %get3A_564 = arith.constant 64 : index
        %get3A_565 = tpu.vector_load %arg21[%get3A_563, %get3A_564] {strides = array<i32>} : memref<64x128xf32, #tpu.memory_space<vmem>>, vector<16xf32>,
        %mul3A_566 = arith.mulf %get3A_565, %gather3A_534 : vector<16xf32>
        %swap3A_567 = arith.index_cast %scan3A_532 : i32 to index
        %swap3A_568 = arith.constant 64 : index
        %swap3A_569 = tpu.vector_load %arg21[%swap3A_567, %swap3A_568] {strides = array<i32>} : memref<64x128xf32, #tpu.memory_space<vmem>>, vector<16xf32>,
        tpu.vector_store %arg21[%swap3A_567, %swap3A_568], %mul3A_566 {strides = array<i32>} : memref<64x128xf32, #tpu.memory_space<vmem>>, vector<16xf32>,
        %get3A_570 = arith.index_cast %scan3A_532 : i32 to index
        %get3A_571 = arith.constant 80 : index
        %get3A_572 = tpu.vector_load %arg21[%get3A_570, %get3A_571] {strides = array<i32>} : memref<64x128xf32, #tpu.memory_space<vmem>>, vector<16xf32>,
        %mul3A_573 = arith.mulf %get3A_572, %gather3A_534 : vector<16xf32>
        %swap3A_574 = arith.index_cast %scan3A_532 : i32 to index
        %swap3A_575 = arith.constant 80 : index
        %swap3A_576 = tpu.vector_load %arg21[%swap3A_574, %swap3A_575] {strides = array<i32>} : memref<64x128xf32, #tpu.memory_space<vmem>>, vector<16xf32>,
        tpu.vector_store %arg21[%swap3A_574, %swap3A_575], %mul3A_573 {strides = array<i32>} : memref<64x128xf32, #tpu.memory_space<vmem>>, vector<16xf32>,
        %get3A_577 = arith.index_cast %scan3A_532 : i32 to index
        %get3A_578 = arith.constant 96 : index
        %get3A_579 = tpu.vector_load %arg21[%get3A_577, %get3A_578] {strides = array<i32>} : memref<64x128xf32, #tpu.memory_space<vmem>>, vector<16xf32>,
        %mul3A_580 = arith.mulf %get3A_579, %gather3A_534 : vector<16xf32>
        %swap3A_581 = arith.index_cast %scan3A_532 : i32 to index
        %swap3A_582 = arith.constant 96 : index
        %swap3A_583 = tpu.vector_load %arg21[%swap3A_581, %swap3A_582] {strides = array<i32>} : memref<64x128xf32, #tpu.memory_space<vmem>>, vector<16xf32>,
        tpu.vector_store %arg21[%swap3A_581, %swap3A_582], %mul3A_580 {strides = array<i32>} : memref<64x128xf32, #tpu.memory_space<vmem>>, vector<16xf32>,
        %get3A_584 = arith.index_cast %scan3A_532 : i32 to index
        %get3A_585 = arith.constant 112 : index
        %get3A_586 = tpu.vector_load %arg21[%get3A_584, %get3A_585] {strides = array<i32>} : memref<64x128xf32, #tpu.memory_space<vmem>>, vector<16xf32>,
        %mul3A_587 = arith.mulf %get3A_586, %gather3A_534 : vector<16xf32>
        %swap3A_588 = arith.index_cast %scan3A_532 : i32 to index
        %swap3A_589 = arith.constant 112 : index
        %swap3A_590 = tpu.vector_load %arg21[%swap3A_588, %swap3A_589] {strides = array<i32>} : memref<64x128xf32, #tpu.memory_space<vmem>>, vector<16xf32>,
        tpu.vector_store %arg21[%swap3A_588, %swap3A_589], %mul3A_587 {strides = array<i32>} : memref<64x128xf32, #tpu.memory_space<vmem>>, vector<16xf32>,
        %scan3A_591 = arith.constant 3 : i32
        %scan3A_592 = arith.addi %scan3A_412, %scan3A_591 : i32
        %broadcast_in_dim3A_593 = vector.broadcast %scan3A_592 : i32 to vector<16xi32>
        %gather3A_594 = tpu.vector_load_idx %arg18[%broadcast_in_dim3A_593] : memref<64xf32, #tpu.memory_space<vmem>>[vector<16xi32>], vector<16xf32>,
        %get3A_595 = arith.index_cast %scan3A_592 : i32 to index
        %get3A_596 = arith.constant 0 : index
        %get3A_597 = tpu.vector_load %arg21[%get3A_595, %get3A_596] {strides = array<i32>} : memref<64x128xf32, #tpu.memory_space<vmem>>, vector<16xf32>,
        %mul3A_598 = arith.mulf %get3A_597, %gather3A_594 : vector<16xf32>
        %swap3A_599 = arith.index_cast %scan3A_592 : i32 to index
        %swap3A_600 = arith.constant 0 : index
        %swap3A_601 = tpu.vector_load %arg21[%swap3A_599, %swap3A_600] {strides = array<i32>} : memref<64x128xf32, #tpu.memory_space<vmem>>, vector<16xf32>,
        tpu.vector_store %arg21[%swap3A_599, %swap3A_600], %mul3A_598 {strides = array<i32>} : memref<64x128xf32, #tpu.memory_space<vmem>>, vector<16xf32>,
        %get3A_602 = arith.index_cast %scan3A_592 : i32 to index
        %get3A_603 = arith.constant 16 : index
        %get3A_604 = tpu.vector_load %arg21[%get3A_602, %get3A_603] {strides = array<i32>} : memref<64x128xf32, #tpu.memory_space<vmem>>, vector<16xf32>,
        %mul3A_605 = arith.mulf %get3A_604, %gather3A_594 : vector<16xf32>
        %swap3A_606 = arith.index_cast %scan3A_592 : i32 to index
        %swap3A_607 = arith.constant 16 : index
        %swap3A_608 = tpu.vector_load %arg21[%swap3A_606, %swap3A_607] {strides = array<i32>} : memref<64x128xf32, #tpu.memory_space<vmem>>, vector<16xf32>,
        tpu.vector_store %arg21[%swap3A_606, %swap3A_607], %mul3A_605 {strides = array<i32>} : memref<64x128xf32, #tpu.memory_space<vmem>>, vector<16xf32>,
        %get3A_609 = arith.index_cast %scan3A_592 : i32 to index
        %get3A_610 = arith.constant 32 : index
        %get3A_611 = tpu.vector_load %arg21[%get3A_609, %get3A_610] {strides = array<i32>} : memref<64x128xf32, #tpu.memory_space<vmem>>, vector<16xf32>,
        %mul3A_612 = arith.mulf %get3A_611, %gather3A_594 : vector<16xf32>
        %swap3A_613 = arith.index_cast %scan3A_592 : i32 to index
        %swap3A_614 = arith.constant 32 : index
        %swap3A_615 = tpu.vector_load %arg21[%swap3A_613, %swap3A_614] {strides = array<i32>} : memref<64x128xf32, #tpu.memory_space<vmem>>, vector<16xf32>,
        tpu.vector_store %arg21[%swap3A_613, %swap3A_614], %mul3A_612 {strides = array<i32>} : memref<64x128xf32, #tpu.memory_space<vmem>>, vector<16xf32>,
        %get3A_616 = arith.index_cast %scan3A_592 : i32 to index
        %get3A_617 = arith.constant 48 : index
        %get3A_618 = tpu.vector_load %arg21[%get3A_616, %get3A_617] {strides = array<i32>} : memref<64x128xf32, #tpu.memory_space<vmem>>, vector<16xf32>,
        %mul3A_619 = arith.mulf %get3A_618, %gather3A_594 : vector<16xf32>
        %swap3A_620 = arith.index_cast %scan3A_592 : i32 to index
        %swap3A_621 = arith.constant 48 : index
        %swap3A_622 = tpu.vector_load %arg21[%swap3A_620, %swap3A_621] {strides = array<i32>} : memref<64x128xf32, #tpu.memory_space<vmem>>, vector<16xf32>,
        tpu.vector_store %arg21[%swap3A_620, %swap3A_621], %mul3A_619 {strides = array<i32>} : memref<64x128xf32, #tpu.memory_space<vmem>>, vector<16xf32>,
        %get3A_623 = arith.index_cast %scan3A_592 : i32 to index
        %get3A_624 = arith.constant 64 : index
        %get3A_625 = tpu.vector_load %arg21[%get3A_623, %get3A_624] {strides = array<i32>} : memref<64x128xf32, #tpu.memory_space<vmem>>, vector<16xf32>,
        %mul3A_626 = arith.mulf %get3A_625, %gather3A_594 : vector<16xf32>
        %swap3A_627 = arith.index_cast %scan3A_592 : i32 to index
        %swap3A_628 = arith.constant 64 : index
        %swap3A_629 = tpu.vector_load %arg21[%swap3A_627, %swap3A_628] {strides = array<i32>} : memref<64x128xf32, #tpu.memory_space<vmem>>, vector<16xf32>,
        tpu.vector_store %arg21[%swap3A_627, %swap3A_628], %mul3A_626 {strides = array<i32>} : memref<64x128xf32, #tpu.memory_space<vmem>>, vector<16xf32>,
        %get3A_630 = arith.index_cast %scan3A_592 : i32 to index
        %get3A_631 = arith.constant 80 : index
        %get3A_632 = tpu.vector_load %arg21[%get3A_630, %get3A_631] {strides = array<i32>} : memref<64x128xf32, #tpu.memory_space<vmem>>, vector<16xf32>,
        %mul3A_633 = arith.mulf %get3A_632, %gather3A_594 : vector<16xf32>
        %swap3A_634 = arith.index_cast %scan3A_592 : i32 to index
        %swap3A_635 = arith.constant 80 : index
        %swap3A_636 = tpu.vector_load %arg21[%swap3A_634, %swap3A_635] {strides = array<i32>} : memref<64x128xf32, #tpu.memory_space<vmem>>, vector<16xf32>,
        tpu.vector_store %arg21[%swap3A_634, %swap3A_635], %mul3A_633 {strides = array<i32>} : memref<64x128xf32, #tpu.memory_space<vmem>>, vector<16xf32>,
        %get3A_637 = arith.index_cast %scan3A_592 : i32 to index
        %get3A_638 = arith.constant 96 : index
        %get3A_639 = tpu.vector_load %arg21[%get3A_637, %get3A_638] {strides = array<i32>} : memref<64x128xf32, #tpu.memory_space<vmem>>, vector<16xf32>,
        %mul3A_640 = arith.mulf %get3A_639, %gather3A_594 : vector<16xf32>
        %swap3A_641 = arith.index_cast %scan3A_592 : i32 to index
        %swap3A_642 = arith.constant 96 : index
        %swap3A_643 = tpu.vector_load %arg21[%swap3A_641, %swap3A_642] {strides = array<i32>} : memref<64x128xf32, #tpu.memory_space<vmem>>, vector<16xf32>,
        tpu.vector_store %arg21[%swap3A_641, %swap3A_642], %mul3A_640 {strides = array<i32>} : memref<64x128xf32, #tpu.memory_space<vmem>>, vector<16xf32>,
        %get3A_644 = arith.index_cast %scan3A_592 : i32 to index
        %get3A_645 = arith.constant 112 : index
        %get3A_646 = tpu.vector_load %arg21[%get3A_644, %get3A_645] {strides = array<i32>} : memref<64x128xf32, #tpu.memory_space<vmem>>, vector<16xf32>,
        %mul3A_647 = arith.mulf %get3A_646, %gather3A_594 : vector<16xf32>
        %swap3A_648 = arith.index_cast %scan3A_592 : i32 to index
        %swap3A_649 = arith.constant 112 : index
        %swap3A_650 = tpu.vector_load %arg21[%swap3A_648, %swap3A_649] {strides = array<i32>} : memref<64x128xf32, #tpu.memory_space<vmem>>, vector<16xf32>,
        tpu.vector_store %arg21[%swap3A_648, %swap3A_649], %mul3A_647 {strides = array<i32>} : memref<64x128xf32, #tpu.memory_space<vmem>>, vector<16xf32>,
      }
      %scan3A_377 = arith.constant 64 : i32
      %dma_start3A_378 = arith.constant 0 : i32
      %dma_start3A_379 = arith.constant 0 : i32
      %dma_start3A_380 = tpu.memref_slice %arg26[%dma_start3A_378, %dma_start3A_379] : memref<10240x128xf32, #tpu.memory_space<vmem_shared>> -> memref<10240x128xf32, #tpu.memory_space<vmem_shared>>
      tpu.enqueue_indirect_dma source(%arg21 : memref<64x128xf32, #tpu.memory_space<vmem>>) target(%dma_start3A_380 : memref<10240x128xf32, #tpu.memory_space<vmem_shared>>) offsets(%arg15 : memref<64xi32, #tpu.memory_space<vmem>>) semaphore(%arg31 : memref<!tpu.dma_semaphore, #tpu.memory_space<semaphore_mem>>) {add = true}
      %mul3A_381 = arith.constant 3 : i32
      %mul3A_382 = arith.muli %mul3A_381, %scan3A_320 : i32
      %add3A_383 = arith.constant 2 : i32
      %add3A_384 = arith.addi %mul3A_382, %add3A_383 : i32
      %lt3A_385 = arith.constant 160 : i32
      %lt3A_386 = arith.cmpi slt, %add3A_384, %lt3A_385 : i32
      %convert_element_type3A_387 = arith.extui %lt3A_386 : i1 to i32
      %cond3A_388 = arith.constant 0 : i32
      %cond3A_389 = arith.cmpi ne, %convert_element_type3A_387, %cond3A_388 : i32
      scf.if %cond3A_389 {
        %add3A_412 = arith.constant 2 : i32
        %add3A_413 = arith.addi %add3A_384, %add3A_412 : i32
        %mul3A_414 = arith.constant 64 : i32
        %mul3A_415 = arith.muli %add3A_413, %mul3A_414 : i32
        %add3A_416 = arith.addi %mul3A_60, %mul3A_415 : i32
        %dma_start3A_417 = tpu.memref_slice %arg2[%add3A_416] : memref<331776xi32, #tpu.memory_space<hbm>> -> memref<64xi32, #tpu.memory_space<hbm>>
        %dma_start3A_418 = tpu.memref_slice %arg2[%add3A_416] : memref<331776xi32, #tpu.memory_space<hbm>> -> memref<64xi32, #tpu.memory_space<hbm>>
        tpu.enqueue_dma source(%dma_start3A_418 : memref<64xi32, #tpu.memory_space<hbm>>) target(%arg9 : memref<64xi32, #tpu.memory_space<vmem>>) target_semaphore(%arg34 : memref<!tpu.dma_semaphore, #tpu.memory_space<semaphore_mem>>)
      } else {
      }
      %ge3A_390 = arith.constant 2 : i32
      %ge3A_391 = arith.cmpi sge, %add3A_384, %ge3A_390 : i32
      %convert_element_type3A_392 = arith.extui %ge3A_391 : i1 to i32
      %cond3A_393 = arith.constant 0 : i32
      %cond3A_394 = arith.cmpi ne, %convert_element_type3A_392, %cond3A_393 : i32
      scf.if %cond3A_394 {
        %dma_wait3A_412 = arith.constant 0 : i32
        %dma_wait3A_413 = arith.constant 0 : i32
        %dma_wait3A_414 = tpu.memref_slice %arg26[%dma_wait3A_412, %dma_wait3A_413] : memref<10240x128xf32, #tpu.memory_space<vmem_shared>> -> memref<10240x128xf32, #tpu.memory_space<vmem_shared>>
        tpu.wait_indirect_dma semaphore(%arg30 : memref<!tpu.dma_semaphore, #tpu.memory_space<semaphore_mem>>) src(%arg20 : memref<64x128xf32, #tpu.memory_space<vmem>>) dst(%dma_wait3A_414 : memref<10240x128xf32, #tpu.memory_space<vmem_shared>>)
      } else {
      }
      %lt3A_395 = arith.constant 161 : i32
      %lt3A_396 = arith.cmpi slt, %add3A_384, %lt3A_395 : i32
      %convert_element_type3A_397 = arith.extui %lt3A_396 : i1 to i32
      %cond3A_398 = arith.constant 0 : i32
      %cond3A_399 = arith.cmpi ne, %convert_element_type3A_397, %cond3A_398 : i32
      scf.if %cond3A_399 {
        %add3A_412 = arith.constant 1 : i32
        %add3A_413 = arith.addi %add3A_384, %add3A_412 : i32
        %mul3A_414 = arith.constant 64 : i32
        %mul3A_415 = arith.muli %add3A_413, %mul3A_414 : i32
        %add3A_416 = arith.addi %mul3A_60, %mul3A_415 : i32
        %dma_wait3A_417 = tpu.memref_slice %arg2[%add3A_416] : memref<331776xi32, #tpu.memory_space<hbm>> -> memref<64xi32, #tpu.memory_space<hbm>>
        %dma_wait3A_418 = tpu.memref_slice %arg2[%add3A_416] : memref<331776xi32, #tpu.memory_space<hbm>> -> memref<64xi32, #tpu.memory_space<hbm>>
        tpu.wait_dma2 semaphore(%arg33 : memref<!tpu.dma_semaphore, #tpu.memory_space<semaphore_mem>>) src(%dma_wait3A_418 : memref<64xi32, #tpu.memory_space<hbm>>) dst(%arg8 : memref<64xi32, #tpu.memory_space<vmem>>)
        %get3A_419 = arith.constant 0 : index
        %get3A_420 = tpu.vector_load %arg8[%get3A_419] {strides = array<i32>} : memref<64xi32, #tpu.memory_space<vmem>>, vector<16xi32>,
        %shift_right_arithmetic3A_421 = arith.constant 14 : i32
        %shift_right_arithmetic3A_422 = vector.broadcast %shift_right_arithmetic3A_421 : i32 to vector<16xi32>
        %shift_right_arithmetic3A_423 = arith.shrsi %get3A_420, %shift_right_arithmetic3A_422 : vector<16xi32>
        %swap3A_424 = arith.constant 0 : index
        %swap3A_425 = tpu.vector_load %arg11[%swap3A_424] {strides = array<i32>} : memref<64xi32, #tpu.memory_space<vmem>>, vector<16xi32>,
        tpu.vector_store %arg11[%swap3A_424], %shift_right_arithmetic3A_423 {strides = array<i32>} : memref<64xi32, #tpu.memory_space<vmem>>, vector<16xi32>,
        %and3A_426 = arith.constant 16383 : i32
        %and3A_427 = vector.broadcast %and3A_426 : i32 to vector<16xi32>
        %and3A_428 = arith.andi %get3A_420, %and3A_427 : vector<16xi32>
        %swap3A_429 = arith.constant 0 : index
        %swap3A_430 = tpu.vector_load %arg14[%swap3A_429] {strides = array<i32>} : memref<64xi32, #tpu.memory_space<vmem>>, vector<16xi32>,
        tpu.vector_store %arg14[%swap3A_429], %and3A_428 {strides = array<i32>} : memref<64xi32, #tpu.memory_space<vmem>>, vector<16xi32>,
        %get3A_431 = arith.constant 16 : index
        %get3A_432 = tpu.vector_load %arg8[%get3A_431] {strides = array<i32>} : memref<64xi32, #tpu.memory_space<vmem>>, vector<16xi32>,
        %shift_right_arithmetic3A_433 = arith.constant 14 : i32
        %shift_right_arithmetic3A_434 = vector.broadcast %shift_right_arithmetic3A_433 : i32 to vector<16xi32>
        %shift_right_arithmetic3A_435 = arith.shrsi %get3A_432, %shift_right_arithmetic3A_434 : vector<16xi32>
        %swap3A_436 = arith.constant 16 : index
        %swap3A_437 = tpu.vector_load %arg11[%swap3A_436] {strides = array<i32>} : memref<64xi32, #tpu.memory_space<vmem>>, vector<16xi32>,
        tpu.vector_store %arg11[%swap3A_436], %shift_right_arithmetic3A_435 {strides = array<i32>} : memref<64xi32, #tpu.memory_space<vmem>>, vector<16xi32>,
        %and3A_438 = arith.constant 16383 : i32
        %and3A_439 = vector.broadcast %and3A_438 : i32 to vector<16xi32>
        %and3A_440 = arith.andi %get3A_432, %and3A_439 : vector<16xi32>
        %swap3A_441 = arith.constant 16 : index
        %swap3A_442 = tpu.vector_load %arg14[%swap3A_441] {strides = array<i32>} : memref<64xi32, #tpu.memory_space<vmem>>, vector<16xi32>,
        tpu.vector_store %arg14[%swap3A_441], %and3A_440 {strides = array<i32>} : memref<64xi32, #tpu.memory_space<vmem>>, vector<16xi32>,
        %get3A_443 = arith.constant 32 : index
        %get3A_444 = tpu.vector_load %arg8[%get3A_443] {strides = array<i32>} : memref<64xi32, #tpu.memory_space<vmem>>, vector<16xi32>,
        %shift_right_arithmetic3A_445 = arith.constant 14 : i32
        %shift_right_arithmetic3A_446 = vector.broadcast %shift_right_arithmetic3A_445 : i32 to vector<16xi32>
        %shift_right_arithmetic3A_447 = arith.shrsi %get3A_444, %shift_right_arithmetic3A_446 : vector<16xi32>
        %swap3A_448 = arith.constant 32 : index
        %swap3A_449 = tpu.vector_load %arg11[%swap3A_448] {strides = array<i32>} : memref<64xi32, #tpu.memory_space<vmem>>, vector<16xi32>,
        tpu.vector_store %arg11[%swap3A_448], %shift_right_arithmetic3A_447 {strides = array<i32>} : memref<64xi32, #tpu.memory_space<vmem>>, vector<16xi32>,
        %and3A_450 = arith.constant 16383 : i32
        %and3A_451 = vector.broadcast %and3A_450 : i32 to vector<16xi32>
        %and3A_452 = arith.andi %get3A_444, %and3A_451 : vector<16xi32>
        %swap3A_453 = arith.constant 32 : index
        %swap3A_454 = tpu.vector_load %arg14[%swap3A_453] {strides = array<i32>} : memref<64xi32, #tpu.memory_space<vmem>>, vector<16xi32>,
        tpu.vector_store %arg14[%swap3A_453], %and3A_452 {strides = array<i32>} : memref<64xi32, #tpu.memory_space<vmem>>, vector<16xi32>,
        %get3A_455 = arith.constant 48 : index
        %get3A_456 = tpu.vector_load %arg8[%get3A_455] {strides = array<i32>} : memref<64xi32, #tpu.memory_space<vmem>>, vector<16xi32>,
        %shift_right_arithmetic3A_457 = arith.constant 14 : i32
        %shift_right_arithmetic3A_458 = vector.broadcast %shift_right_arithmetic3A_457 : i32 to vector<16xi32>
        %shift_right_arithmetic3A_459 = arith.shrsi %get3A_456, %shift_right_arithmetic3A_458 : vector<16xi32>
        %swap3A_460 = arith.constant 48 : index
        %swap3A_461 = tpu.vector_load %arg11[%swap3A_460] {strides = array<i32>} : memref<64xi32, #tpu.memory_space<vmem>>, vector<16xi32>,
        tpu.vector_store %arg11[%swap3A_460], %shift_right_arithmetic3A_459 {strides = array<i32>} : memref<64xi32, #tpu.memory_space<vmem>>, vector<16xi32>,
        %and3A_462 = arith.constant 16383 : i32
        %and3A_463 = vector.broadcast %and3A_462 : i32 to vector<16xi32>
        %and3A_464 = arith.andi %get3A_456, %and3A_463 : vector<16xi32>
        %swap3A_465 = arith.constant 48 : index
        %swap3A_466 = tpu.vector_load %arg14[%swap3A_465] {strides = array<i32>} : memref<64xi32, #tpu.memory_space<vmem>>, vector<16xi32>,
        tpu.vector_store %arg14[%swap3A_465], %and3A_464 {strides = array<i32>} : memref<64xi32, #tpu.memory_space<vmem>>, vector<16xi32>,
        %dma_start3A_467 = arith.constant 0 : i32
        %dma_start3A_468 = arith.constant 0 : i32
        %dma_start3A_469 = tpu.memref_slice %arg5[%dma_start3A_467, %dma_start3A_468] : memref<10000x128xf32, #tpu.memory_space<hbm>> -> memref<10000x128xf32, #tpu.memory_space<hbm>>
        tpu.enqueue_indirect_dma source(%dma_start3A_469 : memref<10000x128xf32, #tpu.memory_space<hbm>>) target(%arg20 : memref<64x128xf32, #tpu.memory_space<vmem>>) offsets(%arg11 : memref<64xi32, #tpu.memory_space<vmem>>) semaphore(%arg27 : memref<!tpu.dma_semaphore, #tpu.memory_space<semaphore_mem>>)
        %get3A_470 = arith.constant 0 : index
        %get3A_471 = tpu.vector_load %arg25[%get3A_470] {strides = array<i32>} : memref<16xf32, #tpu.memory_space<vmem>>, vector<16xf32>,
        %get3A_472 = arith.constant 0 : index
        %get3A_473 = tpu.vector_load %arg11[%get3A_472] {strides = array<i32>} : memref<64xi32, #tpu.memory_space<vmem>>, vector<16xi32>,
        %get3A_474 = arith.constant 0 : index
        %get3A_475 = tpu.vector_load %arg14[%get3A_474] {strides = array<i32>} : memref<64xi32, #tpu.memory_space<vmem>>, vector<16xi32>,
        %gather3A_476 = tpu.vector_load_idx %arg23[%get3A_473] : memref<10000xi32, #tpu.memory_space<vmem>>[vector<16xi32>], vector<16xi32>,
        %gather3A_477 = tpu.vector_load_idx %arg23[%get3A_475] : memref<10000xi32, #tpu.memory_space<vmem>>[vector<16xi32>], vector<16xi32>,
        %shift_right_arithmetic3A_478 = arith.constant 16 : i32
        %shift_right_arithmetic3A_479 = vector.broadcast %shift_right_arithmetic3A_478 : i32 to vector<16xi32>
        %shift_right_arithmetic3A_480 = arith.shrsi %gather3A_476, %shift_right_arithmetic3A_479 : vector<16xi32>
        %convert_element_type3A_481 = arith.sitofp %shift_right_arithmetic3A_480 : vector<16xi32> to vector<16xf32>
        %mul3A_482 = arith.constant 0.001953125 : f32
        %mul3A_483 = vector.broadcast %mul3A_482 : f32 to vector<16xf32>
        %mul3A_484 = arith.mulf %convert_element_type3A_481, %mul3A_483 : vector<16xf32>
        %shift_left3A_485 = arith.constant 16 : i32
        %shift_left3A_486 = vector.broadcast %shift_left3A_485 : i32 to vector<16xi32>
        %shift_left3A_487 = arith.shli %gather3A_477, %shift_left3A_486 : vector<16xi32>
        %shift_right_arithmetic3A_488 = arith.constant 16 : i32
        %shift_right_arithmetic3A_489 = vector.broadcast %shift_right_arithmetic3A_488 : i32 to vector<16xi32>
        %shift_right_arithmetic3A_490 = arith.shrsi %shift_left3A_487, %shift_right_arithmetic3A_489 : vector<16xi32>
        %convert_element_type3A_491 = arith.sitofp %shift_right_arithmetic3A_490 : vector<16xi32> to vector<16xf32>
        %mul3A_492 = arith.constant 0.001953125 : f32
        %mul3A_493 = vector.broadcast %mul3A_492 : f32 to vector<16xf32>
        %mul3A_494 = arith.mulf %convert_element_type3A_491, %mul3A_493 : vector<16xf32>
        %add3A_495 = arith.addf %mul3A_484, %mul3A_494 : vector<16xf32>
        %mul3A_496 = arith.constant 2.000000e-01 : f32
        %mul3A_497 = vector.broadcast %mul3A_496 : f32 to vector<16xf32>
        %mul3A_498 = arith.mulf %mul3A_497, %add3A_495 : vector<16xf32>
        %max3A_499 = arith.maximumf %add3A_495, %mul3A_498 : vector<16xf32>
        %add3A_500 = arith.addf %get3A_471, %mul3A_494 : vector<16xf32>
        %mul3A_501 = arith.constant 2.000000e-01 : f32
        %mul3A_502 = vector.broadcast %mul3A_501 : f32 to vector<16xf32>
        %mul3A_503 = arith.mulf %mul3A_502, %add3A_500 : vector<16xf32>
        %max3A_504 = arith.maximumf %add3A_500, %mul3A_503 : vector<16xf32>
        %sub3A_505 = arith.subf %max3A_499, %max3A_504 : vector<16xf32>
        %exp3A_506 = math.exp %sub3A_505 : vector<16xf32>
        %add3A_507 = arith.constant 0 : i32
        %add3A_508 = arith.addi %add3A_416, %add3A_507 : i32
        %iota3A_509 = tpu.iota {dimensions = array<i32: 0>} : vector<16xi32>
        %add3A_510 = vector.broadcast %add3A_508 : i32 to vector<16xi32>
        %add3A_511 = arith.addi %add3A_510, %iota3A_509 : vector<16xi32>
        %lt3A_512 = arith.constant 330000 : i32
        %lt3A_513 = vector.broadcast %lt3A_512 : i32 to vector<16xi32>
        %lt3A_514 = arith.cmpi slt, %add3A_511, %lt3A_513 : vector<16xi32>
        %jit3A_515 = arith.constant 0.000000e+00 : f32
        %broadcast_in_dim3A_516 = vector.broadcast %jit3A_515 : f32 to vector<16xf32>
        %select_n3A_517 = arith.select %lt3A_514, %exp3A_506, %broadcast_in_dim3A_516 : vector<16xi1>, vector<16xf32>
        tpu.vector_store_idx %arg24[%get3A_475], %select_n3A_517 {add = true} : memref<10000xf32, #tpu.memory_space<vmem>>[vector<16xi32>], vector<16xf32>,
        %swap3A_518 = arith.constant 0 : index
        %swap3A_519 = tpu.vector_load %arg17[%swap3A_518] {strides = array<i32>} : memref<64xf32, #tpu.memory_space<vmem>>, vector<16xf32>,
        tpu.vector_store %arg17[%swap3A_518], %select_n3A_517 {strides = array<i32>} : memref<64xf32, #tpu.memory_space<vmem>>, vector<16xf32>,
        %get3A_520 = arith.constant 16 : index
        %get3A_521 = tpu.vector_load %arg11[%get3A_520] {strides = array<i32>} : memref<64xi32, #tpu.memory_space<vmem>>, vector<16xi32>,
        %get3A_522 = arith.constant 16 : index
        %get3A_523 = tpu.vector_load %arg14[%get3A_522] {strides = array<i32>} : memref<64xi32, #tpu.memory_space<vmem>>, vector<16xi32>,
        %gather3A_524 = tpu.vector_load_idx %arg23[%get3A_521] : memref<10000xi32, #tpu.memory_space<vmem>>[vector<16xi32>], vector<16xi32>,
        %gather3A_525 = tpu.vector_load_idx %arg23[%get3A_523] : memref<10000xi32, #tpu.memory_space<vmem>>[vector<16xi32>], vector<16xi32>,
        %shift_right_arithmetic3A_526 = arith.constant 16 : i32
        %shift_right_arithmetic3A_527 = vector.broadcast %shift_right_arithmetic3A_526 : i32 to vector<16xi32>
        %shift_right_arithmetic3A_528 = arith.shrsi %gather3A_524, %shift_right_arithmetic3A_527 : vector<16xi32>
        %convert_element_type3A_529 = arith.sitofp %shift_right_arithmetic3A_528 : vector<16xi32> to vector<16xf32>
        %mul3A_530 = arith.constant 0.001953125 : f32
        %mul3A_531 = vector.broadcast %mul3A_530 : f32 to vector<16xf32>
        %mul3A_532 = arith.mulf %convert_element_type3A_529, %mul3A_531 : vector<16xf32>
        %shift_left3A_533 = arith.constant 16 : i32
        %shift_left3A_534 = vector.broadcast %shift_left3A_533 : i32 to vector<16xi32>
        %shift_left3A_535 = arith.shli %gather3A_525, %shift_left3A_534 : vector<16xi32>
        %shift_right_arithmetic3A_536 = arith.constant 16 : i32
        %shift_right_arithmetic3A_537 = vector.broadcast %shift_right_arithmetic3A_536 : i32 to vector<16xi32>
        %shift_right_arithmetic3A_538 = arith.shrsi %shift_left3A_535, %shift_right_arithmetic3A_537 : vector<16xi32>
        %convert_element_type3A_539 = arith.sitofp %shift_right_arithmetic3A_538 : vector<16xi32> to vector<16xf32>
        %mul3A_540 = arith.constant 0.001953125 : f32
        %mul3A_541 = vector.broadcast %mul3A_540 : f32 to vector<16xf32>
        %mul3A_542 = arith.mulf %convert_element_type3A_539, %mul3A_541 : vector<16xf32>
        %add3A_543 = arith.addf %mul3A_532, %mul3A_542 : vector<16xf32>
        %mul3A_544 = arith.constant 2.000000e-01 : f32
        %mul3A_545 = vector.broadcast %mul3A_544 : f32 to vector<16xf32>
        %mul3A_546 = arith.mulf %mul3A_545, %add3A_543 : vector<16xf32>
        %max3A_547 = arith.maximumf %add3A_543, %mul3A_546 : vector<16xf32>
        %add3A_548 = arith.addf %get3A_471, %mul3A_542 : vector<16xf32>
        %mul3A_549 = arith.constant 2.000000e-01 : f32
        %mul3A_550 = vector.broadcast %mul3A_549 : f32 to vector<16xf32>
        %mul3A_551 = arith.mulf %mul3A_550, %add3A_548 : vector<16xf32>
        %max3A_552 = arith.maximumf %add3A_548, %mul3A_551 : vector<16xf32>
        %sub3A_553 = arith.subf %max3A_547, %max3A_552 : vector<16xf32>
        %exp3A_554 = math.exp %sub3A_553 : vector<16xf32>
        %add3A_555 = arith.constant 16 : i32
        %add3A_556 = arith.addi %add3A_416, %add3A_555 : i32
        %iota3A_557 = tpu.iota {dimensions = array<i32: 0>} : vector<16xi32>
        %add3A_558 = vector.broadcast %add3A_556 : i32 to vector<16xi32>
        %add3A_559 = arith.addi %add3A_558, %iota3A_557 : vector<16xi32>
        %lt3A_560 = arith.constant 330000 : i32
        %lt3A_561 = vector.broadcast %lt3A_560 : i32 to vector<16xi32>
        %lt3A_562 = arith.cmpi slt, %add3A_559, %lt3A_561 : vector<16xi32>
        %jit3A_563 = arith.constant 0.000000e+00 : f32
        %broadcast_in_dim3A_564 = vector.broadcast %jit3A_563 : f32 to vector<16xf32>
        %select_n3A_565 = arith.select %lt3A_562, %exp3A_554, %broadcast_in_dim3A_564 : vector<16xi1>, vector<16xf32>
        tpu.vector_store_idx %arg24[%get3A_523], %select_n3A_565 {add = true} : memref<10000xf32, #tpu.memory_space<vmem>>[vector<16xi32>], vector<16xf32>,
        %swap3A_566 = arith.constant 16 : index
        %swap3A_567 = tpu.vector_load %arg17[%swap3A_566] {strides = array<i32>} : memref<64xf32, #tpu.memory_space<vmem>>, vector<16xf32>,
        tpu.vector_store %arg17[%swap3A_566], %select_n3A_565 {strides = array<i32>} : memref<64xf32, #tpu.memory_space<vmem>>, vector<16xf32>,
        %get3A_568 = arith.constant 32 : index
        %get3A_569 = tpu.vector_load %arg11[%get3A_568] {strides = array<i32>} : memref<64xi32, #tpu.memory_space<vmem>>, vector<16xi32>,
        %get3A_570 = arith.constant 32 : index
        %get3A_571 = tpu.vector_load %arg14[%get3A_570] {strides = array<i32>} : memref<64xi32, #tpu.memory_space<vmem>>, vector<16xi32>,
        %gather3A_572 = tpu.vector_load_idx %arg23[%get3A_569] : memref<10000xi32, #tpu.memory_space<vmem>>[vector<16xi32>], vector<16xi32>,
        %gather3A_573 = tpu.vector_load_idx %arg23[%get3A_571] : memref<10000xi32, #tpu.memory_space<vmem>>[vector<16xi32>], vector<16xi32>,
        %shift_right_arithmetic3A_574 = arith.constant 16 : i32
        %shift_right_arithmetic3A_575 = vector.broadcast %shift_right_arithmetic3A_574 : i32 to vector<16xi32>
        %shift_right_arithmetic3A_576 = arith.shrsi %gather3A_572, %shift_right_arithmetic3A_575 : vector<16xi32>
        %convert_element_type3A_577 = arith.sitofp %shift_right_arithmetic3A_576 : vector<16xi32> to vector<16xf32>
        %mul3A_578 = arith.constant 0.001953125 : f32
        %mul3A_579 = vector.broadcast %mul3A_578 : f32 to vector<16xf32>
        %mul3A_580 = arith.mulf %convert_element_type3A_577, %mul3A_579 : vector<16xf32>
        %shift_left3A_581 = arith.constant 16 : i32
        %shift_left3A_582 = vector.broadcast %shift_left3A_581 : i32 to vector<16xi32>
        %shift_left3A_583 = arith.shli %gather3A_573, %shift_left3A_582 : vector<16xi32>
        %shift_right_arithmetic3A_584 = arith.constant 16 : i32
        %shift_right_arithmetic3A_585 = vector.broadcast %shift_right_arithmetic3A_584 : i32 to vector<16xi32>
        %shift_right_arithmetic3A_586 = arith.shrsi %shift_left3A_583, %shift_right_arithmetic3A_585 : vector<16xi32>
        %convert_element_type3A_587 = arith.sitofp %shift_right_arithmetic3A_586 : vector<16xi32> to vector<16xf32>
        %mul3A_588 = arith.constant 0.001953125 : f32
        %mul3A_589 = vector.broadcast %mul3A_588 : f32 to vector<16xf32>
        %mul3A_590 = arith.mulf %convert_element_type3A_587, %mul3A_589 : vector<16xf32>
        %add3A_591 = arith.addf %mul3A_580, %mul3A_590 : vector<16xf32>
        %mul3A_592 = arith.constant 2.000000e-01 : f32
        %mul3A_593 = vector.broadcast %mul3A_592 : f32 to vector<16xf32>
        %mul3A_594 = arith.mulf %mul3A_593, %add3A_591 : vector<16xf32>
        %max3A_595 = arith.maximumf %add3A_591, %mul3A_594 : vector<16xf32>
        %add3A_596 = arith.addf %get3A_471, %mul3A_590 : vector<16xf32>
        %mul3A_597 = arith.constant 2.000000e-01 : f32
        %mul3A_598 = vector.broadcast %mul3A_597 : f32 to vector<16xf32>
        %mul3A_599 = arith.mulf %mul3A_598, %add3A_596 : vector<16xf32>
        %max3A_600 = arith.maximumf %add3A_596, %mul3A_599 : vector<16xf32>
        %sub3A_601 = arith.subf %max3A_595, %max3A_600 : vector<16xf32>
        %exp3A_602 = math.exp %sub3A_601 : vector<16xf32>
        %add3A_603 = arith.constant 32 : i32
        %add3A_604 = arith.addi %add3A_416, %add3A_603 : i32
        %iota3A_605 = tpu.iota {dimensions = array<i32: 0>} : vector<16xi32>
        %add3A_606 = vector.broadcast %add3A_604 : i32 to vector<16xi32>
        %add3A_607 = arith.addi %add3A_606, %iota3A_605 : vector<16xi32>
        %lt3A_608 = arith.constant 330000 : i32
        %lt3A_609 = vector.broadcast %lt3A_608 : i32 to vector<16xi32>
        %lt3A_610 = arith.cmpi slt, %add3A_607, %lt3A_609 : vector<16xi32>
        %jit3A_611 = arith.constant 0.000000e+00 : f32
        %broadcast_in_dim3A_612 = vector.broadcast %jit3A_611 : f32 to vector<16xf32>
        %select_n3A_613 = arith.select %lt3A_610, %exp3A_602, %broadcast_in_dim3A_612 : vector<16xi1>, vector<16xf32>
        tpu.vector_store_idx %arg24[%get3A_571], %select_n3A_613 {add = true} : memref<10000xf32, #tpu.memory_space<vmem>>[vector<16xi32>], vector<16xf32>,
        %swap3A_614 = arith.constant 32 : index
        %swap3A_615 = tpu.vector_load %arg17[%swap3A_614] {strides = array<i32>} : memref<64xf32, #tpu.memory_space<vmem>>, vector<16xf32>,
        tpu.vector_store %arg17[%swap3A_614], %select_n3A_613 {strides = array<i32>} : memref<64xf32, #tpu.memory_space<vmem>>, vector<16xf32>,
        %get3A_616 = arith.constant 48 : index
        %get3A_617 = tpu.vector_load %arg11[%get3A_616] {strides = array<i32>} : memref<64xi32, #tpu.memory_space<vmem>>, vector<16xi32>,
        %get3A_618 = arith.constant 48 : index
        %get3A_619 = tpu.vector_load %arg14[%get3A_618] {strides = array<i32>} : memref<64xi32, #tpu.memory_space<vmem>>, vector<16xi32>,
        %gather3A_620 = tpu.vector_load_idx %arg23[%get3A_617] : memref<10000xi32, #tpu.memory_space<vmem>>[vector<16xi32>], vector<16xi32>,
        %gather3A_621 = tpu.vector_load_idx %arg23[%get3A_619] : memref<10000xi32, #tpu.memory_space<vmem>>[vector<16xi32>], vector<16xi32>,
        %shift_right_arithmetic3A_622 = arith.constant 16 : i32
        %shift_right_arithmetic3A_623 = vector.broadcast %shift_right_arithmetic3A_622 : i32 to vector<16xi32>
        %shift_right_arithmetic3A_624 = arith.shrsi %gather3A_620, %shift_right_arithmetic3A_623 : vector<16xi32>
        %convert_element_type3A_625 = arith.sitofp %shift_right_arithmetic3A_624 : vector<16xi32> to vector<16xf32>
        %mul3A_626 = arith.constant 0.001953125 : f32
        %mul3A_627 = vector.broadcast %mul3A_626 : f32 to vector<16xf32>
        %mul3A_628 = arith.mulf %convert_element_type3A_625, %mul3A_627 : vector<16xf32>
        %shift_left3A_629 = arith.constant 16 : i32
        %shift_left3A_630 = vector.broadcast %shift_left3A_629 : i32 to vector<16xi32>
        %shift_left3A_631 = arith.shli %gather3A_621, %shift_left3A_630 : vector<16xi32>
        %shift_right_arithmetic3A_632 = arith.constant 16 : i32
        %shift_right_arithmetic3A_633 = vector.broadcast %shift_right_arithmetic3A_632 : i32 to vector<16xi32>
        %shift_right_arithmetic3A_634 = arith.shrsi %shift_left3A_631, %shift_right_arithmetic3A_633 : vector<16xi32>
        %convert_element_type3A_635 = arith.sitofp %shift_right_arithmetic3A_634 : vector<16xi32> to vector<16xf32>
        %mul3A_636 = arith.constant 0.001953125 : f32
        %mul3A_637 = vector.broadcast %mul3A_636 : f32 to vector<16xf32>
        %mul3A_638 = arith.mulf %convert_element_type3A_635, %mul3A_637 : vector<16xf32>
        %add3A_639 = arith.addf %mul3A_628, %mul3A_638 : vector<16xf32>
        %mul3A_640 = arith.constant 2.000000e-01 : f32
        %mul3A_641 = vector.broadcast %mul3A_640 : f32 to vector<16xf32>
        %mul3A_642 = arith.mulf %mul3A_641, %add3A_639 : vector<16xf32>
        %max3A_643 = arith.maximumf %add3A_639, %mul3A_642 : vector<16xf32>
        %add3A_644 = arith.addf %get3A_471, %mul3A_638 : vector<16xf32>
        %mul3A_645 = arith.constant 2.000000e-01 : f32
        %mul3A_646 = vector.broadcast %mul3A_645 : f32 to vector<16xf32>
        %mul3A_647 = arith.mulf %mul3A_646, %add3A_644 : vector<16xf32>
        %max3A_648 = arith.maximumf %add3A_644, %mul3A_647 : vector<16xf32>
        %sub3A_649 = arith.subf %max3A_643, %max3A_648 : vector<16xf32>
        %exp3A_650 = math.exp %sub3A_649 : vector<16xf32>
        %add3A_651 = arith.constant 48 : i32
        %add3A_652 = arith.addi %add3A_416, %add3A_651 : i32
        %iota3A_653 = tpu.iota {dimensions = array<i32: 0>} : vector<16xi32>
        %add3A_654 = vector.broadcast %add3A_652 : i32 to vector<16xi32>
        %add3A_655 = arith.addi %add3A_654, %iota3A_653 : vector<16xi32>
        %lt3A_656 = arith.constant 330000 : i32
        %lt3A_657 = vector.broadcast %lt3A_656 : i32 to vector<16xi32>
        %lt3A_658 = arith.cmpi slt, %add3A_655, %lt3A_657 : vector<16xi32>
        %jit3A_659 = arith.constant 0.000000e+00 : f32
        %broadcast_in_dim3A_660 = vector.broadcast %jit3A_659 : f32 to vector<16xf32>
        %select_n3A_661 = arith.select %lt3A_658, %exp3A_650, %broadcast_in_dim3A_660 : vector<16xi1>, vector<16xf32>
        tpu.vector_store_idx %arg24[%get3A_619], %select_n3A_661 {add = true} : memref<10000xf32, #tpu.memory_space<vmem>>[vector<16xi32>], vector<16xf32>,
        %swap3A_662 = arith.constant 48 : index
        %swap3A_663 = tpu.vector_load %arg17[%swap3A_662] {strides = array<i32>} : memref<64xf32, #tpu.memory_space<vmem>>, vector<16xf32>,
        tpu.vector_store %arg17[%swap3A_662], %select_n3A_661 {strides = array<i32>} : memref<64xf32, #tpu.memory_space<vmem>>, vector<16xf32>,
      } else {
      }
      %dma_wait3A_400 = arith.constant 0 : i32
      %dma_wait3A_401 = arith.constant 0 : i32
      %dma_wait3A_402 = tpu.memref_slice %arg5[%dma_wait3A_400, %dma_wait3A_401] : memref<10000x128xf32, #tpu.memory_space<hbm>> -> memref<10000x128xf32, #tpu.memory_space<hbm>>
      tpu.wait_indirect_dma semaphore(%arg29 : memref<!tpu.dma_semaphore, #tpu.memory_space<semaphore_mem>>) src(%dma_wait3A_402 : memref<10000x128xf32, #tpu.memory_space<hbm>>) dst(%arg22 : memref<64x128xf32, #tpu.memory_space<vmem>>)
      %scan3A_403 = arith.constant 0 : i32
      %scan3A_404 = arith.constant 0 : i32
      %scan3A_405 = arith.constant 64 : i32
      %scan3A_406 = arith.addi %scan3A_404, %scan3A_405 : i32
      %scan3A_407 = arith.constant 4 : i32
      scf.for %scan3A_412 = %scan3A_404 to %scan3A_406 step %scan3A_407  : i32 {
        %broadcast_in_dim3A_413 = vector.broadcast %scan3A_412 : i32 to vector<16xi32>
        %gather3A_414 = tpu.vector_load_idx %arg19[%broadcast_in_dim3A_413] : memref<64xf32, #tpu.memory_space<vmem>>[vector<16xi32>], vector<16xf32>,
        %get3A_415 = arith.index_cast %scan3A_412 : i32 to index
        %get3A_416 = arith.constant 0 : index
        %get3A_417 = tpu.vector_load %arg22[%get3A_415, %get3A_416] {strides = array<i32>} : memref<64x128xf32, #tpu.memory_space<vmem>>, vector<16xf32>,
        %mul3A_418 = arith.mulf %get3A_417, %gather3A_414 : vector<16xf32>
        %swap3A_419 = arith.index_cast %scan3A_412 : i32 to index
        %swap3A_420 = arith.constant 0 : index
        %swap3A_421 = tpu.vector_load %arg22[%swap3A_419, %swap3A_420] {strides = array<i32>} : memref<64x128xf32, #tpu.memory_space<vmem>>, vector<16xf32>,
        tpu.vector_store %arg22[%swap3A_419, %swap3A_420], %mul3A_418 {strides = array<i32>} : memref<64x128xf32, #tpu.memory_space<vmem>>, vector<16xf32>,
        %get3A_422 = arith.index_cast %scan3A_412 : i32 to index
        %get3A_423 = arith.constant 16 : index
        %get3A_424 = tpu.vector_load %arg22[%get3A_422, %get3A_423] {strides = array<i32>} : memref<64x128xf32, #tpu.memory_space<vmem>>, vector<16xf32>,
        %mul3A_425 = arith.mulf %get3A_424, %gather3A_414 : vector<16xf32>
        %swap3A_426 = arith.index_cast %scan3A_412 : i32 to index
        %swap3A_427 = arith.constant 16 : index
        %swap3A_428 = tpu.vector_load %arg22[%swap3A_426, %swap3A_427] {strides = array<i32>} : memref<64x128xf32, #tpu.memory_space<vmem>>, vector<16xf32>,
        tpu.vector_store %arg22[%swap3A_426, %swap3A_427], %mul3A_425 {strides = array<i32>} : memref<64x128xf32, #tpu.memory_space<vmem>>, vector<16xf32>,
        %get3A_429 = arith.index_cast %scan3A_412 : i32 to index
        %get3A_430 = arith.constant 32 : index
        %get3A_431 = tpu.vector_load %arg22[%get3A_429, %get3A_430] {strides = array<i32>} : memref<64x128xf32, #tpu.memory_space<vmem>>, vector<16xf32>,
        %mul3A_432 = arith.mulf %get3A_431, %gather3A_414 : vector<16xf32>
        %swap3A_433 = arith.index_cast %scan3A_412 : i32 to index
        %swap3A_434 = arith.constant 32 : index
        %swap3A_435 = tpu.vector_load %arg22[%swap3A_433, %swap3A_434] {strides = array<i32>} : memref<64x128xf32, #tpu.memory_space<vmem>>, vector<16xf32>,
        tpu.vector_store %arg22[%swap3A_433, %swap3A_434], %mul3A_432 {strides = array<i32>} : memref<64x128xf32, #tpu.memory_space<vmem>>, vector<16xf32>,
        %get3A_436 = arith.index_cast %scan3A_412 : i32 to index
        %get3A_437 = arith.constant 48 : index
        %get3A_438 = tpu.vector_load %arg22[%get3A_436, %get3A_437] {strides = array<i32>} : memref<64x128xf32, #tpu.memory_space<vmem>>, vector<16xf32>,
        %mul3A_439 = arith.mulf %get3A_438, %gather3A_414 : vector<16xf32>
        %swap3A_440 = arith.index_cast %scan3A_412 : i32 to index
        %swap3A_441 = arith.constant 48 : index
        %swap3A_442 = tpu.vector_load %arg22[%swap3A_440, %swap3A_441] {strides = array<i32>} : memref<64x128xf32, #tpu.memory_space<vmem>>, vector<16xf32>,
        tpu.vector_store %arg22[%swap3A_440, %swap3A_441], %mul3A_439 {strides = array<i32>} : memref<64x128xf32, #tpu.memory_space<vmem>>, vector<16xf32>,
        %get3A_443 = arith.index_cast %scan3A_412 : i32 to index
        %get3A_444 = arith.constant 64 : index
        %get3A_445 = tpu.vector_load %arg22[%get3A_443, %get3A_444] {strides = array<i32>} : memref<64x128xf32, #tpu.memory_space<vmem>>, vector<16xf32>,
        %mul3A_446 = arith.mulf %get3A_445, %gather3A_414 : vector<16xf32>
        %swap3A_447 = arith.index_cast %scan3A_412 : i32 to index
        %swap3A_448 = arith.constant 64 : index
        %swap3A_449 = tpu.vector_load %arg22[%swap3A_447, %swap3A_448] {strides = array<i32>} : memref<64x128xf32, #tpu.memory_space<vmem>>, vector<16xf32>,
        tpu.vector_store %arg22[%swap3A_447, %swap3A_448], %mul3A_446 {strides = array<i32>} : memref<64x128xf32, #tpu.memory_space<vmem>>, vector<16xf32>,
        %get3A_450 = arith.index_cast %scan3A_412 : i32 to index
        %get3A_451 = arith.constant 80 : index
        %get3A_452 = tpu.vector_load %arg22[%get3A_450, %get3A_451] {strides = array<i32>} : memref<64x128xf32, #tpu.memory_space<vmem>>, vector<16xf32>,
        %mul3A_453 = arith.mulf %get3A_452, %gather3A_414 : vector<16xf32>
        %swap3A_454 = arith.index_cast %scan3A_412 : i32 to index
        %swap3A_455 = arith.constant 80 : index
        %swap3A_456 = tpu.vector_load %arg22[%swap3A_454, %swap3A_455] {strides = array<i32>} : memref<64x128xf32, #tpu.memory_space<vmem>>, vector<16xf32>,
        tpu.vector_store %arg22[%swap3A_454, %swap3A_455], %mul3A_453 {strides = array<i32>} : memref<64x128xf32, #tpu.memory_space<vmem>>, vector<16xf32>,
        %get3A_457 = arith.index_cast %scan3A_412 : i32 to index
        %get3A_458 = arith.constant 96 : index
        %get3A_459 = tpu.vector_load %arg22[%get3A_457, %get3A_458] {strides = array<i32>} : memref<64x128xf32, #tpu.memory_space<vmem>>, vector<16xf32>,
        %mul3A_460 = arith.mulf %get3A_459, %gather3A_414 : vector<16xf32>
        %swap3A_461 = arith.index_cast %scan3A_412 : i32 to index
        %swap3A_462 = arith.constant 96 : index
        %swap3A_463 = tpu.vector_load %arg22[%swap3A_461, %swap3A_462] {strides = array<i32>} : memref<64x128xf32, #tpu.memory_space<vmem>>, vector<16xf32>,
        tpu.vector_store %arg22[%swap3A_461, %swap3A_462], %mul3A_460 {strides = array<i32>} : memref<64x128xf32, #tpu.memory_space<vmem>>, vector<16xf32>,
        %get3A_464 = arith.index_cast %scan3A_412 : i32 to index
        %get3A_465 = arith.constant 112 : index
        %get3A_466 = tpu.vector_load %arg22[%get3A_464, %get3A_465] {strides = array<i32>} : memref<64x128xf32, #tpu.memory_space<vmem>>, vector<16xf32>,
        %mul3A_467 = arith.mulf %get3A_466, %gather3A_414 : vector<16xf32>
        %swap3A_468 = arith.index_cast %scan3A_412 : i32 to index
        %swap3A_469 = arith.constant 112 : index
        %swap3A_470 = tpu.vector_load %arg22[%swap3A_468, %swap3A_469] {strides = array<i32>} : memref<64x128xf32, #tpu.memory_space<vmem>>, vector<16xf32>,
        tpu.vector_store %arg22[%swap3A_468, %swap3A_469], %mul3A_467 {strides = array<i32>} : memref<64x128xf32, #tpu.memory_space<vmem>>, vector<16xf32>,
        %scan3A_471 = arith.constant 1 : i32
        %scan3A_472 = arith.addi %scan3A_412, %scan3A_471 : i32
        %broadcast_in_dim3A_473 = vector.broadcast %scan3A_472 : i32 to vector<16xi32>
        %gather3A_474 = tpu.vector_load_idx %arg19[%broadcast_in_dim3A_473] : memref<64xf32, #tpu.memory_space<vmem>>[vector<16xi32>], vector<16xf32>,
        %get3A_475 = arith.index_cast %scan3A_472 : i32 to index
        %get3A_476 = arith.constant 0 : index
        %get3A_477 = tpu.vector_load %arg22[%get3A_475, %get3A_476] {strides = array<i32>} : memref<64x128xf32, #tpu.memory_space<vmem>>, vector<16xf32>,
        %mul3A_478 = arith.mulf %get3A_477, %gather3A_474 : vector<16xf32>
        %swap3A_479 = arith.index_cast %scan3A_472 : i32 to index
        %swap3A_480 = arith.constant 0 : index
        %swap3A_481 = tpu.vector_load %arg22[%swap3A_479, %swap3A_480] {strides = array<i32>} : memref<64x128xf32, #tpu.memory_space<vmem>>, vector<16xf32>,
        tpu.vector_store %arg22[%swap3A_479, %swap3A_480], %mul3A_478 {strides = array<i32>} : memref<64x128xf32, #tpu.memory_space<vmem>>, vector<16xf32>,
        %get3A_482 = arith.index_cast %scan3A_472 : i32 to index
        %get3A_483 = arith.constant 16 : index
        %get3A_484 = tpu.vector_load %arg22[%get3A_482, %get3A_483] {strides = array<i32>} : memref<64x128xf32, #tpu.memory_space<vmem>>, vector<16xf32>,
        %mul3A_485 = arith.mulf %get3A_484, %gather3A_474 : vector<16xf32>
        %swap3A_486 = arith.index_cast %scan3A_472 : i32 to index
        %swap3A_487 = arith.constant 16 : index
        %swap3A_488 = tpu.vector_load %arg22[%swap3A_486, %swap3A_487] {strides = array<i32>} : memref<64x128xf32, #tpu.memory_space<vmem>>, vector<16xf32>,
        tpu.vector_store %arg22[%swap3A_486, %swap3A_487], %mul3A_485 {strides = array<i32>} : memref<64x128xf32, #tpu.memory_space<vmem>>, vector<16xf32>,
        %get3A_489 = arith.index_cast %scan3A_472 : i32 to index
        %get3A_490 = arith.constant 32 : index
        %get3A_491 = tpu.vector_load %arg22[%get3A_489, %get3A_490] {strides = array<i32>} : memref<64x128xf32, #tpu.memory_space<vmem>>, vector<16xf32>,
        %mul3A_492 = arith.mulf %get3A_491, %gather3A_474 : vector<16xf32>
        %swap3A_493 = arith.index_cast %scan3A_472 : i32 to index
        %swap3A_494 = arith.constant 32 : index
        %swap3A_495 = tpu.vector_load %arg22[%swap3A_493, %swap3A_494] {strides = array<i32>} : memref<64x128xf32, #tpu.memory_space<vmem>>, vector<16xf32>,
        tpu.vector_store %arg22[%swap3A_493, %swap3A_494], %mul3A_492 {strides = array<i32>} : memref<64x128xf32, #tpu.memory_space<vmem>>, vector<16xf32>,
        %get3A_496 = arith.index_cast %scan3A_472 : i32 to index
        %get3A_497 = arith.constant 48 : index
        %get3A_498 = tpu.vector_load %arg22[%get3A_496, %get3A_497] {strides = array<i32>} : memref<64x128xf32, #tpu.memory_space<vmem>>, vector<16xf32>,
        %mul3A_499 = arith.mulf %get3A_498, %gather3A_474 : vector<16xf32>
        %swap3A_500 = arith.index_cast %scan3A_472 : i32 to index
        %swap3A_501 = arith.constant 48 : index
        %swap3A_502 = tpu.vector_load %arg22[%swap3A_500, %swap3A_501] {strides = array<i32>} : memref<64x128xf32, #tpu.memory_space<vmem>>, vector<16xf32>,
        tpu.vector_store %arg22[%swap3A_500, %swap3A_501], %mul3A_499 {strides = array<i32>} : memref<64x128xf32, #tpu.memory_space<vmem>>, vector<16xf32>,
        %get3A_503 = arith.index_cast %scan3A_472 : i32 to index
        %get3A_504 = arith.constant 64 : index
        %get3A_505 = tpu.vector_load %arg22[%get3A_503, %get3A_504] {strides = array<i32>} : memref<64x128xf32, #tpu.memory_space<vmem>>, vector<16xf32>,
        %mul3A_506 = arith.mulf %get3A_505, %gather3A_474 : vector<16xf32>
        %swap3A_507 = arith.index_cast %scan3A_472 : i32 to index
        %swap3A_508 = arith.constant 64 : index
        %swap3A_509 = tpu.vector_load %arg22[%swap3A_507, %swap3A_508] {strides = array<i32>} : memref<64x128xf32, #tpu.memory_space<vmem>>, vector<16xf32>,
        tpu.vector_store %arg22[%swap3A_507, %swap3A_508], %mul3A_506 {strides = array<i32>} : memref<64x128xf32, #tpu.memory_space<vmem>>, vector<16xf32>,
        %get3A_510 = arith.index_cast %scan3A_472 : i32 to index
        %get3A_511 = arith.constant 80 : index
        %get3A_512 = tpu.vector_load %arg22[%get3A_510, %get3A_511] {strides = array<i32>} : memref<64x128xf32, #tpu.memory_space<vmem>>, vector<16xf32>,
        %mul3A_513 = arith.mulf %get3A_512, %gather3A_474 : vector<16xf32>
        %swap3A_514 = arith.index_cast %scan3A_472 : i32 to index
        %swap3A_515 = arith.constant 80 : index
        %swap3A_516 = tpu.vector_load %arg22[%swap3A_514, %swap3A_515] {strides = array<i32>} : memref<64x128xf32, #tpu.memory_space<vmem>>, vector<16xf32>,
        tpu.vector_store %arg22[%swap3A_514, %swap3A_515], %mul3A_513 {strides = array<i32>} : memref<64x128xf32, #tpu.memory_space<vmem>>, vector<16xf32>,
        %get3A_517 = arith.index_cast %scan3A_472 : i32 to index
        %get3A_518 = arith.constant 96 : index
        %get3A_519 = tpu.vector_load %arg22[%get3A_517, %get3A_518] {strides = array<i32>} : memref<64x128xf32, #tpu.memory_space<vmem>>, vector<16xf32>,
        %mul3A_520 = arith.mulf %get3A_519, %gather3A_474 : vector<16xf32>
        %swap3A_521 = arith.index_cast %scan3A_472 : i32 to index
        %swap3A_522 = arith.constant 96 : index
        %swap3A_523 = tpu.vector_load %arg22[%swap3A_521, %swap3A_522] {strides = array<i32>} : memref<64x128xf32, #tpu.memory_space<vmem>>, vector<16xf32>,
        tpu.vector_store %arg22[%swap3A_521, %swap3A_522], %mul3A_520 {strides = array<i32>} : memref<64x128xf32, #tpu.memory_space<vmem>>, vector<16xf32>,
        %get3A_524 = arith.index_cast %scan3A_472 : i32 to index
        %get3A_525 = arith.constant 112 : index
        %get3A_526 = tpu.vector_load %arg22[%get3A_524, %get3A_525] {strides = array<i32>} : memref<64x128xf32, #tpu.memory_space<vmem>>, vector<16xf32>,
        %mul3A_527 = arith.mulf %get3A_526, %gather3A_474 : vector<16xf32>
        %swap3A_528 = arith.index_cast %scan3A_472 : i32 to index
        %swap3A_529 = arith.constant 112 : index
        %swap3A_530 = tpu.vector_load %arg22[%swap3A_528, %swap3A_529] {strides = array<i32>} : memref<64x128xf32, #tpu.memory_space<vmem>>, vector<16xf32>,
        tpu.vector_store %arg22[%swap3A_528, %swap3A_529], %mul3A_527 {strides = array<i32>} : memref<64x128xf32, #tpu.memory_space<vmem>>, vector<16xf32>,
        %scan3A_531 = arith.constant 2 : i32
        %scan3A_532 = arith.addi %scan3A_412, %scan3A_531 : i32
        %broadcast_in_dim3A_533 = vector.broadcast %scan3A_532 : i32 to vector<16xi32>
        %gather3A_534 = tpu.vector_load_idx %arg19[%broadcast_in_dim3A_533] : memref<64xf32, #tpu.memory_space<vmem>>[vector<16xi32>], vector<16xf32>,
        %get3A_535 = arith.index_cast %scan3A_532 : i32 to index
        %get3A_536 = arith.constant 0 : index
        %get3A_537 = tpu.vector_load %arg22[%get3A_535, %get3A_536] {strides = array<i32>} : memref<64x128xf32, #tpu.memory_space<vmem>>, vector<16xf32>,
        %mul3A_538 = arith.mulf %get3A_537, %gather3A_534 : vector<16xf32>
        %swap3A_539 = arith.index_cast %scan3A_532 : i32 to index
        %swap3A_540 = arith.constant 0 : index
        %swap3A_541 = tpu.vector_load %arg22[%swap3A_539, %swap3A_540] {strides = array<i32>} : memref<64x128xf32, #tpu.memory_space<vmem>>, vector<16xf32>,
        tpu.vector_store %arg22[%swap3A_539, %swap3A_540], %mul3A_538 {strides = array<i32>} : memref<64x128xf32, #tpu.memory_space<vmem>>, vector<16xf32>,
        %get3A_542 = arith.index_cast %scan3A_532 : i32 to index
        %get3A_543 = arith.constant 16 : index
        %get3A_544 = tpu.vector_load %arg22[%get3A_542, %get3A_543] {strides = array<i32>} : memref<64x128xf32, #tpu.memory_space<vmem>>, vector<16xf32>,
        %mul3A_545 = arith.mulf %get3A_544, %gather3A_534 : vector<16xf32>
        %swap3A_546 = arith.index_cast %scan3A_532 : i32 to index
        %swap3A_547 = arith.constant 16 : index
        %swap3A_548 = tpu.vector_load %arg22[%swap3A_546, %swap3A_547] {strides = array<i32>} : memref<64x128xf32, #tpu.memory_space<vmem>>, vector<16xf32>,
        tpu.vector_store %arg22[%swap3A_546, %swap3A_547], %mul3A_545 {strides = array<i32>} : memref<64x128xf32, #tpu.memory_space<vmem>>, vector<16xf32>,
        %get3A_549 = arith.index_cast %scan3A_532 : i32 to index
        %get3A_550 = arith.constant 32 : index
        %get3A_551 = tpu.vector_load %arg22[%get3A_549, %get3A_550] {strides = array<i32>} : memref<64x128xf32, #tpu.memory_space<vmem>>, vector<16xf32>,
        %mul3A_552 = arith.mulf %get3A_551, %gather3A_534 : vector<16xf32>
        %swap3A_553 = arith.index_cast %scan3A_532 : i32 to index
        %swap3A_554 = arith.constant 32 : index
        %swap3A_555 = tpu.vector_load %arg22[%swap3A_553, %swap3A_554] {strides = array<i32>} : memref<64x128xf32, #tpu.memory_space<vmem>>, vector<16xf32>,
        tpu.vector_store %arg22[%swap3A_553, %swap3A_554], %mul3A_552 {strides = array<i32>} : memref<64x128xf32, #tpu.memory_space<vmem>>, vector<16xf32>,
        %get3A_556 = arith.index_cast %scan3A_532 : i32 to index
        %get3A_557 = arith.constant 48 : index
        %get3A_558 = tpu.vector_load %arg22[%get3A_556, %get3A_557] {strides = array<i32>} : memref<64x128xf32, #tpu.memory_space<vmem>>, vector<16xf32>,
        %mul3A_559 = arith.mulf %get3A_558, %gather3A_534 : vector<16xf32>
        %swap3A_560 = arith.index_cast %scan3A_532 : i32 to index
        %swap3A_561 = arith.constant 48 : index
        %swap3A_562 = tpu.vector_load %arg22[%swap3A_560, %swap3A_561] {strides = array<i32>} : memref<64x128xf32, #tpu.memory_space<vmem>>, vector<16xf32>,
        tpu.vector_store %arg22[%swap3A_560, %swap3A_561], %mul3A_559 {strides = array<i32>} : memref<64x128xf32, #tpu.memory_space<vmem>>, vector<16xf32>,
        %get3A_563 = arith.index_cast %scan3A_532 : i32 to index
        %get3A_564 = arith.constant 64 : index
        %get3A_565 = tpu.vector_load %arg22[%get3A_563, %get3A_564] {strides = array<i32>} : memref<64x128xf32, #tpu.memory_space<vmem>>, vector<16xf32>,
        %mul3A_566 = arith.mulf %get3A_565, %gather3A_534 : vector<16xf32>
        %swap3A_567 = arith.index_cast %scan3A_532 : i32 to index
        %swap3A_568 = arith.constant 64 : index
        %swap3A_569 = tpu.vector_load %arg22[%swap3A_567, %swap3A_568] {strides = array<i32>} : memref<64x128xf32, #tpu.memory_space<vmem>>, vector<16xf32>,
        tpu.vector_store %arg22[%swap3A_567, %swap3A_568], %mul3A_566 {strides = array<i32>} : memref<64x128xf32, #tpu.memory_space<vmem>>, vector<16xf32>,
        %get3A_570 = arith.index_cast %scan3A_532 : i32 to index
        %get3A_571 = arith.constant 80 : index
        %get3A_572 = tpu.vector_load %arg22[%get3A_570, %get3A_571] {strides = array<i32>} : memref<64x128xf32, #tpu.memory_space<vmem>>, vector<16xf32>,
        %mul3A_573 = arith.mulf %get3A_572, %gather3A_534 : vector<16xf32>
        %swap3A_574 = arith.index_cast %scan3A_532 : i32 to index
        %swap3A_575 = arith.constant 80 : index
        %swap3A_576 = tpu.vector_load %arg22[%swap3A_574, %swap3A_575] {strides = array<i32>} : memref<64x128xf32, #tpu.memory_space<vmem>>, vector<16xf32>,
        tpu.vector_store %arg22[%swap3A_574, %swap3A_575], %mul3A_573 {strides = array<i32>} : memref<64x128xf32, #tpu.memory_space<vmem>>, vector<16xf32>,
        %get3A_577 = arith.index_cast %scan3A_532 : i32 to index
        %get3A_578 = arith.constant 96 : index
        %get3A_579 = tpu.vector_load %arg22[%get3A_577, %get3A_578] {strides = array<i32>} : memref<64x128xf32, #tpu.memory_space<vmem>>, vector<16xf32>,
        %mul3A_580 = arith.mulf %get3A_579, %gather3A_534 : vector<16xf32>
        %swap3A_581 = arith.index_cast %scan3A_532 : i32 to index
        %swap3A_582 = arith.constant 96 : index
        %swap3A_583 = tpu.vector_load %arg22[%swap3A_581, %swap3A_582] {strides = array<i32>} : memref<64x128xf32, #tpu.memory_space<vmem>>, vector<16xf32>,
        tpu.vector_store %arg22[%swap3A_581, %swap3A_582], %mul3A_580 {strides = array<i32>} : memref<64x128xf32, #tpu.memory_space<vmem>>, vector<16xf32>,
        %get3A_584 = arith.index_cast %scan3A_532 : i32 to index
        %get3A_585 = arith.constant 112 : index
        %get3A_586 = tpu.vector_load %arg22[%get3A_584, %get3A_585] {strides = array<i32>} : memref<64x128xf32, #tpu.memory_space<vmem>>, vector<16xf32>,
        %mul3A_587 = arith.mulf %get3A_586, %gather3A_534 : vector<16xf32>
        %swap3A_588 = arith.index_cast %scan3A_532 : i32 to index
        %swap3A_589 = arith.constant 112 : index
        %swap3A_590 = tpu.vector_load %arg22[%swap3A_588, %swap3A_589] {strides = array<i32>} : memref<64x128xf32, #tpu.memory_space<vmem>>, vector<16xf32>,
        tpu.vector_store %arg22[%swap3A_588, %swap3A_589], %mul3A_587 {strides = array<i32>} : memref<64x128xf32, #tpu.memory_space<vmem>>, vector<16xf32>,
        %scan3A_591 = arith.constant 3 : i32
        %scan3A_592 = arith.addi %scan3A_412, %scan3A_591 : i32
        %broadcast_in_dim3A_593 = vector.broadcast %scan3A_592 : i32 to vector<16xi32>
        %gather3A_594 = tpu.vector_load_idx %arg19[%broadcast_in_dim3A_593] : memref<64xf32, #tpu.memory_space<vmem>>[vector<16xi32>], vector<16xf32>,
        %get3A_595 = arith.index_cast %scan3A_592 : i32 to index
        %get3A_596 = arith.constant 0 : index
        %get3A_597 = tpu.vector_load %arg22[%get3A_595, %get3A_596] {strides = array<i32>} : memref<64x128xf32, #tpu.memory_space<vmem>>, vector<16xf32>,
        %mul3A_598 = arith.mulf %get3A_597, %gather3A_594 : vector<16xf32>
        %swap3A_599 = arith.index_cast %scan3A_592 : i32 to index
        %swap3A_600 = arith.constant 0 : index
        %swap3A_601 = tpu.vector_load %arg22[%swap3A_599, %swap3A_600] {strides = array<i32>} : memref<64x128xf32, #tpu.memory_space<vmem>>, vector<16xf32>,
        tpu.vector_store %arg22[%swap3A_599, %swap3A_600], %mul3A_598 {strides = array<i32>} : memref<64x128xf32, #tpu.memory_space<vmem>>, vector<16xf32>,
        %get3A_602 = arith.index_cast %scan3A_592 : i32 to index
        %get3A_603 = arith.constant 16 : index
        %get3A_604 = tpu.vector_load %arg22[%get3A_602, %get3A_603] {strides = array<i32>} : memref<64x128xf32, #tpu.memory_space<vmem>>, vector<16xf32>,
        %mul3A_605 = arith.mulf %get3A_604, %gather3A_594 : vector<16xf32>
        %swap3A_606 = arith.index_cast %scan3A_592 : i32 to index
        %swap3A_607 = arith.constant 16 : index
        %swap3A_608 = tpu.vector_load %arg22[%swap3A_606, %swap3A_607] {strides = array<i32>} : memref<64x128xf32, #tpu.memory_space<vmem>>, vector<16xf32>,
        tpu.vector_store %arg22[%swap3A_606, %swap3A_607], %mul3A_605 {strides = array<i32>} : memref<64x128xf32, #tpu.memory_space<vmem>>, vector<16xf32>,
        %get3A_609 = arith.index_cast %scan3A_592 : i32 to index
        %get3A_610 = arith.constant 32 : index
        %get3A_611 = tpu.vector_load %arg22[%get3A_609, %get3A_610] {strides = array<i32>} : memref<64x128xf32, #tpu.memory_space<vmem>>, vector<16xf32>,
        %mul3A_612 = arith.mulf %get3A_611, %gather3A_594 : vector<16xf32>
        %swap3A_613 = arith.index_cast %scan3A_592 : i32 to index
        %swap3A_614 = arith.constant 32 : index
        %swap3A_615 = tpu.vector_load %arg22[%swap3A_613, %swap3A_614] {strides = array<i32>} : memref<64x128xf32, #tpu.memory_space<vmem>>, vector<16xf32>,
        tpu.vector_store %arg22[%swap3A_613, %swap3A_614], %mul3A_612 {strides = array<i32>} : memref<64x128xf32, #tpu.memory_space<vmem>>, vector<16xf32>,
        %get3A_616 = arith.index_cast %scan3A_592 : i32 to index
        %get3A_617 = arith.constant 48 : index
        %get3A_618 = tpu.vector_load %arg22[%get3A_616, %get3A_617] {strides = array<i32>} : memref<64x128xf32, #tpu.memory_space<vmem>>, vector<16xf32>,
        %mul3A_619 = arith.mulf %get3A_618, %gather3A_594 : vector<16xf32>
        %swap3A_620 = arith.index_cast %scan3A_592 : i32 to index
        %swap3A_621 = arith.constant 48 : index
        %swap3A_622 = tpu.vector_load %arg22[%swap3A_620, %swap3A_621] {strides = array<i32>} : memref<64x128xf32, #tpu.memory_space<vmem>>, vector<16xf32>,
        tpu.vector_store %arg22[%swap3A_620, %swap3A_621], %mul3A_619 {strides = array<i32>} : memref<64x128xf32, #tpu.memory_space<vmem>>, vector<16xf32>,
        %get3A_623 = arith.index_cast %scan3A_592 : i32 to index
        %get3A_624 = arith.constant 64 : index
        %get3A_625 = tpu.vector_load %arg22[%get3A_623, %get3A_624] {strides = array<i32>} : memref<64x128xf32, #tpu.memory_space<vmem>>, vector<16xf32>,
        %mul3A_626 = arith.mulf %get3A_625, %gather3A_594 : vector<16xf32>
        %swap3A_627 = arith.index_cast %scan3A_592 : i32 to index
        %swap3A_628 = arith.constant 64 : index
        %swap3A_629 = tpu.vector_load %arg22[%swap3A_627, %swap3A_628] {strides = array<i32>} : memref<64x128xf32, #tpu.memory_space<vmem>>, vector<16xf32>,
        tpu.vector_store %arg22[%swap3A_627, %swap3A_628], %mul3A_626 {strides = array<i32>} : memref<64x128xf32, #tpu.memory_space<vmem>>, vector<16xf32>,
        %get3A_630 = arith.index_cast %scan3A_592 : i32 to index
        %get3A_631 = arith.constant 80 : index
        %get3A_632 = tpu.vector_load %arg22[%get3A_630, %get3A_631] {strides = array<i32>} : memref<64x128xf32, #tpu.memory_space<vmem>>, vector<16xf32>,
        %mul3A_633 = arith.mulf %get3A_632, %gather3A_594 : vector<16xf32>
        %swap3A_634 = arith.index_cast %scan3A_592 : i32 to index
        %swap3A_635 = arith.constant 80 : index
        %swap3A_636 = tpu.vector_load %arg22[%swap3A_634, %swap3A_635] {strides = array<i32>} : memref<64x128xf32, #tpu.memory_space<vmem>>, vector<16xf32>,
        tpu.vector_store %arg22[%swap3A_634, %swap3A_635], %mul3A_633 {strides = array<i32>} : memref<64x128xf32, #tpu.memory_space<vmem>>, vector<16xf32>,
        %get3A_637 = arith.index_cast %scan3A_592 : i32 to index
        %get3A_638 = arith.constant 96 : index
        %get3A_639 = tpu.vector_load %arg22[%get3A_637, %get3A_638] {strides = array<i32>} : memref<64x128xf32, #tpu.memory_space<vmem>>, vector<16xf32>,
        %mul3A_640 = arith.mulf %get3A_639, %gather3A_594 : vector<16xf32>
        %swap3A_641 = arith.index_cast %scan3A_592 : i32 to index
        %swap3A_642 = arith.constant 96 : index
        %swap3A_643 = tpu.vector_load %arg22[%swap3A_641, %swap3A_642] {strides = array<i32>} : memref<64x128xf32, #tpu.memory_space<vmem>>, vector<16xf32>,
        tpu.vector_store %arg22[%swap3A_641, %swap3A_642], %mul3A_640 {strides = array<i32>} : memref<64x128xf32, #tpu.memory_space<vmem>>, vector<16xf32>,
        %get3A_644 = arith.index_cast %scan3A_592 : i32 to index
        %get3A_645 = arith.constant 112 : index
        %get3A_646 = tpu.vector_load %arg22[%get3A_644, %get3A_645] {strides = array<i32>} : memref<64x128xf32, #tpu.memory_space<vmem>>, vector<16xf32>,
        %mul3A_647 = arith.mulf %get3A_646, %gather3A_594 : vector<16xf32>
        %swap3A_648 = arith.index_cast %scan3A_592 : i32 to index
        %swap3A_649 = arith.constant 112 : index
        %swap3A_650 = tpu.vector_load %arg22[%swap3A_648, %swap3A_649] {strides = array<i32>} : memref<64x128xf32, #tpu.memory_space<vmem>>, vector<16xf32>,
        tpu.vector_store %arg22[%swap3A_648, %swap3A_649], %mul3A_647 {strides = array<i32>} : memref<64x128xf32, #tpu.memory_space<vmem>>, vector<16xf32>,
      }
      %scan3A_408 = arith.constant 64 : i32
      %dma_start3A_409 = arith.constant 0 : i32
      %dma_start3A_410 = arith.constant 0 : i32
      %dma_start3A_411 = tpu.memref_slice %arg26[%dma_start3A_409, %dma_start3A_410] : memref<10240x128xf32, #tpu.memory_space<vmem_shared>> -> memref<10240x128xf32, #tpu.memory_space<vmem_shared>>
      tpu.enqueue_indirect_dma source(%arg22 : memref<64x128xf32, #tpu.memory_space<vmem>>) target(%dma_start3A_411 : memref<10240x128xf32, #tpu.memory_space<vmem_shared>>) offsets(%arg16 : memref<64xi32, #tpu.memory_space<vmem>>) semaphore(%arg32 : memref<!tpu.dma_semaphore, #tpu.memory_space<semaphore_mem>>) {add = true}
    }
    %scan3A_308 = arith.constant 54 : i32
    %dma_wait3A_309 = arith.constant 0 : i32
    %dma_wait3A_310 = arith.constant 0 : i32
    %dma_wait3A_311 = tpu.memref_slice %arg26[%dma_wait3A_309, %dma_wait3A_310] : memref<10240x128xf32, #tpu.memory_space<vmem_shared>> -> memref<10240x128xf32, #tpu.memory_space<vmem_shared>>
    tpu.wait_indirect_dma semaphore(%arg31 : memref<!tpu.dma_semaphore, #tpu.memory_space<semaphore_mem>>) src(%arg21 : memref<64x128xf32, #tpu.memory_space<vmem>>) dst(%dma_wait3A_311 : memref<10240x128xf32, #tpu.memory_space<vmem_shared>>)
    %dma_wait3A_312 = arith.constant 0 : i32
    %dma_wait3A_313 = arith.constant 0 : i32
    %dma_wait3A_314 = tpu.memref_slice %arg26[%dma_wait3A_312, %dma_wait3A_313] : memref<10240x128xf32, #tpu.memory_space<vmem_shared>> -> memref<10240x128xf32, #tpu.memory_space<vmem_shared>>
    tpu.wait_indirect_dma semaphore(%arg32 : memref<!tpu.dma_semaphore, #tpu.memory_space<semaphore_mem>>) src(%arg22 : memref<64x128xf32, #tpu.memory_space<vmem>>) dst(%dma_wait3A_314 : memref<10240x128xf32, #tpu.memory_space<vmem_shared>>)
    %barrier3A_315 = arith.constant 0 : index
    tpu.barrier barrier_id(%barrier3A_315)
    %mul3A_316 = arith.constant 640 : i32
    %mul3A_317 = arith.muli %arg1, %mul3A_316 : i32
    %mul3A_318 = arith.constant 640 : i32
    %mul3A_319 = arith.muli %arg1, %mul3A_318 : i32
    "tpu.region"() ({
      %run_scoped3A_320 = tpu.sem_alloc : memref<!tpu.dma_semaphore, #tpu.memory_space<semaphore_mem>>
      %dma_start3A_321 = arith.constant 0 : i32
      %dma_start3A_322 = tpu.memref_slice %arg6[%arg0, %mul3A_319, %dma_start3A_321] : memref<2x10240x128xf32, #tpu.memory_space<hbm>> -> memref<1x640x128xf32, #tpu.memory_space<hbm>>
      %dma_start3A_323 = tpu.memref_squeeze %dma_start3A_322 : memref<1x640x128xf32, #tpu.memory_space<hbm>> -> memref<640x128xf32, #tpu.memory_space<hbm>>
      %dma_start3A_324 = arith.constant 0 : i32
      %dma_start3A_325 = tpu.memref_slice %arg26[%mul3A_317, %dma_start3A_324] : memref<10240x128xf32, #tpu.memory_space<vmem_shared>> -> memref<640x128xf32, #tpu.memory_space<vmem_shared>>
      tpu.enqueue_dma source(%dma_start3A_325 : memref<640x128xf32, #tpu.memory_space<vmem_shared>>) target(%dma_start3A_323 : memref<640x128xf32, #tpu.memory_space<hbm>>) target_semaphore(%run_scoped3A_320 : memref<!tpu.dma_semaphore, #tpu.memory_space<semaphore_mem>>)
      %dma_wait3A_326 = arith.constant 0 : i32
      %dma_wait3A_327 = tpu.memref_slice %arg6[%arg0, %mul3A_319, %dma_wait3A_326] : memref<2x10240x128xf32, #tpu.memory_space<hbm>> -> memref<1x640x128xf32, #tpu.memory_space<hbm>>
      %dma_wait3A_328 = tpu.memref_squeeze %dma_wait3A_327 : memref<1x640x128xf32, #tpu.memory_space<hbm>> -> memref<640x128xf32, #tpu.memory_space<hbm>>
      %dma_wait3A_329 = arith.constant 0 : i32
      %dma_wait3A_330 = tpu.memref_slice %arg26[%mul3A_317, %dma_wait3A_329] : memref<10240x128xf32, #tpu.memory_space<vmem_shared>> -> memref<640x128xf32, #tpu.memory_space<vmem_shared>>
      tpu.wait_dma2 semaphore(%run_scoped3A_320 : memref<!tpu.dma_semaphore, #tpu.memory_space<semaphore_mem>>) src(%dma_wait3A_330 : memref<640x128xf32, #tpu.memory_space<vmem_shared>>) dst(%dma_wait3A_328 : memref<640x128xf32, #tpu.memory_space<hbm>>)
      tpu.yield
    }) : () -> ()
    "tpu.region"() ({
      %run_scoped3A_320 = tpu.sem_alloc : memref<!tpu.dma_semaphore, #tpu.memory_space<semaphore_mem>>
      %dma_start3A_321 = arith.constant 0 : i32
      %dma_start3A_322 = tpu.memref_slice %arg7[%add3A, %dma_start3A_321] : memref<32x10000xf32, #tpu.memory_space<hbm>> -> memref<1x10000xf32, #tpu.memory_space<hbm>>
      %dma_start3A_323 = tpu.memref_squeeze %dma_start3A_322 : memref<1x10000xf32, #tpu.memory_space<hbm>> -> memref<10000xf32, #tpu.memory_space<hbm>>
      %dma_start3A_324 = arith.constant 0 : i32
      %dma_start3A_325 = tpu.memref_slice %arg7[%add3A, %dma_start3A_324] : memref<32x10000xf32, #tpu.memory_space<hbm>> -> memref<1x10000xf32, #tpu.memory_space<hbm>>
      %dma_start3A_326 = tpu.memref_squeeze %dma_start3A_325 : memref<1x10000xf32, #tpu.memory_space<hbm>> -> memref<10000xf32, #tpu.memory_space<hbm>>
      tpu.enqueue_dma source(%arg24 : memref<10000xf32, #tpu.memory_space<vmem>>) target(%dma_start3A_326 : memref<10000xf32, #tpu.memory_space<hbm>>) target_semaphore(%run_scoped3A_320 : memref<!tpu.dma_semaphore, #tpu.memory_space<semaphore_mem>>)
      %dma_wait3A_327 = arith.constant 0 : i32
      %dma_wait3A_328 = tpu.memref_slice %arg7[%add3A, %dma_wait3A_327] : memref<32x10000xf32, #tpu.memory_space<hbm>> -> memref<1x10000xf32, #tpu.memory_space<hbm>>
      %dma_wait3A_329 = tpu.memref_squeeze %dma_wait3A_328 : memref<1x10000xf32, #tpu.memory_space<hbm>> -> memref<10000xf32, #tpu.memory_space<hbm>>
      %dma_wait3A_330 = arith.constant 0 : i32
      %dma_wait3A_331 = tpu.memref_slice %arg7[%add3A, %dma_wait3A_330] : memref<32x10000xf32, #tpu.memory_space<hbm>> -> memref<1x10000xf32, #tpu.memory_space<hbm>>
      %dma_wait3A_332 = tpu.memref_squeeze %dma_wait3A_331 : memref<1x10000xf32, #tpu.memory_space<hbm>> -> memref<10000xf32, #tpu.memory_space<hbm>>
      tpu.wait_dma2 semaphore(%run_scoped3A_320 : memref<!tpu.dma_semaphore, #tpu.memory_space<semaphore_mem>>) src(%arg24 : memref<10000xf32, #tpu.memory_space<vmem>>) dst(%dma_wait3A_332 : memref<10000xf32, #tpu.memory_space<hbm>>)
      tpu.yield
    }) : () -> ()
    return
  }
}

module attributes {stable_mosaic.version = 14 : i64} {
  func.func @_pre_body(%arg0: memref<10000x128xf32, #tpu.memory_space<vmem>>, %arg1: memref<128x128xf32, #tpu.memory_space<vmem>>, %arg2: memref<1x128xf32, #tpu.memory_space<vmem>>, %arg3: memref<1x128xf32, #tpu.memory_space<vmem>>, %arg4: memref<2500x128xi32, #tpu.memory_space<vmem>>, %arg5: memref<2500x128xi32, #tpu.memory_space<vmem>>, %arg6: memref<10000x128xf32, #tpu.memory_space<vmem>>, %arg7: memref<1x10000xi32, #tpu.memory_space<vmem>>, %arg8: memref<1x128xf32, #tpu.memory_space<vmem>>, %arg9: memref<2592x128xi32, #tpu.memory_space<vmem>>) attributes {dimension_semantics = [], scalar_prefetch = 0 : i64, scratch_operands = 0 : i64, tpu.core_type = #tpu.core_type<tc>} {
    %get3A = arith.constant 0 : index
    %get3A_0 = arith.constant 0 : index
    %get3A_1 = vector.load %arg0[%get3A, %get3A_0] : memref<10000x128xf32, #tpu.memory_space<vmem>>, vector<10000x128xf32>
    %get3A_2 = arith.constant 0 : index
    %get3A_3 = arith.constant 0 : index
    %get3A_4 = vector.load %arg1[%get3A_2, %get3A_3] : memref<128x128xf32, #tpu.memory_space<vmem>>, vector<128x128xf32>
    %dot_general3A = arith.constant dense<0.000000e+00> : vector<10000x128xf32>
    %dot_general3A_5 = tpu.matmul %get3A_1, %get3A_4, %dot_general3A {dimension_numbers = #tpu.dot_dimension_numbers<[1], [0], [0], [1], [0, 0, 1, 1], [], []>, transpose_lhs_hint = false} : vector<10000x128xf32>, vector<128x128xf32>, vector<10000x128xf32> -> vector<10000x128xf32>
    %get3A_6 = arith.constant 0 : index
    %get3A_7 = arith.constant 0 : index
    %get3A_8 = vector.load %arg2[%get3A_6, %get3A_7] : memref<1x128xf32, #tpu.memory_space<vmem>>, vector<1x128xf32>
    %mul3A = vector.broadcast %get3A_8 : vector<1x128xf32> to vector<10000x128xf32>
    %mul3A_9 = arith.mulf %dot_general3A_5, %mul3A : vector<10000x128xf32>
    %reduce_sum3A = arith.constant dense<0.000000e+00> : vector<10000xf32>
    %reduce_sum3A_10 = vector.multi_reduction <add>, %mul3A_9, %reduce_sum3A [1] : vector<10000x128xf32> to vector<10000xf32>
    %get3A_11 = arith.constant 0 : index
    %get3A_12 = arith.constant 0 : index
    %get3A_13 = vector.load %arg3[%get3A_11, %get3A_12] : memref<1x128xf32, #tpu.memory_space<vmem>>, vector<1x128xf32>
    %mul3A_14 = vector.broadcast %get3A_13 : vector<1x128xf32> to vector<10000x128xf32>
    %mul3A_15 = arith.mulf %dot_general3A_5, %mul3A_14 : vector<10000x128xf32>
    %reduce_sum3A_16 = arith.constant dense<0.000000e+00> : vector<10000xf32>
    %reduce_sum3A_17 = vector.multi_reduction <add>, %mul3A_15, %reduce_sum3A_16 [1] : vector<10000x128xf32> to vector<10000xf32>
    %swap3A = arith.constant 0 : index
    %swap3A_18 = arith.constant 0 : index
    %swap3A_19 = vector.load %arg6[%swap3A, %swap3A_18] : memref<10000x128xf32, #tpu.memory_space<vmem>>, vector<10000x128xf32>
    tpu.vector_store %arg6[%swap3A, %swap3A_18], %dot_general3A_5 {strides = array<i32>} : memref<10000x128xf32, #tpu.memory_space<vmem>>, vector<10000x128xf32>,
    %jit3A = arith.constant -6.390000e+01 : f32
    %jit3A_20 = arith.constant 6.390000e+01 : f32
    %max3A = vector.broadcast %jit3A : f32 to vector<10000xf32>
    %max3A_21 = arith.maximumf %max3A, %reduce_sum3A_10 : vector<10000xf32>
    %min3A = vector.broadcast %jit3A_20 : f32 to vector<10000xf32>
    %min3A_22 = arith.minimumf %min3A, %max3A_21 : vector<10000xf32>
    %mul3A_23 = arith.constant 5.120000e+02 : f32
    %mul3A_24 = vector.broadcast %mul3A_23 : f32 to vector<10000xf32>
    %mul3A_25 = arith.mulf %min3A_22, %mul3A_24 : vector<10000xf32>
    %convert_element_type3A = arith.fptosi %mul3A_25 : vector<10000xf32> to vector<10000xi32>
    %jit3A_26 = arith.constant -6.390000e+01 : f32
    %jit3A_27 = arith.constant 6.390000e+01 : f32
    %max3A_28 = vector.broadcast %jit3A_26 : f32 to vector<10000xf32>
    %max3A_29 = arith.maximumf %max3A_28, %reduce_sum3A_17 : vector<10000xf32>
    %min3A_30 = vector.broadcast %jit3A_27 : f32 to vector<10000xf32>
    %min3A_31 = arith.minimumf %min3A_30, %max3A_29 : vector<10000xf32>
    %mul3A_32 = arith.constant 5.120000e+02 : f32
    %mul3A_33 = vector.broadcast %mul3A_32 : f32 to vector<10000xf32>
    %mul3A_34 = arith.mulf %min3A_31, %mul3A_33 : vector<10000xf32>
    %convert_element_type3A_35 = arith.fptosi %mul3A_34 : vector<10000xf32> to vector<10000xi32>
    %shift_left3A = arith.constant 16 : i32
    %shift_left3A_36 = vector.broadcast %shift_left3A : i32 to vector<10000xi32>
    %shift_left3A_37 = arith.shli %convert_element_type3A, %shift_left3A_36 : vector<10000xi32>
    %and3A = arith.constant 65535 : i32
    %and3A_38 = vector.broadcast %and3A : i32 to vector<10000xi32>
    %and3A_39 = arith.andi %convert_element_type3A_35, %and3A_38 : vector<10000xi32>
    %or3A = arith.ori %shift_left3A_37, %and3A_39 : vector<10000xi32>
    %broadcast_in_dim3A = vector.shape_cast %or3A : vector<10000xi32> to vector<1x10000xi32>
    %swap3A_40 = arith.constant 0 : index
    %swap3A_41 = arith.constant 0 : index
    %swap3A_42 = vector.load %arg7[%swap3A_40, %swap3A_41] : memref<1x10000xi32, #tpu.memory_space<vmem>>, vector<1x10000xi32>
    tpu.vector_store %arg7[%swap3A_40, %swap3A_41], %broadcast_in_dim3A {strides = array<i32>} : memref<1x10000xi32, #tpu.memory_space<vmem>>, vector<1x10000xi32>,
    %reduce_max3A = vector.shape_cast %reduce_sum3A_10 : vector<10000xf32> to vector<1x10000xf32>
    %reduce_max3A_43 = arith.constant dense<0xFF800000> : vector<1xf32>
    %reduce_max3A_44 = vector.multi_reduction <maximumf>, %reduce_max3A, %reduce_max3A_43 [1] : vector<1x10000xf32> to vector<1xf32>
    %reduce_max3A_45 = vector.shape_cast %reduce_max3A_44 : vector<1xf32> to vector<1x1xf32>
    %reduce_max3A_46 = vector.extract %reduce_max3A_45[0, 0] : f32 from vector<1x1xf32>
    %broadcast_in_dim3A_47 = vector.broadcast %reduce_max3A_46 : f32 to vector<1x128xf32>
    %swap3A_48 = arith.constant 0 : index
    %swap3A_49 = arith.constant 0 : index
    %swap3A_50 = vector.load %arg8[%swap3A_48, %swap3A_49] : memref<1x128xf32, #tpu.memory_space<vmem>>, vector<1x128xf32>
    tpu.vector_store %arg8[%swap3A_48, %swap3A_49], %broadcast_in_dim3A_47 {strides = array<i32>} : memref<1x128xf32, #tpu.memory_space<vmem>>, vector<1x128xf32>,
    %get3A_51 = arith.constant 0 : index
    %get3A_52 = arith.constant 0 : index
    %get3A_53 = vector.load %arg4[%get3A_51, %get3A_52] : memref<2500x128xi32, #tpu.memory_space<vmem>>, vector<2500x128xi32>
    %shift_left3A_54 = arith.constant 14 : i32
    %shift_left3A_55 = vector.broadcast %shift_left3A_54 : i32 to vector<2500x128xi32>
    %shift_left3A_56 = arith.shli %get3A_53, %shift_left3A_55 : vector<2500x128xi32>
    %get3A_57 = arith.constant 0 : index
    %get3A_58 = arith.constant 0 : index
    %get3A_59 = vector.load %arg5[%get3A_57, %get3A_58] : memref<2500x128xi32, #tpu.memory_space<vmem>>, vector<2500x128xi32>
    %or3A_60 = arith.ori %shift_left3A_56, %get3A_59 : vector<2500x128xi32>
    %swap3A_61 = arith.constant 0 : index
    %swap3A_62 = arith.constant 0 : index
    %swap3A_63 = vector.load %arg9[%swap3A_61, %swap3A_62] : memref<2592x128xi32, #tpu.memory_space<vmem>>, vector<2500x128xi32>
    tpu.vector_store %arg9[%swap3A_61, %swap3A_62], %or3A_60 {strides = array<i32>} : memref<2592x128xi32, #tpu.memory_space<vmem>>, vector<2500x128xi32>,
    %iota3A = tpu.iota {dimensions = array<i32: 0>} : vector<92x128xi32>
    %mul3A_64 = arith.constant 128 : i32
    %mul3A_65 = vector.broadcast %mul3A_64 : i32 to vector<92x128xi32>
    %mul3A_66 = arith.muli %iota3A, %mul3A_65 : vector<92x128xi32>
    %iota3A_67 = tpu.iota {dimensions = array<i32: 1>} : vector<92x128xi32>
    %add3A = arith.addi %mul3A_66, %iota3A_67 : vector<92x128xi32>
    %add3A_68 = arith.constant 320000 : i32
    %add3A_69 = vector.broadcast %add3A_68 : i32 to vector<92x128xi32>
    %add3A_70 = arith.addi %add3A, %add3A_69 : vector<92x128xi32>
    %lt3A = arith.constant 330000 : i32
    %lt3A_71 = vector.broadcast %lt3A : i32 to vector<92x128xi32>
    %lt3A_72 = arith.cmpi slt, %add3A_70, %lt3A_71 : vector<92x128xi32>
    %sub3A = arith.constant 320000 : i32
    %sub3A_73 = vector.broadcast %sub3A : i32 to vector<92x128xi32>
    %sub3A_74 = arith.subi %add3A_70, %sub3A_73 : vector<92x128xi32>
    %sub3A_75 = arith.constant 330000 : i32
    %sub3A_76 = vector.broadcast %sub3A_75 : i32 to vector<92x128xi32>
    %sub3A_77 = arith.subi %add3A_70, %sub3A_76 : vector<92x128xi32>
    %select_n3A = arith.select %lt3A_72, %sub3A_74, %sub3A_77 : vector<92x128xi1>, vector<92x128xi32>
    %mul3A_78 = arith.constant 16385 : i32
    %mul3A_79 = vector.broadcast %mul3A_78 : i32 to vector<92x128xi32>
    %mul3A_80 = arith.muli %select_n3A, %mul3A_79 : vector<92x128xi32>
    %swap3A_81 = arith.constant 2500 : index
    %swap3A_82 = arith.constant 0 : index
    %swap3A_83 = vector.load %arg9[%swap3A_81, %swap3A_82] : memref<2592x128xi32, #tpu.memory_space<vmem>>, vector<92x128xi32>
    tpu.vector_store %arg9[%swap3A_81, %swap3A_82], %mul3A_80 {strides = array<i32>} : memref<2592x128xi32, #tpu.memory_space<vmem>>, vector<92x128xi32>,
    return
  }
}

module attributes {stable_mosaic.version = 14 : i64} {
  func.func @_post_body(%arg0: memref<2x10240x128xf32, #tpu.memory_space<vmem>>, %arg1: memref<32x10000xf32, #tpu.memory_space<vmem>>, %arg2: memref<1x128xf32, #tpu.memory_space<vmem>>, %arg3: memref<128x128xf32, #tpu.memory_space<vmem>>, %arg4: memref<1x128xf32, #tpu.memory_space<vmem>>, %arg5: memref<10000x128xf32, #tpu.memory_space<vmem>>) attributes {dimension_semantics = [], scalar_prefetch = 0 : i64, scratch_operands = 0 : i64, tpu.core_type = #tpu.core_type<tc>} {
    %get3A = arith.constant 0 : index
    %get3A_0 = arith.constant 0 : index
    %get3A_1 = arith.constant 0 : index
    %get3A_2 = vector.load %arg0[%get3A, %get3A_0, %get3A_1] : memref<2x10240x128xf32, #tpu.memory_space<vmem>>, vector<1x10240x128xf32>
    %get3A_3 = vector.shape_cast %get3A_2 : vector<1x10240x128xf32> to vector<10240x128xf32>
    %get3A_4 = arith.constant 1 : index
    %get3A_5 = arith.constant 0 : index
    %get3A_6 = arith.constant 0 : index
    %get3A_7 = vector.load %arg0[%get3A_4, %get3A_5, %get3A_6] : memref<2x10240x128xf32, #tpu.memory_space<vmem>>, vector<1x10240x128xf32>
    %get3A_8 = vector.shape_cast %get3A_7 : vector<1x10240x128xf32> to vector<10240x128xf32>
    %add3A = arith.addf %get3A_3, %get3A_8 : vector<10240x128xf32>
    %get3A_9 = arith.constant 0 : index
    %get3A_10 = arith.constant 0 : index
    %get3A_11 = vector.load %arg1[%get3A_9, %get3A_10] : memref<32x10000xf32, #tpu.memory_space<vmem>>, vector<32x10000xf32>
    %reduce_sum3A = arith.constant dense<0.000000e+00> : vector<10000xf32>
    %reduce_sum3A_12 = vector.multi_reduction <add>, %get3A_11, %reduce_sum3A [0] : vector<32x10000xf32> to vector<10000xf32>
    %slice3A = vector.extract_strided_slice %add3A {offsets = [0, 0], sizes = [10000, 128], strides = [1, 1]} : vector<10240x128xf32> to vector<10000x128xf32>
    %broadcast_in_dim3A = vector.shape_cast %reduce_sum3A_12 : vector<10000xf32> to vector<10000x1xf32>
    %add3A_13 = arith.constant 1.000000e-16 : f32
    %add3A_14 = vector.broadcast %add3A_13 : f32 to vector<10000x1xf32>
    %add3A_15 = arith.addf %broadcast_in_dim3A, %add3A_14 : vector<10000x1xf32>
    %div3A = vector.broadcast %add3A_15 : vector<10000x1xf32> to vector<10000x128xf32>
    %div3A_16 = arith.divf %slice3A, %div3A : vector<10000x128xf32>
    %get3A_17 = arith.constant 0 : index
    %get3A_18 = arith.constant 0 : index
    %get3A_19 = vector.load %arg2[%get3A_17, %get3A_18] : memref<1x128xf32, #tpu.memory_space<vmem>>, vector<1x128xf32>
    %add3A_20 = vector.broadcast %get3A_19 : vector<1x128xf32> to vector<10000x128xf32>
    %add3A_21 = arith.addf %div3A_16, %add3A_20 : vector<10000x128xf32>
    %gt3A = arith.constant 0.000000e+00 : f32
    %gt3A_22 = vector.broadcast %gt3A : f32 to vector<10000x128xf32>
    %gt3A_23 = arith.cmpf ogt, %add3A_21, %gt3A_22 : vector<10000x128xf32>
    %min3A = arith.constant 0.000000e+00 : f32
    %min3A_24 = vector.broadcast %min3A : f32 to vector<10000x128xf32>
    %min3A_25 = arith.minimumf %add3A_21, %min3A_24 : vector<10000x128xf32>
    %exp3A = math.exp %min3A_25 : vector<10000x128xf32>
    %sub3A = arith.constant 1.000000e+00 : f32
    %sub3A_26 = vector.broadcast %sub3A : f32 to vector<10000x128xf32>
    %sub3A_27 = arith.subf %exp3A, %sub3A_26 : vector<10000x128xf32>
    %select_n3A = arith.select %gt3A_23, %add3A_21, %sub3A_27 : vector<10000x128xi1>, vector<10000x128xf32>
    %get3A_28 = arith.constant 0 : index
    %get3A_29 = arith.constant 0 : index
    %get3A_30 = vector.load %arg3[%get3A_28, %get3A_29] : memref<128x128xf32, #tpu.memory_space<vmem>>, vector<128x128xf32>
    %dot_general3A = arith.constant dense<0.000000e+00> : vector<10000x128xf32>
    %dot_general3A_31 = tpu.matmul %select_n3A, %get3A_30, %dot_general3A {dimension_numbers = #tpu.dot_dimension_numbers<[1], [0], [0], [1], [0, 0, 1, 1], [], []>, transpose_lhs_hint = false} : vector<10000x128xf32>, vector<128x128xf32>, vector<10000x128xf32> -> vector<10000x128xf32>
    %get3A_32 = arith.constant 0 : index
    %get3A_33 = arith.constant 0 : index
    %get3A_34 = vector.load %arg4[%get3A_32, %get3A_33] : memref<1x128xf32, #tpu.memory_space<vmem>>, vector<1x128xf32>
    %add3A_35 = vector.broadcast %get3A_34 : vector<1x128xf32> to vector<10000x128xf32>
    %add3A_36 = arith.addf %dot_general3A_31, %add3A_35 : vector<10000x128xf32>
    %swap3A = arith.constant 0 : index
    %swap3A_37 = arith.constant 0 : index
    %swap3A_38 = vector.load %arg5[%swap3A, %swap3A_37] : memref<10000x128xf32, #tpu.memory_space<vmem>>, vector<10000x128xf32>
    tpu.vector_store %arg5[%swap3A, %swap3A_37], %add3A_36 {strides = array<i32>} : memref<10000x128xf32, #tpu.memory_space<vmem>>, vector<10000x128xf32>,
    return
  }
}

</mosaic_0001>

<sc_bundles>
// kernel: kernel.5.cloned.1.call-start
scs
__scs_entry_jumppad:
0x0: {  	(pc) =	sbr.rel $0x88, $3  }
0x1: {  	(tag) =	ssettag $0x0;
	lr =	simm.s32 $0x1  }
0x2: {  	[smem:$0x3F99] =	sst lr;
	_ =	strace $0xD0000000  }
0x3: {  	_ = 	snop  }
0x4: {  	_ = 	snop  }
0x5: {  	_ = 	snop  }
0x6: {  	_ = 	snop  }
0x7: {  	_ = 	snop  }
__scs_overlays_trampoline_lowered:
0x8: {  	[smem:$0x3FA8] =	sst s0  }
0x9: {  	[smem:$0x3FA9] =	sst s1  }
0xa: {  	[smem:$0x3FAA] =	sst s2  }
0xb: {  	[smem:$0x3FAB] =	sst s3  }
0xc: {  	[smem:$0x3FAC] =	sst s4  }
0xd: {  	[smem:$0x3FAD] =	sst s5  }
0xe: {  	[smem:$0x3FAE] =	sst s6  }
0xf: {  	[smem:$0x3FAF] =	sst s7  }
0x10: {  	[smem:$0x3FB0] =	sst s8  }
0x11: {  	[smem:$0x3FB1] =	sst s9;
	s0 =	simm.s32 @!p0 $0x0  }
0x12: {  	s1 =	sld [smem:$0x3F97];
	s0 =	simm.s32 @p0 $0x1  }
0x13: {  	[smem:$0x3FB2] =	sst s0;
	s0 =	simm.s32 @!p1 $0x0  }
0x14: {  	s2 =	sld [smem:$0x3F96];
	s0 =	simm.s32 @p1 $0x1  }
0x15: {  	[smem:$0x3FB3] =	sst s0;
	s0 =	simm.s32 @!p2 $0x0  }
0x16: {  	s3 =	sld [smem:$0x3FDB];
	s0 =	simm.s32 @p2 $0x1  }
0x17: {  	s4 =	simm.s32 $0x1BF5;
	[smem:$0x3FB5] =	sst s0  }
0x18: {  	s0 =	sld [smem:$0x3F98];
	_ =	swait.ge [sflag:s4], $0x0  }
0x19: {  	s7 =	sld [smem:$0x3F99]  }
0x1a: {  	s8 =	sadd.s32 $0xFFFFE003, lr  }
0x1b: {  	s9 =	sadd.s32 $0xFFFFFEF7, lr;
	s5 =	simm.s32 $0xFFFFFFFF;
	p2 =	slt.u32 s8, $0xFFFFF086  }
0x1c: {  	p1 =	slt.u32 s9, $0xF7A;
	s5 =	simm.s32 @!p2 $0x0  }
0x1d: {  	s5 =	simm.s32 @p1 $0x1;
	p0 =	seq.s32 s7, s2  }
0x1e: {  	s7 =	smul.u32 @!p0 $0xF7A, s2;
	p2 =	seq.s32 @!p0 s5, $0x0  }
0x1f: {  	s9 =	smul.u32 $0xF7A, s1;
	s8 =	simm.s32 @!p0 $0x1BF5;
	p2 =	por !p2, p0  }
0x20: {  	[sflag:s8] =	ssyncset.s32 @!p0 $0xFFFFF086;
	s6 =	sadd.s32 @!p0 s3, s7;
	s7 =	simm.s32 @!p0 $0x108  }
0x21: {  	s3 =	sadd.s32 s3, s9;
	s6 =	sadd.s32 @!p0 $0x88, s6;
	s7 =	simm.s32 @p2 $0x1082  }
0x22: {  	[simem:s7], [sflag:s8] =	dma.local @!p0 [hbm:s6], $0xF7A  }
0x23: {  	s9 =	sor.u32 $0xD0000000, s2;
	s6 =	simm.s32 $0x108;
	_ =	swait.ge @!p0 [sflag:s8], $0x0  }
0x24: {  	s3 =	sadd.s32 $0x88, s3;
	s6 =	simm.s32 @!p1 $0x1082;
	[sflag:s4] =	ssyncset.s32 $0xFFFFF086  }
0x25: {  	[simem:s6], [sflag:s4] =	dma.local [hbm:s3], $0xF7A  }
0x26: {  	[smem:$0x3F99] =	sst s1;
	(tag) =	ssettag s2;
	_ =	strace s9  }
0x27: {  	s1 =	sld [smem:$0x3FA9]  }
0x28: {  	s2 =	sld [smem:$0x3FAA]  }
0x29: {  	s4 =	sld [smem:$0x3FAC]  }
0x2a: {  	p0 =	seq.s32 s5, $0x0;
	s5 =	sld [smem:$0x3FAD]  }
0x2b: {  	s6 =	sld [smem:$0x3FAE]  }
0x2c: {  	s7 =	sld [smem:$0x3FAF]  }
0x2d: {  	s3 =	simm.s32 $0x108;
	s8 =	sld [smem:$0x3FB0]  }
0x2e: {  	s3 =	simm.s32 @!p0 $0x1082;
	s9 =	sld [smem:$0x3FB1]  }
0x2f: {  	lr =	sadd.s32 s0, s3;
	s0 =	sld [smem:$0x3FA8]  }
0x30: {  	s3 =	sld [smem:$0x3FAB]  }
0x31: {  	[smem:$0x3FB4] =	sst s10  }
0x32: {  	s10 =	sld [smem:$0x3FB2];
	_ =	sdelay $0x3  }
0x33: {  	p0 =	seq.s32 s10, $0x1;
	s10 =	sld [smem:$0x3FB4];
	_ =	sdelay $0x3  }
0x34: {  	[smem:$0x3FB4] =	sst s10  }
0x35: {  	s10 =	sld [smem:$0x3FB3];
	_ =	sdelay $0x3  }
0x36: {  	p1 =	seq.s32 s10, $0x1;
	s10 =	sld [smem:$0x3FB4];
	_ =	sdelay $0x3  }
0x37: {  	[smem:$0x3FB4] =	sst s10  }
0x38: {  	s10 =	sld [smem:$0x3FB5]  }
0x39: {  	_ = 	snop;
	(pc) =	sbr.ind lr, $3  }
0x3a: {  	_ = 	snop  }
0x3b: {  	_ = 	snop  }
0x3c: {  	p2 =	seq.s32 s10, $0x1;
	s10 =	sld [smem:$0x3FB4]  }
0x3d: {  	_ =	shalt  }
0x3e: {  	_ =	shalt  }
0x3f: {  	_ =	shalt  }
0x40: {  	_ =	shalt  }
0x41: {  	_ =	shalt  }
0x42: {  	_ =	shalt  }
0x43: {  	_ =	shalt  }
0x44: {  	_ =	shalt  }
0x45: {  	_ =	shalt  }
0x46: {  	_ =	shalt  }
0x47: {  	_ =	shalt  }
0x48: {  	_ =	shalt  }
0x49: {  	_ =	shalt  }
0x4a: {  	_ =	shalt  }
0x4b: {  	_ =	shalt  }
0x4c: {  	_ =	shalt  }
0x4d: {  	_ =	shalt  }
0x4e: {  	_ =	shalt  }
0x4f: {  	_ =	shalt  }
0x50: {  	_ =	shalt  }
0x51: {  	_ =	shalt  }
0x52: {  	_ =	shalt  }
0x53: {  	_ =	shalt  }
0x54: {  	_ =	shalt  }
0x55: {  	_ =	shalt  }
0x56: {  	_ =	shalt  }
0x57: {  	_ =	shalt  }
0x58: {  	_ =	shalt  }
0x59: {  	_ =	shalt  }
0x5a: {  	_ =	shalt  }
0x5b: {  	_ =	shalt  }
0x5c: {  	_ =	shalt  }
0x5d: {  	_ =	shalt  }
0x5e: {  	_ =	shalt  }
0x5f: {  	_ =	shalt  }
0x60: {  	_ =	shalt  }
0x61: {  	_ =	shalt  }
0x62: {  	_ =	shalt  }
0x63: {  	_ =	shalt  }
0x64: {  	_ =	shalt  }
0x65: {  	_ =	shalt  }
0x66: {  	_ =	shalt  }
0x67: {  	_ =	shalt  }
0x68: {  	_ =	shalt  }
0x69: {  	_ =	shalt  }
0x6a: {  	_ =	shalt  }
0x6b: {  	_ =	shalt  }
0x6c: {  	_ =	shalt  }
0x6d: {  	_ =	shalt  }
0x6e: {  	_ =	shalt  }
0x6f: {  	_ =	shalt  }
0x70: {  	_ =	shalt  }
0x71: {  	_ =	shalt  }
0x72: {  	_ =	shalt  }
0x73: {  	_ =	shalt  }
0x74: {  	_ =	shalt  }
0x75: {  	_ =	shalt  }
0x76: {  	_ =	shalt  }
0x77: {  	_ =	shalt  }
0x78: {  	_ =	shalt  }
0x79: {  	_ =	shalt  }
0x7a: {  	_ =	shalt  }
0x7b: {  	_ =	shalt  }
0x7c: {  	_ =	shalt  }
0x7d: {  	_ =	shalt  }
0x7e: {  	_ =	shalt  }
0x7f: {  	_ =	shalt  }
0x80: {  	_ =	shalt  }
0x81: {  	_ =	shalt  }
0x82: {  	_ =	shalt  }
0x83: {  	_ =	shalt  }
0x84: {  	_ =	shalt  }
0x85: {  	_ =	shalt  }
0x86: {  	_ =	shalt  }
0x87: {  	_ =	shalt  }
.Lfunc_end0:
.L_simem_size_0:
called_computation_lowered:
.L_overlay_start_0:
0x88: {  	s2 =	sld [smem:$0x3FD9]  }
0x89: {  	s3 =	sld [smem:$0x3FFE];
	_ =	sdelay $0x1  }
0x8a: {  	s1 =	srdreg.scid  }
0x8b: {  	s0 =	sand.u32 $0x1, s1  }
0x8c: {  	s17 =	sshll.u32 s0, $0xA;
	s2 =	sadd.s32 s3, s2  }
0x8d: {  	s2 =	sadd.s32 s2, s17  }
0x8e: {  	[smem:$0x3FC0] =	sst s2  }
0x8f: {  	_ = 	snop  }
0x90: {  	s2 =	sld [smem:$0x3FD0];
	(tm) =	ssettm $0x1  }
0x91: {  	s18 =	sld [smem:$0x3FFB];
	_ =	sdelay $0x3  }
0x92: {  	_ =	strace s18  }
0x93: {  	s3 =	sld [smem:$0x3FFC];
	_ =	sdelay $0x3  }
0x94: {  	_ =	strace s3  }
0x95: {  	s3 =	sld [smem:$0x3FFD];
	_ =	sdelay $0x3  }
0x96: {  	_ =	strace s3  }
0x97: {  	_ =	strace $0x8FFFFFFF  }
0x98: {  	s19 =	sld [smem:$0x3FDB];
	_ =	sdelay $0x1  }
0x99: {  	s4 =	simm.s32 $_scs_section_size  }
0x9a: {  	s5 =	simm.s32 $_size__tile_overlayer_lowered;
	s6 =	simm.s32 $_tile_overlayer_lowered  }
0x9b: {  	s22 =	simm.s32 $0x1BFF;
	s21 =	sshll.u32 s6, $0x1;
	s3 =	sadd.s32 s4, s19  }
0x9c: {  	s7 =	simm.s32 $0x0;
	s20 =	sshll.u32 s5, $0x1;
	s5 =	sadd.s32 s21, s3  }
0x9d: {  	[timem:s7], [sflag:s22] =	dma.local [hbm:s5], s20  }
0x9e: {  	_ =	swait.ge [sflag:s22], s20  }
0x9f: {  	s4 =	ssub.s32 $0x0, s20;
	[sflag:s22] =	ssyncset.done $0x0  }
0xa0: {  	[sflag:s22] =	ssyncadd.s32 s4;
	_ =	sdelay $0x1  }
0xa1: {  	s23 =	simm.s32 $0x1B8B  }
0xa2: {  	_ =	swait.ge [sflag:s23], $0x1  }
0xa3: {  	[sflag:s23] =	ssyncset.done $0x0  }
0xa4: {  	s25 =	simm.s32 $0x1B8E;
	s24 =	sld [smem:$0x3FFE];
	[sflag:s23] =	ssyncadd.s32 $0xFFFFFFFF  }
0xa5: {  	s26 =	simm.s32 $execute0_lowered;
	[smem:$0x3FD2] =	sst s25  }
0xa6: {  	s5 =	sshll.u32 s26, $0x1;
	_ =	strace $0x80000046;
	[dreg:$0x1] =	wrdreg $0xFFFFFFFF  }
0xa7: {  	s28 =	simm.s32 $_size_execute0_lowered;
	s3 =	sadd.s32 s3, s5;
	[dreg:$0x0] =	wrdreg $0x0  }
0xa8: {  	s5 =	sshll.u32 s28, $0x1;
	[dreg:$0x2] =	wrdreg s3  }
0xa9: {  	[dreg:$0x3] =	wrdreg s5  }
0xaa: {  	[dreg:$0x4] =	wrdreg $0xC0  }
0xab: {  	_ =	task [dreg:s7], $0x5FFFF  }
0xac: {  	[dreg:$0x1] =	wrdreg $0xFFFFFFFF  }
0xad: {  	[dreg:$0x0] =	wrdreg $0x60  }
0xae: {  	[dreg:$0x2] =	wrdreg s24  }
0xaf: {  	[dreg:$0x3] =	wrdreg s2  }
0xb0: {  	[dreg:$0x4] =	wrdreg $0xB5800  }
0xb1: {  	[dreg:$0x5] =	wrdreg $0x9  }
0xb2: {  	_ =	task.clear_ibuf [dreg:s7], $0x6FFFF;
	_ =	strace $0x90000046  }
0xb3: {  	s29 =	simm.s32 $0x9;
	_ =	strace $0x80000048  }
0xb4: {  	_ =	swait.ge [sflag:s29], $0x1  }
0xb5: {  	[sflag:s29] =	ssyncadd.s32 $0xFFFFFFFF  }
0xb6: {  	_ =	strace $0x90000048  }
0xb7: {  	_ =	sfence  }
0xb8: {  	s30 =	sld [smem:$0x0];
	_ =	sdelay $0x2  }
0xb9: {  	s31 =	sshll.u32 s1, $0xD;
	s1 =	sshrl.u32 s1, $0x2  }
0xba: {  	s3 =	sand.u32 $0x4000, s31;
	s1 =	sadd.s32 s1, s30  }
0xbb: {  	s0 =	sor.u32 s3, s0;
	s1 =	sshll.u32 s1, $0x11  }
0xbc: {  	s0 =	sor.u32 s1, s0  }
0xbd: {  	s0 =	sadd.s32 $0x8F2B, s0  }
0xbe: {  	[sflag:s0] =	ssyncadd.remote.s32 $0x1  }
0xbf: {  	_ =	sfence.sel $0xFFFF  }
0xc0: {  	[dreg:$0x0] =	wrdreg $0xFFFFFFFF;
	(pc) =	sbr.abs _section_cstart, $3  }
0xc1: {  	[dreg:$0x1] =	wrdreg $0xFFFFFFFF  }
0xc2: {  	_ =	task.clear_ibuf [dreg:s7], $0x2FFFF;
	_ =	strace $0x9FFFFFFF  }
0xc3: {  	(tm) =	ssettm $0x7FFFFFFF  }
tec
execute0_lowered:
.L_overlay_start_1:
0x0: {  	(tag) =	ssettag $0x1  }
0x1: {  	s0 =	rddreg [dreg:$0x0]  }
0x2: {  	s1 =	rddreg [dreg:$0x1]  }
0x3: {  	s2 =	rddreg [dreg:$0x2];
	s3 =	srdreg.scid  }
0x4: {  	s7 =	simm.s32 $0x0;
	s4 =	stileid.u32;
	s28 =	simm.s32 $0x600  }
0x5: {  	s30 =	simm.s32 $0x6600;
	s3 =	sand.u32 $0x1, s3;
	s29 =	smul.u32 $0x14000, s4  }
0x6: {  	[smem:$0x7FF] =	sst s7;
	s10 =	sadd.s32 $0xBE00, s0;
	s11 =	smul.u32 $0x50000, s4  }
0x7: {  	s12 =	sadd.s32 $0xC400, s0;
	s6 =	smul.u32 $0x140000, s3;
	s5 =	sshll.u32 s3, $0x4  }
0x8: {  	_ =	strace $0x80000047;
	[dreg:$0x4] =	wrdreg s10;
	s10 =	sshll.u32 s4, $0x7  }
0x9: {  	[dreg:$0x5] =	wrdreg s12;
	s3 =	ssub.s32 $0x2, s3;
	s12 =	simm.s32 $0x2600  }
0xa: {  	s8 =	sor.u32 s4, s5;
	s5 =	sadd.s32 $0x1C00, s0;
	s13 =	sshrl.u32 s11, $0x2  }
0xb: {  	s14 =	sshrl.u32 s3, $0x1;
	s4 =	simm.s32 $0xA;
	s9 =	sshrl.u32 s8, $0x3  }
0xc: {  	s6 =	sadd.s32 s29, s6;
	s11 =	sadd.s32 s13, s2;
	s3 =	ssub.s32 s3, s14  }
0xd: {  	s18 =	smul.u32 $0x2880, s8;
	s15 =	sadd.s32 $0x2000, s11;
	[dreg:$0x6] =	wrdreg s11  }
0xe: {  	s13 =	simm.s32 $0x1;
	s16 =	sadd.s32 $0x4000, s11;
	[dreg:$0x7] =	wrdreg s15  }
0xf: {  	s14 =	simm.s32 $0x480;
	s17 =	sadd.s32 $0x6000, s11;
	[dreg:$0x8] =	wrdreg s16  }
0x10: {  	s31 =	smul.u32 $0x13C00, s9;
	s20 =	sadd.s32 $0x8000, s11;
	[dreg:$0x9] =	wrdreg s17  }
0x11: {  	s6 =	sshrl.u32 s6, $0x3;
	s21 =	sadd.s32 $0xA000, s11;
	[dreg:$0xa] =	wrdreg s20  }
0x12: {  	s9 =	sand.u32 $0x380, s10;
	s22 =	sadd.s32 $0xC000, s11;
	[dreg:$0xb] =	wrdreg s21  }
0x13: {  	s23 =	sadd.s32 $0xE000, s11;
	s24 =	sadd.s32 $0x10000, s11;
	[dreg:$0xc] =	wrdreg s22  }
0x14: {  	s25 =	sadd.s32 $0x12000, s11;
	s29 =	smax.u32 s3, $0x1;
	[dreg:$0xd] =	wrdreg s23  }
0x15: {  	s3 =	simm.s32 $0x40;
	s10 =	simm.s32 $0x8;
	[dreg:$0xe] =	wrdreg s24  }
0x16: {  	s6 =	sadd.s32 s6, s0;
	s8 =	sshrl.u32 s18, $0x3;
	[dreg:$0xf] =	wrdreg s25  }
0x17: {  	s19 =	sadd.s32 $0x80, s18;
	s20 =	sor.u32 $0x40, s18;
	s21 =	sadd.s32 $0xC0, s18  }
0x18: {  	[dreg:$0x14] =	wrdreg s29;
	s16 =	simm.s32 $0x9;
	s23 =	simm.s32 $0x4600  }
0x19: {  	s24 =	simm.s32 $0x2;
	s25 =	simm.s32 $0x500;
	s22 =	simm.s32 $0x6  }
0x1a: {  	s7 =	sor.u32 s9, s31;
	s26 =	sadd.s32 s5, s8;
	s6 =	sadd.s32 $0xC600, s6  }
0x1b: {  	s8 =	simm.s32 $0x3;
	s9 =	simm.s32 $0x0;
	[dreg:$0x12] =	wrdreg s6  }
0x1c: {  	s7 =	sshrl.u32 s7, $0x3;
	[dreg:$0x10] =	wrdreg s26;
	s31 =	sadd.s32 $0x8, s26  }
0x1d: {  	s0 =	sadd.s32 s7, s0;
	s7 =	sadd.s32 $0x100, s18;
	[dreg:$0x15] =	wrdreg s31  }
0x1e: {  	s6 =	simm.s32 $0x580;
	[dreg:$0x11] =	wrdreg s7;
	s0 =	sadd.s32 $0x5C600, s0  }
0x1f: {  	v0 =	vimm.f32 $0.0e+00;
	s18 =	simm.s32 $0x4;
	s7 =	simm.s32 $0x8D80;
	[dreg:$0x13] =	wrdreg s0  }
.LBB2_1:
0x20: {  	s0 =	simm.s32 $0x680  }
0x21: {  	[tilespmem:s0+$0xFFFFFF80] =	vst v0  }
0x22: {  	[tilespmem:s0+$0x70] =	vst v0  }
0x23: {  	[tilespmem:s0+$0x60] =	vst v0  }
0x24: {  	[tilespmem:s0+$0x50] =	vst v0  }
0x25: {  	[tilespmem:s0+$0x40] =	vst v0  }
0x26: {  	[tilespmem:s0+$0x30] =	vst v0  }
0x27: {  	[tilespmem:s0+$0x20] =	vst v0  }
0x28: {  	[tilespmem:s0+$0x10] =	vst v0  }
0x29: {  	[tilespmem:s0+$0x0] =	vst v0  }
0x2a: {  	[tilespmem:s0+$0xFFFFFFF0] =	vst v0  }
0x2b: {  	[tilespmem:s0+$0xFFFFFFE0] =	vst v0  }
0x2c: {  	[tilespmem:s0+$0xFFFFFFD0] =	vst v0  }
0x2d: {  	[tilespmem:s0+$0xFFFFFFC0] =	vst v0  }
0x2e: {  	[tilespmem:s0+$0xFFFFFFB0] =	vst v0  }
0x2f: {  	[dreg:$0x16] =	wrdreg s9;
	s9 =	simm.s32 $0x0;
	[tilespmem:s0+$0xFFFFFFA0] =	vst v0  }
.LBB2_2:
0x30: {  	s9 =	sadd.s32 $0x2, s9;
	[tilespmem:s0+$0xFFFFFF90] =	vst v0;
	s0 =	sadd.s32 $0x100, s0  }
0x31: {  	[tilespmem:s0+$0xFFFFFF80] =	vst v0;
	p0 =	slt.u32 s9, $0x3E  }
0x32: {  	[tilespmem:s0+$0x70] =	vst v0  }
0x33: {  	[tilespmem:s0+$0x60] =	vst v0  }
0x34: {  	[tilespmem:s0+$0x50] =	vst v0  }
0x35: {  	[tilespmem:s0+$0x40] =	vst v0  }
0x36: {  	[tilespmem:s0+$0x30] =	vst v0  }
0x37: {  	[tilespmem:s0+$0x20] =	vst v0  }
0x38: {  	[tilespmem:s0+$0x10] =	vst v0  }
0x39: {  	[tilespmem:s0+$0x0] =	vst v0  }
0x3a: {  	[tilespmem:s0+$0xFFFFFFF0] =	vst v0  }
.Ltmp0:
0x3b: {  	[tilespmem:s0+$0xFFFFFFE0] =	vst v0;
	(pc) =	sbr.rel @p0 .LBB2_2-.Ltmp0, $4  }
0x3c: {  	[tilespmem:s0+$0xFFFFFFD0] =	vst v0  }
0x3d: {  	[tilespmem:s0+$0xFFFFFFC0] =	vst v0  }
0x3e: {  	[tilespmem:s0+$0xFFFFFFB0] =	vst v0  }
0x3f: {  	[tilespmem:s0+$0xFFFFFFA0] =	vst v0  }
0x40: {  	[tilespmem:s0+$0xFFFFFF90] =	vst v0  }
0x41: {  	[spmem:s11] =	stream.linear.scatter [tilespmem:s28], [sflag:$0xA], $0x2000, $0x38;
	[tilespmem:$0x1F580] =	vst v63  }
0x42: {  	_ =	swait.ge [sflag:s4], $0x2000  }
0x43: {  	[sflag:s4] =	ssyncset.done $0x0  }
0x44: {  	s29 =	rddreg [dreg:$0x7];
	[sflag:s4] =	ssyncadd.s32 $0xFFFFE000  }
0x45: {  	[spmem:s29] =	stream.linear.scatter [tilespmem:s28], [sflag:$0xA], $0x2000, $0x38;
	[tilespmem:$0x1F580] =	vst v63  }
0x46: {  	_ =	swait.ge [sflag:s4], $0x2000  }
0x47: {  	[sflag:s4] =	ssyncset.done $0x0  }
0x48: {  	s31 =	rddreg [dreg:$0x8];
	[sflag:s4] =	ssyncadd.s32 $0xFFFFE000  }
0x49: {  	[spmem:s31] =	stream.linear.scatter [tilespmem:s28], [sflag:$0xA], $0x2000, $0x38;
	[tilespmem:$0x1F580] =	vst v63  }
0x4a: {  	_ =	swait.ge [sflag:s4], $0x2000  }
0x4b: {  	[sflag:s4] =	ssyncset.done $0x0  }
0x4c: {  	s9 =	rddreg [dreg:$0x9];
	[sflag:s4] =	ssyncadd.s32 $0xFFFFE000  }
0x4d: {  	[spmem:s9] =	stream.linear.scatter [tilespmem:s28], [sflag:$0xA], $0x2000, $0x38;
	[tilespmem:$0x1F580] =	vst v63  }
0x4e: {  	_ =	swait.ge [sflag:s4], $0x2000  }
0x4f: {  	[sflag:s4] =	ssyncset.done $0x0  }
0x50: {  	s11 =	rddreg [dreg:$0xa];
	[sflag:s4] =	ssyncadd.s32 $0xFFFFE000  }
0x51: {  	[spmem:s11] =	stream.linear.scatter [tilespmem:s28], [sflag:$0xA], $0x2000, $0x38;
	[tilespmem:$0x1F580] =	vst v63  }
0x52: {  	_ =	swait.ge [sflag:s4], $0x2000  }
0x53: {  	[sflag:s4] =	ssyncset.done $0x0  }
0x54: {  	s15 =	rddreg [dreg:$0xb];
	[sflag:s4] =	ssyncadd.s32 $0xFFFFE000  }
0x55: {  	[spmem:s15] =	stream.linear.scatter [tilespmem:s28], [sflag:$0xA], $0x2000, $0x38;
	[tilespmem:$0x1F580] =	vst v63  }
0x56: {  	_ =	swait.ge [sflag:s4], $0x2000  }
0x57: {  	[sflag:s4] =	ssyncset.done $0x0  }
0x58: {  	s17 =	rddreg [dreg:$0xc];
	[sflag:s4] =	ssyncadd.s32 $0xFFFFE000  }
0x59: {  	[spmem:s17] =	stream.linear.scatter [tilespmem:s28], [sflag:$0xA], $0x2000, $0x38;
	[tilespmem:$0x1F580] =	vst v63  }
0x5a: {  	_ =	swait.ge [sflag:s4], $0x2000  }
0x5b: {  	[sflag:s4] =	ssyncset.done $0x0  }
0x5c: {  	s26 =	rddreg [dreg:$0xd];
	[sflag:s4] =	ssyncadd.s32 $0xFFFFE000  }
0x5d: {  	[spmem:s26] =	stream.linear.scatter [tilespmem:s28], [sflag:$0xA], $0x2000, $0x38;
	[tilespmem:$0x1F580] =	vst v63  }
0x5e: {  	_ =	swait.ge [sflag:s4], $0x2000  }
0x5f: {  	[sflag:s4] =	ssyncset.done $0x0  }
0x60: {  	s29 =	rddreg [dreg:$0xe];
	[sflag:s4] =	ssyncadd.s32 $0xFFFFE000  }
0x61: {  	[spmem:s29] =	stream.linear.scatter [tilespmem:s28], [sflag:$0xA], $0x2000, $0x38;
	[tilespmem:$0x1F580] =	vst v63  }
0x62: {  	_ =	swait.ge [sflag:s4], $0x2000  }
0x63: {  	[sflag:s4] =	ssyncset.done $0x0  }
0x64: {  	s31 =	rddreg [dreg:$0xf];
	[sflag:s4] =	ssyncadd.s32 $0xFFFFE000  }
0x65: {  	[spmem:s31] =	stream.linear.scatter [tilespmem:s28], [sflag:$0xA], $0x2000, $0x38;
	[tilespmem:$0x1F580] =	vst v63  }
0x66: {  	_ =	swait.ge [sflag:s4], $0x2000  }
0x67: {  	[sflag:s4] =	ssyncset.done $0x0  }
0x68: {  	s0 =	simm.s32 $0x8DA0;
	[sflag:s4] =	ssyncadd.s32 $0xFFFFE000  }
0x69: {  	[tilespmem:s0+$0xFFFFFFE0] =	vst v0  }
0x6a: {  	[tilespmem:s0+$0x10] =	vst v0  }
0x6b: {  	s9 =	simm.s32 $0x0;
	[tilespmem:s0+$0x0] =	vst v0  }
.LBB2_4:
0x6c: {  	s9 =	sadd.s32 $0x4, s9  }
0x6d: {  	[tilespmem:s0+$0xFFFFFFF0] =	vst v0;
	s0 =	sadd.s32 $0x40, s0;
	p0 =	slt.u32 s9, $0x26C  }
.Ltmp1:
0x6e: {  	[tilespmem:s0+$0xFFFFFFE0] =	vst v0;
	(pc) =	sbr.rel @p0 .LBB2_4-.Ltmp1, $3  }
0x6f: {  	_ =	sdelay $0x1  }
0x70: {  	[tilespmem:s0+$0x10] =	vst v0  }
0x71: {  	[tilespmem:s0+$0x0] =	vst v0  }
0x72: {  	[tilespmem:s0+$0xFFFFFFF0] =	vst v0  }
0x73: {  	s11 =	simm.s32 $0x0;
	s29 =	rddreg [dreg:$0x4];
	[tilespmem:$0xB480] =	vst v0  }
0x74: {  	[tilespmem:s30], [sflag:$0xA] =	stream.linear.gather [hbm4b:s29+s11], $0x2780, $0x38;
	[tilespmem:$0x1F580] =	vst v63  }
0x75: {  	_ =	swait.ge [sflag:s4], $0x2780  }
0x76: {  	[sflag:s4] =	ssyncset.done $0x0  }
0x77: {  	s9 =	simm.s32 $0xB500;
	s31 =	rddreg [dreg:$0x5];
	[sflag:s4] =	ssyncadd.s32 $0xFFFFD880  }
0x78: {  	[tilespmem:s9], [sflag:$0xA] =	stream.linear.gather [hbm4b:s31+s11], $0x10, $0x38;
	[tilespmem:$0x1F580] =	vst v63  }
0x79: {  	_ =	swait.ge [sflag:s4], $0x10  }
0x7a: {  	[sflag:s4] =	ssyncset.done $0x0  }
0x7b: {  	[sflag:s4] =	ssyncadd.s32 $0xFFFFFFF0  }
0x7c: {  	[bflag:$0x0] =	sbarrier.arrive $0xFFFF  }
0x7d: {  	s15 =	rddreg [dreg:$0x10]  }
0x7e: {  	[tilespmem:s11], [sflag:$0x7] =	stream.linear.gather [hbm4b:s15+s11], $0x40, $0x38;
	[tilespmem:$0x1F580] =	vst v63  }
0x7f: {  	s26 =	simm.s32 $0x80;
	s29 =	simm.s32 $0x7;
	s17 =	rddreg [dreg:$0x15]  }
0x80: {  	[tilespmem:s26], [sflag:$0x8] =	stream.linear.gather [hbm4b:s17+s11], $0x40, $0x38;
	[tilespmem:$0x1F580] =	vst v63  }
0x81: {  	_ =	swait.ge [sflag:s29], $0x40  }
0x82: {  	[sflag:s29] =	ssyncset.done $0x0  }
0x83: {  	[sflag:s29] =	ssyncadd.s32 $0xFFFFFFC0  }
0x84: {  	v1 =	vld [tilespmem:$0x0];
	_ =	sdelay $0x1  }
0x85: {  	v2 =	vld [tilespmem:$0x10];
	_ =	sdelay $0x1  }
0x86: {  	v3 =	vld [tilespmem:$0x20]  }
0x87: {  	v4 =	vshra.s32 v1, $0xE  }
0x88: {  	v56 =	vld [tilespmem:$0x30];
	v1 =	vand.u32 $0x3FFF, v1;
	[tilespmem:$0x180] =	vst v4  }
0x89: {  	[tilespmem:$0x300] =	vst v1;
	v1 =	vshra.s32 v2, $0xE  }
0x8a: {  	[tilespmem:$0x190] =	vst v1;
	v1 =	vand.u32 $0x3FFF, v2  }
0x8b: {  	[tilespmem:$0x310] =	vst v1;
	v1 =	vshra.s32 v3, $0xE  }
0x8c: {  	[tilespmem:$0x1A0] =	vst v1;
	v1 =	vand.u32 $0x3FFF, v3  }
0x8d: {  	[tilespmem:$0x320] =	vst v1;
	v1 =	vshra.s32 v56, $0xE  }
0x8e: {  	[tilespmem:$0x1B0] =	vst v1;
	v1 =	vand.u32 $0x3FFF, v56  }
0x8f: {  	s31 =	simm.s32 $0x180;
	[tilespmem:$0x330] =	vst v1  }
0x90: {  	[tilespmem:s28], [sflag:$0x1] =	stream.indirect.gather [hbm4b:s1+s3], $0x80, s31, s3, $0xb8;
	[tilespmem:$0x1F580] =	vst v63  }
0x91: {  	v1 =	vld [tilespmem:$0x300]  }
0x92: {  	v2 =	vld [tilespmem:$0x180];
	_ =	sdelay $0x6  }
0x93: {  	v3 =	vld.idx.msk [tilespmem:v1+s30+$0x0], $0xffff  }
0x94: {  	v2 =	vld.idx.msk [tilespmem:v2+s30+$0x0], $0xffff;
	_ =	sdelay $0x3  }
0x95: {  	v3 =	vshll.u32 v3, $0x10  }
0x96: {  	v57 =	vld [tilespmem:$0xB500];
	v2 =	vshra.s32 v2, $0x10;
	v3 =	vshra.s32 v3, $0x10  }
0x97: {  	v2 =	vcvt.s32.f32 v2;
	v3 =	vcvt.s32.f32 v3;
	_ =	sdelay $0x1  }
0x98: {  	v2 =	vmul.f32 $1.953125000e-03, v2;
	v3 =	vmul.f32 $1.953125000e-03, v3;
	_ =	sdelay $0x1  }
0x99: {  	v2 =	vadd.f32 v3, v2;
	v3 =	vadd.f32 v3, v57;
	_ =	sdelay $0x1  }
0x9a: {  	v5 =	vmul.f32 $2.000000030e-01, v2;
	v6 =	vmul.f32 $2.000000030e-01, v3;
	_ =	sdelay $0x1  }
0x9b: {  	v2 =	vmax.f32 v2, v5;
	v3 =	vmax.f32 v3, v6  }
0x9c: {  	v2 =	vsub.f32 v2, v3;
	_ =	sdelay $0x1  }
0x9d: {  	v2 =	vmul.f32 $1.442695020e+00, v2;
	_ =	sdelay $0x1  }
0x9e: {  	(erf) = vpow2.f32 v2;
	_ =	sdelay $0x8  }
0x9f: {  	v2 =	vpop (erf)  }
0xa0: {  	[tilespmem:v1+s7+$0x0] =	vst.idx.add.f32.msk $0xffff, v2  }
0xa1: {  	v1 =	vld [tilespmem:$0x310]  }
0xa2: {  	v3 =	vld [tilespmem:$0x190];
	_ =	sdelay $0x5  }
0xa3: {  	[tilespmem:$0x480] =	vst v2  }
0xa4: {  	v2 =	vld.idx.msk [tilespmem:v1+s30+$0x0], $0xffff  }
0xa5: {  	v3 =	vld.idx.msk [tilespmem:v3+s30+$0x0], $0xffff;
	_ =	sdelay $0x3  }
0xa6: {  	v2 =	vshll.u32 v2, $0x10  }
0xa7: {  	v3 =	vshra.s32 v3, $0x10;
	v2 =	vshra.s32 v2, $0x10  }
0xa8: {  	v3 =	vcvt.s32.f32 v3;
	v2 =	vcvt.s32.f32 v2;
	_ =	sdelay $0x1  }
0xa9: {  	v3 =	vmul.f32 $1.953125000e-03, v3;
	v2 =	vmul.f32 $1.953125000e-03, v2;
	_ =	sdelay $0x1  }
0xaa: {  	v3 =	vadd.f32 v2, v3;
	v2 =	vadd.f32 v2, v57;
	_ =	sdelay $0x1  }
0xab: {  	v58 =	vmul.f32 $2.000000030e-01, v3;
	v59 =	vmul.f32 $2.000000030e-01, v2;
	_ =	sdelay $0x1  }
0xac: {  	v3 =	vmax.f32 v3, v58;
	v2 =	vmax.f32 v2, v59  }
0xad: {  	v2 =	vsub.f32 v3, v2;
	_ =	sdelay $0x1  }
0xae: {  	v2 =	vmul.f32 $1.442695020e+00, v2;
	_ =	sdelay $0x1  }
0xaf: {  	(erf) = vpow2.f32 v2;
	_ =	sdelay $0x8  }
0xb0: {  	v2 =	vpop (erf)  }
0xb1: {  	[tilespmem:v1+s7+$0x0] =	vst.idx.add.f32.msk $0xffff, v2  }
0xb2: {  	v1 =	vld [tilespmem:$0x320]  }
0xb3: {  	v3 =	vld [tilespmem:$0x1A0];
	_ =	sdelay $0x5  }
0xb4: {  	[tilespmem:$0x490] =	vst v2  }
0xb5: {  	v2 =	vld.idx.msk [tilespmem:v1+s30+$0x0], $0xffff  }
0xb6: {  	v3 =	vld.idx.msk [tilespmem:v3+s30+$0x0], $0xffff;
	_ =	sdelay $0x3  }
0xb7: {  	v2 =	vshll.u32 v2, $0x10  }
0xb8: {  	v3 =	vshra.s32 v3, $0x10;
	v2 =	vshra.s32 v2, $0x10  }
0xb9: {  	v3 =	vcvt.s32.f32 v3;
	v2 =	vcvt.s32.f32 v2;
	_ =	sdelay $0x1  }
0xba: {  	v3 =	vmul.f32 $1.953125000e-03, v3;
	v2 =	vmul.f32 $1.953125000e-03, v2;
	_ =	sdelay $0x1  }
0xbb: {  	v3 =	vadd.f32 v2, v3;
	v2 =	vadd.f32 v2, v57;
	_ =	sdelay $0x1  }
0xbc: {  	v60 =	vmul.f32 $2.000000030e-01, v3;
	v61 =	vmul.f32 $2.000000030e-01, v2;
	_ =	sdelay $0x1  }
0xbd: {  	v3 =	vmax.f32 v3, v60;
	v2 =	vmax.f32 v2, v61  }
0xbe: {  	v2 =	vsub.f32 v3, v2;
	_ =	sdelay $0x1  }
0xbf: {  	v2 =	vmul.f32 $1.442695020e+00, v2;
	_ =	sdelay $0x1  }
0xc0: {  	(erf) = vpow2.f32 v2;
	_ =	sdelay $0x8  }
0xc1: {  	v2 =	vpop (erf)  }
0xc2: {  	[tilespmem:v1+s7+$0x0] =	vst.idx.add.f32.msk $0xffff, v2  }
0xc3: {  	v1 =	vld [tilespmem:$0x330]  }
0xc4: {  	v3 =	vld [tilespmem:$0x1B0];
	_ =	sdelay $0x5  }
0xc5: {  	[tilespmem:$0x4A0] =	vst v2  }
0xc6: {  	v2 =	vld.idx.msk [tilespmem:v1+s30+$0x0], $0xffff  }
0xc7: {  	v3 =	vld.idx.msk [tilespmem:v3+s30+$0x0], $0xffff;
	_ =	sdelay $0x3  }
0xc8: {  	v2 =	vshll.u32 v2, $0x10  }
0xc9: {  	v3 =	vshra.s32 v3, $0x10;
	v2 =	vshra.s32 v2, $0x10  }
0xca: {  	v3 =	vcvt.s32.f32 v3;
	v2 =	vcvt.s32.f32 v2;
	_ =	sdelay $0x1  }
0xcb: {  	v3 =	vmul.f32 $1.953125000e-03, v3;
	v2 =	vmul.f32 $1.953125000e-03, v2;
	_ =	sdelay $0x1  }
0xcc: {  	v3 =	vadd.f32 v2, v3;
	v2 =	vadd.f32 v2, v57;
	_ =	sdelay $0x1  }
0xcd: {  	v62 =	vmul.f32 $2.000000030e-01, v3;
	v63 =	vmul.f32 $2.000000030e-01, v2;
	_ =	sdelay $0x1  }
0xce: {  	v3 =	vmax.f32 v3, v62;
	v2 =	vmax.f32 v2, v63  }
0xcf: {  	v2 =	vsub.f32 v3, v2;
	_ =	sdelay $0x1  }
0xd0: {  	v2 =	vmul.f32 $1.442695020e+00, v2;
	_ =	sdelay $0x1  }
0xd1: {  	(erf) = vpow2.f32 v2;
	_ =	sdelay $0x8  }
0xd2: {  	v2 =	vpop (erf)  }
0xd3: {  	[tilespmem:v1+s7+$0x0] =	vst.idx.add.f32.msk $0xffff, v2  }
0xd4: {  	s11 =	simm.s32 $0x0;
	[tilespmem:$0x4B0] =	vst v2  }
.LBB2_6:
0xd5: {  	s15 =	smul.u32 $0xC0, s11;
	_ =	sdelay $0x1  }
0xd6: {  	s17 =	sadd.s32 s15, s19  }
0xd7: {  	s4 =	simm.s32 $0x0;
	s0 =	sshrl.u32 s17, $0x3  }
0xd8: {  	s9 =	simm.s32 $0x100;
	p0 =	seq.s32 s11, $0x0;
	s0 =	sadd.s32 s5, s0  }
0xd9: {  	[tilespmem:s9], [sflag:$0x9] =	stream.linear.gather [hbm4b:s0+s4], $0x40, $0x38;
	[tilespmem:$0x1F580] =	vst v63  }
0xda: {  	s0 =	simm.s32 @!p0 $0x5  }
0xdb: {  	_ =	swait.ge @!p0 [sflag:s0], $0x2000  }
0xdc: {  	[sflag:s0] =	ssyncset.done @!p0 $0x0  }
0xdd: {  	[sflag:s0] =	ssyncadd.s32 @!p0 $0xFFFFE000  }
0xde: {  	_ =	swait.ge [sflag:s10], $0x40  }
0xdf: {  	[sflag:s10] =	ssyncset.done $0x0  }
0xe0: {  	[sflag:s10] =	ssyncadd.s32 $0xFFFFFFC0  }
0xe1: {  	v1 =	vld [tilespmem:$0x80];
	_ =	sdelay $0x1  }
0xe2: {  	v2 =	vld [tilespmem:$0x90];
	_ =	sdelay $0x1  }
0xe3: {  	v3 =	vld [tilespmem:$0xA0]  }
0xe4: {  	v4 =	vshra.s32 v1, $0xE  }
0xe5: {  	v1 =	vand.u32 $0x3FFF, v1;
	[tilespmem:$0x200] =	vst v4;
	v4 =	vld [tilespmem:$0xB0]  }
0xe6: {  	[tilespmem:$0x380] =	vst v1;
	v1 =	vshra.s32 v2, $0xE  }
0xe7: {  	[tilespmem:$0x210] =	vst v1;
	v1 =	vand.u32 $0x3FFF, v2  }
0xe8: {  	[tilespmem:$0x390] =	vst v1;
	v1 =	vshra.s32 v3, $0xE  }
0xe9: {  	[tilespmem:$0x220] =	vst v1;
	v1 =	vand.u32 $0x3FFF, v3  }
0xea: {  	[tilespmem:$0x3A0] =	vst v1;
	v1 =	vshra.s32 v4, $0xE  }
0xeb: {  	[tilespmem:$0x230] =	vst v1;
	v1 =	vand.u32 $0x3FFF, v4  }
0xec: {  	s31 =	simm.s32 $0x200;
	[tilespmem:$0x3B0] =	vst v1  }
0xed: {  	[tilespmem:s12], [sflag:$0x2] =	stream.indirect.gather [hbm4b:s1+s3], $0x80, s31, s3, $0xb8;
	[tilespmem:$0x1F580] =	vst v63  }
0xee: {  	v1 =	vld [tilespmem:$0x380]  }
0xef: {  	v2 =	vld [tilespmem:$0x200];
	_ =	sdelay $0x6  }
0xf0: {  	v3 =	vld.idx.msk [tilespmem:v1+s30+$0x0], $0xffff  }
0xf1: {  	v2 =	vld.idx.msk [tilespmem:v2+s30+$0x0], $0xffff;
	_ =	sdelay $0x3  }
0xf2: {  	v3 =	vshll.u32 v3, $0x10  }
0xf3: {  	v4 =	vld [tilespmem:$0xB500];
	v2 =	vshra.s32 v2, $0x10;
	v3 =	vshra.s32 v3, $0x10  }
0xf4: {  	v2 =	vcvt.s32.f32 v2;
	v3 =	vcvt.s32.f32 v3;
	_ =	sdelay $0x1  }
0xf5: {  	v2 =	vmul.f32 $1.953125000e-03, v2;
	v3 =	vmul.f32 $1.953125000e-03, v3;
	_ =	sdelay $0x1  }
0xf6: {  	v2 =	vadd.f32 v3, v2;
	v3 =	vadd.f32 v3, v4;
	_ =	sdelay $0x1  }
0xf7: {  	v5 =	vmul.f32 $2.000000030e-01, v2;
	v6 =	vmul.f32 $2.000000030e-01, v3;
	_ =	sdelay $0x1  }
0xf8: {  	v2 =	vmax.f32 v2, v5;
	v3 =	vmax.f32 v3, v6  }
0xf9: {  	v2 =	vsub.f32 v2, v3;
	_ =	sdelay $0x1  }
0xfa: {  	v2 =	vmul.f32 $1.442695020e+00, v2;
	_ =	sdelay $0x1  }
0xfb: {  	(erf) = vpow2.f32 v2;
	_ =	sdelay $0x7  }
0xfc: {  	s4 =	sadd.s32 s15, s20  }
0xfd: {  	p3 =	slt.u32 s4, $0x50910;
	v2 =	vpop (erf)  }
0xfe: {  	v2 =	vpsel !p3, $0x0, v2  }
0xff: {  	[tilespmem:v1+s7+$0x0] =	vst.idx.add.f32.msk $0xffff, v2  }
0x100: {  	v1 =	vld [tilespmem:$0x390]  }
0x101: {  	v3 =	vld [tilespmem:$0x210];
	_ =	sdelay $0x5  }
0x102: {  	[tilespmem:$0x500] =	vst v2  }
0x103: {  	v2 =	vld.idx.msk [tilespmem:v1+s30+$0x0], $0xffff  }
0x104: {  	v3 =	vld.idx.msk [tilespmem:v3+s30+$0x0], $0xffff;
	_ =	sdelay $0x3  }
0x105: {  	v2 =	vshll.u32 v2, $0x10  }
0x106: {  	v3 =	vshra.s32 v3, $0x10;
	v2 =	vshra.s32 v2, $0x10  }
0x107: {  	v3 =	vcvt.s32.f32 v3;
	v2 =	vcvt.s32.f32 v2;
	_ =	sdelay $0x1  }
0x108: {  	v3 =	vmul.f32 $1.953125000e-03, v3;
	v2 =	vmul.f32 $1.953125000e-03, v2;
	_ =	sdelay $0x1  }
0x109: {  	v3 =	vadd.f32 v2, v3;
	v2 =	vadd.f32 v2, v4;
	_ =	sdelay $0x1  }
0x10a: {  	v5 =	vmul.f32 $2.000000030e-01, v3;
	v6 =	vmul.f32 $2.000000030e-01, v2;
	_ =	sdelay $0x1  }
0x10b: {  	v3 =	vmax.f32 v3, v5;
	v2 =	vmax.f32 v2, v6  }
0x10c: {  	v2 =	vsub.f32 v3, v2;
	_ =	sdelay $0x1  }
0x10d: {  	v2 =	vmul.f32 $1.442695020e+00, v2;
	_ =	sdelay $0x1  }
0x10e: {  	(erf) = vpow2.f32 v2;
	_ =	sdelay $0x7  }
0x10f: {  	s26 =	sor.u32 $0x10, s4  }
0x110: {  	p4 =	slt.u32 s26, $0x50910;
	v2 =	vpop (erf)  }
0x111: {  	v2 =	vpsel !p4, $0x0, v2  }
0x112: {  	[tilespmem:v1+s7+$0x0] =	vst.idx.add.f32.msk $0xffff, v2  }
0x113: {  	v1 =	vld [tilespmem:$0x3A0]  }
0x114: {  	v3 =	vld [tilespmem:$0x220];
	_ =	sdelay $0x5  }
0x115: {  	[tilespmem:$0x510] =	vst v2  }
0x116: {  	v2 =	vld.idx.msk [tilespmem:v1+s30+$0x0], $0xffff  }
0x117: {  	v3 =	vld.idx.msk [tilespmem:v3+s30+$0x0], $0xffff;
	_ =	sdelay $0x3  }
0x118: {  	v2 =	vshll.u32 v2, $0x10  }
0x119: {  	v3 =	vshra.s32 v3, $0x10;
	v2 =	vshra.s32 v2, $0x10  }
0x11a: {  	v3 =	vcvt.s32.f32 v3;
	v2 =	vcvt.s32.f32 v2;
	_ =	sdelay $0x1  }
0x11b: {  	v3 =	vmul.f32 $1.953125000e-03, v3;
	v2 =	vmul.f32 $1.953125000e-03, v2;
	_ =	sdelay $0x1  }
0x11c: {  	v3 =	vadd.f32 v2, v3;
	v2 =	vadd.f32 v2, v4;
	_ =	sdelay $0x1  }
0x11d: {  	v5 =	vmul.f32 $2.000000030e-01, v3;
	v6 =	vmul.f32 $2.000000030e-01, v2;
	_ =	sdelay $0x1  }
0x11e: {  	v3 =	vmax.f32 v3, v5;
	v2 =	vmax.f32 v2, v6  }
0x11f: {  	v2 =	vsub.f32 v3, v2;
	_ =	sdelay $0x1  }
0x120: {  	v2 =	vmul.f32 $1.442695020e+00, v2;
	_ =	sdelay $0x1  }
0x121: {  	(erf) = vpow2.f32 v2;
	_ =	sdelay $0x7  }
0x122: {  	s31 =	sor.u32 $0x20, s4  }
0x123: {  	p5 =	slt.u32 s31, $0x50910;
	v2 =	vpop (erf)  }
0x124: {  	v2 =	vpsel !p5, $0x0, v2  }
0x125: {  	[tilespmem:v1+s7+$0x0] =	vst.idx.add.f32.msk $0xffff, v2  }
0x126: {  	v1 =	vld [tilespmem:$0x3B0]  }
0x127: {  	v3 =	vld [tilespmem:$0x230];
	_ =	sdelay $0x5  }
0x128: {  	[tilespmem:$0x520] =	vst v2  }
0x129: {  	v2 =	vld.idx.msk [tilespmem:v1+s30+$0x0], $0xffff  }
0x12a: {  	v3 =	vld.idx.msk [tilespmem:v3+s30+$0x0], $0xffff;
	_ =	sdelay $0x3  }
0x12b: {  	v2 =	vshll.u32 v2, $0x10  }
0x12c: {  	v3 =	vshra.s32 v3, $0x10;
	v2 =	vshra.s32 v2, $0x10  }
0x12d: {  	v3 =	vcvt.s32.f32 v3;
	v2 =	vcvt.s32.f32 v2;
	_ =	sdelay $0x1  }
0x12e: {  	v3 =	vmul.f32 $1.953125000e-03, v3;
	v2 =	vmul.f32 $1.953125000e-03, v2;
	_ =	sdelay $0x1  }
0x12f: {  	v3 =	vadd.f32 v2, v3;
	v2 =	vadd.f32 v2, v4;
	_ =	sdelay $0x1  }
0x130: {  	v4 =	vmul.f32 $2.000000030e-01, v3;
	v5 =	vmul.f32 $2.000000030e-01, v2;
	_ =	sdelay $0x1  }
0x131: {  	v3 =	vmax.f32 v3, v4;
	v2 =	vmax.f32 v2, v5  }
0x132: {  	v2 =	vsub.f32 v3, v2;
	_ =	sdelay $0x1  }
0x133: {  	v2 =	vmul.f32 $1.442695020e+00, v2;
	_ =	sdelay $0x1  }
0x134: {  	(erf) = vpow2.f32 v2;
	_ =	sdelay $0x7  }
0x135: {  	s0 =	sor.u32 $0x30, s4;
	s4 =	simm.s32 $0x0  }
0x136: {  	p6 =	slt.u32 s0, $0x50910;
	v3 =	vmov s4;
	v2 =	vpop (erf)  }
0x137: {  	v3 =	vand.u32 $0xFFFFFFFC, v3;
	v2 =	vpsel !p6, $0x0, v2  }
0x138: {  	[tilespmem:v1+s7+$0x0] =	vst.idx.add.f32.msk $0xffff, v2;
	v1 =	vbroadcast v3, $0x0  }
0x139: {  	[tilespmem:$0x530] =	vst v2  }
0x13a: {  	_ =	swait.ge [sflag:s13], $0x2000  }
0x13b: {  	[sflag:s13] =	ssyncset.done $0x0  }
0x13c: {  	s26 =	simm.s32 $0x700;
	[sflag:s13] =	ssyncadd.s32 $0xFFFFE000  }
0x13d: {  	v2 =	vld [tilespmem:s26+$0xFFFFFF70]  }
0x13e: {  	v1 =	vld.idx.msk [tilespmem:v1+s14+$0x0], $0xffff  }
0x13f: {  	v3 =	vld [tilespmem:s26+$0xFFFFFF00]  }
0x140: {  	v4 =	vld [tilespmem:s26+$0xFFFFFF20]  }
0x141: {  	v5 =	vld [tilespmem:s26+$0xFFFFFF50]  }
0x142: {  	v6 =	vld [tilespmem:s26+$0xFFFFFF40]  }
0x143: {  	v7 =	vld [tilespmem:s26+$0xFFFFFF60];
	v2 =	vmul.f32 v2, v1  }
0x144: {  	s9 =	simm.s32 $0x1;
	v8 =	vld [tilespmem:s26+$0xFFFFFF30];
	v3 =	vmul.f32 v3, v1  }
0x145: {  	v9 =	vld [tilespmem:s26+$0xFFFFFF10];
	v4 =	vmul.f32 v4, v1;
	[tilespmem:s26+$0xFFFFFF70] =	vst v2;
	v2 =	vmov s9  }
0x146: {  	v5 =	vmul.f32 v5, v1;
	[tilespmem:s26+$0xFFFFFF00] =	vst v3;
	v2 =	vand.u32 $0xFFFFFFFD, v2  }
0x147: {  	v3 =	vmul.f32 v6, v1;
	[tilespmem:s26+$0xFFFFFF20] =	vst v4;
	v2 =	vbroadcast v2, $0x0  }
0x148: {  	v4 =	vmul.f32 v7, v1;
	[tilespmem:s26+$0xFFFFFF50] =	vst v5  }
0x149: {  	v5 =	vmul.f32 v8, v1;
	[tilespmem:s26+$0xFFFFFF40] =	vst v3  }
0x14a: {  	v1 =	vmul.f32 v9, v1;
	[tilespmem:s26+$0xFFFFFF60] =	vst v4  }
0x14b: {  	[tilespmem:s26+$0xFFFFFF30] =	vst v5  }
0x14c: {  	[tilespmem:s26+$0xFFFFFF10] =	vst v1;
	v1 =	vld [tilespmem:s26+$0xFFFFFF90]  }
0x14d: {  	v3 =	vld.idx.msk [tilespmem:v2+s14+$0x0], $0xffff  }
0x14e: {  	v2 =	vld [tilespmem:s26+$0xFFFFFFA0]  }
0x14f: {  	v4 =	vld [tilespmem:s26+$0xFFFFFF80]  }
0x150: {  	v5 =	vld [tilespmem:s26+$0xFFFFFFB0]  }
0x151: {  	v6 =	vld [tilespmem:s26+$0xFFFFFFC0]  }
0x152: {  	v7 =	vld [tilespmem:s26+$0xFFFFFFD0];
	v1 =	vmul.f32 v1, v3  }
0x153: {  	s31 =	simm.s32 $0x2;
	v8 =	vld [tilespmem:s26+$0xFFFFFFF0];
	v2 =	vmul.f32 v2, v3  }
0x154: {  	v63 =	vld [tilespmem:s26+$0xFFFFFFE0];
	v4 =	vmul.f32 v4, v3;
	[tilespmem:s26+$0xFFFFFF90] =	vst v1;
	v1 =	vmov s31  }
0x155: {  	v5 =	vmul.f32 v5, v3;
	[tilespmem:s26+$0xFFFFFFA0] =	vst v2;
	v1 =	vand.u32 $0xFFFFFFFE, v1  }
0x156: {  	v2 =	vmul.f32 v6, v3;
	[tilespmem:s26+$0xFFFFFF80] =	vst v4;
	v6 =	vld [tilespmem:s26+$0x60];
	v10 =	vbroadcast v1, $0x0  }
0x157: {  	v4 =	vmul.f32 v7, v3;
	[tilespmem:s26+$0xFFFFFFB0] =	vst v5;
	v7 =	vld [tilespmem:s26+$0x0]  }
0x158: {  	v5 =	vmul.f32 v8, v3;
	v1 =	vld [tilespmem:s26+$0x20];
	[tilespmem:s26+$0xFFFFFFC0] =	vst v2  }
0x159: {  	v3 =	vmul.f32 v63, v3;
	v2 =	vld [tilespmem:s26+$0x30];
	[tilespmem:s26+$0xFFFFFFD0] =	vst v4  }
0x15a: {  	[tilespmem:s26+$0xFFFFFFF0] =	vst v5;
	v4 =	vld [tilespmem:s26+$0x40]  }
0x15b: {  	[tilespmem:s26+$0xFFFFFFE0] =	vst v3;
	v5 =	vld [tilespmem:s26+$0x10]  }
0x15c: {  	s29 =	simm.s32 $0x700;
	s0 =	simm.s32 $0x0;
	s9 =	simm.s32 $0x4;
	v3 =	vld.idx.msk [tilespmem:v10+s14+$0x0], $0xffff  }
.LBB2_7:
0x15d: {  	p0 =	slt.u32 s9, $0x3C  }
0x15e: {  	v8 =	vld [tilespmem:s26+$0x50];
	s29 =	sadd.s32 $0x200, s29;
	s4 =	smov.u32 s9;
	s9 =	sadd.s32 $0x4, s9  }
0x15f: {  	v9 =	vld [tilespmem:s26+$0x70];
	_ =	sdelay $0x1  }
0x160: {  	v6 =	vmul.f32 v6, v3;
	v7 =	vmul.f32 v7, v3  }
0x161: {  	v4 =	vmul.f32 v4, v3;
	v5 =	vmul.f32 v5, v3  }
0x162: {  	v1 =	vmul.f32 v1, v3;
	v2 =	vmul.f32 v2, v3;
	[tilespmem:s26+$0x60] =	vst v6  }
0x163: {  	[tilespmem:s26+$0x40] =	vst v4;
	v4 =	vmul.f32 v8, v3;
	v3 =	vmul.f32 v9, v3  }
0x164: {  	s31 =	sadd.s32 $0x3, s0;
	s0 =	smov.u32 s4;
	[tilespmem:s26+$0x20] =	vst v1;
	v6 =	vld [tilespmem:s26+$0x80]  }
0x165: {  	v1 =	vld [tilespmem:s29+$0x20];
	[tilespmem:s26+$0x0] =	vst v7;
	v7 =	vmov s31  }
0x166: {  	[tilespmem:s26+$0x50] =	vst v4;
	v4 =	vld [tilespmem:s26+$0xE0]  }
0x167: {  	[tilespmem:s26+$0x30] =	vst v2;
	v8 =	vld [tilespmem:s26+$0xC0]  }
0x168: {  	v2 =	vld [tilespmem:s29+$0x30];
	[tilespmem:s26+$0x10] =	vst v5  }
0x169: {  	[tilespmem:s26+$0x70] =	vst v3;
	v3 =	vld [tilespmem:s26+$0xA0]  }
0x16a: {  	v5 =	vld.idx.msk [tilespmem:v7+s14+$0x0], $0xffff  }
0x16b: {  	v7 =	vld [tilespmem:s26+$0x90]  }
0x16c: {  	v9 =	vld [tilespmem:s26+$0xB0]  }
0x16d: {  	v10 =	vld [tilespmem:s26+$0xD0]  }
0x16e: {  	v11 =	vld [tilespmem:s26+$0xF0];
	_ =	sdelay $0x1  }
0x16f: {  	v6 =	vmul.f32 v6, v5;
	v7 =	vmul.f32 v7, v5  }
0x170: {  	v3 =	vmul.f32 v3, v5;
	v9 =	vmul.f32 v9, v5  }
0x171: {  	v12 =	vmov s0;
	[tilespmem:s26+$0x80] =	vst v6;
	v6 =	vmul.f32 v8, v5;
	v8 =	vmul.f32 v10, v5  }
0x172: {  	v10 =	vand.u32 $0xFFFFFFFC, v12;
	[tilespmem:s26+$0xA0] =	vst v3;
	v3 =	vmul.f32 v4, v5;
	v4 =	vmul.f32 v11, v5  }
0x173: {  	v5 =	vbroadcast v10, $0x0;
	[tilespmem:s26+$0xC0] =	vst v6  }
0x174: {  	[tilespmem:s26+$0xF0] =	vst v4  }
0x175: {  	v4 =	vld [tilespmem:s29+$0xFFFFFF40];
	[tilespmem:s26+$0xE0] =	vst v3  }
0x176: {  	v3 =	vld [tilespmem:s29+$0xFFFFFF50];
	[tilespmem:s26+$0x90] =	vst v7  }
0x177: {  	v6 =	vld [tilespmem:s29+$0xFFFFFF60];
	[tilespmem:s26+$0xB0] =	vst v9  }
0x178: {  	v7 =	vld [tilespmem:s29+$0xFFFFFF70];
	[tilespmem:s26+$0xD0] =	vst v8;
	s26 =	smov.u32 s29  }
0x179: {  	v5 =	vld.idx.msk [tilespmem:v5+s14+$0x0], $0xffff  }
0x17a: {  	v8 =	vld [tilespmem:s29+$0xFFFFFF00]  }
0x17b: {  	v9 =	vld [tilespmem:s29+$0xFFFFFF20]  }
0x17c: {  	v10 =	vld [tilespmem:s29+$0xFFFFFF10]  }
0x17d: {  	v11 =	vld [tilespmem:s29+$0xFFFFFF30];
	_ =	sdelay $0x1  }
0x17e: {  	v7 =	vmul.f32 v7, v5;
	v8 =	vmul.f32 v8, v5  }
0x17f: {  	s4 =	sadd.s32 $0x1, s0;
	v6 =	vmul.f32 v6, v5;
	v9 =	vmul.f32 v9, v5  }
0x180: {  	v3 =	vmul.f32 v3, v5;
	v10 =	vmul.f32 v10, v5;
	[tilespmem:s29+$0xFFFFFF70] =	vst v7;
	v7 =	vmov s4  }
0x181: {  	v4 =	vmul.f32 v4, v5;
	[tilespmem:s29+$0xFFFFFF00] =	vst v8;
	v8 =	vmul.f32 v11, v5;
	v5 =	vand.u32 $0xFFFFFFFD, v7  }
0x182: {  	[tilespmem:s29+$0xFFFFFF20] =	vst v9;
	v5 =	vbroadcast v5, $0x0  }
0x183: {  	[tilespmem:s29+$0xFFFFFF50] =	vst v3  }
0x184: {  	[tilespmem:s29+$0xFFFFFF40] =	vst v4;
	v3 =	vld [tilespmem:s29+$0xFFFFFFF0]  }
0x185: {  	[tilespmem:s29+$0xFFFFFF60] =	vst v6;
	v4 =	vld [tilespmem:s29+$0xFFFFFFC0]  }
0x186: {  	[tilespmem:s29+$0xFFFFFF30] =	vst v8;
	v6 =	vld [tilespmem:s29+$0xFFFFFFD0]  }
0x187: {  	[tilespmem:s29+$0xFFFFFF10] =	vst v10;
	v7 =	vld [tilespmem:s29+$0xFFFFFF90]  }
0x188: {  	v5 =	vld.idx.msk [tilespmem:v5+s14+$0x0], $0xffff  }
0x189: {  	v8 =	vld [tilespmem:s29+$0xFFFFFF80]  }
0x18a: {  	v9 =	vld [tilespmem:s29+$0xFFFFFFA0]  }
0x18b: {  	v10 =	vld [tilespmem:s29+$0xFFFFFFB0]  }
0x18c: {  	v11 =	vld [tilespmem:s29+$0xFFFFFFE0];
	_ =	sdelay $0x1  }
0x18d: {  	v7 =	vmul.f32 v7, v5;
	v8 =	vmul.f32 v8, v5  }
0x18e: {  	s4 =	sadd.s32 $0x2, s0;
	v6 =	vmul.f32 v6, v5;
	v9 =	vmul.f32 v9, v5  }
0x18f: {  	v4 =	vmul.f32 v4, v5;
	[tilespmem:s29+$0xFFFFFF90] =	vst v7;
	v7 =	vmul.f32 v10, v5;
	v10 =	vmov s4  }
0x190: {  	v3 =	vmul.f32 v3, v5;
	[tilespmem:s29+$0xFFFFFFA0] =	vst v9;
	v9 =	vmul.f32 v11, v5;
	v5 =	vand.u32 $0xFFFFFFFE, v10  }
0x191: {  	[tilespmem:s29+$0xFFFFFF80] =	vst v8;
	v5 =	vbroadcast v5, $0x0  }
0x192: {  	[tilespmem:s29+$0xFFFFFFB0] =	vst v7  }
0x193: {  	[tilespmem:s29+$0xFFFFFFC0] =	vst v4  }
0x194: {  	[tilespmem:s29+$0xFFFFFFD0] =	vst v6  }
.Ltmp2:
0x195: {  	[tilespmem:s29+$0xFFFFFFF0] =	vst v3;
	v4 =	vld [tilespmem:s29+$0x40];
	(pc) =	sbr.rel @p0 .LBB2_7-.Ltmp2, $4  }
0x196: {  	[tilespmem:s29+$0xFFFFFFE0] =	vst v9;
	v6 =	vld [tilespmem:s29+$0x60]  }
0x197: {  	v3 =	vld.idx.msk [tilespmem:v5+s14+$0x0], $0xffff  }
0x198: {  	v7 =	vld [tilespmem:s29+$0x0]  }
0x199: {  	v5 =	vld [tilespmem:s29+$0x10]  }
0x19a: {  	_ =	sdelay $0x1  }
0x19b: {  	v6 =	vmul.f32 v6, v3  }
0x19c: {  	v8 =	vld [tilespmem:s26+$0x50];
	v4 =	vmul.f32 v4, v3  }
0x19d: {  	v9 =	vld [tilespmem:s26+$0x70];
	v1 =	vmul.f32 v1, v3;
	[tilespmem:s26+$0x60] =	vst v6  }
0x19e: {  	v6 =	vmul.f32 v7, v3;
	[tilespmem:s26+$0x40] =	vst v4  }
0x19f: {  	s0 =	sadd.s32 $0x3, s0;
	[tilespmem:s26+$0x20] =	vst v1;
	v1 =	vmul.f32 v2, v3  }
0x1a0: {  	v5 =	vmul.f32 v5, v3;
	[tilespmem:s26+$0x0] =	vst v6;
	v6 =	vmov s0  }
0x1a1: {  	v4 =	vmul.f32 v8, v3;
	[tilespmem:s26+$0x30] =	vst v1  }
0x1a2: {  	v3 =	vmul.f32 v9, v3;
	[tilespmem:s26+$0x10] =	vst v5  }
0x1a3: {  	[tilespmem:s26+$0x50] =	vst v4  }
0x1a4: {  	v2 =	vld [tilespmem:s26+$0x80];
	[tilespmem:s26+$0x70] =	vst v3  }
0x1a5: {  	v1 =	vld.idx.msk [tilespmem:v6+s14+$0x0], $0xffff  }
0x1a6: {  	v3 =	vld [tilespmem:s26+$0xA0]  }
0x1a7: {  	v4 =	vld [tilespmem:s26+$0xC0]  }
0x1a8: {  	v5 =	vld [tilespmem:s26+$0xF0]  }
0x1a9: {  	v6 =	vld [tilespmem:s26+$0xE0]  }
0x1aa: {  	v7 =	vld [tilespmem:s26+$0x90];
	v2 =	vmul.f32 v2, v1  }
0x1ab: {  	v8 =	vld [tilespmem:s26+$0xB0];
	v3 =	vmul.f32 v3, v1  }
0x1ac: {  	v61 =	vld [tilespmem:s26+$0xD0];
	[tilespmem:s26+$0x80] =	vst v2;
	v2 =	vmul.f32 v4, v1  }
0x1ad: {  	[tilespmem:s26+$0xA0] =	vst v3;
	v3 =	vmul.f32 v5, v1  }
0x1ae: {  	v4 =	vmul.f32 v6, v1;
	[tilespmem:s26+$0xC0] =	vst v2  }
0x1af: {  	v2 =	vmul.f32 v7, v1;
	[tilespmem:s26+$0xF0] =	vst v3  }
0x1b0: {  	v3 =	vmul.f32 v8, v1;
	[tilespmem:s26+$0xE0] =	vst v4  }
0x1b1: {  	p0 =	seq.s32 s11, $0x35;
	v1 =	vmul.f32 v61, v1;
	[tilespmem:s26+$0x90] =	vst v2  }
0x1b2: {  	s0 =	sadd.s32 @!p0 s15, s21;
	[tilespmem:s26+$0xB0] =	vst v3  }
0x1b3: {  	s29 =	simm.s32 $0x300;
	s0 =	sshrl.u32 @!p0 s0, $0x3;
	[tilespmem:s26+$0xD0] =	vst v1  }
0x1b4: {  	[spmem:s2] =	stream.indirect.scatter.add.f32 [tilespmem:s28], [sflag:$0x4], $0x80, s29, s3, $0xb8;
	[tilespmem:$0x1F580] =	vst v63  }
0x1b5: {  	p1 =	seq.s32 @!p0 s11, $0x0;
	s4 =	simm.s32 @!p0 $0x0;
	s0 =	sadd.s32 @!p0 s5, s0  }
0x1b6: {  	[tilespmem:s4], [sflag:$0x7] =	stream.linear.gather @!p0 [hbm4b:s0+s4], $0x40, $0x38;
	[tilespmem:$0x1F580] =	vst v63  }
0x1b7: {  	p0 =	por p0, !p1  }
0x1b8: {  	_ =	swait.ge @p0 [sflag:s22], $0x2000  }
0x1b9: {  	[sflag:s22] =	ssyncset.done @p0 $0x0  }
0x1ba: {  	[sflag:s22] =	ssyncadd.s32 @p0 $0xFFFFE000  }
0x1bb: {  	_ =	swait.ge [sflag:s16], $0x40  }
0x1bc: {  	[sflag:s16] =	ssyncset.done $0x0  }
0x1bd: {  	[sflag:s16] =	ssyncadd.s32 $0xFFFFFFC0  }
0x1be: {  	v1 =	vld [tilespmem:$0x100];
	_ =	sdelay $0x1  }
0x1bf: {  	v2 =	vld [tilespmem:$0x110];
	_ =	sdelay $0x1  }
0x1c0: {  	v3 =	vld [tilespmem:$0x120]  }
0x1c1: {  	v4 =	vshra.s32 v1, $0xE  }
0x1c2: {  	v1 =	vand.u32 $0x3FFF, v1;
	[tilespmem:$0x280] =	vst v4;
	v4 =	vld [tilespmem:$0x130]  }
0x1c3: {  	[tilespmem:$0x400] =	vst v1;
	v1 =	vshra.s32 v2, $0xE  }
0x1c4: {  	[tilespmem:$0x290] =	vst v1;
	v1 =	vand.u32 $0x3FFF, v2  }
0x1c5: {  	[tilespmem:$0x410] =	vst v1;
	v1 =	vshra.s32 v3, $0xE  }
0x1c6: {  	[tilespmem:$0x2A0] =	vst v1;
	v1 =	vand.u32 $0x3FFF, v3  }
0x1c7: {  	[tilespmem:$0x420] =	vst v1;
	v1 =	vshra.s32 v4, $0xE  }
0x1c8: {  	[tilespmem:$0x2B0] =	vst v1;
	v1 =	vand.u32 $0x3FFF, v4  }
0x1c9: {  	s31 =	simm.s32 $0x280;
	[tilespmem:$0x430] =	vst v1  }
0x1ca: {  	[tilespmem:s23], [sflag:$0x3] =	stream.indirect.gather [hbm4b:s1+s3], $0x80, s31, s3, $0xb8;
	[tilespmem:$0x1F580] =	vst v63  }
0x1cb: {  	v1 =	vld [tilespmem:$0x400]  }
0x1cc: {  	v2 =	vld [tilespmem:$0x280];
	_ =	sdelay $0x6  }
0x1cd: {  	v3 =	vld.idx.msk [tilespmem:v1+s30+$0x0], $0xffff  }
0x1ce: {  	v2 =	vld.idx.msk [tilespmem:v2+s30+$0x0], $0xffff;
	_ =	sdelay $0x3  }
0x1cf: {  	v3 =	vshll.u32 v3, $0x10  }
0x1d0: {  	v4 =	vld [tilespmem:$0xB500];
	v2 =	vshra.s32 v2, $0x10;
	v3 =	vshra.s32 v3, $0x10  }
0x1d1: {  	v2 =	vcvt.s32.f32 v2;
	v3 =	vcvt.s32.f32 v3;
	_ =	sdelay $0x1  }
0x1d2: {  	v2 =	vmul.f32 $1.953125000e-03, v2;
	v3 =	vmul.f32 $1.953125000e-03, v3;
	_ =	sdelay $0x1  }
0x1d3: {  	v2 =	vadd.f32 v3, v2;
	v3 =	vadd.f32 v3, v4;
	_ =	sdelay $0x1  }
0x1d4: {  	v5 =	vmul.f32 $2.000000030e-01, v2;
	v6 =	vmul.f32 $2.000000030e-01, v3;
	_ =	sdelay $0x1  }
0x1d5: {  	v2 =	vmax.f32 v2, v5;
	v3 =	vmax.f32 v3, v6  }
0x1d6: {  	v2 =	vsub.f32 v2, v3;
	_ =	sdelay $0x1  }
0x1d7: {  	v2 =	vmul.f32 $1.442695020e+00, v2;
	_ =	sdelay $0x1  }
0x1d8: {  	(erf) = vpow2.f32 v2;
	_ =	sdelay $0x8  }
0x1d9: {  	p3 =	slt.u32 s17, $0x50910;
	v2 =	vpop (erf)  }
0x1da: {  	v2 =	vpsel !p3, $0x0, v2  }
0x1db: {  	[tilespmem:v1+s7+$0x0] =	vst.idx.add.f32.msk $0xffff, v2  }
0x1dc: {  	v1 =	vld [tilespmem:$0x410]  }
0x1dd: {  	v3 =	vld [tilespmem:$0x290];
	_ =	sdelay $0x5  }
0x1de: {  	[tilespmem:$0x580] =	vst v2  }
0x1df: {  	v2 =	vld.idx.msk [tilespmem:v1+s30+$0x0], $0xffff  }
0x1e0: {  	v3 =	vld.idx.msk [tilespmem:v3+s30+$0x0], $0xffff;
	_ =	sdelay $0x3  }
0x1e1: {  	v2 =	vshll.u32 v2, $0x10  }
0x1e2: {  	v3 =	vshra.s32 v3, $0x10;
	v2 =	vshra.s32 v2, $0x10  }
0x1e3: {  	v3 =	vcvt.s32.f32 v3;
	v2 =	vcvt.s32.f32 v2;
	_ =	sdelay $0x1  }
0x1e4: {  	v3 =	vmul.f32 $1.953125000e-03, v3;
	v2 =	vmul.f32 $1.953125000e-03, v2;
	_ =	sdelay $0x1  }
0x1e5: {  	v3 =	vadd.f32 v2, v3;
	v2 =	vadd.f32 v2, v4;
	_ =	sdelay $0x1  }
0x1e6: {  	v5 =	vmul.f32 $2.000000030e-01, v3;
	v6 =	vmul.f32 $2.000000030e-01, v2;
	_ =	sdelay $0x1  }
0x1e7: {  	v3 =	vmax.f32 v3, v5;
	v2 =	vmax.f32 v2, v6  }
0x1e8: {  	v2 =	vsub.f32 v3, v2;
	_ =	sdelay $0x1  }
0x1e9: {  	v2 =	vmul.f32 $1.442695020e+00, v2;
	_ =	sdelay $0x1  }
0x1ea: {  	(erf) = vpow2.f32 v2;
	_ =	sdelay $0x7  }
0x1eb: {  	s4 =	sor.u32 $0x10, s17  }
0x1ec: {  	p4 =	slt.u32 s4, $0x50910;
	v2 =	vpop (erf)  }
0x1ed: {  	v2 =	vpsel !p4, $0x0, v2  }
0x1ee: {  	[tilespmem:v1+s7+$0x0] =	vst.idx.add.f32.msk $0xffff, v2  }
0x1ef: {  	v1 =	vld [tilespmem:$0x420]  }
0x1f0: {  	v3 =	vld [tilespmem:$0x2A0];
	_ =	sdelay $0x5  }
0x1f1: {  	[tilespmem:$0x590] =	vst v2  }
0x1f2: {  	v2 =	vld.idx.msk [tilespmem:v1+s30+$0x0], $0xffff  }
0x1f3: {  	v3 =	vld.idx.msk [tilespmem:v3+s30+$0x0], $0xffff;
	_ =	sdelay $0x3  }
0x1f4: {  	v2 =	vshll.u32 v2, $0x10  }
0x1f5: {  	v3 =	vshra.s32 v3, $0x10;
	v2 =	vshra.s32 v2, $0x10  }
0x1f6: {  	v3 =	vcvt.s32.f32 v3;
	v2 =	vcvt.s32.f32 v2;
	_ =	sdelay $0x1  }
0x1f7: {  	v3 =	vmul.f32 $1.953125000e-03, v3;
	v2 =	vmul.f32 $1.953125000e-03, v2;
	_ =	sdelay $0x1  }
0x1f8: {  	v3 =	vadd.f32 v2, v3;
	v2 =	vadd.f32 v2, v4;
	_ =	sdelay $0x1  }
0x1f9: {  	v5 =	vmul.f32 $2.000000030e-01, v3;
	v6 =	vmul.f32 $2.000000030e-01, v2;
	_ =	sdelay $0x1  }
0x1fa: {  	v3 =	vmax.f32 v3, v5;
	v2 =	vmax.f32 v2, v6  }
0x1fb: {  	v2 =	vsub.f32 v3, v2;
	_ =	sdelay $0x1  }
0x1fc: {  	v2 =	vmul.f32 $1.442695020e+00, v2;
	_ =	sdelay $0x1  }
0x1fd: {  	(erf) = vpow2.f32 v2;
	_ =	sdelay $0x7  }
0x1fe: {  	s9 =	sor.u32 $0x20, s17  }
0x1ff: {  	p5 =	slt.u32 s9, $0x50910;
	v2 =	vpop (erf)  }
0x200: {  	v2 =	vpsel !p5, $0x0, v2  }
0x201: {  	[tilespmem:v1+s7+$0x0] =	vst.idx.add.f32.msk $0xffff, v2  }
0x202: {  	v1 =	vld [tilespmem:$0x430]  }
0x203: {  	v3 =	vld [tilespmem:$0x2B0];
	_ =	sdelay $0x5  }
0x204: {  	[tilespmem:$0x5A0] =	vst v2  }
0x205: {  	v2 =	vld.idx.msk [tilespmem:v1+s30+$0x0], $0xffff  }
0x206: {  	v3 =	vld.idx.msk [tilespmem:v3+s30+$0x0], $0xffff;
	_ =	sdelay $0x3  }
0x207: {  	v2 =	vshll.u32 v2, $0x10  }
0x208: {  	v3 =	vshra.s32 v3, $0x10;
	v2 =	vshra.s32 v2, $0x10  }
0x209: {  	v3 =	vcvt.s32.f32 v3;
	v2 =	vcvt.s32.f32 v2;
	_ =	sdelay $0x1  }
0x20a: {  	v3 =	vmul.f32 $1.953125000e-03, v3;
	v2 =	vmul.f32 $1.953125000e-03, v2;
	_ =	sdelay $0x1  }
0x20b: {  	v3 =	vadd.f32 v2, v3;
	v2 =	vadd.f32 v2, v4;
	_ =	sdelay $0x1  }
0x20c: {  	v4 =	vmul.f32 $2.000000030e-01, v3;
	v5 =	vmul.f32 $2.000000030e-01, v2;
	_ =	sdelay $0x1  }
0x20d: {  	v3 =	vmax.f32 v3, v4;
	v2 =	vmax.f32 v2, v5  }
0x20e: {  	v2 =	vsub.f32 v3, v2;
	_ =	sdelay $0x1  }
0x20f: {  	v2 =	vmul.f32 $1.442695020e+00, v2;
	_ =	sdelay $0x1  }
0x210: {  	(erf) = vpow2.f32 v2;
	_ =	sdelay $0x7  }
0x211: {  	s26 =	simm.s32 $0x0;
	s17 =	sor.u32 $0x30, s17  }
0x212: {  	p6 =	slt.u32 s17, $0x50910;
	v3 =	vmov s26;
	v2 =	vpop (erf)  }
0x213: {  	v3 =	vand.u32 $0xFFFFFFFC, v3;
	v2 =	vpsel !p6, $0x0, v2  }
0x214: {  	[tilespmem:v1+s7+$0x0] =	vst.idx.add.f32.msk $0xffff, v2;
	v1 =	vbroadcast v3, $0x0  }
0x215: {  	[tilespmem:$0x5B0] =	vst v2  }
0x216: {  	_ =	swait.ge [sflag:s24], $0x2000  }
0x217: {  	[sflag:s24] =	ssyncset.done $0x0  }
0x218: {  	s17 =	simm.s32 $0x2700;
	[sflag:s24] =	ssyncadd.s32 $0xFFFFE000  }
0x219: {  	v2 =	vld [tilespmem:s17+$0xFFFFFF70]  }
0x21a: {  	v1 =	vld.idx.msk [tilespmem:v1+s25+$0x0], $0xffff  }
0x21b: {  	v3 =	vld [tilespmem:s17+$0xFFFFFF00]  }
0x21c: {  	v4 =	vld [tilespmem:s17+$0xFFFFFF20]  }
0x21d: {  	v5 =	vld [tilespmem:s17+$0xFFFFFF50]  }
0x21e: {  	v6 =	vld [tilespmem:s17+$0xFFFFFF40]  }
0x21f: {  	v7 =	vld [tilespmem:s17+$0xFFFFFF60];
	v2 =	vmul.f32 v2, v1  }
0x220: {  	s29 =	simm.s32 $0x1;
	v8 =	vld [tilespmem:s17+$0xFFFFFF30];
	v3 =	vmul.f32 v3, v1  }
0x221: {  	v62 =	vld [tilespmem:s17+$0xFFFFFF10];
	v4 =	vmul.f32 v4, v1;
	[tilespmem:s17+$0xFFFFFF70] =	vst v2;
	v2 =	vmov s29  }
0x222: {  	v5 =	vmul.f32 v5, v1;
	[tilespmem:s17+$0xFFFFFF00] =	vst v3;
	v2 =	vand.u32 $0xFFFFFFFD, v2  }
0x223: {  	v3 =	vmul.f32 v6, v1;
	[tilespmem:s17+$0xFFFFFF20] =	vst v4;
	v2 =	vbroadcast v2, $0x0  }
0x224: {  	v4 =	vmul.f32 v7, v1;
	[tilespmem:s17+$0xFFFFFF50] =	vst v5  }
0x225: {  	v5 =	vmul.f32 v8, v1;
	[tilespmem:s17+$0xFFFFFF40] =	vst v3  }
0x226: {  	v1 =	vmul.f32 v62, v1;
	[tilespmem:s17+$0xFFFFFF60] =	vst v4  }
0x227: {  	[tilespmem:s17+$0xFFFFFF30] =	vst v5  }
0x228: {  	[tilespmem:s17+$0xFFFFFF10] =	vst v1;
	v1 =	vld [tilespmem:s17+$0xFFFFFF90]  }
0x229: {  	v3 =	vld.idx.msk [tilespmem:v2+s25+$0x0], $0xffff  }
0x22a: {  	v2 =	vld [tilespmem:s17+$0xFFFFFFA0]  }
0x22b: {  	v4 =	vld [tilespmem:s17+$0xFFFFFF80]  }
0x22c: {  	v5 =	vld [tilespmem:s17+$0xFFFFFFB0]  }
0x22d: {  	v6 =	vld [tilespmem:s17+$0xFFFFFFC0]  }
0x22e: {  	v7 =	vld [tilespmem:s17+$0xFFFFFFD0];
	v1 =	vmul.f32 v1, v3  }
0x22f: {  	s31 =	simm.s32 $0x2;
	v8 =	vld [tilespmem:s17+$0xFFFFFFF0];
	v2 =	vmul.f32 v2, v3  }
0x230: {  	v63 =	vld [tilespmem:s17+$0xFFFFFFE0];
	v4 =	vmul.f32 v4, v3;
	[tilespmem:s17+$0xFFFFFF90] =	vst v1;
	v1 =	vmov s31  }
0x231: {  	v5 =	vmul.f32 v5, v3;
	[tilespmem:s17+$0xFFFFFFA0] =	vst v2;
	v1 =	vand.u32 $0xFFFFFFFE, v1  }
0x232: {  	v2 =	vmul.f32 v6, v3;
	[tilespmem:s17+$0xFFFFFF80] =	vst v4;
	v6 =	vld [tilespmem:s17+$0x60];
	v10 =	vbroadcast v1, $0x0  }
0x233: {  	v4 =	vmul.f32 v7, v3;
	[tilespmem:s17+$0xFFFFFFB0] =	vst v5;
	v7 =	vld [tilespmem:s17+$0x0]  }
0x234: {  	v5 =	vmul.f32 v8, v3;
	v1 =	vld [tilespmem:s17+$0x20];
	[tilespmem:s17+$0xFFFFFFC0] =	vst v2  }
0x235: {  	v3 =	vmul.f32 v63, v3;
	v2 =	vld [tilespmem:s17+$0x30];
	[tilespmem:s17+$0xFFFFFFD0] =	vst v4  }
0x236: {  	[tilespmem:s17+$0xFFFFFFF0] =	vst v5;
	v4 =	vld [tilespmem:s17+$0x40]  }
0x237: {  	[tilespmem:s17+$0xFFFFFFE0] =	vst v3;
	v5 =	vld [tilespmem:s17+$0x10]  }
0x238: {  	s9 =	simm.s32 $0x2700;
	s0 =	simm.s32 $0x4;
	v3 =	vld.idx.msk [tilespmem:v10+s25+$0x0], $0xffff  }
.LBB2_9:
0x239: {  	p0 =	slt.u32 s0, $0x3C  }
0x23a: {  	v8 =	vld [tilespmem:s17+$0x50];
	s9 =	sadd.s32 $0x200, s9;
	s4 =	smov.u32 s0;
	s0 =	sadd.s32 $0x4, s0  }
0x23b: {  	v9 =	vld [tilespmem:s17+$0x70];
	_ =	sdelay $0x1  }
0x23c: {  	v6 =	vmul.f32 v6, v3;
	v7 =	vmul.f32 v7, v3  }
0x23d: {  	v4 =	vmul.f32 v4, v3;
	v5 =	vmul.f32 v5, v3  }
0x23e: {  	v1 =	vmul.f32 v1, v3;
	v2 =	vmul.f32 v2, v3;
	[tilespmem:s17+$0x60] =	vst v6  }
0x23f: {  	[tilespmem:s17+$0x40] =	vst v4;
	v4 =	vmul.f32 v8, v3;
	v3 =	vmul.f32 v9, v3  }
0x240: {  	s29 =	sadd.s32 $0x3, s26;
	s26 =	smov.u32 s4;
	[tilespmem:s17+$0x20] =	vst v1;
	v6 =	vld [tilespmem:s17+$0x80]  }
0x241: {  	v1 =	vld [tilespmem:s9+$0x20];
	[tilespmem:s17+$0x0] =	vst v7;
	v7 =	vmov s29  }
0x242: {  	[tilespmem:s17+$0x50] =	vst v4;
	v4 =	vld [tilespmem:s17+$0xE0]  }
0x243: {  	[tilespmem:s17+$0x30] =	vst v2;
	v8 =	vld [tilespmem:s17+$0xC0]  }
0x244: {  	v2 =	vld [tilespmem:s9+$0x30];
	[tilespmem:s17+$0x10] =	vst v5  }
0x245: {  	[tilespmem:s17+$0x70] =	vst v3;
	v3 =	vld [tilespmem:s17+$0xA0]  }
0x246: {  	v5 =	vld.idx.msk [tilespmem:v7+s25+$0x0], $0xffff  }
0x247: {  	v7 =	vld [tilespmem:s17+$0x90]  }
0x248: {  	v9 =	vld [tilespmem:s17+$0xB0]  }
0x249: {  	v10 =	vld [tilespmem:s17+$0xD0]  }
0x24a: {  	v11 =	vld [tilespmem:s17+$0xF0];
	_ =	sdelay $0x1  }
0x24b: {  	v6 =	vmul.f32 v6, v5;
	v7 =	vmul.f32 v7, v5  }
0x24c: {  	v3 =	vmul.f32 v3, v5;
	v9 =	vmul.f32 v9, v5  }
0x24d: {  	v12 =	vmov s26;
	[tilespmem:s17+$0x80] =	vst v6;
	v6 =	vmul.f32 v8, v5;
	v8 =	vmul.f32 v10, v5  }
0x24e: {  	v10 =	vand.u32 $0xFFFFFFFC, v12;
	[tilespmem:s17+$0xA0] =	vst v3;
	v3 =	vmul.f32 v4, v5;
	v4 =	vmul.f32 v11, v5  }
0x24f: {  	v5 =	vbroadcast v10, $0x0;
	[tilespmem:s17+$0xC0] =	vst v6  }
0x250: {  	[tilespmem:s17+$0xF0] =	vst v4  }
0x251: {  	v4 =	vld [tilespmem:s9+$0xFFFFFF40];
	[tilespmem:s17+$0xE0] =	vst v3  }
0x252: {  	v3 =	vld [tilespmem:s9+$0xFFFFFF50];
	[tilespmem:s17+$0x90] =	vst v7  }
0x253: {  	v6 =	vld [tilespmem:s9+$0xFFFFFF60];
	[tilespmem:s17+$0xB0] =	vst v9  }
0x254: {  	v7 =	vld [tilespmem:s9+$0xFFFFFF70];
	[tilespmem:s17+$0xD0] =	vst v8;
	s17 =	smov.u32 s9  }
0x255: {  	v5 =	vld.idx.msk [tilespmem:v5+s25+$0x0], $0xffff  }
0x256: {  	v8 =	vld [tilespmem:s9+$0xFFFFFF00]  }
0x257: {  	v9 =	vld [tilespmem:s9+$0xFFFFFF20]  }
0x258: {  	v10 =	vld [tilespmem:s9+$0xFFFFFF10]  }
0x259: {  	v11 =	vld [tilespmem:s9+$0xFFFFFF30];
	_ =	sdelay $0x1  }
0x25a: {  	v7 =	vmul.f32 v7, v5;
	v8 =	vmul.f32 v8, v5  }
0x25b: {  	s4 =	sadd.s32 $0x1, s26;
	v6 =	vmul.f32 v6, v5;
	v9 =	vmul.f32 v9, v5  }
0x25c: {  	v3 =	vmul.f32 v3, v5;
	v10 =	vmul.f32 v10, v5;
	[tilespmem:s9+$0xFFFFFF70] =	vst v7;
	v7 =	vmov s4  }
0x25d: {  	v4 =	vmul.f32 v4, v5;
	[tilespmem:s9+$0xFFFFFF00] =	vst v8;
	v8 =	vmul.f32 v11, v5;
	v5 =	vand.u32 $0xFFFFFFFD, v7  }
0x25e: {  	[tilespmem:s9+$0xFFFFFF20] =	vst v9;
	v5 =	vbroadcast v5, $0x0  }
0x25f: {  	[tilespmem:s9+$0xFFFFFF50] =	vst v3  }
0x260: {  	[tilespmem:s9+$0xFFFFFF40] =	vst v4;
	v3 =	vld [tilespmem:s9+$0xFFFFFFF0]  }
0x261: {  	[tilespmem:s9+$0xFFFFFF60] =	vst v6;
	v4 =	vld [tilespmem:s9+$0xFFFFFFC0]  }
0x262: {  	[tilespmem:s9+$0xFFFFFF30] =	vst v8;
	v6 =	vld [tilespmem:s9+$0xFFFFFFD0]  }
0x263: {  	[tilespmem:s9+$0xFFFFFF10] =	vst v10;
	v7 =	vld [tilespmem:s9+$0xFFFFFF90]  }
0x264: {  	v5 =	vld.idx.msk [tilespmem:v5+s25+$0x0], $0xffff  }
0x265: {  	v8 =	vld [tilespmem:s9+$0xFFFFFF80]  }
0x266: {  	v9 =	vld [tilespmem:s9+$0xFFFFFFA0]  }
0x267: {  	v10 =	vld [tilespmem:s9+$0xFFFFFFB0]  }
0x268: {  	v11 =	vld [tilespmem:s9+$0xFFFFFFE0];
	_ =	sdelay $0x1  }
0x269: {  	v7 =	vmul.f32 v7, v5;
	v8 =	vmul.f32 v8, v5  }
0x26a: {  	s4 =	sadd.s32 $0x2, s26;
	v6 =	vmul.f32 v6, v5;
	v9 =	vmul.f32 v9, v5  }
0x26b: {  	v4 =	vmul.f32 v4, v5;
	[tilespmem:s9+$0xFFFFFF90] =	vst v7;
	v7 =	vmul.f32 v10, v5;
	v10 =	vmov s4  }
0x26c: {  	v3 =	vmul.f32 v3, v5;
	[tilespmem:s9+$0xFFFFFFA0] =	vst v9;
	v9 =	vmul.f32 v11, v5;
	v5 =	vand.u32 $0xFFFFFFFE, v10  }
0x26d: {  	[tilespmem:s9+$0xFFFFFF80] =	vst v8;
	v5 =	vbroadcast v5, $0x0  }
0x26e: {  	[tilespmem:s9+$0xFFFFFFB0] =	vst v7  }
0x26f: {  	[tilespmem:s9+$0xFFFFFFC0] =	vst v4  }
0x270: {  	[tilespmem:s9+$0xFFFFFFD0] =	vst v6  }
.Ltmp3:
0x271: {  	[tilespmem:s9+$0xFFFFFFF0] =	vst v3;
	v4 =	vld [tilespmem:s9+$0x40];
	(pc) =	sbr.rel @p0 .LBB2_9-.Ltmp3, $4  }
0x272: {  	[tilespmem:s9+$0xFFFFFFE0] =	vst v9;
	v6 =	vld [tilespmem:s9+$0x60]  }
0x273: {  	v3 =	vld.idx.msk [tilespmem:v5+s25+$0x0], $0xffff  }
0x274: {  	v7 =	vld [tilespmem:s9+$0x0]  }
0x275: {  	v5 =	vld [tilespmem:s9+$0x10]  }
0x276: {  	_ =	sdelay $0x1  }
0x277: {  	v6 =	vmul.f32 v6, v3  }
0x278: {  	v8 =	vld [tilespmem:s17+$0x50];
	v4 =	vmul.f32 v4, v3  }
0x279: {  	v9 =	vld [tilespmem:s17+$0x70];
	v1 =	vmul.f32 v1, v3;
	[tilespmem:s17+$0x60] =	vst v6  }
0x27a: {  	v54 =	vmul.f32 v7, v3;
	[tilespmem:s17+$0x40] =	vst v4  }
0x27b: {  	s0 =	sadd.s32 $0x3, s26;
	[tilespmem:s17+$0x20] =	vst v1;
	v1 =	vmul.f32 v2, v3  }
0x27c: {  	v56 =	vmov s0;
	v5 =	vmul.f32 v5, v3;
	[tilespmem:s17+$0x0] =	vst v54  }
0x27d: {  	v55 =	vmul.f32 v8, v3;
	[tilespmem:s17+$0x30] =	vst v1  }
0x27e: {  	v3 =	vmul.f32 v9, v3;
	[tilespmem:s17+$0x10] =	vst v5  }
0x27f: {  	[tilespmem:s17+$0x50] =	vst v55  }
0x280: {  	v2 =	vld [tilespmem:s17+$0x80];
	[tilespmem:s17+$0x70] =	vst v3  }
0x281: {  	v1 =	vld.idx.msk [tilespmem:v56+s25+$0x0], $0xffff  }
0x282: {  	v3 =	vld [tilespmem:s17+$0xA0]  }
0x283: {  	v59 =	vld [tilespmem:s17+$0xE0]  }
0x284: {  	v57 =	vld [tilespmem:s17+$0xC0]  }
0x285: {  	v58 =	vld [tilespmem:s17+$0xF0]  }
0x286: {  	v60 =	vld [tilespmem:s17+$0x90];
	v2 =	vmul.f32 v2, v1  }
0x287: {  	v61 =	vld [tilespmem:s17+$0xB0];
	v3 =	vmul.f32 v3, v1  }
0x288: {  	v62 =	vld [tilespmem:s17+$0xD0];
	v63 =	vmul.f32 v59, v1;
	[tilespmem:s17+$0x80] =	vst v2  }
0x289: {  	v2 =	vmul.f32 v57, v1;
	[tilespmem:s17+$0xA0] =	vst v3  }
0x28a: {  	v3 =	vmul.f32 v58, v1;
	[tilespmem:s17+$0xE0] =	vst v63  }
0x28b: {  	p0 =	sne.s32 s11, $0x35;
	[tilespmem:s17+$0xC0] =	vst v2;
	v2 =	vmul.f32 v60, v1  }
.Ltmp4:
0x28c: {  	[tilespmem:s17+$0xF0] =	vst v3;
	v3 =	vmul.f32 v61, v1;
	(pc) =	sbr.rel @p0 .LBB2_12-.Ltmp4, $4  }
0x28d: {  	v1 =	vmul.f32 v62, v1;
	[tilespmem:s17+$0x90] =	vst v2  }
0x28e: {  	[tilespmem:s17+$0xB0] =	vst v3  }
0x28f: {  	s31 =	simm.s32 $0x380;
	[tilespmem:s17+$0xD0] =	vst v1  }
0x290: {  	[spmem:s2] =	stream.indirect.scatter.add.f32 [tilespmem:s12], [sflag:$0x5], $0x80, s31, s3, $0xb8;
	[tilespmem:$0x1F580] =	vst v63  }
.Ltmp5:
0x291: {  	(pc) =	sbr.rel .LBB2_13-.Ltmp5, $4  }
0x292: {  	_ = 	snop  }
0x293: {  	_ =	swait.ge [sflag:s18], $0x2000  }
0x294: {  	[sflag:s18] =	ssyncset.done $0x0  }
0x295: {  	[sflag:s18] =	ssyncadd.s32 $0xFFFFE000  }
.LBB2_12:
0x296: {  	s0 =	rddreg [dreg:$0x11]  }
0x297: {  	s0 =	sadd.s32 s15, s0  }
0x298: {  	s0 =	sshrl.u32 s0, $0x3  }
0x299: {  	s4 =	simm.s32 $0x0;
	s9 =	simm.s32 $0x80;
	s0 =	sadd.s32 s5, s0  }
0x29a: {  	[tilespmem:s9], [sflag:$0x8] =	stream.linear.gather [hbm4b:s0+s4], $0x40, $0x38;
	[tilespmem:$0x1F580] =	vst v63  }
0x29b: {  	_ =	swait.ge [sflag:s18], $0x2000  }
0x29c: {  	[sflag:s18] =	ssyncset.done $0x0  }
0x29d: {  	s9 =	simm.s32 $0x7;
	[sflag:s18] =	ssyncadd.s32 $0xFFFFE000  }
0x29e: {  	_ =	swait.ge [sflag:s9], $0x40  }
0x29f: {  	[sflag:s9] =	ssyncset.done $0x0  }
0x2a0: {  	[sflag:s9] =	ssyncadd.s32 $0xFFFFFFC0  }
0x2a1: {  	v1 =	vld [tilespmem:$0x0];
	_ =	sdelay $0x1  }
0x2a2: {  	v2 =	vld [tilespmem:$0x10];
	_ =	sdelay $0x1  }
0x2a3: {  	v3 =	vld [tilespmem:$0x20]  }
0x2a4: {  	v4 =	vshra.s32 v1, $0xE  }
0x2a5: {  	v56 =	vld [tilespmem:$0x30];
	v1 =	vand.u32 $0x3FFF, v1;
	[tilespmem:$0x180] =	vst v4  }
0x2a6: {  	[tilespmem:$0x300] =	vst v1;
	v1 =	vshra.s32 v2, $0xE  }
0x2a7: {  	[tilespmem:$0x190] =	vst v1;
	v1 =	vand.u32 $0x3FFF, v2  }
0x2a8: {  	[tilespmem:$0x310] =	vst v1;
	v1 =	vshra.s32 v3, $0xE  }
0x2a9: {  	[tilespmem:$0x1A0] =	vst v1;
	v1 =	vand.u32 $0x3FFF, v3  }
0x2aa: {  	[tilespmem:$0x320] =	vst v1;
	v1 =	vshra.s32 v56, $0xE  }
0x2ab: {  	[tilespmem:$0x1B0] =	vst v1;
	v1 =	vand.u32 $0x3FFF, v56  }
0x2ac: {  	s17 =	simm.s32 $0x180;
	[tilespmem:$0x330] =	vst v1  }
0x2ad: {  	[tilespmem:s28], [sflag:$0x1] =	stream.indirect.gather [hbm4b:s1+s3], $0x80, s17, s3, $0xb8;
	[tilespmem:$0x1F580] =	vst v63  }
0x2ae: {  	v1 =	vld [tilespmem:$0x300]  }
0x2af: {  	v2 =	vld [tilespmem:$0x180];
	_ =	sdelay $0x6  }
0x2b0: {  	v3 =	vld.idx.msk [tilespmem:v1+s30+$0x0], $0xffff  }
0x2b1: {  	v2 =	vld.idx.msk [tilespmem:v2+s30+$0x0], $0xffff;
	_ =	sdelay $0x3  }
0x2b2: {  	v3 =	vshll.u32 v3, $0x10  }
0x2b3: {  	v57 =	vld [tilespmem:$0xB500];
	v2 =	vshra.s32 v2, $0x10;
	v3 =	vshra.s32 v3, $0x10  }
0x2b4: {  	v2 =	vcvt.s32.f32 v2;
	v3 =	vcvt.s32.f32 v3;
	_ =	sdelay $0x1  }
0x2b5: {  	v2 =	vmul.f32 $1.953125000e-03, v2;
	v3 =	vmul.f32 $1.953125000e-03, v3;
	_ =	sdelay $0x1  }
0x2b6: {  	v2 =	vadd.f32 v3, v2;
	v3 =	vadd.f32 v3, v57;
	_ =	sdelay $0x1  }
0x2b7: {  	v5 =	vmul.f32 $2.000000030e-01, v2;
	v6 =	vmul.f32 $2.000000030e-01, v3;
	_ =	sdelay $0x1  }
0x2b8: {  	v2 =	vmax.f32 v2, v5;
	v3 =	vmax.f32 v3, v6  }
0x2b9: {  	v2 =	vsub.f32 v2, v3;
	_ =	sdelay $0x1  }
0x2ba: {  	v2 =	vmul.f32 $1.442695020e+00, v2;
	_ =	sdelay $0x1  }
0x2bb: {  	(erf) = vpow2.f32 v2;
	_ =	sdelay $0x7  }
0x2bc: {  	s26 =	sadd.s32 s15, s21  }
0x2bd: {  	p0 =	slt.u32 s26, $0x50910;
	v2 =	vpop (erf)  }
0x2be: {  	v2 =	vpsel !p0, $0x0, v2  }
0x2bf: {  	[tilespmem:v1+s7+$0x0] =	vst.idx.add.f32.msk $0xffff, v2  }
0x2c0: {  	v1 =	vld [tilespmem:$0x310]  }
0x2c1: {  	v3 =	vld [tilespmem:$0x190];
	_ =	sdelay $0x5  }
0x2c2: {  	[tilespmem:$0x480] =	vst v2  }
0x2c3: {  	v2 =	vld.idx.msk [tilespmem:v1+s30+$0x0], $0xffff  }
0x2c4: {  	v3 =	vld.idx.msk [tilespmem:v3+s30+$0x0], $0xffff;
	_ =	sdelay $0x3  }
0x2c5: {  	v2 =	vshll.u32 v2, $0x10  }
0x2c6: {  	v3 =	vshra.s32 v3, $0x10;
	v2 =	vshra.s32 v2, $0x10  }
0x2c7: {  	v3 =	vcvt.s32.f32 v3;
	v2 =	vcvt.s32.f32 v2;
	_ =	sdelay $0x1  }
0x2c8: {  	v3 =	vmul.f32 $1.953125000e-03, v3;
	v2 =	vmul.f32 $1.953125000e-03, v2;
	_ =	sdelay $0x1  }
0x2c9: {  	v3 =	vadd.f32 v2, v3;
	v2 =	vadd.f32 v2, v57;
	_ =	sdelay $0x1  }
0x2ca: {  	v58 =	vmul.f32 $2.000000030e-01, v3;
	v59 =	vmul.f32 $2.000000030e-01, v2;
	_ =	sdelay $0x1  }
0x2cb: {  	v3 =	vmax.f32 v3, v58;
	v2 =	vmax.f32 v2, v59  }
0x2cc: {  	v2 =	vsub.f32 v3, v2;
	_ =	sdelay $0x1  }
0x2cd: {  	v2 =	vmul.f32 $1.442695020e+00, v2;
	_ =	sdelay $0x1  }
0x2ce: {  	(erf) = vpow2.f32 v2;
	_ =	sdelay $0x7  }
0x2cf: {  	s29 =	sor.u32 $0x10, s26  }
0x2d0: {  	p4 =	slt.u32 s29, $0x50910;
	v2 =	vpop (erf)  }
0x2d1: {  	v2 =	vpsel !p4, $0x0, v2  }
0x2d2: {  	[tilespmem:v1+s7+$0x0] =	vst.idx.add.f32.msk $0xffff, v2  }
0x2d3: {  	v1 =	vld [tilespmem:$0x320]  }
0x2d4: {  	v3 =	vld [tilespmem:$0x1A0];
	_ =	sdelay $0x5  }
0x2d5: {  	[tilespmem:$0x490] =	vst v2  }
0x2d6: {  	v2 =	vld.idx.msk [tilespmem:v1+s30+$0x0], $0xffff  }
0x2d7: {  	v3 =	vld.idx.msk [tilespmem:v3+s30+$0x0], $0xffff;
	_ =	sdelay $0x3  }
0x2d8: {  	v2 =	vshll.u32 v2, $0x10  }
0x2d9: {  	v3 =	vshra.s32 v3, $0x10;
	v2 =	vshra.s32 v2, $0x10  }
0x2da: {  	v3 =	vcvt.s32.f32 v3;
	v2 =	vcvt.s32.f32 v2;
	_ =	sdelay $0x1  }
0x2db: {  	v3 =	vmul.f32 $1.953125000e-03, v3;
	v2 =	vmul.f32 $1.953125000e-03, v2;
	_ =	sdelay $0x1  }
0x2dc: {  	v3 =	vadd.f32 v2, v3;
	v2 =	vadd.f32 v2, v57;
	_ =	sdelay $0x1  }
0x2dd: {  	v60 =	vmul.f32 $2.000000030e-01, v3;
	v61 =	vmul.f32 $2.000000030e-01, v2;
	_ =	sdelay $0x1  }
0x2de: {  	v3 =	vmax.f32 v3, v60;
	v2 =	vmax.f32 v2, v61  }
0x2df: {  	v2 =	vsub.f32 v3, v2;
	_ =	sdelay $0x1  }
0x2e0: {  	v2 =	vmul.f32 $1.442695020e+00, v2;
	_ =	sdelay $0x1  }
0x2e1: {  	(erf) = vpow2.f32 v2;
	_ =	sdelay $0x7  }
0x2e2: {  	s31 =	sor.u32 $0x20, s26  }
0x2e3: {  	p5 =	slt.u32 s31, $0x50910;
	v2 =	vpop (erf)  }
0x2e4: {  	v2 =	vpsel !p5, $0x0, v2  }
0x2e5: {  	[tilespmem:v1+s7+$0x0] =	vst.idx.add.f32.msk $0xffff, v2  }
0x2e6: {  	v1 =	vld [tilespmem:$0x330]  }
0x2e7: {  	v3 =	vld [tilespmem:$0x1B0];
	_ =	sdelay $0x5  }
0x2e8: {  	[tilespmem:$0x4A0] =	vst v2  }
0x2e9: {  	v2 =	vld.idx.msk [tilespmem:v1+s30+$0x0], $0xffff  }
0x2ea: {  	v3 =	vld.idx.msk [tilespmem:v3+s30+$0x0], $0xffff;
	_ =	sdelay $0x3  }
0x2eb: {  	v2 =	vshll.u32 v2, $0x10  }
0x2ec: {  	v3 =	vshra.s32 v3, $0x10;
	v2 =	vshra.s32 v2, $0x10  }
0x2ed: {  	v3 =	vcvt.s32.f32 v3;
	v2 =	vcvt.s32.f32 v2;
	_ =	sdelay $0x1  }
0x2ee: {  	v3 =	vmul.f32 $1.953125000e-03, v3;
	v2 =	vmul.f32 $1.953125000e-03, v2;
	_ =	sdelay $0x1  }
0x2ef: {  	v3 =	vadd.f32 v2, v3;
	v2 =	vadd.f32 v2, v57;
	_ =	sdelay $0x1  }
0x2f0: {  	v62 =	vmul.f32 $2.000000030e-01, v3;
	v63 =	vmul.f32 $2.000000030e-01, v2;
	_ =	sdelay $0x1  }
0x2f1: {  	v3 =	vmax.f32 v3, v62;
	v2 =	vmax.f32 v2, v63  }
0x2f2: {  	v2 =	vsub.f32 v3, v2;
	_ =	sdelay $0x1  }
0x2f3: {  	v2 =	vmul.f32 $1.442695020e+00, v2;
	_ =	sdelay $0x1  }
0x2f4: {  	(erf) = vpow2.f32 v2;
	_ =	sdelay $0x7  }
0x2f5: {  	s0 =	sor.u32 $0x30, s26  }
0x2f6: {  	p6 =	slt.u32 s0, $0x50910;
	v2 =	vpop (erf)  }
0x2f7: {  	v2 =	vpsel !p6, $0x0, v2  }
0x2f8: {  	[tilespmem:v1+s7+$0x0] =	vst.idx.add.f32.msk $0xffff, v2  }
0x2f9: {  	[tilespmem:$0x4B0] =	vst v2  }
.LBB2_13:
0x2fa: {  	s17 =	simm.s32 $0x0  }
0x2fb: {  	v1 =	vmov s17  }
0x2fc: {  	v1 =	vand.u32 $0xFFFFFFFC, v1  }
0x2fd: {  	v1 =	vbroadcast v1, $0x0;
	_ =	sdelay $0x1  }
0x2fe: {  	_ =	swait.ge [sflag:s8], $0x2000  }
0x2ff: {  	[sflag:s8] =	ssyncset.done $0x0  }
0x300: {  	s15 =	simm.s32 $0x4700;
	[sflag:s8] =	ssyncadd.s32 $0xFFFFE000  }
0x301: {  	v2 =	vld [tilespmem:s15+$0xFFFFFF70]  }
0x302: {  	v1 =	vld.idx.msk [tilespmem:v1+s6+$0x0], $0xffff  }
0x303: {  	v3 =	vld [tilespmem:s15+$0xFFFFFF00]  }
0x304: {  	v4 =	vld [tilespmem:s15+$0xFFFFFF20]  }
0x305: {  	v5 =	vld [tilespmem:s15+$0xFFFFFF50]  }
0x306: {  	v6 =	vld [tilespmem:s15+$0xFFFFFF40]  }
0x307: {  	v7 =	vld [tilespmem:s15+$0xFFFFFF60];
	v2 =	vmul.f32 v2, v1  }
0x308: {  	s0 =	simm.s32 $0x1;
	v8 =	vld [tilespmem:s15+$0xFFFFFF30];
	v3 =	vmul.f32 v3, v1  }
0x309: {  	v9 =	vld [tilespmem:s15+$0xFFFFFF10];
	v4 =	vmul.f32 v4, v1;
	[tilespmem:s15+$0xFFFFFF70] =	vst v2;
	v2 =	vmov s0  }
0x30a: {  	v5 =	vmul.f32 v5, v1;
	[tilespmem:s15+$0xFFFFFF00] =	vst v3;
	v2 =	vand.u32 $0xFFFFFFFD, v2  }
0x30b: {  	v3 =	vmul.f32 v6, v1;
	[tilespmem:s15+$0xFFFFFF20] =	vst v4;
	v2 =	vbroadcast v2, $0x0  }
0x30c: {  	v4 =	vmul.f32 v7, v1;
	[tilespmem:s15+$0xFFFFFF50] =	vst v5  }
0x30d: {  	v5 =	vmul.f32 v8, v1;
	[tilespmem:s15+$0xFFFFFF40] =	vst v3  }
0x30e: {  	v1 =	vmul.f32 v9, v1;
	[tilespmem:s15+$0xFFFFFF60] =	vst v4  }
0x30f: {  	[tilespmem:s15+$0xFFFFFF30] =	vst v5  }
0x310: {  	[tilespmem:s15+$0xFFFFFF10] =	vst v1;
	v1 =	vld [tilespmem:s15+$0xFFFFFF90]  }
0x311: {  	v3 =	vld.idx.msk [tilespmem:v2+s6+$0x0], $0xffff  }
0x312: {  	v2 =	vld [tilespmem:s15+$0xFFFFFFA0]  }
0x313: {  	v4 =	vld [tilespmem:s15+$0xFFFFFF80]  }
0x314: {  	v5 =	vld [tilespmem:s15+$0xFFFFFFB0]  }
0x315: {  	v6 =	vld [tilespmem:s15+$0xFFFFFFC0]  }
0x316: {  	v7 =	vld [tilespmem:s15+$0xFFFFFFD0];
	v1 =	vmul.f32 v1, v3  }
0x317: {  	s31 =	simm.s32 $0x2;
	v8 =	vld [tilespmem:s15+$0xFFFFFFF0];
	v2 =	vmul.f32 v2, v3  }
0x318: {  	v63 =	vld [tilespmem:s15+$0xFFFFFFE0];
	v4 =	vmul.f32 v4, v3;
	[tilespmem:s15+$0xFFFFFF90] =	vst v1;
	v1 =	vmov s31  }
0x319: {  	v5 =	vmul.f32 v5, v3;
	[tilespmem:s15+$0xFFFFFFA0] =	vst v2;
	v1 =	vand.u32 $0xFFFFFFFE, v1  }
0x31a: {  	v2 =	vmul.f32 v6, v3;
	[tilespmem:s15+$0xFFFFFF80] =	vst v4;
	v6 =	vld [tilespmem:s15+$0x60];
	v10 =	vbroadcast v1, $0x0  }
0x31b: {  	v4 =	vmul.f32 v7, v3;
	[tilespmem:s15+$0xFFFFFFB0] =	vst v5;
	v7 =	vld [tilespmem:s15+$0x0]  }
0x31c: {  	v5 =	vmul.f32 v8, v3;
	v1 =	vld [tilespmem:s15+$0x20];
	[tilespmem:s15+$0xFFFFFFC0] =	vst v2  }
0x31d: {  	v3 =	vmul.f32 v63, v3;
	v2 =	vld [tilespmem:s15+$0x30];
	[tilespmem:s15+$0xFFFFFFD0] =	vst v4  }
0x31e: {  	[tilespmem:s15+$0xFFFFFFF0] =	vst v5;
	v4 =	vld [tilespmem:s15+$0x40]  }
0x31f: {  	[tilespmem:s15+$0xFFFFFFE0] =	vst v3;
	v5 =	vld [tilespmem:s15+$0x10]  }
0x320: {  	s9 =	simm.s32 $0x4700;
	s0 =	simm.s32 $0x4;
	v3 =	vld.idx.msk [tilespmem:v10+s6+$0x0], $0xffff  }
.LBB2_14:
0x321: {  	p0 =	slt.u32 s0, $0x3C  }
0x322: {  	v8 =	vld [tilespmem:s15+$0x50];
	s9 =	sadd.s32 $0x200, s9;
	s4 =	smov.u32 s0;
	s0 =	sadd.s32 $0x4, s0  }
0x323: {  	v9 =	vld [tilespmem:s15+$0x70];
	_ =	sdelay $0x1  }
0x324: {  	v6 =	vmul.f32 v6, v3;
	v7 =	vmul.f32 v7, v3  }
0x325: {  	v4 =	vmul.f32 v4, v3;
	v5 =	vmul.f32 v5, v3  }
0x326: {  	v1 =	vmul.f32 v1, v3;
	v2 =	vmul.f32 v2, v3;
	[tilespmem:s15+$0x60] =	vst v6  }
0x327: {  	[tilespmem:s15+$0x40] =	vst v4;
	v4 =	vmul.f32 v8, v3;
	v3 =	vmul.f32 v9, v3  }
0x328: {  	s26 =	sadd.s32 $0x3, s17;
	s17 =	smov.u32 s4;
	[tilespmem:s15+$0x20] =	vst v1;
	v6 =	vld [tilespmem:s15+$0x80]  }
0x329: {  	v1 =	vld [tilespmem:s9+$0x20];
	[tilespmem:s15+$0x0] =	vst v7;
	v7 =	vmov s26  }
0x32a: {  	[tilespmem:s15+$0x50] =	vst v4;
	v4 =	vld [tilespmem:s15+$0xE0]  }
0x32b: {  	[tilespmem:s15+$0x30] =	vst v2;
	v8 =	vld [tilespmem:s15+$0xC0]  }
0x32c: {  	v2 =	vld [tilespmem:s9+$0x30];
	[tilespmem:s15+$0x10] =	vst v5  }
0x32d: {  	[tilespmem:s15+$0x70] =	vst v3;
	v3 =	vld [tilespmem:s15+$0xA0]  }
0x32e: {  	v5 =	vld.idx.msk [tilespmem:v7+s6+$0x0], $0xffff  }
0x32f: {  	v7 =	vld [tilespmem:s15+$0x90]  }
0x330: {  	v9 =	vld [tilespmem:s15+$0xB0]  }
0x331: {  	v10 =	vld [tilespmem:s15+$0xD0]  }
0x332: {  	v11 =	vld [tilespmem:s15+$0xF0];
	_ =	sdelay $0x1  }
0x333: {  	v6 =	vmul.f32 v6, v5;
	v7 =	vmul.f32 v7, v5  }
0x334: {  	v3 =	vmul.f32 v3, v5;
	v9 =	vmul.f32 v9, v5  }
0x335: {  	v12 =	vmov s17;
	[tilespmem:s15+$0x80] =	vst v6;
	v6 =	vmul.f32 v8, v5;
	v8 =	vmul.f32 v10, v5  }
0x336: {  	v10 =	vand.u32 $0xFFFFFFFC, v12;
	[tilespmem:s15+$0xA0] =	vst v3;
	v3 =	vmul.f32 v4, v5;
	v4 =	vmul.f32 v11, v5  }
0x337: {  	v5 =	vbroadcast v10, $0x0;
	[tilespmem:s15+$0xC0] =	vst v6  }
0x338: {  	[tilespmem:s15+$0xF0] =	vst v4  }
0x339: {  	v4 =	vld [tilespmem:s9+$0xFFFFFF40];
	[tilespmem:s15+$0xE0] =	vst v3  }
0x33a: {  	v3 =	vld [tilespmem:s9+$0xFFFFFF50];
	[tilespmem:s15+$0x90] =	vst v7  }
0x33b: {  	v6 =	vld [tilespmem:s9+$0xFFFFFF60];
	[tilespmem:s15+$0xB0] =	vst v9  }
0x33c: {  	v7 =	vld [tilespmem:s9+$0xFFFFFF70];
	[tilespmem:s15+$0xD0] =	vst v8;
	s15 =	smov.u32 s9  }
0x33d: {  	v5 =	vld.idx.msk [tilespmem:v5+s6+$0x0], $0xffff  }
0x33e: {  	v8 =	vld [tilespmem:s9+$0xFFFFFF00]  }
0x33f: {  	v9 =	vld [tilespmem:s9+$0xFFFFFF20]  }
0x340: {  	v10 =	vld [tilespmem:s9+$0xFFFFFF10]  }
0x341: {  	v11 =	vld [tilespmem:s9+$0xFFFFFF30];
	_ =	sdelay $0x1  }
0x342: {  	v7 =	vmul.f32 v7, v5;
	v8 =	vmul.f32 v8, v5  }
0x343: {  	s4 =	sadd.s32 $0x1, s17;
	v6 =	vmul.f32 v6, v5;
	v9 =	vmul.f32 v9, v5  }
0x344: {  	v3 =	vmul.f32 v3, v5;
	v10 =	vmul.f32 v10, v5;
	[tilespmem:s9+$0xFFFFFF70] =	vst v7;
	v7 =	vmov s4  }
0x345: {  	v4 =	vmul.f32 v4, v5;
	[tilespmem:s9+$0xFFFFFF00] =	vst v8;
	v8 =	vmul.f32 v11, v5;
	v5 =	vand.u32 $0xFFFFFFFD, v7  }
0x346: {  	[tilespmem:s9+$0xFFFFFF20] =	vst v9;
	v5 =	vbroadcast v5, $0x0  }
0x347: {  	[tilespmem:s9+$0xFFFFFF50] =	vst v3  }
0x348: {  	[tilespmem:s9+$0xFFFFFF40] =	vst v4;
	v3 =	vld [tilespmem:s9+$0xFFFFFFF0]  }
0x349: {  	[tilespmem:s9+$0xFFFFFF60] =	vst v6;
	v4 =	vld [tilespmem:s9+$0xFFFFFFC0]  }
0x34a: {  	[tilespmem:s9+$0xFFFFFF30] =	vst v8;
	v6 =	vld [tilespmem:s9+$0xFFFFFFD0]  }
0x34b: {  	[tilespmem:s9+$0xFFFFFF10] =	vst v10;
	v7 =	vld [tilespmem:s9+$0xFFFFFF90]  }
0x34c: {  	v5 =	vld.idx.msk [tilespmem:v5+s6+$0x0], $0xffff  }
0x34d: {  	v8 =	vld [tilespmem:s9+$0xFFFFFF80]  }
0x34e: {  	v9 =	vld [tilespmem:s9+$0xFFFFFFA0]  }
0x34f: {  	v10 =	vld [tilespmem:s9+$0xFFFFFFB0]  }
0x350: {  	v11 =	vld [tilespmem:s9+$0xFFFFFFE0];
	_ =	sdelay $0x1  }
0x351: {  	v7 =	vmul.f32 v7, v5;
	v8 =	vmul.f32 v8, v5  }
0x352: {  	s4 =	sadd.s32 $0x2, s17;
	v6 =	vmul.f32 v6, v5;
	v9 =	vmul.f32 v9, v5  }
0x353: {  	v4 =	vmul.f32 v4, v5;
	[tilespmem:s9+$0xFFFFFF90] =	vst v7;
	v7 =	vmul.f32 v10, v5;
	v10 =	vmov s4  }
0x354: {  	v3 =	vmul.f32 v3, v5;
	[tilespmem:s9+$0xFFFFFFA0] =	vst v9;
	v9 =	vmul.f32 v11, v5;
	v5 =	vand.u32 $0xFFFFFFFE, v10  }
0x355: {  	[tilespmem:s9+$0xFFFFFF80] =	vst v8;
	v5 =	vbroadcast v5, $0x0  }
0x356: {  	[tilespmem:s9+$0xFFFFFFB0] =	vst v7  }
0x357: {  	[tilespmem:s9+$0xFFFFFFC0] =	vst v4  }
0x358: {  	[tilespmem:s9+$0xFFFFFFD0] =	vst v6  }
.Ltmp6:
0x359: {  	[tilespmem:s9+$0xFFFFFFF0] =	vst v3;
	v4 =	vld [tilespmem:s9+$0x40];
	(pc) =	sbr.rel @p0 .LBB2_14-.Ltmp6, $4  }
0x35a: {  	[tilespmem:s9+$0xFFFFFFE0] =	vst v9;
	v6 =	vld [tilespmem:s9+$0x60]  }
0x35b: {  	v3 =	vld.idx.msk [tilespmem:v5+s6+$0x0], $0xffff  }
0x35c: {  	v7 =	vld [tilespmem:s9+$0x0]  }
0x35d: {  	v5 =	vld [tilespmem:s9+$0x10]  }
0x35e: {  	_ =	sdelay $0x1  }
0x35f: {  	v6 =	vmul.f32 v6, v3  }
0x360: {  	v8 =	vld [tilespmem:s15+$0x50];
	v4 =	vmul.f32 v4, v3  }
0x361: {  	v9 =	vld [tilespmem:s15+$0x70];
	v1 =	vmul.f32 v1, v3;
	[tilespmem:s15+$0x60] =	vst v6  }
0x362: {  	v54 =	vmul.f32 v7, v3;
	[tilespmem:s15+$0x40] =	vst v4  }
0x363: {  	s0 =	sadd.s32 $0x3, s17;
	[tilespmem:s15+$0x20] =	vst v1;
	v1 =	vmul.f32 v2, v3  }
0x364: {  	v56 =	vmov s0;
	v5 =	vmul.f32 v5, v3;
	[tilespmem:s15+$0x0] =	vst v54  }
0x365: {  	v55 =	vmul.f32 v8, v3;
	[tilespmem:s15+$0x30] =	vst v1  }
0x366: {  	v3 =	vmul.f32 v9, v3;
	[tilespmem:s15+$0x10] =	vst v5  }
0x367: {  	[tilespmem:s15+$0x50] =	vst v55  }
0x368: {  	v2 =	vld [tilespmem:s15+$0x80];
	[tilespmem:s15+$0x70] =	vst v3  }
0x369: {  	v1 =	vld.idx.msk [tilespmem:v56+s6+$0x0], $0xffff  }
0x36a: {  	v3 =	vld [tilespmem:s15+$0xA0]  }
0x36b: {  	v59 =	vld [tilespmem:s15+$0xE0]  }
0x36c: {  	v57 =	vld [tilespmem:s15+$0xC0]  }
0x36d: {  	v58 =	vld [tilespmem:s15+$0xF0]  }
0x36e: {  	v60 =	vld [tilespmem:s15+$0x90];
	v2 =	vmul.f32 v2, v1  }
0x36f: {  	v61 =	vld [tilespmem:s15+$0xB0];
	v3 =	vmul.f32 v3, v1  }
0x370: {  	v62 =	vld [tilespmem:s15+$0xD0];
	v63 =	vmul.f32 v59, v1;
	[tilespmem:s15+$0x80] =	vst v2  }
0x371: {  	v2 =	vmul.f32 v57, v1;
	[tilespmem:s15+$0xA0] =	vst v3  }
0x372: {  	s11 =	sadd.s32 $0x1, s11;
	v3 =	vmul.f32 v58, v1;
	[tilespmem:s15+$0xE0] =	vst v63  }
0x373: {  	p0 =	sne.s32 s11, $0x36;
	[tilespmem:s15+$0xC0] =	vst v2;
	v2 =	vmul.f32 v60, v1  }
.Ltmp7:
0x374: {  	[tilespmem:s15+$0xF0] =	vst v3;
	v3 =	vmul.f32 v61, v1;
	(pc) =	sbr.rel @p0 .LBB2_6-.Ltmp7, $4  }
0x375: {  	v1 =	vmul.f32 v62, v1;
	[tilespmem:s15+$0x90] =	vst v2  }
0x376: {  	[tilespmem:s15+$0xB0] =	vst v3  }
0x377: {  	s31 =	simm.s32 $0x400;
	[tilespmem:s15+$0xD0] =	vst v1  }
0x378: {  	[spmem:s2] =	stream.indirect.scatter.add.f32 [tilespmem:s23], [sflag:$0x6], $0x80, s31, s3, $0xb8;
	[tilespmem:$0x1F580] =	vst v63  }
0x379: {  	s0 =	simm.s32 $0x5  }
0x37a: {  	_ =	swait.ge [sflag:s0], $0x2000  }
0x37b: {  	[sflag:s0] =	ssyncset.done $0x0  }
0x37c: {  	[sflag:s0] =	ssyncadd.s32 $0xFFFFE000  }
0x37d: {  	_ =	swait.ge [sflag:s22], $0x2000  }
0x37e: {  	[sflag:s22] =	ssyncset.done $0x0  }
0x37f: {  	[sflag:s22] =	ssyncadd.s32 $0xFFFFE000  }
0x380: {  	s15 =	stileid.u32;
	[bflag:$0x0] =	sbarrier.arrive $0xFFFF  }
0x381: {  	s0 =	sshll.u32 s15, $0x6;
	s11 =	rddreg [dreg:$0x6]  }
0x382: {  	s0 =	sor.u32 $0x1C0A, s0;
	s9 =	rddreg [dreg:$0x12];
	s4 =	sshrl.u32 s11, $0x3  }
0x383: {  	[hbm:s9], [sflag:s0] =	dma.local [spmem:s4], $0x2800  }
0x384: {  	s4 =	simm.s32 $0xA  }
0x385: {  	_ =	swait.ge [sflag:s4], $0x2800  }
0x386: {  	s26 =	simm.s32 $0x80;
	[sflag:s4] =	ssyncset.done $0x0  }
0x387: {  	s15 =	simm.s32 $0x400;
	s17 =	rddreg [dreg:$0x13];
	[sflag:s4] =	ssyncadd.s32 $0xFFFFD800  }
0x388: {  	[hbm4b:s17+s26] =	stream.strided.scatter [tilespmem:s7], [sflag:$0xA], $0x2780, s15, s26, $0x38;
	[tilespmem:$0x1F580] =	vst v63  }
0x389: {  	_ =	swait.ge [sflag:s4], $0x2780  }
0x38a: {  	s29 =	rddreg [dreg:$0x16]  }
0x38b: {  	s31 =	rddreg [dreg:$0x14];
	s9 =	sadd.s32 $0x1, s29  }
0x38c: {  	p0 =	sne.s32 s9, s31  }
.Ltmp8:
0x38d: {  	_ = 	snop;
	(pc) =	sbr.rel @p0 .LBB2_1-.Ltmp8, $3  }
0x38e: {  	_ =	sdelay $0x1  }
0x38f: {  	[sflag:s4] =	ssyncset.done $0x0  }
0x390: {  	[sflag:s4] =	ssyncadd.s32 $0xFFFFD880  }
0x391: {  	_ =	sfence.sel $0x180000  }
0x392: {  	[bflag:$0x0] =	sbarrier.arrive $0xFFFF  }
0x393: {  	_ =	strace $0x90000047  }
0x394: {  	s0 =	stileid.u32;
	[bflag:$0x2] =	sbarrier.arrive $0xFFFF  }
0x395: {  	p0 =	sne.s32 s0, $0x0;
	s0 =	rddreg [dreg:$0x3]  }
0x396: {  	s0 =	sadd.s32 @!p0 $0x100000, s0  }
0x397: {  	[sflag:s0] =	ssyncadd.tile.s32 @!p0 $0x1;
	_ =	shalt  }
.Lfunc_end2:
_tile_overlayer_lowered:
.L_overlay_start_2:
0x398: {  	(tag) =	ssettag $0x2  }
0x399: {  	s0 =	rddreg [dreg:$0x0];
	s2 =	stileid.u32  }
0x39a: {  	s1 =	rddreg [dreg:$0x1];
	p0 =	sne.s32 s2, $0x0  }
0x39b: {  	s3 =	rddreg [dreg:$0x2];
	[bflag:$0x3] =	sbarrier.arrive $0xFFFF;
	s2 =	simm.s32 @!p0 $0x1C0A  }
0x39c: {  	[timem:s3], [sflag:s2] =	dma.local @!p0 [hbm:s0], s1  }
0x39d: {  	s0 =	simm.s32 @!p0 $0xA  }
0x39e: {  	_ =	swait.ge @!p0 [sflag:s0], s1  }
0x39f: {  	s1 =	ssub.s32 @!p0 $0x0, s1;
	[sflag:s0] =	ssyncset.done @!p0 $0x0  }
0x3a0: {  	[sflag:s0] =	ssyncadd.s32 @!p0 s1  }
0x3a1: {  	[bflag:$0x3] =	sbarrier.arrive $0xFFFF  }
0x3a2: {  	_ =	shalt  }

</sc_bundles>
